<compile_context>
chip_gen: v7x
topology: tpu7x:2x2x1
jax: 0.10.2.dev20260603
libtpu: 0.0.44.dev20260713+nightly
codegen_flags: <defaults>
</compile_context>

<pallas_src>
import functools

import jax
import jax.numpy as jnp
from jax import lax
from jax.experimental import pallas as pl
from jax.experimental.pallas import tpu as pltpu
from jax.experimental.pallas import tpu_sc as plsc

B = 4096
TOTAL_K = 16384
D = 64
VOCAB = 1000000

NC = 2
NS = 16
NW = NC * NS

BLK = 128
BASE_MAX = VOCAB - BLK
U = 4
CNT_W = 16


def _build_worklist(sid, ipw):
    n = sid.shape[0]
    maxit = ipw + 4
    jj = jnp.arange(n, dtype=jnp.int32)
    w_of = jj // ipw
    jloc = jj % ipw
    bid = sid >> 7
    newb = (jloc == 0) | (bid != jnp.roll(bid, 1))
    runstart = lax.cummax(jnp.where(newb, jj, 0))
    r = jj - runstart
    step = (newb | (r % U == 0)).astype(jnp.int32)
    it_glob = jnp.cumsum(step) - 1
    it_loc = (it_glob - jnp.take(it_glob, w_of * ipw)).astype(jnp.int32)
    sl = r % U
    n_it = it_loc.reshape(NW, ipw)[:, -1] + 1
    n_it = n_it + (n_it & 1)
    n_pair = jnp.concatenate([(n_it // 2).astype(jnp.int32),
                              jnp.zeros((16,), jnp.int32)])
    wl = maxit * U
    aw = jnp.full((NW, wl + 16), ipw, jnp.int32
                  ).at[w_of, it_loc * U + sl].set(
                      (sid << 10) | jloc,
                      indices_are_sorted=True, unique_indices=True)
    return aw, n_pair


def _stream_body(ipw, tab_hbm, aw_v, npair_v, rows_v,
                 blkA, blkB, semA, semB, wid):
    feats = lax.iota(jnp.int32, 16)

    def sread(ref, i):
        return ref[pl.ds(i, 16)][0]

    def base_at(t):
        iid = sread(aw_v, t * U) >> 10
        return pl.multiple_of(
            jnp.minimum((iid >> 7) * BLK, BASE_MAX), BLK)

    def fetch(t, blk, sem):
        pltpu.async_copy(tab_hbm.at[:, pl.ds(base_at(t), BLK)], blk, sem)

    def wait(t, blk, sem):
        pltpu.make_async_copy(
            tab_hbm.at[:, pl.ds(base_at(t), BLK)], blk, sem).wait()

    def extract(blk, t):
        base = base_at(t)
        for u in range(U):
            v0 = sread(aw_v, t * U + u)
            dst = v0 & 1023
            col = jnp.clip((v0 >> 10) - base, 0, BLK - 1)
            for q in range(4):
                v = plsc.load_gather(blk, [16 * q + feats,
                                           jnp.full((16,), col, jnp.int32)])
                rows_v[dst, pl.ds(16 * q, 16)] = v

    n_pairs = sread(npair_v, wid)
    fetch(0, blkA, semA)
    fetch(1, blkB, semB)

    def pair(i, carry):
        tA = 2 * i
        wait(tA, blkA, semA)
        extract(blkA, tA)
        fetch(tA + 2, blkA, semA)
        tB = 2 * i + 1
        wait(tB, blkB, semB)
        extract(blkB, tB)
        fetch(tB + 2, blkB, semB)
        return carry

    lax.fori_loop(0, n_pairs, pair, jnp.int32(0))
    wait(2 * n_pairs, blkA, semA)
    wait(2 * n_pairs + 1, blkB, semB)


IPW_M = TOTAL_K // NW
NBATCH = IPW_M // 128
MAXIT_M = IPW_M + 4
WL_M = MAXIT_M * U


def _sc_main(aw, n_pair, tableT):
    mesh = plsc.VectorSubcoreMesh(core_axis_name="c", subcore_axis_name="s")

    @functools.partial(
        pl.kernel,
        mesh=mesh,
        compiler_params=pltpu.CompilerParams(use_tc_tiling_on_sc=True,
                                             needs_layout_passes=False),
        out_type=jax.ShapeDtypeStruct((TOTAL_K, D), jnp.float32),
        scratch_types=[
            pltpu.VMEM((WL_M + 16,), jnp.int32),
            pltpu.VMEM((NW + 16,), jnp.int32),
            pltpu.VMEM((D, BLK), jnp.float32),
            pltpu.VMEM((D, BLK), jnp.float32),
            pltpu.VMEM((IPW_M + 1, D), jnp.float32),
            pltpu.SemaphoreType.DMA,
            pltpu.SemaphoreType.DMA,
        ],
    )
    def k(aw_hbm, npair_hbm, tab_hbm, rows_out,
          aw_v, npair_v, blkA, blkB, rows_v, semA, semB):
        c = lax.axis_index("c")
        s = lax.axis_index("s")
        wid = s * NC + c

        pltpu.sync_copy(aw_hbm.at[wid], aw_v)
        pltpu.sync_copy(npair_hbm, npair_v)

        _stream_body(IPW_M, tab_hbm, aw_v, npair_v,
                     rows_v, blkA, blkB, semA, semB, wid)

        pltpu.sync_copy(rows_v.at[pl.ds(0, IPW_M)],
                        rows_out.at[pl.ds(wid * IPW_M, IPW_M)])

    return k(aw, n_pair, tableT)


def _sc_segsum(rows, mdst3, ones_blk, z_acc, z_cnt):
    mesh = plsc.VectorSubcoreMesh(core_axis_name="c", subcore_axis_name="s")

    @functools.partial(
        pl.kernel,
        mesh=mesh,
        compiler_params=pltpu.CompilerParams(use_tc_tiling_on_sc=False),
        out_type=[
            jax.ShapeDtypeStruct((NC * B, D), jnp.float32),
            jax.ShapeDtypeStruct((NC * B, CNT_W), jnp.float32),
        ],
        scratch_types=[
            pltpu.VMEM((NBATCH, 128), jnp.int32),
            pltpu.VMEM((IPW_M, D), jnp.float32),
            pltpu.VMEM((128, CNT_W), jnp.float32),
            pltpu.VMEM_SHARED((B, D), jnp.float32),
            pltpu.VMEM_SHARED((B, CNT_W), jnp.float32),
        ],
    )
    def k(rows_hbm, mdst3_hbm, ones_hbm, zacc_hbm, zcnt_hbm,
          acc_out, cnts_out, mdst_v, rows_v, ones_v, acc_sh, cnts_sh):
        c = lax.axis_index("c")
        s = lax.axis_index("s")
        wid = s * NC + c
        psz = B // NS

        pltpu.sync_copy(zacc_hbm, acc_sh.at[pl.ds(s * psz, psz)])
        pltpu.sync_copy(zcnt_hbm, cnts_sh.at[pl.ds(s * psz, psz)])
        pltpu.sync_copy(mdst3_hbm.at[wid], mdst_v)
        pltpu.sync_copy(rows_hbm.at[pl.ds(wid * IPW_M, IPW_M)], rows_v)
        pltpu.sync_copy(ones_hbm, ones_v)

        plsc.subcore_barrier()

        for kk in range(NBATCH):
            pltpu.sync_copy(rows_v.at[pl.ds(kk * 128, 128)],
                            acc_sh.at[mdst_v.at[kk]], add=True)
            pltpu.sync_copy(ones_v, cnts_sh.at[mdst_v.at[kk]], add=True)

        plsc.subcore_barrier()

        a0 = c * B + s * psz
        pltpu.sync_copy(acc_sh.at[pl.ds(s * psz, psz)],
                        acc_out.at[pl.ds(a0, psz)])
        pltpu.sync_copy(cnts_sh.at[pl.ds(s * psz, psz)],
                        cnts_out.at[pl.ds(a0, psz)])

    return k(rows, mdst3, ones_blk, z_acc, z_cnt)


IPW_T = B // NW
MAXIT_T = IPW_T + 4
WL_T = MAXIT_T * U


def _sc_target(aw, n_pair, tableT):
    mesh = plsc.VectorSubcoreMesh(core_axis_name="c", subcore_axis_name="s")

    @functools.partial(
        pl.kernel,
        mesh=mesh,
        compiler_params=pltpu.CompilerParams(use_tc_tiling_on_sc=True,
                                             needs_layout_passes=False),
        out_type=jax.ShapeDtypeStruct((B, D), jnp.float32),
        scratch_types=[
            pltpu.VMEM((WL_T + 16,), jnp.int32),
            pltpu.VMEM((NW + 16,), jnp.int32),
            pltpu.VMEM((D, BLK), jnp.float32),
            pltpu.VMEM((D, BLK), jnp.float32),
            pltpu.VMEM((IPW_T + 1, D), jnp.float32),
            pltpu.SemaphoreType.DMA,
            pltpu.SemaphoreType.DMA,
        ],
    )
    def k(aw_hbm, npair_hbm, tab_hbm, tgt_out,
          aw_v, npair_v, blkA, blkB, rows_v, semA, semB):
        c = lax.axis_index("c")
        s = lax.axis_index("s")
        wid = s * NC + c

        pltpu.sync_copy(aw_hbm.at[wid], aw_v)
        pltpu.sync_copy(npair_hbm, npair_v)

        _stream_body(IPW_T, tab_hbm, aw_v, npair_v,
                     rows_v, blkA, blkB, semA, semB, wid)

        pltpu.sync_copy(rows_v.at[pl.ds(0, IPW_T)],
                        tgt_out.at[pl.ds(wid * IPW_T, IPW_T)])

    return k(aw, n_pair, tableT)


def _tc_loss_body(acc_ref, pc_ref, tgt_ref, wi_ref, wu_ref, wub_ref,
                  wiw_ref, wib_ref, out_ref):
    sums = acc_ref[0:B, :] + acc_ref[B:2 * B, :]
    cnt_blk = pc_ref[0:B, :] + pc_ref[B:2 * B, :]
    counts = jnp.sum(cnt_blk, axis=1, keepdims=True) * (1.0 / CNT_W)
    mean = sums / jnp.maximum(counts, 1.0)
    few = mean + lax.dot_general(mean, wu_ref[...],
                                 (((1,), (1,)), ((), ())),
                                 preferred_element_type=jnp.float32)
    few = few + jnp.minimum(counts, 1.0) * wub_ref[...]
    pred = lax.dot_general(few, wiw_ref[...],
                           (((1,), (1,)), ((), ())),
                           preferred_element_type=jnp.float32) + wib_ref[...]
    diff = pred - tgt_ref[...]
    loss = jnp.sum(wi_ref[...] * diff * diff) * (1.0 / (B * D))
    out_ref[...] = jnp.reshape(loss, (1, 1))


def kernel(subseq_set, segment_ids, target_idx, w_i, item_emb, W_U_w, W_U_b,
           W_I_w, W_I_b):
    tableT = item_emb.T

    last_idx = subseq_set[:, -1]
    order_m = jnp.argsort(last_idx)
    sid_m = last_idx[order_m]
    mdst3 = segment_ids[order_m].reshape(NW, NBATCH, 128)
    aw_m, npair_m = _build_worklist(sid_m, IPW_M)

    order_t = jnp.argsort(target_idx)
    sid_t = target_idx[order_t]
    aw_t, npair_t = _build_worklist(sid_t, IPW_T)

    ones_blk = jnp.ones((128, CNT_W), jnp.float32)
    z_acc = jnp.zeros((B // NS, D), jnp.float32)
    z_cnt = jnp.zeros((B // NS, CNT_W), jnp.float32)

    rows = _sc_main(aw_m, npair_m, tableT)
    acc, part_cnts = _sc_segsum(rows, mdst3, ones_blk, z_acc, z_cnt)
    tgt_sorted = _sc_target(aw_t, npair_t, tableT)
    inv_t = jnp.argsort(order_t)
    tgt = jnp.take(tgt_sorted, inv_t, axis=0)

    loss = pl.pallas_call(
        _tc_loss_body,
        out_shape=jax.ShapeDtypeStruct((1, 1), jnp.float32),
    )(acc, part_cnts, tgt, w_i, W_U_w, W_U_b.reshape(1, D),
      W_I_w, W_I_b.reshape(1, D))
    return loss[0, 0]

# --- scband reference (transcript-rebuilt; emitter-appended) ---
"""Pipeline reference for scband-itembranch-6279242187355 (READ-ONLY COPY).

The authoritative reference and input builder live on the scoring server;
editing this copy changes nothing except your own understanding.
"""

import jax, jax.numpy as jnp
import numpy as np

B = 4096
TOTAL_K = 16384
SEQ_LEN = 50
VOCAB = 1000000
D = 64

def setup_inputs(seed: int = 0) -> dict:
    key = jax.random.key(seed)
    ks = jax.random.split(key, 8)
    subseq_set = jax.random.randint(ks[0], (TOTAL_K, SEQ_LEN), 0, VOCAB, dtype=jnp.int32)
    segment_ids = jnp.sort(jax.random.randint(ks[1], (TOTAL_K,), 0, B, dtype=jnp.int32))
    target_idx = jax.random.randint(ks[2], (B,), 0, VOCAB, dtype=jnp.int32)
    w_i = jax.random.uniform(ks[3], (B, 1), dtype=jnp.float32)
    item_emb = jax.random.normal(ks[4], (VOCAB, D), dtype=jnp.float32) * 0.02
    W_U_w = jax.random.normal(ks[5], (D, D), dtype=jnp.float32) * (1.0 / np.sqrt(D))
    W_U_b = jnp.zeros((D,), dtype=jnp.float32)
    W_I_w = jax.random.normal(ks[6], (D, D), dtype=jnp.float32) * (1.0 / np.sqrt(D))
    W_I_b = jnp.zeros((D,), dtype=jnp.float32)
    return {"subseq_set": subseq_set, "segment_ids": segment_ids, "target_idx": target_idx, "w_i": w_i, "item_emb": item_emb, "W_U_w": W_U_w, "W_U_b": W_U_b, "W_I_w": W_I_w, "W_I_b": W_I_b}

def reference(subseq_set, segment_ids, target_idx, w_i, item_emb, W_U_w, W_U_b, W_I_w, W_I_b):
    # model(subseq_set)[:, -1, :] : embedding lookup over sampled subsequences,
    # keep last-position representation (stand-in sequence encoder)
    seq_tok_emb = jnp.take(item_emb, subseq_set, axis=0)  # [TOTAL_K, L, D]
    sequence_emb = seq_tok_emb[:, -1, :]                  # [TOTAL_K, D]
    # sequence_emb = sequence_emb + W_U(sequence_emb)
    sequence_emb = sequence_emb + (sequence_emb @ W_U_w.T + W_U_b)
    # per-head-item mean over its sampled subsequences (subseq_set_idx slicing)
    sums = jax.ops.segment_sum(sequence_emb, segment_ids, num_segments=B)
    counts = jax.ops.segment_sum(jnp.ones((TOTAL_K,), jnp.float32), segment_ids, num_segments=B)
    few_subseq_embed = sums / jnp.maximum(counts, 1.0)[:, None]
    # loss = mean(w_i * (W_I(few) - item_embeddings(target))**2)
    pred = few_subseq_embed @ W_I_w.T + W_I_b
    tgt = jnp.take(item_emb, target_idx, axis=0)
    loss = jnp.mean(w_i * (pred - tgt) ** 2)
    return loss

if __name__ == "__main__":
    import jax
    _d = setup_inputs()
    print(jax.jit(kernel)(*tuple(_d.values())))

</pallas_src>

<mosaic_0001>
#map = affine_map<(d0, d1) -> (0, 0)>
#map1 = affine_map<(d0, d1) -> (0)>
module attributes {stable_mosaic.version = 14 : i64} {
  func.func @k(%arg0: i32, %arg1: i32, %arg2: memref<32x544xi32, #tpu.memory_space<hbm>>, %arg3: memref<48xi32, #tpu.memory_space<hbm>>, %arg4: memref<64x1000000xf32, #tpu.memory_space<hbm>>, %arg5: memref<4096x64xf32, #tpu.memory_space<hbm>>, %arg6: memref<544xi32, #tpu.memory_space<vmem>>, %arg7: memref<48xi32, #tpu.memory_space<vmem>>, %arg8: memref<64x128xf32, #tpu.memory_space<vmem>>, %arg9: memref<64x128xf32, #tpu.memory_space<vmem>>, %arg10: memref<129x64xf32, #tpu.memory_space<vmem>>, %arg11: memref<!tpu.dma_semaphore, #tpu.memory_space<semaphore_mem>>, %arg12: memref<!tpu.dma_semaphore, #tpu.memory_space<semaphore_mem>>) attributes {dimension_semantics = [#tpu.dimension_semantics<core_parallel>, #tpu.dimension_semantics<subcore_parallel>], iteration_bounds = array<i64: 2, 16>, scalar_prefetch = 0 : i64, scratch_operands = 7 : i64, tpu.core_type = #tpu.core_type<sc_vector_subcore>, window_params = [{transform_indices = #map}, {transform_indices = #map1}, {transform_indices = #map}, {transform_indices = #map}]} {
    %mul3A = arith.constant 2 : i32
    %mul3A_0 = arith.muli %arg1, %mul3A : i32
    %add3A = arith.addi %mul3A_0, %arg0 : i32
    "tpu.region"() ({
      %run_scoped3A = tpu.sem_alloc : memref<!tpu.dma_semaphore, #tpu.memory_space<semaphore_mem>>
      %dma_start3A_86 = arith.constant 0 : i32
      %dma_start3A_87 = tpu.memref_slice %arg2[%add3A, %dma_start3A_86] : memref<32x544xi32, #tpu.memory_space<hbm>> -> memref<1x544xi32, #tpu.memory_space<hbm>>
      %dma_start3A_88 = tpu.memref_squeeze %dma_start3A_87 : memref<1x544xi32, #tpu.memory_space<hbm>> -> memref<544xi32, #tpu.memory_space<hbm>>
      %dma_start3A_89 = arith.constant 0 : i32
      %dma_start3A_90 = tpu.memref_slice %arg2[%add3A, %dma_start3A_89] : memref<32x544xi32, #tpu.memory_space<hbm>> -> memref<1x544xi32, #tpu.memory_space<hbm>>
      %dma_start3A_91 = tpu.memref_squeeze %dma_start3A_90 : memref<1x544xi32, #tpu.memory_space<hbm>> -> memref<544xi32, #tpu.memory_space<hbm>>
      tpu.enqueue_dma source(%dma_start3A_91 : memref<544xi32, #tpu.memory_space<hbm>>) target(%arg6 : memref<544xi32, #tpu.memory_space<vmem>>) target_semaphore(%run_scoped3A : memref<!tpu.dma_semaphore, #tpu.memory_space<semaphore_mem>>)
      %dma_wait3A_92 = arith.constant 0 : i32
      %dma_wait3A_93 = tpu.memref_slice %arg2[%add3A, %dma_wait3A_92] : memref<32x544xi32, #tpu.memory_space<hbm>> -> memref<1x544xi32, #tpu.memory_space<hbm>>
      %dma_wait3A_94 = tpu.memref_squeeze %dma_wait3A_93 : memref<1x544xi32, #tpu.memory_space<hbm>> -> memref<544xi32, #tpu.memory_space<hbm>>
      %dma_wait3A_95 = arith.constant 0 : i32
      %dma_wait3A_96 = tpu.memref_slice %arg2[%add3A, %dma_wait3A_95] : memref<32x544xi32, #tpu.memory_space<hbm>> -> memref<1x544xi32, #tpu.memory_space<hbm>>
      %dma_wait3A_97 = tpu.memref_squeeze %dma_wait3A_96 : memref<1x544xi32, #tpu.memory_space<hbm>> -> memref<544xi32, #tpu.memory_space<hbm>>
      tpu.wait_dma2 semaphore(%run_scoped3A : memref<!tpu.dma_semaphore, #tpu.memory_space<semaphore_mem>>) src(%dma_wait3A_97 : memref<544xi32, #tpu.memory_space<hbm>>) dst(%arg6 : memref<544xi32, #tpu.memory_space<vmem>>)
      tpu.yield
    }) : () -> ()
    "tpu.region"() ({
      %run_scoped3A = tpu.sem_alloc : memref<!tpu.dma_semaphore, #tpu.memory_space<semaphore_mem>>
      tpu.enqueue_dma source(%arg3 : memref<48xi32, #tpu.memory_space<hbm>>) target(%arg7 : memref<48xi32, #tpu.memory_space<vmem>>) target_semaphore(%run_scoped3A : memref<!tpu.dma_semaphore, #tpu.memory_space<semaphore_mem>>)
      tpu.wait_dma2 semaphore(%run_scoped3A : memref<!tpu.dma_semaphore, #tpu.memory_space<semaphore_mem>>) src(%arg3 : memref<48xi32, #tpu.memory_space<hbm>>) dst(%arg7 : memref<48xi32, #tpu.memory_space<vmem>>)
      tpu.yield
    }) : () -> ()
    %iota3A = tpu.iota {dimensions = array<i32: 0>} : vector<16xi32>
    %get3A = arith.index_cast %add3A : i32 to index
    %get3A_1 = tpu.vector_load %arg7[%get3A] {strides = array<i32>} : memref<48xi32, #tpu.memory_space<vmem>>, vector<16xi32>,
    %slice3A = vector.extract_strided_slice %get3A_1 {offsets = [0], sizes = [1], strides = [1]} : vector<16xi32> to vector<1xi32>
    %squeeze3A = vector.extract %slice3A[0] : i32 from vector<1xi32>
    %get3A_2 = arith.constant 0 : index
    %get3A_3 = tpu.vector_load %arg6[%get3A_2] {strides = array<i32>} : memref<544xi32, #tpu.memory_space<vmem>>, vector<16xi32>,
    %slice3A_4 = vector.extract_strided_slice %get3A_3 {offsets = [0], sizes = [1], strides = [1]} : vector<16xi32> to vector<1xi32>
    %squeeze3A_5 = vector.extract %slice3A_4[0] : i32 from vector<1xi32>
    %shift_right_arithmetic3A = arith.constant 10 : i32
    %shift_right_arithmetic3A_6 = arith.shrsi %squeeze3A_5, %shift_right_arithmetic3A : i32
    %shift_right_arithmetic3A_7 = arith.constant 7 : i32
    %shift_right_arithmetic3A_8 = arith.shrsi %shift_right_arithmetic3A_6, %shift_right_arithmetic3A_7 : i32
    %mul3A_9 = arith.constant 128 : i32
    %mul3A_10 = arith.muli %shift_right_arithmetic3A_8, %mul3A_9 : i32
    %min3A = arith.constant 999872 : i32
    %min3A_11 = arith.minsi %mul3A_10, %min3A : i32
    %multiple_of3A = tpu.assume_multiple %min3A_11, 128 : i32
    %dma_start3A = arith.constant 0 : i32
    %dma_start3A_12 = tpu.memref_slice %arg4[%dma_start3A, %multiple_of3A] : memref<64x1000000xf32, #tpu.memory_space<hbm>> -> memref<64x128xf32, #tpu.memory_space<hbm>>
    %dma_start3A_13 = arith.constant 0 : i32
    %dma_start3A_14 = tpu.memref_slice %arg4[%dma_start3A_13, %multiple_of3A] : memref<64x1000000xf32, #tpu.memory_space<hbm>> -> memref<64x128xf32, #tpu.memory_space<hbm>>
    tpu.enqueue_dma source(%dma_start3A_14 : memref<64x128xf32, #tpu.memory_space<hbm>>) target(%arg8 : memref<64x128xf32, #tpu.memory_space<vmem>>) target_semaphore(%arg11 : memref<!tpu.dma_semaphore, #tpu.memory_space<semaphore_mem>>)
    %get3A_15 = arith.constant 4 : index
    %get3A_16 = tpu.vector_load %arg6[%get3A_15] {strides = array<i32>} : memref<544xi32, #tpu.memory_space<vmem>>, vector<16xi32>,
    %slice3A_17 = vector.extract_strided_slice %get3A_16 {offsets = [0], sizes = [1], strides = [1]} : vector<16xi32> to vector<1xi32>
    %squeeze3A_18 = vector.extract %slice3A_17[0] : i32 from vector<1xi32>
    %shift_right_arithmetic3A_19 = arith.constant 10 : i32
    %shift_right_arithmetic3A_20 = arith.shrsi %squeeze3A_18, %shift_right_arithmetic3A_19 : i32
    %shift_right_arithmetic3A_21 = arith.constant 7 : i32
    %shift_right_arithmetic3A_22 = arith.shrsi %shift_right_arithmetic3A_20, %shift_right_arithmetic3A_21 : i32
    %mul3A_23 = arith.constant 128 : i32
    %mul3A_24 = arith.muli %shift_right_arithmetic3A_22, %mul3A_23 : i32
    %min3A_25 = arith.constant 999872 : i32
    %min3A_26 = arith.minsi %mul3A_24, %min3A_25 : i32
    %multiple_of3A_27 = tpu.assume_multiple %min3A_26, 128 : i32
    %dma_start3A_28 = arith.constant 0 : i32
    %dma_start3A_29 = tpu.memref_slice %arg4[%dma_start3A_28, %multiple_of3A_27] : memref<64x1000000xf32, #tpu.memory_space<hbm>> -> memref<64x128xf32, #tpu.memory_space<hbm>>
    %dma_start3A_30 = arith.constant 0 : i32
    %dma_start3A_31 = tpu.memref_slice %arg4[%dma_start3A_30, %multiple_of3A_27] : memref<64x1000000xf32, #tpu.memory_space<hbm>> -> memref<64x128xf32, #tpu.memory_space<hbm>>
    tpu.enqueue_dma source(%dma_start3A_31 : memref<64x128xf32, #tpu.memory_space<hbm>>) target(%arg9 : memref<64x128xf32, #tpu.memory_space<vmem>>) target_semaphore(%arg12 : memref<!tpu.dma_semaphore, #tpu.memory_space<semaphore_mem>>)
    %while3A = arith.constant 0 : i32
    %while3A_32 = arith.constant 0 : i32
    %while3A_33 = arith.subi %squeeze3A, %while3A_32 : i32
    %while3A_34 = arith.addi %while3A_32, %while3A_33 : i32
    %while3A_35 = arith.constant 1 : i32
    %while3A_36 = arith.divsi %while3A_33, %while3A_35 : i32
    %while3A_37 = arith.muli %while3A_36, %while3A_35 : i32
    %while3A_38 = arith.addi %while3A_32, %while3A_37 : i32
    %while3A_39 = arith.constant 1 : i32
    scf.for %while3A_86 = %while3A_32 to %while3A_38 step %while3A_39  : i32 {
      %mul3A_87 = arith.constant 2 : i32
      %mul3A_88 = arith.muli %mul3A_87, %while3A_86 : i32
      %mul3A_89 = arith.constant 4 : i32
      %mul3A_90 = arith.muli %mul3A_88, %mul3A_89 : i32
      %get3A_91 = arith.index_cast %mul3A_90 : i32 to index
      %get3A_92 = tpu.vector_load %arg6[%get3A_91] {strides = array<i32>} : memref<544xi32, #tpu.memory_space<vmem>>, vector<16xi32>,
      %slice3A_93 = vector.extract_strided_slice %get3A_92 {offsets = [0], sizes = [1], strides = [1]} : vector<16xi32> to vector<1xi32>
      %squeeze3A_94 = vector.extract %slice3A_93[0] : i32 from vector<1xi32>
      %shift_right_arithmetic3A_95 = arith.constant 10 : i32
      %shift_right_arithmetic3A_96 = arith.shrsi %squeeze3A_94, %shift_right_arithmetic3A_95 : i32
      %shift_right_arithmetic3A_97 = arith.constant 7 : i32
      %shift_right_arithmetic3A_98 = arith.shrsi %shift_right_arithmetic3A_96, %shift_right_arithmetic3A_97 : i32
      %mul3A_99 = arith.constant 128 : i32
      %mul3A_100 = arith.muli %shift_right_arithmetic3A_98, %mul3A_99 : i32
      %min3A_101 = arith.constant 999872 : i32
      %min3A_102 = arith.minsi %mul3A_100, %min3A_101 : i32
      %multiple_of3A_103 = tpu.assume_multiple %min3A_102, 128 : i32
      %dma_wait3A_104 = arith.constant 0 : i32
      %dma_wait3A_105 = tpu.memref_slice %arg4[%dma_wait3A_104, %multiple_of3A_103] : memref<64x1000000xf32, #tpu.memory_space<hbm>> -> memref<64x128xf32, #tpu.memory_space<hbm>>
      %dma_wait3A_106 = arith.constant 0 : i32
      %dma_wait3A_107 = tpu.memref_slice %arg4[%dma_wait3A_106, %multiple_of3A_103] : memref<64x1000000xf32, #tpu.memory_space<hbm>> -> memref<64x128xf32, #tpu.memory_space<hbm>>
      tpu.wait_dma2 semaphore(%arg11 : memref<!tpu.dma_semaphore, #tpu.memory_space<semaphore_mem>>) src(%dma_wait3A_107 : memref<64x128xf32, #tpu.memory_space<hbm>>) dst(%arg8 : memref<64x128xf32, #tpu.memory_space<vmem>>)
      %mul3A_108 = arith.constant 4 : i32
      %mul3A_109 = arith.muli %mul3A_88, %mul3A_108 : i32
      %get3A_110 = arith.index_cast %mul3A_109 : i32 to index
      %get3A_111 = tpu.vector_load %arg6[%get3A_110] {strides = array<i32>} : memref<544xi32, #tpu.memory_space<vmem>>, vector<16xi32>,
      %slice3A_112 = vector.extract_strided_slice %get3A_111 {offsets = [0], sizes = [1], strides = [1]} : vector<16xi32> to vector<1xi32>
      %squeeze3A_113 = vector.extract %slice3A_112[0] : i32 from vector<1xi32>
      %shift_right_arithmetic3A_114 = arith.constant 10 : i32
      %shift_right_arithmetic3A_115 = arith.shrsi %squeeze3A_113, %shift_right_arithmetic3A_114 : i32
      %shift_right_arithmetic3A_116 = arith.constant 7 : i32
      %shift_right_arithmetic3A_117 = arith.shrsi %shift_right_arithmetic3A_115, %shift_right_arithmetic3A_116 : i32
      %mul3A_118 = arith.constant 128 : i32
      %mul3A_119 = arith.muli %shift_right_arithmetic3A_117, %mul3A_118 : i32
      %min3A_120 = arith.constant 999872 : i32
      %min3A_121 = arith.minsi %mul3A_119, %min3A_120 : i32
      %multiple_of3A_122 = tpu.assume_multiple %min3A_121, 128 : i32
      %mul3A_123 = arith.constant 4 : i32
      %mul3A_124 = arith.muli %mul3A_88, %mul3A_123 : i32
      %add3A_125 = arith.constant 0 : i32
      %add3A_126 = arith.addi %mul3A_124, %add3A_125 : i32
      %get3A_127 = arith.index_cast %add3A_126 : i32 to index
      %get3A_128 = tpu.vector_load %arg6[%get3A_127] {strides = array<i32>} : memref<544xi32, #tpu.memory_space<vmem>>, vector<16xi32>,
      %slice3A_129 = vector.extract_strided_slice %get3A_128 {offsets = [0], sizes = [1], strides = [1]} : vector<16xi32> to vector<1xi32>
      %squeeze3A_130 = vector.extract %slice3A_129[0] : i32 from vector<1xi32>
      %and3A = arith.constant 1023 : i32
      %and3A_131 = arith.andi %squeeze3A_130, %and3A : i32
      %shift_right_arithmetic3A_132 = arith.constant 10 : i32
      %shift_right_arithmetic3A_133 = arith.shrsi %squeeze3A_130, %shift_right_arithmetic3A_132 : i32
      %sub3A = arith.subi %shift_right_arithmetic3A_133, %multiple_of3A_122 : i32
      %jit3A = arith.constant 0 : i32
      %jit3A_134 = arith.constant 127 : i32
      %max3A = arith.maxsi %jit3A, %sub3A : i32
      %min3A_135 = arith.minsi %jit3A_134, %max3A : i32
      %add3A_136 = arith.constant 0 : i32
      %add3A_137 = vector.broadcast %add3A_136 : i32 to vector<16xi32>
      %add3A_138 = arith.addi %add3A_137, %iota3A : vector<16xi32>
      %broadcast_in_dim3A = vector.broadcast %min3A_135 : i32 to vector<16xi32>
      %gather3A = tpu.vector_load_idx %arg8[%add3A_138, %broadcast_in_dim3A] : memref<64x128xf32, #tpu.memory_space<vmem>>[vector<16xi32>, vector<16xi32>], vector<16xf32>,
      %swap3A = arith.index_cast %and3A_131 : i32 to index
      %swap3A_139 = arith.constant 0 : index
      %swap3A_140 = tpu.vector_load %arg10[%swap3A, %swap3A_139] {strides = array<i32>} : memref<129x64xf32, #tpu.memory_space<vmem>>, vector<16xf32>,
      tpu.vector_store %arg10[%swap3A, %swap3A_139], %gather3A {strides = array<i32>} : memref<129x64xf32, #tpu.memory_space<vmem>>, vector<16xf32>,
      %add3A_141 = arith.constant 16 : i32
      %add3A_142 = vector.broadcast %add3A_141 : i32 to vector<16xi32>
      %add3A_143 = arith.addi %add3A_142, %iota3A : vector<16xi32>
      %broadcast_in_dim3A_144 = vector.broadcast %min3A_135 : i32 to vector<16xi32>
      %gather3A_145 = tpu.vector_load_idx %arg8[%add3A_143, %broadcast_in_dim3A_144] : memref<64x128xf32, #tpu.memory_space<vmem>>[vector<16xi32>, vector<16xi32>], vector<16xf32>,
      %swap3A_146 = arith.index_cast %and3A_131 : i32 to index
      %swap3A_147 = arith.constant 16 : index
      %swap3A_148 = tpu.vector_load %arg10[%swap3A_146, %swap3A_147] {strides = array<i32>} : memref<129x64xf32, #tpu.memory_space<vmem>>, vector<16xf32>,
      tpu.vector_store %arg10[%swap3A_146, %swap3A_147], %gather3A_145 {strides = array<i32>} : memref<129x64xf32, #tpu.memory_space<vmem>>, vector<16xf32>,
      %add3A_149 = arith.constant 32 : i32
      %add3A_150 = vector.broadcast %add3A_149 : i32 to vector<16xi32>
      %add3A_151 = arith.addi %add3A_150, %iota3A : vector<16xi32>
      %broadcast_in_dim3A_152 = vector.broadcast %min3A_135 : i32 to vector<16xi32>
      %gather3A_153 = tpu.vector_load_idx %arg8[%add3A_151, %broadcast_in_dim3A_152] : memref<64x128xf32, #tpu.memory_space<vmem>>[vector<16xi32>, vector<16xi32>], vector<16xf32>,
      %swap3A_154 = arith.index_cast %and3A_131 : i32 to index
      %swap3A_155 = arith.constant 32 : index
      %swap3A_156 = tpu.vector_load %arg10[%swap3A_154, %swap3A_155] {strides = array<i32>} : memref<129x64xf32, #tpu.memory_space<vmem>>, vector<16xf32>,
      tpu.vector_store %arg10[%swap3A_154, %swap3A_155], %gather3A_153 {strides = array<i32>} : memref<129x64xf32, #tpu.memory_space<vmem>>, vector<16xf32>,
      %add3A_157 = arith.constant 48 : i32
      %add3A_158 = vector.broadcast %add3A_157 : i32 to vector<16xi32>
      %add3A_159 = arith.addi %add3A_158, %iota3A : vector<16xi32>
      %broadcast_in_dim3A_160 = vector.broadcast %min3A_135 : i32 to vector<16xi32>
      %gather3A_161 = tpu.vector_load_idx %arg8[%add3A_159, %broadcast_in_dim3A_160] : memref<64x128xf32, #tpu.memory_space<vmem>>[vector<16xi32>, vector<16xi32>], vector<16xf32>,
      %swap3A_162 = arith.index_cast %and3A_131 : i32 to index
      %swap3A_163 = arith.constant 48 : index
      %swap3A_164 = tpu.vector_load %arg10[%swap3A_162, %swap3A_163] {strides = array<i32>} : memref<129x64xf32, #tpu.memory_space<vmem>>, vector<16xf32>,
      tpu.vector_store %arg10[%swap3A_162, %swap3A_163], %gather3A_161 {strides = array<i32>} : memref<129x64xf32, #tpu.memory_space<vmem>>, vector<16xf32>,
      %mul3A_165 = arith.constant 4 : i32
      %mul3A_166 = arith.muli %mul3A_88, %mul3A_165 : i32
      %add3A_167 = arith.constant 1 : i32
      %add3A_168 = arith.addi %mul3A_166, %add3A_167 : i32
      %get3A_169 = arith.index_cast %add3A_168 : i32 to index
      %get3A_170 = tpu.vector_load %arg6[%get3A_169] {strides = array<i32>} : memref<544xi32, #tpu.memory_space<vmem>>, vector<16xi32>,
      %slice3A_171 = vector.extract_strided_slice %get3A_170 {offsets = [0], sizes = [1], strides = [1]} : vector<16xi32> to vector<1xi32>
      %squeeze3A_172 = vector.extract %slice3A_171[0] : i32 from vector<1xi32>
      %and3A_173 = arith.constant 1023 : i32
      %and3A_174 = arith.andi %squeeze3A_172, %and3A_173 : i32
      %shift_right_arithmetic3A_175 = arith.constant 10 : i32
      %shift_right_arithmetic3A_176 = arith.shrsi %squeeze3A_172, %shift_right_arithmetic3A_175 : i32
      %sub3A_177 = arith.subi %shift_right_arithmetic3A_176, %multiple_of3A_122 : i32
      %jit3A_178 = arith.constant 0 : i32
      %jit3A_179 = arith.constant 127 : i32
      %max3A_180 = arith.maxsi %jit3A_178, %sub3A_177 : i32
      %min3A_181 = arith.minsi %jit3A_179, %max3A_180 : i32
      %add3A_182 = arith.constant 0 : i32
      %add3A_183 = vector.broadcast %add3A_182 : i32 to vector<16xi32>
      %add3A_184 = arith.addi %add3A_183, %iota3A : vector<16xi32>
      %broadcast_in_dim3A_185 = vector.broadcast %min3A_181 : i32 to vector<16xi32>
      %gather3A_186 = tpu.vector_load_idx %arg8[%add3A_184, %broadcast_in_dim3A_185] : memref<64x128xf32, #tpu.memory_space<vmem>>[vector<16xi32>, vector<16xi32>], vector<16xf32>,
      %swap3A_187 = arith.index_cast %and3A_174 : i32 to index
      %swap3A_188 = arith.constant 0 : index
      %swap3A_189 = tpu.vector_load %arg10[%swap3A_187, %swap3A_188] {strides = array<i32>} : memref<129x64xf32, #tpu.memory_space<vmem>>, vector<16xf32>,
      tpu.vector_store %arg10[%swap3A_187, %swap3A_188], %gather3A_186 {strides = array<i32>} : memref<129x64xf32, #tpu.memory_space<vmem>>, vector<16xf32>,
      %add3A_190 = arith.constant 16 : i32
      %add3A_191 = vector.broadcast %add3A_190 : i32 to vector<16xi32>
      %add3A_192 = arith.addi %add3A_191, %iota3A : vector<16xi32>
      %broadcast_in_dim3A_193 = vector.broadcast %min3A_181 : i32 to vector<16xi32>
      %gather3A_194 = tpu.vector_load_idx %arg8[%add3A_192, %broadcast_in_dim3A_193] : memref<64x128xf32, #tpu.memory_space<vmem>>[vector<16xi32>, vector<16xi32>], vector<16xf32>,
      %swap3A_195 = arith.index_cast %and3A_174 : i32 to index
      %swap3A_196 = arith.constant 16 : index
      %swap3A_197 = tpu.vector_load %arg10[%swap3A_195, %swap3A_196] {strides = array<i32>} : memref<129x64xf32, #tpu.memory_space<vmem>>, vector<16xf32>,
      tpu.vector_store %arg10[%swap3A_195, %swap3A_196], %gather3A_194 {strides = array<i32>} : memref<129x64xf32, #tpu.memory_space<vmem>>, vector<16xf32>,
      %add3A_198 = arith.constant 32 : i32
      %add3A_199 = vector.broadcast %add3A_198 : i32 to vector<16xi32>
      %add3A_200 = arith.addi %add3A_199, %iota3A : vector<16xi32>
      %broadcast_in_dim3A_201 = vector.broadcast %min3A_181 : i32 to vector<16xi32>
      %gather3A_202 = tpu.vector_load_idx %arg8[%add3A_200, %broadcast_in_dim3A_201] : memref<64x128xf32, #tpu.memory_space<vmem>>[vector<16xi32>, vector<16xi32>], vector<16xf32>,
      %swap3A_203 = arith.index_cast %and3A_174 : i32 to index
      %swap3A_204 = arith.constant 32 : index
      %swap3A_205 = tpu.vector_load %arg10[%swap3A_203, %swap3A_204] {strides = array<i32>} : memref<129x64xf32, #tpu.memory_space<vmem>>, vector<16xf32>,
      tpu.vector_store %arg10[%swap3A_203, %swap3A_204], %gather3A_202 {strides = array<i32>} : memref<129x64xf32, #tpu.memory_space<vmem>>, vector<16xf32>,
      %add3A_206 = arith.constant 48 : i32
      %add3A_207 = vector.broadcast %add3A_206 : i32 to vector<16xi32>
      %add3A_208 = arith.addi %add3A_207, %iota3A : vector<16xi32>
      %broadcast_in_dim3A_209 = vector.broadcast %min3A_181 : i32 to vector<16xi32>
      %gather3A_210 = tpu.vector_load_idx %arg8[%add3A_208, %broadcast_in_dim3A_209] : memref<64x128xf32, #tpu.memory_space<vmem>>[vector<16xi32>, vector<16xi32>], vector<16xf32>,
      %swap3A_211 = arith.index_cast %and3A_174 : i32 to index
      %swap3A_212 = arith.constant 48 : index
      %swap3A_213 = tpu.vector_load %arg10[%swap3A_211, %swap3A_212] {strides = array<i32>} : memref<129x64xf32, #tpu.memory_space<vmem>>, vector<16xf32>,
      tpu.vector_store %arg10[%swap3A_211, %swap3A_212], %gather3A_210 {strides = array<i32>} : memref<129x64xf32, #tpu.memory_space<vmem>>, vector<16xf32>,
      %mul3A_214 = arith.constant 4 : i32
      %mul3A_215 = arith.muli %mul3A_88, %mul3A_214 : i32
      %add3A_216 = arith.constant 2 : i32
      %add3A_217 = arith.addi %mul3A_215, %add3A_216 : i32
      %get3A_218 = arith.index_cast %add3A_217 : i32 to index
      %get3A_219 = tpu.vector_load %arg6[%get3A_218] {strides = array<i32>} : memref<544xi32, #tpu.memory_space<vmem>>, vector<16xi32>,
      %slice3A_220 = vector.extract_strided_slice %get3A_219 {offsets = [0], sizes = [1], strides = [1]} : vector<16xi32> to vector<1xi32>
      %squeeze3A_221 = vector.extract %slice3A_220[0] : i32 from vector<1xi32>
      %and3A_222 = arith.constant 1023 : i32
      %and3A_223 = arith.andi %squeeze3A_221, %and3A_222 : i32
      %shift_right_arithmetic3A_224 = arith.constant 10 : i32
      %shift_right_arithmetic3A_225 = arith.shrsi %squeeze3A_221, %shift_right_arithmetic3A_224 : i32
      %sub3A_226 = arith.subi %shift_right_arithmetic3A_225, %multiple_of3A_122 : i32
      %jit3A_227 = arith.constant 0 : i32
      %jit3A_228 = arith.constant 127 : i32
      %max3A_229 = arith.maxsi %jit3A_227, %sub3A_226 : i32
      %min3A_230 = arith.minsi %jit3A_228, %max3A_229 : i32
      %add3A_231 = arith.constant 0 : i32
      %add3A_232 = vector.broadcast %add3A_231 : i32 to vector<16xi32>
      %add3A_233 = arith.addi %add3A_232, %iota3A : vector<16xi32>
      %broadcast_in_dim3A_234 = vector.broadcast %min3A_230 : i32 to vector<16xi32>
      %gather3A_235 = tpu.vector_load_idx %arg8[%add3A_233, %broadcast_in_dim3A_234] : memref<64x128xf32, #tpu.memory_space<vmem>>[vector<16xi32>, vector<16xi32>], vector<16xf32>,
      %swap3A_236 = arith.index_cast %and3A_223 : i32 to index
      %swap3A_237 = arith.constant 0 : index
      %swap3A_238 = tpu.vector_load %arg10[%swap3A_236, %swap3A_237] {strides = array<i32>} : memref<129x64xf32, #tpu.memory_space<vmem>>, vector<16xf32>,
      tpu.vector_store %arg10[%swap3A_236, %swap3A_237], %gather3A_235 {strides = array<i32>} : memref<129x64xf32, #tpu.memory_space<vmem>>, vector<16xf32>,
      %add3A_239 = arith.constant 16 : i32
      %add3A_240 = vector.broadcast %add3A_239 : i32 to vector<16xi32>
      %add3A_241 = arith.addi %add3A_240, %iota3A : vector<16xi32>
      %broadcast_in_dim3A_242 = vector.broadcast %min3A_230 : i32 to vector<16xi32>
      %gather3A_243 = tpu.vector_load_idx %arg8[%add3A_241, %broadcast_in_dim3A_242] : memref<64x128xf32, #tpu.memory_space<vmem>>[vector<16xi32>, vector<16xi32>], vector<16xf32>,
      %swap3A_244 = arith.index_cast %and3A_223 : i32 to index
      %swap3A_245 = arith.constant 16 : index
      %swap3A_246 = tpu.vector_load %arg10[%swap3A_244, %swap3A_245] {strides = array<i32>} : memref<129x64xf32, #tpu.memory_space<vmem>>, vector<16xf32>,
      tpu.vector_store %arg10[%swap3A_244, %swap3A_245], %gather3A_243 {strides = array<i32>} : memref<129x64xf32, #tpu.memory_space<vmem>>, vector<16xf32>,
      %add3A_247 = arith.constant 32 : i32
      %add3A_248 = vector.broadcast %add3A_247 : i32 to vector<16xi32>
      %add3A_249 = arith.addi %add3A_248, %iota3A : vector<16xi32>
      %broadcast_in_dim3A_250 = vector.broadcast %min3A_230 : i32 to vector<16xi32>
      %gather3A_251 = tpu.vector_load_idx %arg8[%add3A_249, %broadcast_in_dim3A_250] : memref<64x128xf32, #tpu.memory_space<vmem>>[vector<16xi32>, vector<16xi32>], vector<16xf32>,
      %swap3A_252 = arith.index_cast %and3A_223 : i32 to index
      %swap3A_253 = arith.constant 32 : index
      %swap3A_254 = tpu.vector_load %arg10[%swap3A_252, %swap3A_253] {strides = array<i32>} : memref<129x64xf32, #tpu.memory_space<vmem>>, vector<16xf32>,
      tpu.vector_store %arg10[%swap3A_252, %swap3A_253], %gather3A_251 {strides = array<i32>} : memref<129x64xf32, #tpu.memory_space<vmem>>, vector<16xf32>,
      %add3A_255 = arith.constant 48 : i32
      %add3A_256 = vector.broadcast %add3A_255 : i32 to vector<16xi32>
      %add3A_257 = arith.addi %add3A_256, %iota3A : vector<16xi32>
      %broadcast_in_dim3A_258 = vector.broadcast %min3A_230 : i32 to vector<16xi32>
      %gather3A_259 = tpu.vector_load_idx %arg8[%add3A_257, %broadcast_in_dim3A_258] : memref<64x128xf32, #tpu.memory_space<vmem>>[vector<16xi32>, vector<16xi32>], vector<16xf32>,
      %swap3A_260 = arith.index_cast %and3A_223 : i32 to index
      %swap3A_261 = arith.constant 48 : index
      %swap3A_262 = tpu.vector_load %arg10[%swap3A_260, %swap3A_261] {strides = array<i32>} : memref<129x64xf32, #tpu.memory_space<vmem>>, vector<16xf32>,
      tpu.vector_store %arg10[%swap3A_260, %swap3A_261], %gather3A_259 {strides = array<i32>} : memref<129x64xf32, #tpu.memory_space<vmem>>, vector<16xf32>,
      %mul3A_263 = arith.constant 4 : i32
      %mul3A_264 = arith.muli %mul3A_88, %mul3A_263 : i32
      %add3A_265 = arith.constant 3 : i32
      %add3A_266 = arith.addi %mul3A_264, %add3A_265 : i32
      %get3A_267 = arith.index_cast %add3A_266 : i32 to index
      %get3A_268 = tpu.vector_load %arg6[%get3A_267] {strides = array<i32>} : memref<544xi32, #tpu.memory_space<vmem>>, vector<16xi32>,
      %slice3A_269 = vector.extract_strided_slice %get3A_268 {offsets = [0], sizes = [1], strides = [1]} : vector<16xi32> to vector<1xi32>
      %squeeze3A_270 = vector.extract %slice3A_269[0] : i32 from vector<1xi32>
      %and3A_271 = arith.constant 1023 : i32
      %and3A_272 = arith.andi %squeeze3A_270, %and3A_271 : i32
      %shift_right_arithmetic3A_273 = arith.constant 10 : i32
      %shift_right_arithmetic3A_274 = arith.shrsi %squeeze3A_270, %shift_right_arithmetic3A_273 : i32
      %sub3A_275 = arith.subi %shift_right_arithmetic3A_274, %multiple_of3A_122 : i32
      %jit3A_276 = arith.constant 0 : i32
      %jit3A_277 = arith.constant 127 : i32
      %max3A_278 = arith.maxsi %jit3A_276, %sub3A_275 : i32
      %min3A_279 = arith.minsi %jit3A_277, %max3A_278 : i32
      %add3A_280 = arith.constant 0 : i32
      %add3A_281 = vector.broadcast %add3A_280 : i32 to vector<16xi32>
      %add3A_282 = arith.addi %add3A_281, %iota3A : vector<16xi32>
      %broadcast_in_dim3A_283 = vector.broadcast %min3A_279 : i32 to vector<16xi32>
      %gather3A_284 = tpu.vector_load_idx %arg8[%add3A_282, %broadcast_in_dim3A_283] : memref<64x128xf32, #tpu.memory_space<vmem>>[vector<16xi32>, vector<16xi32>], vector<16xf32>,
      %swap3A_285 = arith.index_cast %and3A_272 : i32 to index
      %swap3A_286 = arith.constant 0 : index
      %swap3A_287 = tpu.vector_load %arg10[%swap3A_285, %swap3A_286] {strides = array<i32>} : memref<129x64xf32, #tpu.memory_space<vmem>>, vector<16xf32>,
      tpu.vector_store %arg10[%swap3A_285, %swap3A_286], %gather3A_284 {strides = array<i32>} : memref<129x64xf32, #tpu.memory_space<vmem>>, vector<16xf32>,
      %add3A_288 = arith.constant 16 : i32
      %add3A_289 = vector.broadcast %add3A_288 : i32 to vector<16xi32>
      %add3A_290 = arith.addi %add3A_289, %iota3A : vector<16xi32>
      %broadcast_in_dim3A_291 = vector.broadcast %min3A_279 : i32 to vector<16xi32>
      %gather3A_292 = tpu.vector_load_idx %arg8[%add3A_290, %broadcast_in_dim3A_291] : memref<64x128xf32, #tpu.memory_space<vmem>>[vector<16xi32>, vector<16xi32>], vector<16xf32>,
      %swap3A_293 = arith.index_cast %and3A_272 : i32 to index
      %swap3A_294 = arith.constant 16 : index
      %swap3A_295 = tpu.vector_load %arg10[%swap3A_293, %swap3A_294] {strides = array<i32>} : memref<129x64xf32, #tpu.memory_space<vmem>>, vector<16xf32>,
      tpu.vector_store %arg10[%swap3A_293, %swap3A_294], %gather3A_292 {strides = array<i32>} : memref<129x64xf32, #tpu.memory_space<vmem>>, vector<16xf32>,
      %add3A_296 = arith.constant 32 : i32
      %add3A_297 = vector.broadcast %add3A_296 : i32 to vector<16xi32>
      %add3A_298 = arith.addi %add3A_297, %iota3A : vector<16xi32>
      %broadcast_in_dim3A_299 = vector.broadcast %min3A_279 : i32 to vector<16xi32>
      %gather3A_300 = tpu.vector_load_idx %arg8[%add3A_298, %broadcast_in_dim3A_299] : memref<64x128xf32, #tpu.memory_space<vmem>>[vector<16xi32>, vector<16xi32>], vector<16xf32>,
      %swap3A_301 = arith.index_cast %and3A_272 : i32 to index
      %swap3A_302 = arith.constant 32 : index
      %swap3A_303 = tpu.vector_load %arg10[%swap3A_301, %swap3A_302] {strides = array<i32>} : memref<129x64xf32, #tpu.memory_space<vmem>>, vector<16xf32>,
      tpu.vector_store %arg10[%swap3A_301, %swap3A_302], %gather3A_300 {strides = array<i32>} : memref<129x64xf32, #tpu.memory_space<vmem>>, vector<16xf32>,
      %add3A_304 = arith.constant 48 : i32
      %add3A_305 = vector.broadcast %add3A_304 : i32 to vector<16xi32>
      %add3A_306 = arith.addi %add3A_305, %iota3A : vector<16xi32>
      %broadcast_in_dim3A_307 = vector.broadcast %min3A_279 : i32 to vector<16xi32>
      %gather3A_308 = tpu.vector_load_idx %arg8[%add3A_306, %broadcast_in_dim3A_307] : memref<64x128xf32, #tpu.memory_space<vmem>>[vector<16xi32>, vector<16xi32>], vector<16xf32>,
      %swap3A_309 = arith.index_cast %and3A_272 : i32 to index
      %swap3A_310 = arith.constant 48 : index
      %swap3A_311 = tpu.vector_load %arg10[%swap3A_309, %swap3A_310] {strides = array<i32>} : memref<129x64xf32, #tpu.memory_space<vmem>>, vector<16xf32>,
      tpu.vector_store %arg10[%swap3A_309, %swap3A_310], %gather3A_308 {strides = array<i32>} : memref<129x64xf32, #tpu.memory_space<vmem>>, vector<16xf32>,
      %add3A_312 = arith.constant 2 : i32
      %add3A_313 = arith.addi %mul3A_88, %add3A_312 : i32
      %mul3A_314 = arith.constant 4 : i32
      %mul3A_315 = arith.muli %add3A_313, %mul3A_314 : i32
      %get3A_316 = arith.index_cast %mul3A_315 : i32 to index
      %get3A_317 = tpu.vector_load %arg6[%get3A_316] {strides = array<i32>} : memref<544xi32, #tpu.memory_space<vmem>>, vector<16xi32>,
      %slice3A_318 = vector.extract_strided_slice %get3A_317 {offsets = [0], sizes = [1], strides = [1]} : vector<16xi32> to vector<1xi32>
      %squeeze3A_319 = vector.extract %slice3A_318[0] : i32 from vector<1xi32>
      %shift_right_arithmetic3A_320 = arith.constant 10 : i32
      %shift_right_arithmetic3A_321 = arith.shrsi %squeeze3A_319, %shift_right_arithmetic3A_320 : i32
      %shift_right_arithmetic3A_322 = arith.constant 7 : i32
      %shift_right_arithmetic3A_323 = arith.shrsi %shift_right_arithmetic3A_321, %shift_right_arithmetic3A_322 : i32
      %mul3A_324 = arith.constant 128 : i32
      %mul3A_325 = arith.muli %shift_right_arithmetic3A_323, %mul3A_324 : i32
      %min3A_326 = arith.constant 999872 : i32
      %min3A_327 = arith.minsi %mul3A_325, %min3A_326 : i32
      %multiple_of3A_328 = tpu.assume_multiple %min3A_327, 128 : i32
      %dma_start3A_329 = arith.constant 0 : i32
      %dma_start3A_330 = tpu.memref_slice %arg4[%dma_start3A_329, %multiple_of3A_328] : memref<64x1000000xf32, #tpu.memory_space<hbm>> -> memref<64x128xf32, #tpu.memory_space<hbm>>
      %dma_start3A_331 = arith.constant 0 : i32
      %dma_start3A_332 = tpu.memref_slice %arg4[%dma_start3A_331, %multiple_of3A_328] : memref<64x1000000xf32, #tpu.memory_space<hbm>> -> memref<64x128xf32, #tpu.memory_space<hbm>>
      tpu.enqueue_dma source(%dma_start3A_332 : memref<64x128xf32, #tpu.memory_space<hbm>>) target(%arg8 : memref<64x128xf32, #tpu.memory_space<vmem>>) target_semaphore(%arg11 : memref<!tpu.dma_semaphore, #tpu.memory_space<semaphore_mem>>)
      %mul3A_333 = arith.constant 2 : i32
      %mul3A_334 = arith.muli %mul3A_333, %while3A_86 : i32
      %add3A_335 = arith.constant 1 : i32
      %add3A_336 = arith.addi %mul3A_334, %add3A_335 : i32
      %mul3A_337 = arith.constant 4 : i32
      %mul3A_338 = arith.muli %add3A_336, %mul3A_337 : i32
      %get3A_339 = arith.index_cast %mul3A_338 : i32 to index
      %get3A_340 = tpu.vector_load %arg6[%get3A_339] {strides = array<i32>} : memref<544xi32, #tpu.memory_space<vmem>>, vector<16xi32>,
      %slice3A_341 = vector.extract_strided_slice %get3A_340 {offsets = [0], sizes = [1], strides = [1]} : vector<16xi32> to vector<1xi32>
      %squeeze3A_342 = vector.extract %slice3A_341[0] : i32 from vector<1xi32>
      %shift_right_arithmetic3A_343 = arith.constant 10 : i32
      %shift_right_arithmetic3A_344 = arith.shrsi %squeeze3A_342, %shift_right_arithmetic3A_343 : i32
      %shift_right_arithmetic3A_345 = arith.constant 7 : i32
      %shift_right_arithmetic3A_346 = arith.shrsi %shift_right_arithmetic3A_344, %shift_right_arithmetic3A_345 : i32
      %mul3A_347 = arith.constant 128 : i32
      %mul3A_348 = arith.muli %shift_right_arithmetic3A_346, %mul3A_347 : i32
      %min3A_349 = arith.constant 999872 : i32
      %min3A_350 = arith.minsi %mul3A_348, %min3A_349 : i32
      %multiple_of3A_351 = tpu.assume_multiple %min3A_350, 128 : i32
      %dma_wait3A_352 = arith.constant 0 : i32
      %dma_wait3A_353 = tpu.memref_slice %arg4[%dma_wait3A_352, %multiple_of3A_351] : memref<64x1000000xf32, #tpu.memory_space<hbm>> -> memref<64x128xf32, #tpu.memory_space<hbm>>
      %dma_wait3A_354 = arith.constant 0 : i32
      %dma_wait3A_355 = tpu.memref_slice %arg4[%dma_wait3A_354, %multiple_of3A_351] : memref<64x1000000xf32, #tpu.memory_space<hbm>> -> memref<64x128xf32, #tpu.memory_space<hbm>>
      tpu.wait_dma2 semaphore(%arg12 : memref<!tpu.dma_semaphore, #tpu.memory_space<semaphore_mem>>) src(%dma_wait3A_355 : memref<64x128xf32, #tpu.memory_space<hbm>>) dst(%arg9 : memref<64x128xf32, #tpu.memory_space<vmem>>)
      %mul3A_356 = arith.constant 4 : i32
      %mul3A_357 = arith.muli %add3A_336, %mul3A_356 : i32
      %get3A_358 = arith.index_cast %mul3A_357 : i32 to index
      %get3A_359 = tpu.vector_load %arg6[%get3A_358] {strides = array<i32>} : memref<544xi32, #tpu.memory_space<vmem>>, vector<16xi32>,
      %slice3A_360 = vector.extract_strided_slice %get3A_359 {offsets = [0], sizes = [1], strides = [1]} : vector<16xi32> to vector<1xi32>
      %squeeze3A_361 = vector.extract %slice3A_360[0] : i32 from vector<1xi32>
      %shift_right_arithmetic3A_362 = arith.constant 10 : i32
      %shift_right_arithmetic3A_363 = arith.shrsi %squeeze3A_361, %shift_right_arithmetic3A_362 : i32
      %shift_right_arithmetic3A_364 = arith.constant 7 : i32
      %shift_right_arithmetic3A_365 = arith.shrsi %shift_right_arithmetic3A_363, %shift_right_arithmetic3A_364 : i32
      %mul3A_366 = arith.constant 128 : i32
      %mul3A_367 = arith.muli %shift_right_arithmetic3A_365, %mul3A_366 : i32
      %min3A_368 = arith.constant 999872 : i32
      %min3A_369 = arith.minsi %mul3A_367, %min3A_368 : i32
      %multiple_of3A_370 = tpu.assume_multiple %min3A_369, 128 : i32
      %mul3A_371 = arith.constant 4 : i32
      %mul3A_372 = arith.muli %add3A_336, %mul3A_371 : i32
      %add3A_373 = arith.constant 0 : i32
      %add3A_374 = arith.addi %mul3A_372, %add3A_373 : i32
      %get3A_375 = arith.index_cast %add3A_374 : i32 to index
      %get3A_376 = tpu.vector_load %arg6[%get3A_375] {strides = array<i32>} : memref<544xi32, #tpu.memory_space<vmem>>, vector<16xi32>,
      %slice3A_377 = vector.extract_strided_slice %get3A_376 {offsets = [0], sizes = [1], strides = [1]} : vector<16xi32> to vector<1xi32>
      %squeeze3A_378 = vector.extract %slice3A_377[0] : i32 from vector<1xi32>
      %and3A_379 = arith.constant 1023 : i32
      %and3A_380 = arith.andi %squeeze3A_378, %and3A_379 : i32
      %shift_right_arithmetic3A_381 = arith.constant 10 : i32
      %shift_right_arithmetic3A_382 = arith.shrsi %squeeze3A_378, %shift_right_arithmetic3A_381 : i32
      %sub3A_383 = arith.subi %shift_right_arithmetic3A_382, %multiple_of3A_370 : i32
      %jit3A_384 = arith.constant 0 : i32
      %jit3A_385 = arith.constant 127 : i32
      %max3A_386 = arith.maxsi %jit3A_384, %sub3A_383 : i32
      %min3A_387 = arith.minsi %jit3A_385, %max3A_386 : i32
      %add3A_388 = arith.constant 0 : i32
      %add3A_389 = vector.broadcast %add3A_388 : i32 to vector<16xi32>
      %add3A_390 = arith.addi %add3A_389, %iota3A : vector<16xi32>
      %broadcast_in_dim3A_391 = vector.broadcast %min3A_387 : i32 to vector<16xi32>
      %gather3A_392 = tpu.vector_load_idx %arg9[%add3A_390, %broadcast_in_dim3A_391] : memref<64x128xf32, #tpu.memory_space<vmem>>[vector<16xi32>, vector<16xi32>], vector<16xf32>,
      %swap3A_393 = arith.index_cast %and3A_380 : i32 to index
      %swap3A_394 = arith.constant 0 : index
      %swap3A_395 = tpu.vector_load %arg10[%swap3A_393, %swap3A_394] {strides = array<i32>} : memref<129x64xf32, #tpu.memory_space<vmem>>, vector<16xf32>,
      tpu.vector_store %arg10[%swap3A_393, %swap3A_394], %gather3A_392 {strides = array<i32>} : memref<129x64xf32, #tpu.memory_space<vmem>>, vector<16xf32>,
      %add3A_396 = arith.constant 16 : i32
      %add3A_397 = vector.broadcast %add3A_396 : i32 to vector<16xi32>
      %add3A_398 = arith.addi %add3A_397, %iota3A : vector<16xi32>
      %broadcast_in_dim3A_399 = vector.broadcast %min3A_387 : i32 to vector<16xi32>
      %gather3A_400 = tpu.vector_load_idx %arg9[%add3A_398, %broadcast_in_dim3A_399] : memref<64x128xf32, #tpu.memory_space<vmem>>[vector<16xi32>, vector<16xi32>], vector<16xf32>,
      %swap3A_401 = arith.index_cast %and3A_380 : i32 to index
      %swap3A_402 = arith.constant 16 : index
      %swap3A_403 = tpu.vector_load %arg10[%swap3A_401, %swap3A_402] {strides = array<i32>} : memref<129x64xf32, #tpu.memory_space<vmem>>, vector<16xf32>,
      tpu.vector_store %arg10[%swap3A_401, %swap3A_402], %gather3A_400 {strides = array<i32>} : memref<129x64xf32, #tpu.memory_space<vmem>>, vector<16xf32>,
      %add3A_404 = arith.constant 32 : i32
      %add3A_405 = vector.broadcast %add3A_404 : i32 to vector<16xi32>
      %add3A_406 = arith.addi %add3A_405, %iota3A : vector<16xi32>
      %broadcast_in_dim3A_407 = vector.broadcast %min3A_387 : i32 to vector<16xi32>
      %gather3A_408 = tpu.vector_load_idx %arg9[%add3A_406, %broadcast_in_dim3A_407] : memref<64x128xf32, #tpu.memory_space<vmem>>[vector<16xi32>, vector<16xi32>], vector<16xf32>,
      %swap3A_409 = arith.index_cast %and3A_380 : i32 to index
      %swap3A_410 = arith.constant 32 : index
      %swap3A_411 = tpu.vector_load %arg10[%swap3A_409, %swap3A_410] {strides = array<i32>} : memref<129x64xf32, #tpu.memory_space<vmem>>, vector<16xf32>,
      tpu.vector_store %arg10[%swap3A_409, %swap3A_410], %gather3A_408 {strides = array<i32>} : memref<129x64xf32, #tpu.memory_space<vmem>>, vector<16xf32>,
      %add3A_412 = arith.constant 48 : i32
      %add3A_413 = vector.broadcast %add3A_412 : i32 to vector<16xi32>
      %add3A_414 = arith.addi %add3A_413, %iota3A : vector<16xi32>
      %broadcast_in_dim3A_415 = vector.broadcast %min3A_387 : i32 to vector<16xi32>
      %gather3A_416 = tpu.vector_load_idx %arg9[%add3A_414, %broadcast_in_dim3A_415] : memref<64x128xf32, #tpu.memory_space<vmem>>[vector<16xi32>, vector<16xi32>], vector<16xf32>,
      %swap3A_417 = arith.index_cast %and3A_380 : i32 to index
      %swap3A_418 = arith.constant 48 : index
      %swap3A_419 = tpu.vector_load %arg10[%swap3A_417, %swap3A_418] {strides = array<i32>} : memref<129x64xf32, #tpu.memory_space<vmem>>, vector<16xf32>,
      tpu.vector_store %arg10[%swap3A_417, %swap3A_418], %gather3A_416 {strides = array<i32>} : memref<129x64xf32, #tpu.memory_space<vmem>>, vector<16xf32>,
      %mul3A_420 = arith.constant 4 : i32
      %mul3A_421 = arith.muli %add3A_336, %mul3A_420 : i32
      %add3A_422 = arith.constant 1 : i32
      %add3A_423 = arith.addi %mul3A_421, %add3A_422 : i32
      %get3A_424 = arith.index_cast %add3A_423 : i32 to index
      %get3A_425 = tpu.vector_load %arg6[%get3A_424] {strides = array<i32>} : memref<544xi32, #tpu.memory_space<vmem>>, vector<16xi32>,
      %slice3A_426 = vector.extract_strided_slice %get3A_425 {offsets = [0], sizes = [1], strides = [1]} : vector<16xi32> to vector<1xi32>
      %squeeze3A_427 = vector.extract %slice3A_426[0] : i32 from vector<1xi32>
      %and3A_428 = arith.constant 1023 : i32
      %and3A_429 = arith.andi %squeeze3A_427, %and3A_428 : i32
      %shift_right_arithmetic3A_430 = arith.constant 10 : i32
      %shift_right_arithmetic3A_431 = arith.shrsi %squeeze3A_427, %shift_right_arithmetic3A_430 : i32
      %sub3A_432 = arith.subi %shift_right_arithmetic3A_431, %multiple_of3A_370 : i32
      %jit3A_433 = arith.constant 0 : i32
      %jit3A_434 = arith.constant 127 : i32
      %max3A_435 = arith.maxsi %jit3A_433, %sub3A_432 : i32
      %min3A_436 = arith.minsi %jit3A_434, %max3A_435 : i32
      %add3A_437 = arith.constant 0 : i32
      %add3A_438 = vector.broadcast %add3A_437 : i32 to vector<16xi32>
      %add3A_439 = arith.addi %add3A_438, %iota3A : vector<16xi32>
      %broadcast_in_dim3A_440 = vector.broadcast %min3A_436 : i32 to vector<16xi32>
      %gather3A_441 = tpu.vector_load_idx %arg9[%add3A_439, %broadcast_in_dim3A_440] : memref<64x128xf32, #tpu.memory_space<vmem>>[vector<16xi32>, vector<16xi32>], vector<16xf32>,
      %swap3A_442 = arith.index_cast %and3A_429 : i32 to index
      %swap3A_443 = arith.constant 0 : index
      %swap3A_444 = tpu.vector_load %arg10[%swap3A_442, %swap3A_443] {strides = array<i32>} : memref<129x64xf32, #tpu.memory_space<vmem>>, vector<16xf32>,
      tpu.vector_store %arg10[%swap3A_442, %swap3A_443], %gather3A_441 {strides = array<i32>} : memref<129x64xf32, #tpu.memory_space<vmem>>, vector<16xf32>,
      %add3A_445 = arith.constant 16 : i32
      %add3A_446 = vector.broadcast %add3A_445 : i32 to vector<16xi32>
      %add3A_447 = arith.addi %add3A_446, %iota3A : vector<16xi32>
      %broadcast_in_dim3A_448 = vector.broadcast %min3A_436 : i32 to vector<16xi32>
      %gather3A_449 = tpu.vector_load_idx %arg9[%add3A_447, %broadcast_in_dim3A_448] : memref<64x128xf32, #tpu.memory_space<vmem>>[vector<16xi32>, vector<16xi32>], vector<16xf32>,
      %swap3A_450 = arith.index_cast %and3A_429 : i32 to index
      %swap3A_451 = arith.constant 16 : index
      %swap3A_452 = tpu.vector_load %arg10[%swap3A_450, %swap3A_451] {strides = array<i32>} : memref<129x64xf32, #tpu.memory_space<vmem>>, vector<16xf32>,
      tpu.vector_store %arg10[%swap3A_450, %swap3A_451], %gather3A_449 {strides = array<i32>} : memref<129x64xf32, #tpu.memory_space<vmem>>, vector<16xf32>,
      %add3A_453 = arith.constant 32 : i32
      %add3A_454 = vector.broadcast %add3A_453 : i32 to vector<16xi32>
      %add3A_455 = arith.addi %add3A_454, %iota3A : vector<16xi32>
      %broadcast_in_dim3A_456 = vector.broadcast %min3A_436 : i32 to vector<16xi32>
      %gather3A_457 = tpu.vector_load_idx %arg9[%add3A_455, %broadcast_in_dim3A_456] : memref<64x128xf32, #tpu.memory_space<vmem>>[vector<16xi32>, vector<16xi32>], vector<16xf32>,
      %swap3A_458 = arith.index_cast %and3A_429 : i32 to index
      %swap3A_459 = arith.constant 32 : index
      %swap3A_460 = tpu.vector_load %arg10[%swap3A_458, %swap3A_459] {strides = array<i32>} : memref<129x64xf32, #tpu.memory_space<vmem>>, vector<16xf32>,
      tpu.vector_store %arg10[%swap3A_458, %swap3A_459], %gather3A_457 {strides = array<i32>} : memref<129x64xf32, #tpu.memory_space<vmem>>, vector<16xf32>,
      %add3A_461 = arith.constant 48 : i32
      %add3A_462 = vector.broadcast %add3A_461 : i32 to vector<16xi32>
      %add3A_463 = arith.addi %add3A_462, %iota3A : vector<16xi32>
      %broadcast_in_dim3A_464 = vector.broadcast %min3A_436 : i32 to vector<16xi32>
      %gather3A_465 = tpu.vector_load_idx %arg9[%add3A_463, %broadcast_in_dim3A_464] : memref<64x128xf32, #tpu.memory_space<vmem>>[vector<16xi32>, vector<16xi32>], vector<16xf32>,
      %swap3A_466 = arith.index_cast %and3A_429 : i32 to index
      %swap3A_467 = arith.constant 48 : index
      %swap3A_468 = tpu.vector_load %arg10[%swap3A_466, %swap3A_467] {strides = array<i32>} : memref<129x64xf32, #tpu.memory_space<vmem>>, vector<16xf32>,
      tpu.vector_store %arg10[%swap3A_466, %swap3A_467], %gather3A_465 {strides = array<i32>} : memref<129x64xf32, #tpu.memory_space<vmem>>, vector<16xf32>,
      %mul3A_469 = arith.constant 4 : i32
      %mul3A_470 = arith.muli %add3A_336, %mul3A_469 : i32
      %add3A_471 = arith.constant 2 : i32
      %add3A_472 = arith.addi %mul3A_470, %add3A_471 : i32
      %get3A_473 = arith.index_cast %add3A_472 : i32 to index
      %get3A_474 = tpu.vector_load %arg6[%get3A_473] {strides = array<i32>} : memref<544xi32, #tpu.memory_space<vmem>>, vector<16xi32>,
      %slice3A_475 = vector.extract_strided_slice %get3A_474 {offsets = [0], sizes = [1], strides = [1]} : vector<16xi32> to vector<1xi32>
      %squeeze3A_476 = vector.extract %slice3A_475[0] : i32 from vector<1xi32>
      %and3A_477 = arith.constant 1023 : i32
      %and3A_478 = arith.andi %squeeze3A_476, %and3A_477 : i32
      %shift_right_arithmetic3A_479 = arith.constant 10 : i32
      %shift_right_arithmetic3A_480 = arith.shrsi %squeeze3A_476, %shift_right_arithmetic3A_479 : i32
      %sub3A_481 = arith.subi %shift_right_arithmetic3A_480, %multiple_of3A_370 : i32
      %jit3A_482 = arith.constant 0 : i32
      %jit3A_483 = arith.constant 127 : i32
      %max3A_484 = arith.maxsi %jit3A_482, %sub3A_481 : i32
      %min3A_485 = arith.minsi %jit3A_483, %max3A_484 : i32
      %add3A_486 = arith.constant 0 : i32
      %add3A_487 = vector.broadcast %add3A_486 : i32 to vector<16xi32>
      %add3A_488 = arith.addi %add3A_487, %iota3A : vector<16xi32>
      %broadcast_in_dim3A_489 = vector.broadcast %min3A_485 : i32 to vector<16xi32>
      %gather3A_490 = tpu.vector_load_idx %arg9[%add3A_488, %broadcast_in_dim3A_489] : memref<64x128xf32, #tpu.memory_space<vmem>>[vector<16xi32>, vector<16xi32>], vector<16xf32>,
      %swap3A_491 = arith.index_cast %and3A_478 : i32 to index
      %swap3A_492 = arith.constant 0 : index
      %swap3A_493 = tpu.vector_load %arg10[%swap3A_491, %swap3A_492] {strides = array<i32>} : memref<129x64xf32, #tpu.memory_space<vmem>>, vector<16xf32>,
      tpu.vector_store %arg10[%swap3A_491, %swap3A_492], %gather3A_490 {strides = array<i32>} : memref<129x64xf32, #tpu.memory_space<vmem>>, vector<16xf32>,
      %add3A_494 = arith.constant 16 : i32
      %add3A_495 = vector.broadcast %add3A_494 : i32 to vector<16xi32>
      %add3A_496 = arith.addi %add3A_495, %iota3A : vector<16xi32>
      %broadcast_in_dim3A_497 = vector.broadcast %min3A_485 : i32 to vector<16xi32>
      %gather3A_498 = tpu.vector_load_idx %arg9[%add3A_496, %broadcast_in_dim3A_497] : memref<64x128xf32, #tpu.memory_space<vmem>>[vector<16xi32>, vector<16xi32>], vector<16xf32>,
      %swap3A_499 = arith.index_cast %and3A_478 : i32 to index
      %swap3A_500 = arith.constant 16 : index
      %swap3A_501 = tpu.vector_load %arg10[%swap3A_499, %swap3A_500] {strides = array<i32>} : memref<129x64xf32, #tpu.memory_space<vmem>>, vector<16xf32>,
      tpu.vector_store %arg10[%swap3A_499, %swap3A_500], %gather3A_498 {strides = array<i32>} : memref<129x64xf32, #tpu.memory_space<vmem>>, vector<16xf32>,
      %add3A_502 = arith.constant 32 : i32
      %add3A_503 = vector.broadcast %add3A_502 : i32 to vector<16xi32>
      %add3A_504 = arith.addi %add3A_503, %iota3A : vector<16xi32>
      %broadcast_in_dim3A_505 = vector.broadcast %min3A_485 : i32 to vector<16xi32>
      %gather3A_506 = tpu.vector_load_idx %arg9[%add3A_504, %broadcast_in_dim3A_505] : memref<64x128xf32, #tpu.memory_space<vmem>>[vector<16xi32>, vector<16xi32>], vector<16xf32>,
      %swap3A_507 = arith.index_cast %and3A_478 : i32 to index
      %swap3A_508 = arith.constant 32 : index
      %swap3A_509 = tpu.vector_load %arg10[%swap3A_507, %swap3A_508] {strides = array<i32>} : memref<129x64xf32, #tpu.memory_space<vmem>>, vector<16xf32>,
      tpu.vector_store %arg10[%swap3A_507, %swap3A_508], %gather3A_506 {strides = array<i32>} : memref<129x64xf32, #tpu.memory_space<vmem>>, vector<16xf32>,
      %add3A_510 = arith.constant 48 : i32
      %add3A_511 = vector.broadcast %add3A_510 : i32 to vector<16xi32>
      %add3A_512 = arith.addi %add3A_511, %iota3A : vector<16xi32>
      %broadcast_in_dim3A_513 = vector.broadcast %min3A_485 : i32 to vector<16xi32>
      %gather3A_514 = tpu.vector_load_idx %arg9[%add3A_512, %broadcast_in_dim3A_513] : memref<64x128xf32, #tpu.memory_space<vmem>>[vector<16xi32>, vector<16xi32>], vector<16xf32>,
      %swap3A_515 = arith.index_cast %and3A_478 : i32 to index
      %swap3A_516 = arith.constant 48 : index
      %swap3A_517 = tpu.vector_load %arg10[%swap3A_515, %swap3A_516] {strides = array<i32>} : memref<129x64xf32, #tpu.memory_space<vmem>>, vector<16xf32>,
      tpu.vector_store %arg10[%swap3A_515, %swap3A_516], %gather3A_514 {strides = array<i32>} : memref<129x64xf32, #tpu.memory_space<vmem>>, vector<16xf32>,
      %mul3A_518 = arith.constant 4 : i32
      %mul3A_519 = arith.muli %add3A_336, %mul3A_518 : i32
      %add3A_520 = arith.constant 3 : i32
      %add3A_521 = arith.addi %mul3A_519, %add3A_520 : i32
      %get3A_522 = arith.index_cast %add3A_521 : i32 to index
      %get3A_523 = tpu.vector_load %arg6[%get3A_522] {strides = array<i32>} : memref<544xi32, #tpu.memory_space<vmem>>, vector<16xi32>,
      %slice3A_524 = vector.extract_strided_slice %get3A_523 {offsets = [0], sizes = [1], strides = [1]} : vector<16xi32> to vector<1xi32>
      %squeeze3A_525 = vector.extract %slice3A_524[0] : i32 from vector<1xi32>
      %and3A_526 = arith.constant 1023 : i32
      %and3A_527 = arith.andi %squeeze3A_525, %and3A_526 : i32
      %shift_right_arithmetic3A_528 = arith.constant 10 : i32
      %shift_right_arithmetic3A_529 = arith.shrsi %squeeze3A_525, %shift_right_arithmetic3A_528 : i32
      %sub3A_530 = arith.subi %shift_right_arithmetic3A_529, %multiple_of3A_370 : i32
      %jit3A_531 = arith.constant 0 : i32
      %jit3A_532 = arith.constant 127 : i32
      %max3A_533 = arith.maxsi %jit3A_531, %sub3A_530 : i32
      %min3A_534 = arith.minsi %jit3A_532, %max3A_533 : i32
      %add3A_535 = arith.constant 0 : i32
      %add3A_536 = vector.broadcast %add3A_535 : i32 to vector<16xi32>
      %add3A_537 = arith.addi %add3A_536, %iota3A : vector<16xi32>
      %broadcast_in_dim3A_538 = vector.broadcast %min3A_534 : i32 to vector<16xi32>
      %gather3A_539 = tpu.vector_load_idx %arg9[%add3A_537, %broadcast_in_dim3A_538] : memref<64x128xf32, #tpu.memory_space<vmem>>[vector<16xi32>, vector<16xi32>], vector<16xf32>,
      %swap3A_540 = arith.index_cast %and3A_527 : i32 to index
      %swap3A_541 = arith.constant 0 : index
      %swap3A_542 = tpu.vector_load %arg10[%swap3A_540, %swap3A_541] {strides = array<i32>} : memref<129x64xf32, #tpu.memory_space<vmem>>, vector<16xf32>,
      tpu.vector_store %arg10[%swap3A_540, %swap3A_541], %gather3A_539 {strides = array<i32>} : memref<129x64xf32, #tpu.memory_space<vmem>>, vector<16xf32>,
      %add3A_543 = arith.constant 16 : i32
      %add3A_544 = vector.broadcast %add3A_543 : i32 to vector<16xi32>
      %add3A_545 = arith.addi %add3A_544, %iota3A : vector<16xi32>
      %broadcast_in_dim3A_546 = vector.broadcast %min3A_534 : i32 to vector<16xi32>
      %gather3A_547 = tpu.vector_load_idx %arg9[%add3A_545, %broadcast_in_dim3A_546] : memref<64x128xf32, #tpu.memory_space<vmem>>[vector<16xi32>, vector<16xi32>], vector<16xf32>,
      %swap3A_548 = arith.index_cast %and3A_527 : i32 to index
      %swap3A_549 = arith.constant 16 : index
      %swap3A_550 = tpu.vector_load %arg10[%swap3A_548, %swap3A_549] {strides = array<i32>} : memref<129x64xf32, #tpu.memory_space<vmem>>, vector<16xf32>,
      tpu.vector_store %arg10[%swap3A_548, %swap3A_549], %gather3A_547 {strides = array<i32>} : memref<129x64xf32, #tpu.memory_space<vmem>>, vector<16xf32>,
      %add3A_551 = arith.constant 32 : i32
      %add3A_552 = vector.broadcast %add3A_551 : i32 to vector<16xi32>
      %add3A_553 = arith.addi %add3A_552, %iota3A : vector<16xi32>
      %broadcast_in_dim3A_554 = vector.broadcast %min3A_534 : i32 to vector<16xi32>
      %gather3A_555 = tpu.vector_load_idx %arg9[%add3A_553, %broadcast_in_dim3A_554] : memref<64x128xf32, #tpu.memory_space<vmem>>[vector<16xi32>, vector<16xi32>], vector<16xf32>,
      %swap3A_556 = arith.index_cast %and3A_527 : i32 to index
      %swap3A_557 = arith.constant 32 : index
      %swap3A_558 = tpu.vector_load %arg10[%swap3A_556, %swap3A_557] {strides = array<i32>} : memref<129x64xf32, #tpu.memory_space<vmem>>, vector<16xf32>,
      tpu.vector_store %arg10[%swap3A_556, %swap3A_557], %gather3A_555 {strides = array<i32>} : memref<129x64xf32, #tpu.memory_space<vmem>>, vector<16xf32>,
      %add3A_559 = arith.constant 48 : i32
      %add3A_560 = vector.broadcast %add3A_559 : i32 to vector<16xi32>
      %add3A_561 = arith.addi %add3A_560, %iota3A : vector<16xi32>
      %broadcast_in_dim3A_562 = vector.broadcast %min3A_534 : i32 to vector<16xi32>
      %gather3A_563 = tpu.vector_load_idx %arg9[%add3A_561, %broadcast_in_dim3A_562] : memref<64x128xf32, #tpu.memory_space<vmem>>[vector<16xi32>, vector<16xi32>], vector<16xf32>,
      %swap3A_564 = arith.index_cast %and3A_527 : i32 to index
      %swap3A_565 = arith.constant 48 : index
      %swap3A_566 = tpu.vector_load %arg10[%swap3A_564, %swap3A_565] {strides = array<i32>} : memref<129x64xf32, #tpu.memory_space<vmem>>, vector<16xf32>,
      tpu.vector_store %arg10[%swap3A_564, %swap3A_565], %gather3A_563 {strides = array<i32>} : memref<129x64xf32, #tpu.memory_space<vmem>>, vector<16xf32>,
      %add3A_567 = arith.constant 2 : i32
      %add3A_568 = arith.addi %add3A_336, %add3A_567 : i32
      %mul3A_569 = arith.constant 4 : i32
      %mul3A_570 = arith.muli %add3A_568, %mul3A_569 : i32
      %get3A_571 = arith.index_cast %mul3A_570 : i32 to index
      %get3A_572 = tpu.vector_load %arg6[%get3A_571] {strides = array<i32>} : memref<544xi32, #tpu.memory_space<vmem>>, vector<16xi32>,
      %slice3A_573 = vector.extract_strided_slice %get3A_572 {offsets = [0], sizes = [1], strides = [1]} : vector<16xi32> to vector<1xi32>
      %squeeze3A_574 = vector.extract %slice3A_573[0] : i32 from vector<1xi32>
      %shift_right_arithmetic3A_575 = arith.constant 10 : i32
      %shift_right_arithmetic3A_576 = arith.shrsi %squeeze3A_574, %shift_right_arithmetic3A_575 : i32
      %shift_right_arithmetic3A_577 = arith.constant 7 : i32
      %shift_right_arithmetic3A_578 = arith.shrsi %shift_right_arithmetic3A_576, %shift_right_arithmetic3A_577 : i32
      %mul3A_579 = arith.constant 128 : i32
      %mul3A_580 = arith.muli %shift_right_arithmetic3A_578, %mul3A_579 : i32
      %min3A_581 = arith.constant 999872 : i32
      %min3A_582 = arith.minsi %mul3A_580, %min3A_581 : i32
      %multiple_of3A_583 = tpu.assume_multiple %min3A_582, 128 : i32
      %dma_start3A_584 = arith.constant 0 : i32
      %dma_start3A_585 = tpu.memref_slice %arg4[%dma_start3A_584, %multiple_of3A_583] : memref<64x1000000xf32, #tpu.memory_space<hbm>> -> memref<64x128xf32, #tpu.memory_space<hbm>>
      %dma_start3A_586 = arith.constant 0 : i32
      %dma_start3A_587 = tpu.memref_slice %arg4[%dma_start3A_586, %multiple_of3A_583] : memref<64x1000000xf32, #tpu.memory_space<hbm>> -> memref<64x128xf32, #tpu.memory_space<hbm>>
      tpu.enqueue_dma source(%dma_start3A_587 : memref<64x128xf32, #tpu.memory_space<hbm>>) target(%arg9 : memref<64x128xf32, #tpu.memory_space<vmem>>) target_semaphore(%arg12 : memref<!tpu.dma_semaphore, #tpu.memory_space<semaphore_mem>>)
    }
    %while3A_40 = arith.constant 1 : i32
    scf.for %while3A_86 = %while3A_38 to %while3A_34 step %while3A_40  : i32 {
      %mul3A_87 = arith.constant 2 : i32
      %mul3A_88 = arith.muli %mul3A_87, %while3A_86 : i32
      %mul3A_89 = arith.constant 4 : i32
      %mul3A_90 = arith.muli %mul3A_88, %mul3A_89 : i32
      %get3A_91 = arith.index_cast %mul3A_90 : i32 to index
      %get3A_92 = tpu.vector_load %arg6[%get3A_91] {strides = array<i32>} : memref<544xi32, #tpu.memory_space<vmem>>, vector<16xi32>,
      %slice3A_93 = vector.extract_strided_slice %get3A_92 {offsets = [0], sizes = [1], strides = [1]} : vector<16xi32> to vector<1xi32>
      %squeeze3A_94 = vector.extract %slice3A_93[0] : i32 from vector<1xi32>
      %shift_right_arithmetic3A_95 = arith.constant 10 : i32
      %shift_right_arithmetic3A_96 = arith.shrsi %squeeze3A_94, %shift_right_arithmetic3A_95 : i32
      %shift_right_arithmetic3A_97 = arith.constant 7 : i32
      %shift_right_arithmetic3A_98 = arith.shrsi %shift_right_arithmetic3A_96, %shift_right_arithmetic3A_97 : i32
      %mul3A_99 = arith.constant 128 : i32
      %mul3A_100 = arith.muli %shift_right_arithmetic3A_98, %mul3A_99 : i32
      %min3A_101 = arith.constant 999872 : i32
      %min3A_102 = arith.minsi %mul3A_100, %min3A_101 : i32
      %multiple_of3A_103 = tpu.assume_multiple %min3A_102, 128 : i32
      %dma_wait3A_104 = arith.constant 0 : i32
      %dma_wait3A_105 = tpu.memref_slice %arg4[%dma_wait3A_104, %multiple_of3A_103] : memref<64x1000000xf32, #tpu.memory_space<hbm>> -> memref<64x128xf32, #tpu.memory_space<hbm>>
      %dma_wait3A_106 = arith.constant 0 : i32
      %dma_wait3A_107 = tpu.memref_slice %arg4[%dma_wait3A_106, %multiple_of3A_103] : memref<64x1000000xf32, #tpu.memory_space<hbm>> -> memref<64x128xf32, #tpu.memory_space<hbm>>
      tpu.wait_dma2 semaphore(%arg11 : memref<!tpu.dma_semaphore, #tpu.memory_space<semaphore_mem>>) src(%dma_wait3A_107 : memref<64x128xf32, #tpu.memory_space<hbm>>) dst(%arg8 : memref<64x128xf32, #tpu.memory_space<vmem>>)
      %mul3A_108 = arith.constant 4 : i32
      %mul3A_109 = arith.muli %mul3A_88, %mul3A_108 : i32
      %get3A_110 = arith.index_cast %mul3A_109 : i32 to index
      %get3A_111 = tpu.vector_load %arg6[%get3A_110] {strides = array<i32>} : memref<544xi32, #tpu.memory_space<vmem>>, vector<16xi32>,
      %slice3A_112 = vector.extract_strided_slice %get3A_111 {offsets = [0], sizes = [1], strides = [1]} : vector<16xi32> to vector<1xi32>
      %squeeze3A_113 = vector.extract %slice3A_112[0] : i32 from vector<1xi32>
      %shift_right_arithmetic3A_114 = arith.constant 10 : i32
      %shift_right_arithmetic3A_115 = arith.shrsi %squeeze3A_113, %shift_right_arithmetic3A_114 : i32
      %shift_right_arithmetic3A_116 = arith.constant 7 : i32
      %shift_right_arithmetic3A_117 = arith.shrsi %shift_right_arithmetic3A_115, %shift_right_arithmetic3A_116 : i32
      %mul3A_118 = arith.constant 128 : i32
      %mul3A_119 = arith.muli %shift_right_arithmetic3A_117, %mul3A_118 : i32
      %min3A_120 = arith.constant 999872 : i32
      %min3A_121 = arith.minsi %mul3A_119, %min3A_120 : i32
      %multiple_of3A_122 = tpu.assume_multiple %min3A_121, 128 : i32
      %mul3A_123 = arith.constant 4 : i32
      %mul3A_124 = arith.muli %mul3A_88, %mul3A_123 : i32
      %add3A_125 = arith.constant 0 : i32
      %add3A_126 = arith.addi %mul3A_124, %add3A_125 : i32
      %get3A_127 = arith.index_cast %add3A_126 : i32 to index
      %get3A_128 = tpu.vector_load %arg6[%get3A_127] {strides = array<i32>} : memref<544xi32, #tpu.memory_space<vmem>>, vector<16xi32>,
      %slice3A_129 = vector.extract_strided_slice %get3A_128 {offsets = [0], sizes = [1], strides = [1]} : vector<16xi32> to vector<1xi32>
      %squeeze3A_130 = vector.extract %slice3A_129[0] : i32 from vector<1xi32>
      %and3A = arith.constant 1023 : i32
      %and3A_131 = arith.andi %squeeze3A_130, %and3A : i32
      %shift_right_arithmetic3A_132 = arith.constant 10 : i32
      %shift_right_arithmetic3A_133 = arith.shrsi %squeeze3A_130, %shift_right_arithmetic3A_132 : i32
      %sub3A = arith.subi %shift_right_arithmetic3A_133, %multiple_of3A_122 : i32
      %jit3A = arith.constant 0 : i32
      %jit3A_134 = arith.constant 127 : i32
      %max3A = arith.maxsi %jit3A, %sub3A : i32
      %min3A_135 = arith.minsi %jit3A_134, %max3A : i32
      %add3A_136 = arith.constant 0 : i32
      %add3A_137 = vector.broadcast %add3A_136 : i32 to vector<16xi32>
      %add3A_138 = arith.addi %add3A_137, %iota3A : vector<16xi32>
      %broadcast_in_dim3A = vector.broadcast %min3A_135 : i32 to vector<16xi32>
      %gather3A = tpu.vector_load_idx %arg8[%add3A_138, %broadcast_in_dim3A] : memref<64x128xf32, #tpu.memory_space<vmem>>[vector<16xi32>, vector<16xi32>], vector<16xf32>,
      %swap3A = arith.index_cast %and3A_131 : i32 to index
      %swap3A_139 = arith.constant 0 : index
      %swap3A_140 = tpu.vector_load %arg10[%swap3A, %swap3A_139] {strides = array<i32>} : memref<129x64xf32, #tpu.memory_space<vmem>>, vector<16xf32>,
      tpu.vector_store %arg10[%swap3A, %swap3A_139], %gather3A {strides = array<i32>} : memref<129x64xf32, #tpu.memory_space<vmem>>, vector<16xf32>,
      %add3A_141 = arith.constant 16 : i32
      %add3A_142 = vector.broadcast %add3A_141 : i32 to vector<16xi32>
      %add3A_143 = arith.addi %add3A_142, %iota3A : vector<16xi32>
      %broadcast_in_dim3A_144 = vector.broadcast %min3A_135 : i32 to vector<16xi32>
      %gather3A_145 = tpu.vector_load_idx %arg8[%add3A_143, %broadcast_in_dim3A_144] : memref<64x128xf32, #tpu.memory_space<vmem>>[vector<16xi32>, vector<16xi32>], vector<16xf32>,
      %swap3A_146 = arith.index_cast %and3A_131 : i32 to index
      %swap3A_147 = arith.constant 16 : index
      %swap3A_148 = tpu.vector_load %arg10[%swap3A_146, %swap3A_147] {strides = array<i32>} : memref<129x64xf32, #tpu.memory_space<vmem>>, vector<16xf32>,
      tpu.vector_store %arg10[%swap3A_146, %swap3A_147], %gather3A_145 {strides = array<i32>} : memref<129x64xf32, #tpu.memory_space<vmem>>, vector<16xf32>,
      %add3A_149 = arith.constant 32 : i32
      %add3A_150 = vector.broadcast %add3A_149 : i32 to vector<16xi32>
      %add3A_151 = arith.addi %add3A_150, %iota3A : vector<16xi32>
      %broadcast_in_dim3A_152 = vector.broadcast %min3A_135 : i32 to vector<16xi32>
      %gather3A_153 = tpu.vector_load_idx %arg8[%add3A_151, %broadcast_in_dim3A_152] : memref<64x128xf32, #tpu.memory_space<vmem>>[vector<16xi32>, vector<16xi32>], vector<16xf32>,
      %swap3A_154 = arith.index_cast %and3A_131 : i32 to index
      %swap3A_155 = arith.constant 32 : index
      %swap3A_156 = tpu.vector_load %arg10[%swap3A_154, %swap3A_155] {strides = array<i32>} : memref<129x64xf32, #tpu.memory_space<vmem>>, vector<16xf32>,
      tpu.vector_store %arg10[%swap3A_154, %swap3A_155], %gather3A_153 {strides = array<i32>} : memref<129x64xf32, #tpu.memory_space<vmem>>, vector<16xf32>,
      %add3A_157 = arith.constant 48 : i32
      %add3A_158 = vector.broadcast %add3A_157 : i32 to vector<16xi32>
      %add3A_159 = arith.addi %add3A_158, %iota3A : vector<16xi32>
      %broadcast_in_dim3A_160 = vector.broadcast %min3A_135 : i32 to vector<16xi32>
      %gather3A_161 = tpu.vector_load_idx %arg8[%add3A_159, %broadcast_in_dim3A_160] : memref<64x128xf32, #tpu.memory_space<vmem>>[vector<16xi32>, vector<16xi32>], vector<16xf32>,
      %swap3A_162 = arith.index_cast %and3A_131 : i32 to index
      %swap3A_163 = arith.constant 48 : index
      %swap3A_164 = tpu.vector_load %arg10[%swap3A_162, %swap3A_163] {strides = array<i32>} : memref<129x64xf32, #tpu.memory_space<vmem>>, vector<16xf32>,
      tpu.vector_store %arg10[%swap3A_162, %swap3A_163], %gather3A_161 {strides = array<i32>} : memref<129x64xf32, #tpu.memory_space<vmem>>, vector<16xf32>,
      %mul3A_165 = arith.constant 4 : i32
      %mul3A_166 = arith.muli %mul3A_88, %mul3A_165 : i32
      %add3A_167 = arith.constant 1 : i32
      %add3A_168 = arith.addi %mul3A_166, %add3A_167 : i32
      %get3A_169 = arith.index_cast %add3A_168 : i32 to index
      %get3A_170 = tpu.vector_load %arg6[%get3A_169] {strides = array<i32>} : memref<544xi32, #tpu.memory_space<vmem>>, vector<16xi32>,
      %slice3A_171 = vector.extract_strided_slice %get3A_170 {offsets = [0], sizes = [1], strides = [1]} : vector<16xi32> to vector<1xi32>
      %squeeze3A_172 = vector.extract %slice3A_171[0] : i32 from vector<1xi32>
      %and3A_173 = arith.constant 1023 : i32
      %and3A_174 = arith.andi %squeeze3A_172, %and3A_173 : i32
      %shift_right_arithmetic3A_175 = arith.constant 10 : i32
      %shift_right_arithmetic3A_176 = arith.shrsi %squeeze3A_172, %shift_right_arithmetic3A_175 : i32
      %sub3A_177 = arith.subi %shift_right_arithmetic3A_176, %multiple_of3A_122 : i32
      %jit3A_178 = arith.constant 0 : i32
      %jit3A_179 = arith.constant 127 : i32
      %max3A_180 = arith.maxsi %jit3A_178, %sub3A_177 : i32
      %min3A_181 = arith.minsi %jit3A_179, %max3A_180 : i32
      %add3A_182 = arith.constant 0 : i32
      %add3A_183 = vector.broadcast %add3A_182 : i32 to vector<16xi32>
      %add3A_184 = arith.addi %add3A_183, %iota3A : vector<16xi32>
      %broadcast_in_dim3A_185 = vector.broadcast %min3A_181 : i32 to vector<16xi32>
      %gather3A_186 = tpu.vector_load_idx %arg8[%add3A_184, %broadcast_in_dim3A_185] : memref<64x128xf32, #tpu.memory_space<vmem>>[vector<16xi32>, vector<16xi32>], vector<16xf32>,
      %swap3A_187 = arith.index_cast %and3A_174 : i32 to index
      %swap3A_188 = arith.constant 0 : index
      %swap3A_189 = tpu.vector_load %arg10[%swap3A_187, %swap3A_188] {strides = array<i32>} : memref<129x64xf32, #tpu.memory_space<vmem>>, vector<16xf32>,
      tpu.vector_store %arg10[%swap3A_187, %swap3A_188], %gather3A_186 {strides = array<i32>} : memref<129x64xf32, #tpu.memory_space<vmem>>, vector<16xf32>,
      %add3A_190 = arith.constant 16 : i32
      %add3A_191 = vector.broadcast %add3A_190 : i32 to vector<16xi32>
      %add3A_192 = arith.addi %add3A_191, %iota3A : vector<16xi32>
      %broadcast_in_dim3A_193 = vector.broadcast %min3A_181 : i32 to vector<16xi32>
      %gather3A_194 = tpu.vector_load_idx %arg8[%add3A_192, %broadcast_in_dim3A_193] : memref<64x128xf32, #tpu.memory_space<vmem>>[vector<16xi32>, vector<16xi32>], vector<16xf32>,
      %swap3A_195 = arith.index_cast %and3A_174 : i32 to index
      %swap3A_196 = arith.constant 16 : index
      %swap3A_197 = tpu.vector_load %arg10[%swap3A_195, %swap3A_196] {strides = array<i32>} : memref<129x64xf32, #tpu.memory_space<vmem>>, vector<16xf32>,
      tpu.vector_store %arg10[%swap3A_195, %swap3A_196], %gather3A_194 {strides = array<i32>} : memref<129x64xf32, #tpu.memory_space<vmem>>, vector<16xf32>,
      %add3A_198 = arith.constant 32 : i32
      %add3A_199 = vector.broadcast %add3A_198 : i32 to vector<16xi32>
      %add3A_200 = arith.addi %add3A_199, %iota3A : vector<16xi32>
      %broadcast_in_dim3A_201 = vector.broadcast %min3A_181 : i32 to vector<16xi32>
      %gather3A_202 = tpu.vector_load_idx %arg8[%add3A_200, %broadcast_in_dim3A_201] : memref<64x128xf32, #tpu.memory_space<vmem>>[vector<16xi32>, vector<16xi32>], vector<16xf32>,
      %swap3A_203 = arith.index_cast %and3A_174 : i32 to index
      %swap3A_204 = arith.constant 32 : index
      %swap3A_205 = tpu.vector_load %arg10[%swap3A_203, %swap3A_204] {strides = array<i32>} : memref<129x64xf32, #tpu.memory_space<vmem>>, vector<16xf32>,
      tpu.vector_store %arg10[%swap3A_203, %swap3A_204], %gather3A_202 {strides = array<i32>} : memref<129x64xf32, #tpu.memory_space<vmem>>, vector<16xf32>,
      %add3A_206 = arith.constant 48 : i32
      %add3A_207 = vector.broadcast %add3A_206 : i32 to vector<16xi32>
      %add3A_208 = arith.addi %add3A_207, %iota3A : vector<16xi32>
      %broadcast_in_dim3A_209 = vector.broadcast %min3A_181 : i32 to vector<16xi32>
      %gather3A_210 = tpu.vector_load_idx %arg8[%add3A_208, %broadcast_in_dim3A_209] : memref<64x128xf32, #tpu.memory_space<vmem>>[vector<16xi32>, vector<16xi32>], vector<16xf32>,
      %swap3A_211 = arith.index_cast %and3A_174 : i32 to index
      %swap3A_212 = arith.constant 48 : index
      %swap3A_213 = tpu.vector_load %arg10[%swap3A_211, %swap3A_212] {strides = array<i32>} : memref<129x64xf32, #tpu.memory_space<vmem>>, vector<16xf32>,
      tpu.vector_store %arg10[%swap3A_211, %swap3A_212], %gather3A_210 {strides = array<i32>} : memref<129x64xf32, #tpu.memory_space<vmem>>, vector<16xf32>,
      %mul3A_214 = arith.constant 4 : i32
      %mul3A_215 = arith.muli %mul3A_88, %mul3A_214 : i32
      %add3A_216 = arith.constant 2 : i32
      %add3A_217 = arith.addi %mul3A_215, %add3A_216 : i32
      %get3A_218 = arith.index_cast %add3A_217 : i32 to index
      %get3A_219 = tpu.vector_load %arg6[%get3A_218] {strides = array<i32>} : memref<544xi32, #tpu.memory_space<vmem>>, vector<16xi32>,
      %slice3A_220 = vector.extract_strided_slice %get3A_219 {offsets = [0], sizes = [1], strides = [1]} : vector<16xi32> to vector<1xi32>
      %squeeze3A_221 = vector.extract %slice3A_220[0] : i32 from vector<1xi32>
      %and3A_222 = arith.constant 1023 : i32
      %and3A_223 = arith.andi %squeeze3A_221, %and3A_222 : i32
      %shift_right_arithmetic3A_224 = arith.constant 10 : i32
      %shift_right_arithmetic3A_225 = arith.shrsi %squeeze3A_221, %shift_right_arithmetic3A_224 : i32
      %sub3A_226 = arith.subi %shift_right_arithmetic3A_225, %multiple_of3A_122 : i32
      %jit3A_227 = arith.constant 0 : i32
      %jit3A_228 = arith.constant 127 : i32
      %max3A_229 = arith.maxsi %jit3A_227, %sub3A_226 : i32
      %min3A_230 = arith.minsi %jit3A_228, %max3A_229 : i32
      %add3A_231 = arith.constant 0 : i32
      %add3A_232 = vector.broadcast %add3A_231 : i32 to vector<16xi32>
      %add3A_233 = arith.addi %add3A_232, %iota3A : vector<16xi32>
      %broadcast_in_dim3A_234 = vector.broadcast %min3A_230 : i32 to vector<16xi32>
      %gather3A_235 = tpu.vector_load_idx %arg8[%add3A_233, %broadcast_in_dim3A_234] : memref<64x128xf32, #tpu.memory_space<vmem>>[vector<16xi32>, vector<16xi32>], vector<16xf32>,
      %swap3A_236 = arith.index_cast %and3A_223 : i32 to index
      %swap3A_237 = arith.constant 0 : index
      %swap3A_238 = tpu.vector_load %arg10[%swap3A_236, %swap3A_237] {strides = array<i32>} : memref<129x64xf32, #tpu.memory_space<vmem>>, vector<16xf32>,
      tpu.vector_store %arg10[%swap3A_236, %swap3A_237], %gather3A_235 {strides = array<i32>} : memref<129x64xf32, #tpu.memory_space<vmem>>, vector<16xf32>,
      %add3A_239 = arith.constant 16 : i32
      %add3A_240 = vector.broadcast %add3A_239 : i32 to vector<16xi32>
      %add3A_241 = arith.addi %add3A_240, %iota3A : vector<16xi32>
      %broadcast_in_dim3A_242 = vector.broadcast %min3A_230 : i32 to vector<16xi32>
      %gather3A_243 = tpu.vector_load_idx %arg8[%add3A_241, %broadcast_in_dim3A_242] : memref<64x128xf32, #tpu.memory_space<vmem>>[vector<16xi32>, vector<16xi32>], vector<16xf32>,
      %swap3A_244 = arith.index_cast %and3A_223 : i32 to index
      %swap3A_245 = arith.constant 16 : index
      %swap3A_246 = tpu.vector_load %arg10[%swap3A_244, %swap3A_245] {strides = array<i32>} : memref<129x64xf32, #tpu.memory_space<vmem>>, vector<16xf32>,
      tpu.vector_store %arg10[%swap3A_244, %swap3A_245], %gather3A_243 {strides = array<i32>} : memref<129x64xf32, #tpu.memory_space<vmem>>, vector<16xf32>,
      %add3A_247 = arith.constant 32 : i32
      %add3A_248 = vector.broadcast %add3A_247 : i32 to vector<16xi32>
      %add3A_249 = arith.addi %add3A_248, %iota3A : vector<16xi32>
      %broadcast_in_dim3A_250 = vector.broadcast %min3A_230 : i32 to vector<16xi32>
      %gather3A_251 = tpu.vector_load_idx %arg8[%add3A_249, %broadcast_in_dim3A_250] : memref<64x128xf32, #tpu.memory_space<vmem>>[vector<16xi32>, vector<16xi32>], vector<16xf32>,
      %swap3A_252 = arith.index_cast %and3A_223 : i32 to index
      %swap3A_253 = arith.constant 32 : index
      %swap3A_254 = tpu.vector_load %arg10[%swap3A_252, %swap3A_253] {strides = array<i32>} : memref<129x64xf32, #tpu.memory_space<vmem>>, vector<16xf32>,
      tpu.vector_store %arg10[%swap3A_252, %swap3A_253], %gather3A_251 {strides = array<i32>} : memref<129x64xf32, #tpu.memory_space<vmem>>, vector<16xf32>,
      %add3A_255 = arith.constant 48 : i32
      %add3A_256 = vector.broadcast %add3A_255 : i32 to vector<16xi32>
      %add3A_257 = arith.addi %add3A_256, %iota3A : vector<16xi32>
      %broadcast_in_dim3A_258 = vector.broadcast %min3A_230 : i32 to vector<16xi32>
      %gather3A_259 = tpu.vector_load_idx %arg8[%add3A_257, %broadcast_in_dim3A_258] : memref<64x128xf32, #tpu.memory_space<vmem>>[vector<16xi32>, vector<16xi32>], vector<16xf32>,
      %swap3A_260 = arith.index_cast %and3A_223 : i32 to index
      %swap3A_261 = arith.constant 48 : index
      %swap3A_262 = tpu.vector_load %arg10[%swap3A_260, %swap3A_261] {strides = array<i32>} : memref<129x64xf32, #tpu.memory_space<vmem>>, vector<16xf32>,
      tpu.vector_store %arg10[%swap3A_260, %swap3A_261], %gather3A_259 {strides = array<i32>} : memref<129x64xf32, #tpu.memory_space<vmem>>, vector<16xf32>,
      %mul3A_263 = arith.constant 4 : i32
      %mul3A_264 = arith.muli %mul3A_88, %mul3A_263 : i32
      %add3A_265 = arith.constant 3 : i32
      %add3A_266 = arith.addi %mul3A_264, %add3A_265 : i32
      %get3A_267 = arith.index_cast %add3A_266 : i32 to index
      %get3A_268 = tpu.vector_load %arg6[%get3A_267] {strides = array<i32>} : memref<544xi32, #tpu.memory_space<vmem>>, vector<16xi32>,
      %slice3A_269 = vector.extract_strided_slice %get3A_268 {offsets = [0], sizes = [1], strides = [1]} : vector<16xi32> to vector<1xi32>
      %squeeze3A_270 = vector.extract %slice3A_269[0] : i32 from vector<1xi32>
      %and3A_271 = arith.constant 1023 : i32
      %and3A_272 = arith.andi %squeeze3A_270, %and3A_271 : i32
      %shift_right_arithmetic3A_273 = arith.constant 10 : i32
      %shift_right_arithmetic3A_274 = arith.shrsi %squeeze3A_270, %shift_right_arithmetic3A_273 : i32
      %sub3A_275 = arith.subi %shift_right_arithmetic3A_274, %multiple_of3A_122 : i32
      %jit3A_276 = arith.constant 0 : i32
      %jit3A_277 = arith.constant 127 : i32
      %max3A_278 = arith.maxsi %jit3A_276, %sub3A_275 : i32
      %min3A_279 = arith.minsi %jit3A_277, %max3A_278 : i32
      %add3A_280 = arith.constant 0 : i32
      %add3A_281 = vector.broadcast %add3A_280 : i32 to vector<16xi32>
      %add3A_282 = arith.addi %add3A_281, %iota3A : vector<16xi32>
      %broadcast_in_dim3A_283 = vector.broadcast %min3A_279 : i32 to vector<16xi32>
      %gather3A_284 = tpu.vector_load_idx %arg8[%add3A_282, %broadcast_in_dim3A_283] : memref<64x128xf32, #tpu.memory_space<vmem>>[vector<16xi32>, vector<16xi32>], vector<16xf32>,
      %swap3A_285 = arith.index_cast %and3A_272 : i32 to index
      %swap3A_286 = arith.constant 0 : index
      %swap3A_287 = tpu.vector_load %arg10[%swap3A_285, %swap3A_286] {strides = array<i32>} : memref<129x64xf32, #tpu.memory_space<vmem>>, vector<16xf32>,
      tpu.vector_store %arg10[%swap3A_285, %swap3A_286], %gather3A_284 {strides = array<i32>} : memref<129x64xf32, #tpu.memory_space<vmem>>, vector<16xf32>,
      %add3A_288 = arith.constant 16 : i32
      %add3A_289 = vector.broadcast %add3A_288 : i32 to vector<16xi32>
      %add3A_290 = arith.addi %add3A_289, %iota3A : vector<16xi32>
      %broadcast_in_dim3A_291 = vector.broadcast %min3A_279 : i32 to vector<16xi32>
      %gather3A_292 = tpu.vector_load_idx %arg8[%add3A_290, %broadcast_in_dim3A_291] : memref<64x128xf32, #tpu.memory_space<vmem>>[vector<16xi32>, vector<16xi32>], vector<16xf32>,
      %swap3A_293 = arith.index_cast %and3A_272 : i32 to index
      %swap3A_294 = arith.constant 16 : index
      %swap3A_295 = tpu.vector_load %arg10[%swap3A_293, %swap3A_294] {strides = array<i32>} : memref<129x64xf32, #tpu.memory_space<vmem>>, vector<16xf32>,
      tpu.vector_store %arg10[%swap3A_293, %swap3A_294], %gather3A_292 {strides = array<i32>} : memref<129x64xf32, #tpu.memory_space<vmem>>, vector<16xf32>,
      %add3A_296 = arith.constant 32 : i32
      %add3A_297 = vector.broadcast %add3A_296 : i32 to vector<16xi32>
      %add3A_298 = arith.addi %add3A_297, %iota3A : vector<16xi32>
      %broadcast_in_dim3A_299 = vector.broadcast %min3A_279 : i32 to vector<16xi32>
      %gather3A_300 = tpu.vector_load_idx %arg8[%add3A_298, %broadcast_in_dim3A_299] : memref<64x128xf32, #tpu.memory_space<vmem>>[vector<16xi32>, vector<16xi32>], vector<16xf32>,
      %swap3A_301 = arith.index_cast %and3A_272 : i32 to index
      %swap3A_302 = arith.constant 32 : index
      %swap3A_303 = tpu.vector_load %arg10[%swap3A_301, %swap3A_302] {strides = array<i32>} : memref<129x64xf32, #tpu.memory_space<vmem>>, vector<16xf32>,
      tpu.vector_store %arg10[%swap3A_301, %swap3A_302], %gather3A_300 {strides = array<i32>} : memref<129x64xf32, #tpu.memory_space<vmem>>, vector<16xf32>,
      %add3A_304 = arith.constant 48 : i32
      %add3A_305 = vector.broadcast %add3A_304 : i32 to vector<16xi32>
      %add3A_306 = arith.addi %add3A_305, %iota3A : vector<16xi32>
      %broadcast_in_dim3A_307 = vector.broadcast %min3A_279 : i32 to vector<16xi32>
      %gather3A_308 = tpu.vector_load_idx %arg8[%add3A_306, %broadcast_in_dim3A_307] : memref<64x128xf32, #tpu.memory_space<vmem>>[vector<16xi32>, vector<16xi32>], vector<16xf32>,
      %swap3A_309 = arith.index_cast %and3A_272 : i32 to index
      %swap3A_310 = arith.constant 48 : index
      %swap3A_311 = tpu.vector_load %arg10[%swap3A_309, %swap3A_310] {strides = array<i32>} : memref<129x64xf32, #tpu.memory_space<vmem>>, vector<16xf32>,
      tpu.vector_store %arg10[%swap3A_309, %swap3A_310], %gather3A_308 {strides = array<i32>} : memref<129x64xf32, #tpu.memory_space<vmem>>, vector<16xf32>,
      %add3A_312 = arith.constant 2 : i32
      %add3A_313 = arith.addi %mul3A_88, %add3A_312 : i32
      %mul3A_314 = arith.constant 4 : i32
      %mul3A_315 = arith.muli %add3A_313, %mul3A_314 : i32
      %get3A_316 = arith.index_cast %mul3A_315 : i32 to index
      %get3A_317 = tpu.vector_load %arg6[%get3A_316] {strides = array<i32>} : memref<544xi32, #tpu.memory_space<vmem>>, vector<16xi32>,
      %slice3A_318 = vector.extract_strided_slice %get3A_317 {offsets = [0], sizes = [1], strides = [1]} : vector<16xi32> to vector<1xi32>
      %squeeze3A_319 = vector.extract %slice3A_318[0] : i32 from vector<1xi32>
      %shift_right_arithmetic3A_320 = arith.constant 10 : i32
      %shift_right_arithmetic3A_321 = arith.shrsi %squeeze3A_319, %shift_right_arithmetic3A_320 : i32
      %shift_right_arithmetic3A_322 = arith.constant 7 : i32
      %shift_right_arithmetic3A_323 = arith.shrsi %shift_right_arithmetic3A_321, %shift_right_arithmetic3A_322 : i32
      %mul3A_324 = arith.constant 128 : i32
      %mul3A_325 = arith.muli %shift_right_arithmetic3A_323, %mul3A_324 : i32
      %min3A_326 = arith.constant 999872 : i32
      %min3A_327 = arith.minsi %mul3A_325, %min3A_326 : i32
      %multiple_of3A_328 = tpu.assume_multiple %min3A_327, 128 : i32
      %dma_start3A_329 = arith.constant 0 : i32
      %dma_start3A_330 = tpu.memref_slice %arg4[%dma_start3A_329, %multiple_of3A_328] : memref<64x1000000xf32, #tpu.memory_space<hbm>> -> memref<64x128xf32, #tpu.memory_space<hbm>>
      %dma_start3A_331 = arith.constant 0 : i32
      %dma_start3A_332 = tpu.memref_slice %arg4[%dma_start3A_331, %multiple_of3A_328] : memref<64x1000000xf32, #tpu.memory_space<hbm>> -> memref<64x128xf32, #tpu.memory_space<hbm>>
      tpu.enqueue_dma source(%dma_start3A_332 : memref<64x128xf32, #tpu.memory_space<hbm>>) target(%arg8 : memref<64x128xf32, #tpu.memory_space<vmem>>) target_semaphore(%arg11 : memref<!tpu.dma_semaphore, #tpu.memory_space<semaphore_mem>>)
      %mul3A_333 = arith.constant 2 : i32
      %mul3A_334 = arith.muli %mul3A_333, %while3A_86 : i32
      %add3A_335 = arith.constant 1 : i32
      %add3A_336 = arith.addi %mul3A_334, %add3A_335 : i32
      %mul3A_337 = arith.constant 4 : i32
      %mul3A_338 = arith.muli %add3A_336, %mul3A_337 : i32
      %get3A_339 = arith.index_cast %mul3A_338 : i32 to index
      %get3A_340 = tpu.vector_load %arg6[%get3A_339] {strides = array<i32>} : memref<544xi32, #tpu.memory_space<vmem>>, vector<16xi32>,
      %slice3A_341 = vector.extract_strided_slice %get3A_340 {offsets = [0], sizes = [1], strides = [1]} : vector<16xi32> to vector<1xi32>
      %squeeze3A_342 = vector.extract %slice3A_341[0] : i32 from vector<1xi32>
      %shift_right_arithmetic3A_343 = arith.constant 10 : i32
      %shift_right_arithmetic3A_344 = arith.shrsi %squeeze3A_342, %shift_right_arithmetic3A_343 : i32
      %shift_right_arithmetic3A_345 = arith.constant 7 : i32
      %shift_right_arithmetic3A_346 = arith.shrsi %shift_right_arithmetic3A_344, %shift_right_arithmetic3A_345 : i32
      %mul3A_347 = arith.constant 128 : i32
      %mul3A_348 = arith.muli %shift_right_arithmetic3A_346, %mul3A_347 : i32
      %min3A_349 = arith.constant 999872 : i32
      %min3A_350 = arith.minsi %mul3A_348, %min3A_349 : i32
      %multiple_of3A_351 = tpu.assume_multiple %min3A_350, 128 : i32
      %dma_wait3A_352 = arith.constant 0 : i32
      %dma_wait3A_353 = tpu.memref_slice %arg4[%dma_wait3A_352, %multiple_of3A_351] : memref<64x1000000xf32, #tpu.memory_space<hbm>> -> memref<64x128xf32, #tpu.memory_space<hbm>>
      %dma_wait3A_354 = arith.constant 0 : i32
      %dma_wait3A_355 = tpu.memref_slice %arg4[%dma_wait3A_354, %multiple_of3A_351] : memref<64x1000000xf32, #tpu.memory_space<hbm>> -> memref<64x128xf32, #tpu.memory_space<hbm>>
      tpu.wait_dma2 semaphore(%arg12 : memref<!tpu.dma_semaphore, #tpu.memory_space<semaphore_mem>>) src(%dma_wait3A_355 : memref<64x128xf32, #tpu.memory_space<hbm>>) dst(%arg9 : memref<64x128xf32, #tpu.memory_space<vmem>>)
      %mul3A_356 = arith.constant 4 : i32
      %mul3A_357 = arith.muli %add3A_336, %mul3A_356 : i32
      %get3A_358 = arith.index_cast %mul3A_357 : i32 to index
      %get3A_359 = tpu.vector_load %arg6[%get3A_358] {strides = array<i32>} : memref<544xi32, #tpu.memory_space<vmem>>, vector<16xi32>,
      %slice3A_360 = vector.extract_strided_slice %get3A_359 {offsets = [0], sizes = [1], strides = [1]} : vector<16xi32> to vector<1xi32>
      %squeeze3A_361 = vector.extract %slice3A_360[0] : i32 from vector<1xi32>
      %shift_right_arithmetic3A_362 = arith.constant 10 : i32
      %shift_right_arithmetic3A_363 = arith.shrsi %squeeze3A_361, %shift_right_arithmetic3A_362 : i32
      %shift_right_arithmetic3A_364 = arith.constant 7 : i32
      %shift_right_arithmetic3A_365 = arith.shrsi %shift_right_arithmetic3A_363, %shift_right_arithmetic3A_364 : i32
      %mul3A_366 = arith.constant 128 : i32
      %mul3A_367 = arith.muli %shift_right_arithmetic3A_365, %mul3A_366 : i32
      %min3A_368 = arith.constant 999872 : i32
      %min3A_369 = arith.minsi %mul3A_367, %min3A_368 : i32
      %multiple_of3A_370 = tpu.assume_multiple %min3A_369, 128 : i32
      %mul3A_371 = arith.constant 4 : i32
      %mul3A_372 = arith.muli %add3A_336, %mul3A_371 : i32
      %add3A_373 = arith.constant 0 : i32
      %add3A_374 = arith.addi %mul3A_372, %add3A_373 : i32
      %get3A_375 = arith.index_cast %add3A_374 : i32 to index
      %get3A_376 = tpu.vector_load %arg6[%get3A_375] {strides = array<i32>} : memref<544xi32, #tpu.memory_space<vmem>>, vector<16xi32>,
      %slice3A_377 = vector.extract_strided_slice %get3A_376 {offsets = [0], sizes = [1], strides = [1]} : vector<16xi32> to vector<1xi32>
      %squeeze3A_378 = vector.extract %slice3A_377[0] : i32 from vector<1xi32>
      %and3A_379 = arith.constant 1023 : i32
      %and3A_380 = arith.andi %squeeze3A_378, %and3A_379 : i32
      %shift_right_arithmetic3A_381 = arith.constant 10 : i32
      %shift_right_arithmetic3A_382 = arith.shrsi %squeeze3A_378, %shift_right_arithmetic3A_381 : i32
      %sub3A_383 = arith.subi %shift_right_arithmetic3A_382, %multiple_of3A_370 : i32
      %jit3A_384 = arith.constant 0 : i32
      %jit3A_385 = arith.constant 127 : i32
      %max3A_386 = arith.maxsi %jit3A_384, %sub3A_383 : i32
      %min3A_387 = arith.minsi %jit3A_385, %max3A_386 : i32
      %add3A_388 = arith.constant 0 : i32
      %add3A_389 = vector.broadcast %add3A_388 : i32 to vector<16xi32>
      %add3A_390 = arith.addi %add3A_389, %iota3A : vector<16xi32>
      %broadcast_in_dim3A_391 = vector.broadcast %min3A_387 : i32 to vector<16xi32>
      %gather3A_392 = tpu.vector_load_idx %arg9[%add3A_390, %broadcast_in_dim3A_391] : memref<64x128xf32, #tpu.memory_space<vmem>>[vector<16xi32>, vector<16xi32>], vector<16xf32>,
      %swap3A_393 = arith.index_cast %and3A_380 : i32 to index
      %swap3A_394 = arith.constant 0 : index
      %swap3A_395 = tpu.vector_load %arg10[%swap3A_393, %swap3A_394] {strides = array<i32>} : memref<129x64xf32, #tpu.memory_space<vmem>>, vector<16xf32>,
      tpu.vector_store %arg10[%swap3A_393, %swap3A_394], %gather3A_392 {strides = array<i32>} : memref<129x64xf32, #tpu.memory_space<vmem>>, vector<16xf32>,
      %add3A_396 = arith.constant 16 : i32
      %add3A_397 = vector.broadcast %add3A_396 : i32 to vector<16xi32>
      %add3A_398 = arith.addi %add3A_397, %iota3A : vector<16xi32>
      %broadcast_in_dim3A_399 = vector.broadcast %min3A_387 : i32 to vector<16xi32>
      %gather3A_400 = tpu.vector_load_idx %arg9[%add3A_398, %broadcast_in_dim3A_399] : memref<64x128xf32, #tpu.memory_space<vmem>>[vector<16xi32>, vector<16xi32>], vector<16xf32>,
      %swap3A_401 = arith.index_cast %and3A_380 : i32 to index
      %swap3A_402 = arith.constant 16 : index
      %swap3A_403 = tpu.vector_load %arg10[%swap3A_401, %swap3A_402] {strides = array<i32>} : memref<129x64xf32, #tpu.memory_space<vmem>>, vector<16xf32>,
      tpu.vector_store %arg10[%swap3A_401, %swap3A_402], %gather3A_400 {strides = array<i32>} : memref<129x64xf32, #tpu.memory_space<vmem>>, vector<16xf32>,
      %add3A_404 = arith.constant 32 : i32
      %add3A_405 = vector.broadcast %add3A_404 : i32 to vector<16xi32>
      %add3A_406 = arith.addi %add3A_405, %iota3A : vector<16xi32>
      %broadcast_in_dim3A_407 = vector.broadcast %min3A_387 : i32 to vector<16xi32>
      %gather3A_408 = tpu.vector_load_idx %arg9[%add3A_406, %broadcast_in_dim3A_407] : memref<64x128xf32, #tpu.memory_space<vmem>>[vector<16xi32>, vector<16xi32>], vector<16xf32>,
      %swap3A_409 = arith.index_cast %and3A_380 : i32 to index
      %swap3A_410 = arith.constant 32 : index
      %swap3A_411 = tpu.vector_load %arg10[%swap3A_409, %swap3A_410] {strides = array<i32>} : memref<129x64xf32, #tpu.memory_space<vmem>>, vector<16xf32>,
      tpu.vector_store %arg10[%swap3A_409, %swap3A_410], %gather3A_408 {strides = array<i32>} : memref<129x64xf32, #tpu.memory_space<vmem>>, vector<16xf32>,
      %add3A_412 = arith.constant 48 : i32
      %add3A_413 = vector.broadcast %add3A_412 : i32 to vector<16xi32>
      %add3A_414 = arith.addi %add3A_413, %iota3A : vector<16xi32>
      %broadcast_in_dim3A_415 = vector.broadcast %min3A_387 : i32 to vector<16xi32>
      %gather3A_416 = tpu.vector_load_idx %arg9[%add3A_414, %broadcast_in_dim3A_415] : memref<64x128xf32, #tpu.memory_space<vmem>>[vector<16xi32>, vector<16xi32>], vector<16xf32>,
      %swap3A_417 = arith.index_cast %and3A_380 : i32 to index
      %swap3A_418 = arith.constant 48 : index
      %swap3A_419 = tpu.vector_load %arg10[%swap3A_417, %swap3A_418] {strides = array<i32>} : memref<129x64xf32, #tpu.memory_space<vmem>>, vector<16xf32>,
      tpu.vector_store %arg10[%swap3A_417, %swap3A_418], %gather3A_416 {strides = array<i32>} : memref<129x64xf32, #tpu.memory_space<vmem>>, vector<16xf32>,
      %mul3A_420 = arith.constant 4 : i32
      %mul3A_421 = arith.muli %add3A_336, %mul3A_420 : i32
      %add3A_422 = arith.constant 1 : i32
      %add3A_423 = arith.addi %mul3A_421, %add3A_422 : i32
      %get3A_424 = arith.index_cast %add3A_423 : i32 to index
      %get3A_425 = tpu.vector_load %arg6[%get3A_424] {strides = array<i32>} : memref<544xi32, #tpu.memory_space<vmem>>, vector<16xi32>,
      %slice3A_426 = vector.extract_strided_slice %get3A_425 {offsets = [0], sizes = [1], strides = [1]} : vector<16xi32> to vector<1xi32>
      %squeeze3A_427 = vector.extract %slice3A_426[0] : i32 from vector<1xi32>
      %and3A_428 = arith.constant 1023 : i32
      %and3A_429 = arith.andi %squeeze3A_427, %and3A_428 : i32
      %shift_right_arithmetic3A_430 = arith.constant 10 : i32
      %shift_right_arithmetic3A_431 = arith.shrsi %squeeze3A_427, %shift_right_arithmetic3A_430 : i32
      %sub3A_432 = arith.subi %shift_right_arithmetic3A_431, %multiple_of3A_370 : i32
      %jit3A_433 = arith.constant 0 : i32
      %jit3A_434 = arith.constant 127 : i32
      %max3A_435 = arith.maxsi %jit3A_433, %sub3A_432 : i32
      %min3A_436 = arith.minsi %jit3A_434, %max3A_435 : i32
      %add3A_437 = arith.constant 0 : i32
      %add3A_438 = vector.broadcast %add3A_437 : i32 to vector<16xi32>
      %add3A_439 = arith.addi %add3A_438, %iota3A : vector<16xi32>
      %broadcast_in_dim3A_440 = vector.broadcast %min3A_436 : i32 to vector<16xi32>
      %gather3A_441 = tpu.vector_load_idx %arg9[%add3A_439, %broadcast_in_dim3A_440] : memref<64x128xf32, #tpu.memory_space<vmem>>[vector<16xi32>, vector<16xi32>], vector<16xf32>,
      %swap3A_442 = arith.index_cast %and3A_429 : i32 to index
      %swap3A_443 = arith.constant 0 : index
      %swap3A_444 = tpu.vector_load %arg10[%swap3A_442, %swap3A_443] {strides = array<i32>} : memref<129x64xf32, #tpu.memory_space<vmem>>, vector<16xf32>,
      tpu.vector_store %arg10[%swap3A_442, %swap3A_443], %gather3A_441 {strides = array<i32>} : memref<129x64xf32, #tpu.memory_space<vmem>>, vector<16xf32>,
      %add3A_445 = arith.constant 16 : i32
      %add3A_446 = vector.broadcast %add3A_445 : i32 to vector<16xi32>
      %add3A_447 = arith.addi %add3A_446, %iota3A : vector<16xi32>
      %broadcast_in_dim3A_448 = vector.broadcast %min3A_436 : i32 to vector<16xi32>
      %gather3A_449 = tpu.vector_load_idx %arg9[%add3A_447, %broadcast_in_dim3A_448] : memref<64x128xf32, #tpu.memory_space<vmem>>[vector<16xi32>, vector<16xi32>], vector<16xf32>,
      %swap3A_450 = arith.index_cast %and3A_429 : i32 to index
      %swap3A_451 = arith.constant 16 : index
      %swap3A_452 = tpu.vector_load %arg10[%swap3A_450, %swap3A_451] {strides = array<i32>} : memref<129x64xf32, #tpu.memory_space<vmem>>, vector<16xf32>,
      tpu.vector_store %arg10[%swap3A_450, %swap3A_451], %gather3A_449 {strides = array<i32>} : memref<129x64xf32, #tpu.memory_space<vmem>>, vector<16xf32>,
      %add3A_453 = arith.constant 32 : i32
      %add3A_454 = vector.broadcast %add3A_453 : i32 to vector<16xi32>
      %add3A_455 = arith.addi %add3A_454, %iota3A : vector<16xi32>
      %broadcast_in_dim3A_456 = vector.broadcast %min3A_436 : i32 to vector<16xi32>
      %gather3A_457 = tpu.vector_load_idx %arg9[%add3A_455, %broadcast_in_dim3A_456] : memref<64x128xf32, #tpu.memory_space<vmem>>[vector<16xi32>, vector<16xi32>], vector<16xf32>,
      %swap3A_458 = arith.index_cast %and3A_429 : i32 to index
      %swap3A_459 = arith.constant 32 : index
      %swap3A_460 = tpu.vector_load %arg10[%swap3A_458, %swap3A_459] {strides = array<i32>} : memref<129x64xf32, #tpu.memory_space<vmem>>, vector<16xf32>,
      tpu.vector_store %arg10[%swap3A_458, %swap3A_459], %gather3A_457 {strides = array<i32>} : memref<129x64xf32, #tpu.memory_space<vmem>>, vector<16xf32>,
      %add3A_461 = arith.constant 48 : i32
      %add3A_462 = vector.broadcast %add3A_461 : i32 to vector<16xi32>
      %add3A_463 = arith.addi %add3A_462, %iota3A : vector<16xi32>
      %broadcast_in_dim3A_464 = vector.broadcast %min3A_436 : i32 to vector<16xi32>
      %gather3A_465 = tpu.vector_load_idx %arg9[%add3A_463, %broadcast_in_dim3A_464] : memref<64x128xf32, #tpu.memory_space<vmem>>[vector<16xi32>, vector<16xi32>], vector<16xf32>,
      %swap3A_466 = arith.index_cast %and3A_429 : i32 to index
      %swap3A_467 = arith.constant 48 : index
      %swap3A_468 = tpu.vector_load %arg10[%swap3A_466, %swap3A_467] {strides = array<i32>} : memref<129x64xf32, #tpu.memory_space<vmem>>, vector<16xf32>,
      tpu.vector_store %arg10[%swap3A_466, %swap3A_467], %gather3A_465 {strides = array<i32>} : memref<129x64xf32, #tpu.memory_space<vmem>>, vector<16xf32>,
      %mul3A_469 = arith.constant 4 : i32
      %mul3A_470 = arith.muli %add3A_336, %mul3A_469 : i32
      %add3A_471 = arith.constant 2 : i32
      %add3A_472 = arith.addi %mul3A_470, %add3A_471 : i32
      %get3A_473 = arith.index_cast %add3A_472 : i32 to index
      %get3A_474 = tpu.vector_load %arg6[%get3A_473] {strides = array<i32>} : memref<544xi32, #tpu.memory_space<vmem>>, vector<16xi32>,
      %slice3A_475 = vector.extract_strided_slice %get3A_474 {offsets = [0], sizes = [1], strides = [1]} : vector<16xi32> to vector<1xi32>
      %squeeze3A_476 = vector.extract %slice3A_475[0] : i32 from vector<1xi32>
      %and3A_477 = arith.constant 1023 : i32
      %and3A_478 = arith.andi %squeeze3A_476, %and3A_477 : i32
      %shift_right_arithmetic3A_479 = arith.constant 10 : i32
      %shift_right_arithmetic3A_480 = arith.shrsi %squeeze3A_476, %shift_right_arithmetic3A_479 : i32
      %sub3A_481 = arith.subi %shift_right_arithmetic3A_480, %multiple_of3A_370 : i32
      %jit3A_482 = arith.constant 0 : i32
      %jit3A_483 = arith.constant 127 : i32
      %max3A_484 = arith.maxsi %jit3A_482, %sub3A_481 : i32
      %min3A_485 = arith.minsi %jit3A_483, %max3A_484 : i32
      %add3A_486 = arith.constant 0 : i32
      %add3A_487 = vector.broadcast %add3A_486 : i32 to vector<16xi32>
      %add3A_488 = arith.addi %add3A_487, %iota3A : vector<16xi32>
      %broadcast_in_dim3A_489 = vector.broadcast %min3A_485 : i32 to vector<16xi32>
      %gather3A_490 = tpu.vector_load_idx %arg9[%add3A_488, %broadcast_in_dim3A_489] : memref<64x128xf32, #tpu.memory_space<vmem>>[vector<16xi32>, vector<16xi32>], vector<16xf32>,
      %swap3A_491 = arith.index_cast %and3A_478 : i32 to index
      %swap3A_492 = arith.constant 0 : index
      %swap3A_493 = tpu.vector_load %arg10[%swap3A_491, %swap3A_492] {strides = array<i32>} : memref<129x64xf32, #tpu.memory_space<vmem>>, vector<16xf32>,
      tpu.vector_store %arg10[%swap3A_491, %swap3A_492], %gather3A_490 {strides = array<i32>} : memref<129x64xf32, #tpu.memory_space<vmem>>, vector<16xf32>,
      %add3A_494 = arith.constant 16 : i32
      %add3A_495 = vector.broadcast %add3A_494 : i32 to vector<16xi32>
      %add3A_496 = arith.addi %add3A_495, %iota3A : vector<16xi32>
      %broadcast_in_dim3A_497 = vector.broadcast %min3A_485 : i32 to vector<16xi32>
      %gather3A_498 = tpu.vector_load_idx %arg9[%add3A_496, %broadcast_in_dim3A_497] : memref<64x128xf32, #tpu.memory_space<vmem>>[vector<16xi32>, vector<16xi32>], vector<16xf32>,
      %swap3A_499 = arith.index_cast %and3A_478 : i32 to index
      %swap3A_500 = arith.constant 16 : index
      %swap3A_501 = tpu.vector_load %arg10[%swap3A_499, %swap3A_500] {strides = array<i32>} : memref<129x64xf32, #tpu.memory_space<vmem>>, vector<16xf32>,
      tpu.vector_store %arg10[%swap3A_499, %swap3A_500], %gather3A_498 {strides = array<i32>} : memref<129x64xf32, #tpu.memory_space<vmem>>, vector<16xf32>,
      %add3A_502 = arith.constant 32 : i32
      %add3A_503 = vector.broadcast %add3A_502 : i32 to vector<16xi32>
      %add3A_504 = arith.addi %add3A_503, %iota3A : vector<16xi32>
      %broadcast_in_dim3A_505 = vector.broadcast %min3A_485 : i32 to vector<16xi32>
      %gather3A_506 = tpu.vector_load_idx %arg9[%add3A_504, %broadcast_in_dim3A_505] : memref<64x128xf32, #tpu.memory_space<vmem>>[vector<16xi32>, vector<16xi32>], vector<16xf32>,
      %swap3A_507 = arith.index_cast %and3A_478 : i32 to index
      %swap3A_508 = arith.constant 32 : index
      %swap3A_509 = tpu.vector_load %arg10[%swap3A_507, %swap3A_508] {strides = array<i32>} : memref<129x64xf32, #tpu.memory_space<vmem>>, vector<16xf32>,
      tpu.vector_store %arg10[%swap3A_507, %swap3A_508], %gather3A_506 {strides = array<i32>} : memref<129x64xf32, #tpu.memory_space<vmem>>, vector<16xf32>,
      %add3A_510 = arith.constant 48 : i32
      %add3A_511 = vector.broadcast %add3A_510 : i32 to vector<16xi32>
      %add3A_512 = arith.addi %add3A_511, %iota3A : vector<16xi32>
      %broadcast_in_dim3A_513 = vector.broadcast %min3A_485 : i32 to vector<16xi32>
      %gather3A_514 = tpu.vector_load_idx %arg9[%add3A_512, %broadcast_in_dim3A_513] : memref<64x128xf32, #tpu.memory_space<vmem>>[vector<16xi32>, vector<16xi32>], vector<16xf32>,
      %swap3A_515 = arith.index_cast %and3A_478 : i32 to index
      %swap3A_516 = arith.constant 48 : index
      %swap3A_517 = tpu.vector_load %arg10[%swap3A_515, %swap3A_516] {strides = array<i32>} : memref<129x64xf32, #tpu.memory_space<vmem>>, vector<16xf32>,
      tpu.vector_store %arg10[%swap3A_515, %swap3A_516], %gather3A_514 {strides = array<i32>} : memref<129x64xf32, #tpu.memory_space<vmem>>, vector<16xf32>,
      %mul3A_518 = arith.constant 4 : i32
      %mul3A_519 = arith.muli %add3A_336, %mul3A_518 : i32
      %add3A_520 = arith.constant 3 : i32
      %add3A_521 = arith.addi %mul3A_519, %add3A_520 : i32
      %get3A_522 = arith.index_cast %add3A_521 : i32 to index
      %get3A_523 = tpu.vector_load %arg6[%get3A_522] {strides = array<i32>} : memref<544xi32, #tpu.memory_space<vmem>>, vector<16xi32>,
      %slice3A_524 = vector.extract_strided_slice %get3A_523 {offsets = [0], sizes = [1], strides = [1]} : vector<16xi32> to vector<1xi32>
      %squeeze3A_525 = vector.extract %slice3A_524[0] : i32 from vector<1xi32>
      %and3A_526 = arith.constant 1023 : i32
      %and3A_527 = arith.andi %squeeze3A_525, %and3A_526 : i32
      %shift_right_arithmetic3A_528 = arith.constant 10 : i32
      %shift_right_arithmetic3A_529 = arith.shrsi %squeeze3A_525, %shift_right_arithmetic3A_528 : i32
      %sub3A_530 = arith.subi %shift_right_arithmetic3A_529, %multiple_of3A_370 : i32
      %jit3A_531 = arith.constant 0 : i32
      %jit3A_532 = arith.constant 127 : i32
      %max3A_533 = arith.maxsi %jit3A_531, %sub3A_530 : i32
      %min3A_534 = arith.minsi %jit3A_532, %max3A_533 : i32
      %add3A_535 = arith.constant 0 : i32
      %add3A_536 = vector.broadcast %add3A_535 : i32 to vector<16xi32>
      %add3A_537 = arith.addi %add3A_536, %iota3A : vector<16xi32>
      %broadcast_in_dim3A_538 = vector.broadcast %min3A_534 : i32 to vector<16xi32>
      %gather3A_539 = tpu.vector_load_idx %arg9[%add3A_537, %broadcast_in_dim3A_538] : memref<64x128xf32, #tpu.memory_space<vmem>>[vector<16xi32>, vector<16xi32>], vector<16xf32>,
      %swap3A_540 = arith.index_cast %and3A_527 : i32 to index
      %swap3A_541 = arith.constant 0 : index
      %swap3A_542 = tpu.vector_load %arg10[%swap3A_540, %swap3A_541] {strides = array<i32>} : memref<129x64xf32, #tpu.memory_space<vmem>>, vector<16xf32>,
      tpu.vector_store %arg10[%swap3A_540, %swap3A_541], %gather3A_539 {strides = array<i32>} : memref<129x64xf32, #tpu.memory_space<vmem>>, vector<16xf32>,
      %add3A_543 = arith.constant 16 : i32
      %add3A_544 = vector.broadcast %add3A_543 : i32 to vector<16xi32>
      %add3A_545 = arith.addi %add3A_544, %iota3A : vector<16xi32>
      %broadcast_in_dim3A_546 = vector.broadcast %min3A_534 : i32 to vector<16xi32>
      %gather3A_547 = tpu.vector_load_idx %arg9[%add3A_545, %broadcast_in_dim3A_546] : memref<64x128xf32, #tpu.memory_space<vmem>>[vector<16xi32>, vector<16xi32>], vector<16xf32>,
      %swap3A_548 = arith.index_cast %and3A_527 : i32 to index
      %swap3A_549 = arith.constant 16 : index
      %swap3A_550 = tpu.vector_load %arg10[%swap3A_548, %swap3A_549] {strides = array<i32>} : memref<129x64xf32, #tpu.memory_space<vmem>>, vector<16xf32>,
      tpu.vector_store %arg10[%swap3A_548, %swap3A_549], %gather3A_547 {strides = array<i32>} : memref<129x64xf32, #tpu.memory_space<vmem>>, vector<16xf32>,
      %add3A_551 = arith.constant 32 : i32
      %add3A_552 = vector.broadcast %add3A_551 : i32 to vector<16xi32>
      %add3A_553 = arith.addi %add3A_552, %iota3A : vector<16xi32>
      %broadcast_in_dim3A_554 = vector.broadcast %min3A_534 : i32 to vector<16xi32>
      %gather3A_555 = tpu.vector_load_idx %arg9[%add3A_553, %broadcast_in_dim3A_554] : memref<64x128xf32, #tpu.memory_space<vmem>>[vector<16xi32>, vector<16xi32>], vector<16xf32>,
      %swap3A_556 = arith.index_cast %and3A_527 : i32 to index
      %swap3A_557 = arith.constant 32 : index
      %swap3A_558 = tpu.vector_load %arg10[%swap3A_556, %swap3A_557] {strides = array<i32>} : memref<129x64xf32, #tpu.memory_space<vmem>>, vector<16xf32>,
      tpu.vector_store %arg10[%swap3A_556, %swap3A_557], %gather3A_555 {strides = array<i32>} : memref<129x64xf32, #tpu.memory_space<vmem>>, vector<16xf32>,
      %add3A_559 = arith.constant 48 : i32
      %add3A_560 = vector.broadcast %add3A_559 : i32 to vector<16xi32>
      %add3A_561 = arith.addi %add3A_560, %iota3A : vector<16xi32>
      %broadcast_in_dim3A_562 = vector.broadcast %min3A_534 : i32 to vector<16xi32>
      %gather3A_563 = tpu.vector_load_idx %arg9[%add3A_561, %broadcast_in_dim3A_562] : memref<64x128xf32, #tpu.memory_space<vmem>>[vector<16xi32>, vector<16xi32>], vector<16xf32>,
      %swap3A_564 = arith.index_cast %and3A_527 : i32 to index
      %swap3A_565 = arith.constant 48 : index
      %swap3A_566 = tpu.vector_load %arg10[%swap3A_564, %swap3A_565] {strides = array<i32>} : memref<129x64xf32, #tpu.memory_space<vmem>>, vector<16xf32>,
      tpu.vector_store %arg10[%swap3A_564, %swap3A_565], %gather3A_563 {strides = array<i32>} : memref<129x64xf32, #tpu.memory_space<vmem>>, vector<16xf32>,
      %add3A_567 = arith.constant 2 : i32
      %add3A_568 = arith.addi %add3A_336, %add3A_567 : i32
      %mul3A_569 = arith.constant 4 : i32
      %mul3A_570 = arith.muli %add3A_568, %mul3A_569 : i32
      %get3A_571 = arith.index_cast %mul3A_570 : i32 to index
      %get3A_572 = tpu.vector_load %arg6[%get3A_571] {strides = array<i32>} : memref<544xi32, #tpu.memory_space<vmem>>, vector<16xi32>,
      %slice3A_573 = vector.extract_strided_slice %get3A_572 {offsets = [0], sizes = [1], strides = [1]} : vector<16xi32> to vector<1xi32>
      %squeeze3A_574 = vector.extract %slice3A_573[0] : i32 from vector<1xi32>
      %shift_right_arithmetic3A_575 = arith.constant 10 : i32
      %shift_right_arithmetic3A_576 = arith.shrsi %squeeze3A_574, %shift_right_arithmetic3A_575 : i32
      %shift_right_arithmetic3A_577 = arith.constant 7 : i32
      %shift_right_arithmetic3A_578 = arith.shrsi %shift_right_arithmetic3A_576, %shift_right_arithmetic3A_577 : i32
      %mul3A_579 = arith.constant 128 : i32
      %mul3A_580 = arith.muli %shift_right_arithmetic3A_578, %mul3A_579 : i32
      %min3A_581 = arith.constant 999872 : i32
      %min3A_582 = arith.minsi %mul3A_580, %min3A_581 : i32
      %multiple_of3A_583 = tpu.assume_multiple %min3A_582, 128 : i32
      %dma_start3A_584 = arith.constant 0 : i32
      %dma_start3A_585 = tpu.memref_slice %arg4[%dma_start3A_584, %multiple_of3A_583] : memref<64x1000000xf32, #tpu.memory_space<hbm>> -> memref<64x128xf32, #tpu.memory_space<hbm>>
      %dma_start3A_586 = arith.constant 0 : i32
      %dma_start3A_587 = tpu.memref_slice %arg4[%dma_start3A_586, %multiple_of3A_583] : memref<64x1000000xf32, #tpu.memory_space<hbm>> -> memref<64x128xf32, #tpu.memory_space<hbm>>
      tpu.enqueue_dma source(%dma_start3A_587 : memref<64x128xf32, #tpu.memory_space<hbm>>) target(%arg9 : memref<64x128xf32, #tpu.memory_space<vmem>>) target_semaphore(%arg12 : memref<!tpu.dma_semaphore, #tpu.memory_space<semaphore_mem>>)
    }
    %mul3A_41 = arith.constant 2 : i32
    %mul3A_42 = arith.muli %mul3A_41, %squeeze3A : i32
    %mul3A_43 = arith.constant 4 : i32
    %mul3A_44 = arith.muli %mul3A_42, %mul3A_43 : i32
    %get3A_45 = arith.index_cast %mul3A_44 : i32 to index
    %get3A_46 = tpu.vector_load %arg6[%get3A_45] {strides = array<i32>} : memref<544xi32, #tpu.memory_space<vmem>>, vector<16xi32>,
    %slice3A_47 = vector.extract_strided_slice %get3A_46 {offsets = [0], sizes = [1], strides = [1]} : vector<16xi32> to vector<1xi32>
    %squeeze3A_48 = vector.extract %slice3A_47[0] : i32 from vector<1xi32>
    %shift_right_arithmetic3A_49 = arith.constant 10 : i32
    %shift_right_arithmetic3A_50 = arith.shrsi %squeeze3A_48, %shift_right_arithmetic3A_49 : i32
    %shift_right_arithmetic3A_51 = arith.constant 7 : i32
    %shift_right_arithmetic3A_52 = arith.shrsi %shift_right_arithmetic3A_50, %shift_right_arithmetic3A_51 : i32
    %mul3A_53 = arith.constant 128 : i32
    %mul3A_54 = arith.muli %shift_right_arithmetic3A_52, %mul3A_53 : i32
    %min3A_55 = arith.constant 999872 : i32
    %min3A_56 = arith.minsi %mul3A_54, %min3A_55 : i32
    %multiple_of3A_57 = tpu.assume_multiple %min3A_56, 128 : i32
    %dma_wait3A = arith.constant 0 : i32
    %dma_wait3A_58 = tpu.memref_slice %arg4[%dma_wait3A, %multiple_of3A_57] : memref<64x1000000xf32, #tpu.memory_space<hbm>> -> memref<64x128xf32, #tpu.memory_space<hbm>>
    %dma_wait3A_59 = arith.constant 0 : i32
    %dma_wait3A_60 = tpu.memref_slice %arg4[%dma_wait3A_59, %multiple_of3A_57] : memref<64x1000000xf32, #tpu.memory_space<hbm>> -> memref<64x128xf32, #tpu.memory_space<hbm>>
    tpu.wait_dma2 semaphore(%arg11 : memref<!tpu.dma_semaphore, #tpu.memory_space<semaphore_mem>>) src(%dma_wait3A_60 : memref<64x128xf32, #tpu.memory_space<hbm>>) dst(%arg8 : memref<64x128xf32, #tpu.memory_space<vmem>>)
    %mul3A_61 = arith.constant 2 : i32
    %mul3A_62 = arith.muli %mul3A_61, %squeeze3A : i32
    %add3A_63 = arith.constant 1 : i32
    %add3A_64 = arith.addi %mul3A_62, %add3A_63 : i32
    %mul3A_65 = arith.constant 4 : i32
    %mul3A_66 = arith.muli %add3A_64, %mul3A_65 : i32
    %get3A_67 = arith.index_cast %mul3A_66 : i32 to index
    %get3A_68 = tpu.vector_load %arg6[%get3A_67] {strides = array<i32>} : memref<544xi32, #tpu.memory_space<vmem>>, vector<16xi32>,
    %slice3A_69 = vector.extract_strided_slice %get3A_68 {offsets = [0], sizes = [1], strides = [1]} : vector<16xi32> to vector<1xi32>
    %squeeze3A_70 = vector.extract %slice3A_69[0] : i32 from vector<1xi32>
    %shift_right_arithmetic3A_71 = arith.constant 10 : i32
    %shift_right_arithmetic3A_72 = arith.shrsi %squeeze3A_70, %shift_right_arithmetic3A_71 : i32
    %shift_right_arithmetic3A_73 = arith.constant 7 : i32
    %shift_right_arithmetic3A_74 = arith.shrsi %shift_right_arithmetic3A_72, %shift_right_arithmetic3A_73 : i32
    %mul3A_75 = arith.constant 128 : i32
    %mul3A_76 = arith.muli %shift_right_arithmetic3A_74, %mul3A_75 : i32
    %min3A_77 = arith.constant 999872 : i32
    %min3A_78 = arith.minsi %mul3A_76, %min3A_77 : i32
    %multiple_of3A_79 = tpu.assume_multiple %min3A_78, 128 : i32
    %dma_wait3A_80 = arith.constant 0 : i32
    %dma_wait3A_81 = tpu.memref_slice %arg4[%dma_wait3A_80, %multiple_of3A_79] : memref<64x1000000xf32, #tpu.memory_space<hbm>> -> memref<64x128xf32, #tpu.memory_space<hbm>>
    %dma_wait3A_82 = arith.constant 0 : i32
    %dma_wait3A_83 = tpu.memref_slice %arg4[%dma_wait3A_82, %multiple_of3A_79] : memref<64x1000000xf32, #tpu.memory_space<hbm>> -> memref<64x128xf32, #tpu.memory_space<hbm>>
    tpu.wait_dma2 semaphore(%arg12 : memref<!tpu.dma_semaphore, #tpu.memory_space<semaphore_mem>>) src(%dma_wait3A_83 : memref<64x128xf32, #tpu.memory_space<hbm>>) dst(%arg9 : memref<64x128xf32, #tpu.memory_space<vmem>>)
    %mul3A_84 = arith.constant 128 : i32
    %mul3A_85 = arith.muli %add3A, %mul3A_84 : i32
    "tpu.region"() ({
      %run_scoped3A = tpu.sem_alloc : memref<!tpu.dma_semaphore, #tpu.memory_space<semaphore_mem>>
      %dma_start3A_86 = arith.constant 0 : i32
      %dma_start3A_87 = arith.constant 0 : i32
      %dma_start3A_88 = tpu.memref_slice %arg10[%dma_start3A_86, %dma_start3A_87] : memref<129x64xf32, #tpu.memory_space<vmem>> -> memref<128x64xf32, #tpu.memory_space<vmem>>
      %dma_start3A_89 = arith.constant 0 : i32
      %dma_start3A_90 = tpu.memref_slice %arg5[%mul3A_85, %dma_start3A_89] : memref<4096x64xf32, #tpu.memory_space<hbm>> -> memref<128x64xf32, #tpu.memory_space<hbm>>
      %dma_start3A_91 = arith.constant 0 : i32
      %dma_start3A_92 = tpu.memref_slice %arg5[%mul3A_85, %dma_start3A_91] : memref<4096x64xf32, #tpu.memory_space<hbm>> -> memref<128x64xf32, #tpu.memory_space<hbm>>
      %dma_start3A_93 = arith.constant 0 : i32
      %dma_start3A_94 = arith.constant 0 : i32
      %dma_start3A_95 = tpu.memref_slice %arg10[%dma_start3A_93, %dma_start3A_94] : memref<129x64xf32, #tpu.memory_space<vmem>> -> memref<128x64xf32, #tpu.memory_space<vmem>>
      tpu.enqueue_dma source(%dma_start3A_95 : memref<128x64xf32, #tpu.memory_space<vmem>>) target(%dma_start3A_92 : memref<128x64xf32, #tpu.memory_space<hbm>>) target_semaphore(%run_scoped3A : memref<!tpu.dma_semaphore, #tpu.memory_space<semaphore_mem>>)
      %dma_wait3A_96 = arith.constant 0 : i32
      %dma_wait3A_97 = arith.constant 0 : i32
      %dma_wait3A_98 = tpu.memref_slice %arg10[%dma_wait3A_96, %dma_wait3A_97] : memref<129x64xf32, #tpu.memory_space<vmem>> -> memref<128x64xf32, #tpu.memory_space<vmem>>
      %dma_wait3A_99 = arith.constant 0 : i32
      %dma_wait3A_100 = tpu.memref_slice %arg5[%mul3A_85, %dma_wait3A_99] : memref<4096x64xf32, #tpu.memory_space<hbm>> -> memref<128x64xf32, #tpu.memory_space<hbm>>
      %dma_wait3A_101 = arith.constant 0 : i32
      %dma_wait3A_102 = tpu.memref_slice %arg5[%mul3A_85, %dma_wait3A_101] : memref<4096x64xf32, #tpu.memory_space<hbm>> -> memref<128x64xf32, #tpu.memory_space<hbm>>
      %dma_wait3A_103 = arith.constant 0 : i32
      %dma_wait3A_104 = arith.constant 0 : i32
      %dma_wait3A_105 = tpu.memref_slice %arg10[%dma_wait3A_103, %dma_wait3A_104] : memref<129x64xf32, #tpu.memory_space<vmem>> -> memref<128x64xf32, #tpu.memory_space<vmem>>
      tpu.wait_dma2 semaphore(%run_scoped3A : memref<!tpu.dma_semaphore, #tpu.memory_space<semaphore_mem>>) src(%dma_wait3A_105 : memref<128x64xf32, #tpu.memory_space<vmem>>) dst(%dma_wait3A_102 : memref<128x64xf32, #tpu.memory_space<hbm>>)
      tpu.yield
    }) : () -> ()
    return
  }
}

#map = affine_map<(d0, d1) -> (0, 0)>
#map1 = affine_map<(d0, d1) -> (0)>
module attributes {stable_mosaic.version = 14 : i64} {
  func.func @k(%arg0: i32, %arg1: i32, %arg2: memref<32x2080xi32, #tpu.memory_space<hbm>>, %arg3: memref<48xi32, #tpu.memory_space<hbm>>, %arg4: memref<64x1000000xf32, #tpu.memory_space<hbm>>, %arg5: memref<16384x64xf32, #tpu.memory_space<hbm>>, %arg6: memref<2080xi32, #tpu.memory_space<vmem>>, %arg7: memref<48xi32, #tpu.memory_space<vmem>>, %arg8: memref<64x128xf32, #tpu.memory_space<vmem>>, %arg9: memref<64x128xf32, #tpu.memory_space<vmem>>, %arg10: memref<513x64xf32, #tpu.memory_space<vmem>>, %arg11: memref<!tpu.dma_semaphore, #tpu.memory_space<semaphore_mem>>, %arg12: memref<!tpu.dma_semaphore, #tpu.memory_space<semaphore_mem>>) attributes {dimension_semantics = [#tpu.dimension_semantics<core_parallel>, #tpu.dimension_semantics<subcore_parallel>], iteration_bounds = array<i64: 2, 16>, scalar_prefetch = 0 : i64, scratch_operands = 7 : i64, tpu.core_type = #tpu.core_type<sc_vector_subcore>, window_params = [{transform_indices = #map}, {transform_indices = #map1}, {transform_indices = #map}, {transform_indices = #map}]} {
    %mul3A = arith.constant 2 : i32
    %mul3A_0 = arith.muli %arg1, %mul3A : i32
    %add3A = arith.addi %mul3A_0, %arg0 : i32
    "tpu.region"() ({
      %run_scoped3A = tpu.sem_alloc : memref<!tpu.dma_semaphore, #tpu.memory_space<semaphore_mem>>
      %dma_start3A_86 = arith.constant 0 : i32
      %dma_start3A_87 = tpu.memref_slice %arg2[%add3A, %dma_start3A_86] : memref<32x2080xi32, #tpu.memory_space<hbm>> -> memref<1x2080xi32, #tpu.memory_space<hbm>>
      %dma_start3A_88 = tpu.memref_squeeze %dma_start3A_87 : memref<1x2080xi32, #tpu.memory_space<hbm>> -> memref<2080xi32, #tpu.memory_space<hbm>>
      %dma_start3A_89 = arith.constant 0 : i32
      %dma_start3A_90 = tpu.memref_slice %arg2[%add3A, %dma_start3A_89] : memref<32x2080xi32, #tpu.memory_space<hbm>> -> memref<1x2080xi32, #tpu.memory_space<hbm>>
      %dma_start3A_91 = tpu.memref_squeeze %dma_start3A_90 : memref<1x2080xi32, #tpu.memory_space<hbm>> -> memref<2080xi32, #tpu.memory_space<hbm>>
      tpu.enqueue_dma source(%dma_start3A_91 : memref<2080xi32, #tpu.memory_space<hbm>>) target(%arg6 : memref<2080xi32, #tpu.memory_space<vmem>>) target_semaphore(%run_scoped3A : memref<!tpu.dma_semaphore, #tpu.memory_space<semaphore_mem>>)
      %dma_wait3A_92 = arith.constant 0 : i32
      %dma_wait3A_93 = tpu.memref_slice %arg2[%add3A, %dma_wait3A_92] : memref<32x2080xi32, #tpu.memory_space<hbm>> -> memref<1x2080xi32, #tpu.memory_space<hbm>>
      %dma_wait3A_94 = tpu.memref_squeeze %dma_wait3A_93 : memref<1x2080xi32, #tpu.memory_space<hbm>> -> memref<2080xi32, #tpu.memory_space<hbm>>
      %dma_wait3A_95 = arith.constant 0 : i32
      %dma_wait3A_96 = tpu.memref_slice %arg2[%add3A, %dma_wait3A_95] : memref<32x2080xi32, #tpu.memory_space<hbm>> -> memref<1x2080xi32, #tpu.memory_space<hbm>>
      %dma_wait3A_97 = tpu.memref_squeeze %dma_wait3A_96 : memref<1x2080xi32, #tpu.memory_space<hbm>> -> memref<2080xi32, #tpu.memory_space<hbm>>
      tpu.wait_dma2 semaphore(%run_scoped3A : memref<!tpu.dma_semaphore, #tpu.memory_space<semaphore_mem>>) src(%dma_wait3A_97 : memref<2080xi32, #tpu.memory_space<hbm>>) dst(%arg6 : memref<2080xi32, #tpu.memory_space<vmem>>)
      tpu.yield
    }) : () -> ()
    "tpu.region"() ({
      %run_scoped3A = tpu.sem_alloc : memref<!tpu.dma_semaphore, #tpu.memory_space<semaphore_mem>>
      tpu.enqueue_dma source(%arg3 : memref<48xi32, #tpu.memory_space<hbm>>) target(%arg7 : memref<48xi32, #tpu.memory_space<vmem>>) target_semaphore(%run_scoped3A : memref<!tpu.dma_semaphore, #tpu.memory_space<semaphore_mem>>)
      tpu.wait_dma2 semaphore(%run_scoped3A : memref<!tpu.dma_semaphore, #tpu.memory_space<semaphore_mem>>) src(%arg3 : memref<48xi32, #tpu.memory_space<hbm>>) dst(%arg7 : memref<48xi32, #tpu.memory_space<vmem>>)
      tpu.yield
    }) : () -> ()
    %iota3A = tpu.iota {dimensions = array<i32: 0>} : vector<16xi32>
    %get3A = arith.index_cast %add3A : i32 to index
    %get3A_1 = tpu.vector_load %arg7[%get3A] {strides = array<i32>} : memref<48xi32, #tpu.memory_space<vmem>>, vector<16xi32>,
    %slice3A = vector.extract_strided_slice %get3A_1 {offsets = [0], sizes = [1], strides = [1]} : vector<16xi32> to vector<1xi32>
    %squeeze3A = vector.extract %slice3A[0] : i32 from vector<1xi32>
    %get3A_2 = arith.constant 0 : index
    %get3A_3 = tpu.vector_load %arg6[%get3A_2] {strides = array<i32>} : memref<2080xi32, #tpu.memory_space<vmem>>, vector<16xi32>,
    %slice3A_4 = vector.extract_strided_slice %get3A_3 {offsets = [0], sizes = [1], strides = [1]} : vector<16xi32> to vector<1xi32>
    %squeeze3A_5 = vector.extract %slice3A_4[0] : i32 from vector<1xi32>
    %shift_right_arithmetic3A = arith.constant 10 : i32
    %shift_right_arithmetic3A_6 = arith.shrsi %squeeze3A_5, %shift_right_arithmetic3A : i32
    %shift_right_arithmetic3A_7 = arith.constant 7 : i32
    %shift_right_arithmetic3A_8 = arith.shrsi %shift_right_arithmetic3A_6, %shift_right_arithmetic3A_7 : i32
    %mul3A_9 = arith.constant 128 : i32
    %mul3A_10 = arith.muli %shift_right_arithmetic3A_8, %mul3A_9 : i32
    %min3A = arith.constant 999872 : i32
    %min3A_11 = arith.minsi %mul3A_10, %min3A : i32
    %multiple_of3A = tpu.assume_multiple %min3A_11, 128 : i32
    %dma_start3A = arith.constant 0 : i32
    %dma_start3A_12 = tpu.memref_slice %arg4[%dma_start3A, %multiple_of3A] : memref<64x1000000xf32, #tpu.memory_space<hbm>> -> memref<64x128xf32, #tpu.memory_space<hbm>>
    %dma_start3A_13 = arith.constant 0 : i32
    %dma_start3A_14 = tpu.memref_slice %arg4[%dma_start3A_13, %multiple_of3A] : memref<64x1000000xf32, #tpu.memory_space<hbm>> -> memref<64x128xf32, #tpu.memory_space<hbm>>
    tpu.enqueue_dma source(%dma_start3A_14 : memref<64x128xf32, #tpu.memory_space<hbm>>) target(%arg8 : memref<64x128xf32, #tpu.memory_space<vmem>>) target_semaphore(%arg11 : memref<!tpu.dma_semaphore, #tpu.memory_space<semaphore_mem>>)
    %get3A_15 = arith.constant 4 : index
    %get3A_16 = tpu.vector_load %arg6[%get3A_15] {strides = array<i32>} : memref<2080xi32, #tpu.memory_space<vmem>>, vector<16xi32>,
    %slice3A_17 = vector.extract_strided_slice %get3A_16 {offsets = [0], sizes = [1], strides = [1]} : vector<16xi32> to vector<1xi32>
    %squeeze3A_18 = vector.extract %slice3A_17[0] : i32 from vector<1xi32>
    %shift_right_arithmetic3A_19 = arith.constant 10 : i32
    %shift_right_arithmetic3A_20 = arith.shrsi %squeeze3A_18, %shift_right_arithmetic3A_19 : i32
    %shift_right_arithmetic3A_21 = arith.constant 7 : i32
    %shift_right_arithmetic3A_22 = arith.shrsi %shift_right_arithmetic3A_20, %shift_right_arithmetic3A_21 : i32
    %mul3A_23 = arith.constant 128 : i32
    %mul3A_24 = arith.muli %shift_right_arithmetic3A_22, %mul3A_23 : i32
    %min3A_25 = arith.constant 999872 : i32
    %min3A_26 = arith.minsi %mul3A_24, %min3A_25 : i32
    %multiple_of3A_27 = tpu.assume_multiple %min3A_26, 128 : i32
    %dma_start3A_28 = arith.constant 0 : i32
    %dma_start3A_29 = tpu.memref_slice %arg4[%dma_start3A_28, %multiple_of3A_27] : memref<64x1000000xf32, #tpu.memory_space<hbm>> -> memref<64x128xf32, #tpu.memory_space<hbm>>
    %dma_start3A_30 = arith.constant 0 : i32
    %dma_start3A_31 = tpu.memref_slice %arg4[%dma_start3A_30, %multiple_of3A_27] : memref<64x1000000xf32, #tpu.memory_space<hbm>> -> memref<64x128xf32, #tpu.memory_space<hbm>>
    tpu.enqueue_dma source(%dma_start3A_31 : memref<64x128xf32, #tpu.memory_space<hbm>>) target(%arg9 : memref<64x128xf32, #tpu.memory_space<vmem>>) target_semaphore(%arg12 : memref<!tpu.dma_semaphore, #tpu.memory_space<semaphore_mem>>)
    %while3A = arith.constant 0 : i32
    %while3A_32 = arith.constant 0 : i32
    %while3A_33 = arith.subi %squeeze3A, %while3A_32 : i32
    %while3A_34 = arith.addi %while3A_32, %while3A_33 : i32
    %while3A_35 = arith.constant 1 : i32
    %while3A_36 = arith.divsi %while3A_33, %while3A_35 : i32
    %while3A_37 = arith.muli %while3A_36, %while3A_35 : i32
    %while3A_38 = arith.addi %while3A_32, %while3A_37 : i32
    %while3A_39 = arith.constant 1 : i32
    scf.for %while3A_86 = %while3A_32 to %while3A_38 step %while3A_39  : i32 {
      %mul3A_87 = arith.constant 2 : i32
      %mul3A_88 = arith.muli %mul3A_87, %while3A_86 : i32
      %mul3A_89 = arith.constant 4 : i32
      %mul3A_90 = arith.muli %mul3A_88, %mul3A_89 : i32
      %get3A_91 = arith.index_cast %mul3A_90 : i32 to index
      %get3A_92 = tpu.vector_load %arg6[%get3A_91] {strides = array<i32>} : memref<2080xi32, #tpu.memory_space<vmem>>, vector<16xi32>,
      %slice3A_93 = vector.extract_strided_slice %get3A_92 {offsets = [0], sizes = [1], strides = [1]} : vector<16xi32> to vector<1xi32>
      %squeeze3A_94 = vector.extract %slice3A_93[0] : i32 from vector<1xi32>
      %shift_right_arithmetic3A_95 = arith.constant 10 : i32
      %shift_right_arithmetic3A_96 = arith.shrsi %squeeze3A_94, %shift_right_arithmetic3A_95 : i32
      %shift_right_arithmetic3A_97 = arith.constant 7 : i32
      %shift_right_arithmetic3A_98 = arith.shrsi %shift_right_arithmetic3A_96, %shift_right_arithmetic3A_97 : i32
      %mul3A_99 = arith.constant 128 : i32
      %mul3A_100 = arith.muli %shift_right_arithmetic3A_98, %mul3A_99 : i32
      %min3A_101 = arith.constant 999872 : i32
      %min3A_102 = arith.minsi %mul3A_100, %min3A_101 : i32
      %multiple_of3A_103 = tpu.assume_multiple %min3A_102, 128 : i32
      %dma_wait3A_104 = arith.constant 0 : i32
      %dma_wait3A_105 = tpu.memref_slice %arg4[%dma_wait3A_104, %multiple_of3A_103] : memref<64x1000000xf32, #tpu.memory_space<hbm>> -> memref<64x128xf32, #tpu.memory_space<hbm>>
      %dma_wait3A_106 = arith.constant 0 : i32
      %dma_wait3A_107 = tpu.memref_slice %arg4[%dma_wait3A_106, %multiple_of3A_103] : memref<64x1000000xf32, #tpu.memory_space<hbm>> -> memref<64x128xf32, #tpu.memory_space<hbm>>
      tpu.wait_dma2 semaphore(%arg11 : memref<!tpu.dma_semaphore, #tpu.memory_space<semaphore_mem>>) src(%dma_wait3A_107 : memref<64x128xf32, #tpu.memory_space<hbm>>) dst(%arg8 : memref<64x128xf32, #tpu.memory_space<vmem>>)
      %mul3A_108 = arith.constant 4 : i32
      %mul3A_109 = arith.muli %mul3A_88, %mul3A_108 : i32
      %get3A_110 = arith.index_cast %mul3A_109 : i32 to index
      %get3A_111 = tpu.vector_load %arg6[%get3A_110] {strides = array<i32>} : memref<2080xi32, #tpu.memory_space<vmem>>, vector<16xi32>,
      %slice3A_112 = vector.extract_strided_slice %get3A_111 {offsets = [0], sizes = [1], strides = [1]} : vector<16xi32> to vector<1xi32>
      %squeeze3A_113 = vector.extract %slice3A_112[0] : i32 from vector<1xi32>
      %shift_right_arithmetic3A_114 = arith.constant 10 : i32
      %shift_right_arithmetic3A_115 = arith.shrsi %squeeze3A_113, %shift_right_arithmetic3A_114 : i32
      %shift_right_arithmetic3A_116 = arith.constant 7 : i32
      %shift_right_arithmetic3A_117 = arith.shrsi %shift_right_arithmetic3A_115, %shift_right_arithmetic3A_116 : i32
      %mul3A_118 = arith.constant 128 : i32
      %mul3A_119 = arith.muli %shift_right_arithmetic3A_117, %mul3A_118 : i32
      %min3A_120 = arith.constant 999872 : i32
      %min3A_121 = arith.minsi %mul3A_119, %min3A_120 : i32
      %multiple_of3A_122 = tpu.assume_multiple %min3A_121, 128 : i32
      %mul3A_123 = arith.constant 4 : i32
      %mul3A_124 = arith.muli %mul3A_88, %mul3A_123 : i32
      %add3A_125 = arith.constant 0 : i32
      %add3A_126 = arith.addi %mul3A_124, %add3A_125 : i32
      %get3A_127 = arith.index_cast %add3A_126 : i32 to index
      %get3A_128 = tpu.vector_load %arg6[%get3A_127] {strides = array<i32>} : memref<2080xi32, #tpu.memory_space<vmem>>, vector<16xi32>,
      %slice3A_129 = vector.extract_strided_slice %get3A_128 {offsets = [0], sizes = [1], strides = [1]} : vector<16xi32> to vector<1xi32>
      %squeeze3A_130 = vector.extract %slice3A_129[0] : i32 from vector<1xi32>
      %and3A = arith.constant 1023 : i32
      %and3A_131 = arith.andi %squeeze3A_130, %and3A : i32
      %shift_right_arithmetic3A_132 = arith.constant 10 : i32
      %shift_right_arithmetic3A_133 = arith.shrsi %squeeze3A_130, %shift_right_arithmetic3A_132 : i32
      %sub3A = arith.subi %shift_right_arithmetic3A_133, %multiple_of3A_122 : i32
      %jit3A = arith.constant 0 : i32
      %jit3A_134 = arith.constant 127 : i32
      %max3A = arith.maxsi %jit3A, %sub3A : i32
      %min3A_135 = arith.minsi %jit3A_134, %max3A : i32
      %add3A_136 = arith.constant 0 : i32
      %add3A_137 = vector.broadcast %add3A_136 : i32 to vector<16xi32>
      %add3A_138 = arith.addi %add3A_137, %iota3A : vector<16xi32>
      %broadcast_in_dim3A = vector.broadcast %min3A_135 : i32 to vector<16xi32>
      %gather3A = tpu.vector_load_idx %arg8[%add3A_138, %broadcast_in_dim3A] : memref<64x128xf32, #tpu.memory_space<vmem>>[vector<16xi32>, vector<16xi32>], vector<16xf32>,
      %swap3A = arith.index_cast %and3A_131 : i32 to index
      %swap3A_139 = arith.constant 0 : index
      %swap3A_140 = tpu.vector_load %arg10[%swap3A, %swap3A_139] {strides = array<i32>} : memref<513x64xf32, #tpu.memory_space<vmem>>, vector<16xf32>,
      tpu.vector_store %arg10[%swap3A, %swap3A_139], %gather3A {strides = array<i32>} : memref<513x64xf32, #tpu.memory_space<vmem>>, vector<16xf32>,
      %add3A_141 = arith.constant 16 : i32
      %add3A_142 = vector.broadcast %add3A_141 : i32 to vector<16xi32>
      %add3A_143 = arith.addi %add3A_142, %iota3A : vector<16xi32>
      %broadcast_in_dim3A_144 = vector.broadcast %min3A_135 : i32 to vector<16xi32>
      %gather3A_145 = tpu.vector_load_idx %arg8[%add3A_143, %broadcast_in_dim3A_144] : memref<64x128xf32, #tpu.memory_space<vmem>>[vector<16xi32>, vector<16xi32>], vector<16xf32>,
      %swap3A_146 = arith.index_cast %and3A_131 : i32 to index
      %swap3A_147 = arith.constant 16 : index
      %swap3A_148 = tpu.vector_load %arg10[%swap3A_146, %swap3A_147] {strides = array<i32>} : memref<513x64xf32, #tpu.memory_space<vmem>>, vector<16xf32>,
      tpu.vector_store %arg10[%swap3A_146, %swap3A_147], %gather3A_145 {strides = array<i32>} : memref<513x64xf32, #tpu.memory_space<vmem>>, vector<16xf32>,
      %add3A_149 = arith.constant 32 : i32
      %add3A_150 = vector.broadcast %add3A_149 : i32 to vector<16xi32>
      %add3A_151 = arith.addi %add3A_150, %iota3A : vector<16xi32>
      %broadcast_in_dim3A_152 = vector.broadcast %min3A_135 : i32 to vector<16xi32>
      %gather3A_153 = tpu.vector_load_idx %arg8[%add3A_151, %broadcast_in_dim3A_152] : memref<64x128xf32, #tpu.memory_space<vmem>>[vector<16xi32>, vector<16xi32>], vector<16xf32>,
      %swap3A_154 = arith.index_cast %and3A_131 : i32 to index
      %swap3A_155 = arith.constant 32 : index
      %swap3A_156 = tpu.vector_load %arg10[%swap3A_154, %swap3A_155] {strides = array<i32>} : memref<513x64xf32, #tpu.memory_space<vmem>>, vector<16xf32>,
      tpu.vector_store %arg10[%swap3A_154, %swap3A_155], %gather3A_153 {strides = array<i32>} : memref<513x64xf32, #tpu.memory_space<vmem>>, vector<16xf32>,
      %add3A_157 = arith.constant 48 : i32
      %add3A_158 = vector.broadcast %add3A_157 : i32 to vector<16xi32>
      %add3A_159 = arith.addi %add3A_158, %iota3A : vector<16xi32>
      %broadcast_in_dim3A_160 = vector.broadcast %min3A_135 : i32 to vector<16xi32>
      %gather3A_161 = tpu.vector_load_idx %arg8[%add3A_159, %broadcast_in_dim3A_160] : memref<64x128xf32, #tpu.memory_space<vmem>>[vector<16xi32>, vector<16xi32>], vector<16xf32>,
      %swap3A_162 = arith.index_cast %and3A_131 : i32 to index
      %swap3A_163 = arith.constant 48 : index
      %swap3A_164 = tpu.vector_load %arg10[%swap3A_162, %swap3A_163] {strides = array<i32>} : memref<513x64xf32, #tpu.memory_space<vmem>>, vector<16xf32>,
      tpu.vector_store %arg10[%swap3A_162, %swap3A_163], %gather3A_161 {strides = array<i32>} : memref<513x64xf32, #tpu.memory_space<vmem>>, vector<16xf32>,
      %mul3A_165 = arith.constant 4 : i32
      %mul3A_166 = arith.muli %mul3A_88, %mul3A_165 : i32
      %add3A_167 = arith.constant 1 : i32
      %add3A_168 = arith.addi %mul3A_166, %add3A_167 : i32
      %get3A_169 = arith.index_cast %add3A_168 : i32 to index
      %get3A_170 = tpu.vector_load %arg6[%get3A_169] {strides = array<i32>} : memref<2080xi32, #tpu.memory_space<vmem>>, vector<16xi32>,
      %slice3A_171 = vector.extract_strided_slice %get3A_170 {offsets = [0], sizes = [1], strides = [1]} : vector<16xi32> to vector<1xi32>
      %squeeze3A_172 = vector.extract %slice3A_171[0] : i32 from vector<1xi32>
      %and3A_173 = arith.constant 1023 : i32
      %and3A_174 = arith.andi %squeeze3A_172, %and3A_173 : i32
      %shift_right_arithmetic3A_175 = arith.constant 10 : i32
      %shift_right_arithmetic3A_176 = arith.shrsi %squeeze3A_172, %shift_right_arithmetic3A_175 : i32
      %sub3A_177 = arith.subi %shift_right_arithmetic3A_176, %multiple_of3A_122 : i32
      %jit3A_178 = arith.constant 0 : i32
      %jit3A_179 = arith.constant 127 : i32
      %max3A_180 = arith.maxsi %jit3A_178, %sub3A_177 : i32
      %min3A_181 = arith.minsi %jit3A_179, %max3A_180 : i32
      %add3A_182 = arith.constant 0 : i32
      %add3A_183 = vector.broadcast %add3A_182 : i32 to vector<16xi32>
      %add3A_184 = arith.addi %add3A_183, %iota3A : vector<16xi32>
      %broadcast_in_dim3A_185 = vector.broadcast %min3A_181 : i32 to vector<16xi32>
      %gather3A_186 = tpu.vector_load_idx %arg8[%add3A_184, %broadcast_in_dim3A_185] : memref<64x128xf32, #tpu.memory_space<vmem>>[vector<16xi32>, vector<16xi32>], vector<16xf32>,
      %swap3A_187 = arith.index_cast %and3A_174 : i32 to index
      %swap3A_188 = arith.constant 0 : index
      %swap3A_189 = tpu.vector_load %arg10[%swap3A_187, %swap3A_188] {strides = array<i32>} : memref<513x64xf32, #tpu.memory_space<vmem>>, vector<16xf32>,
      tpu.vector_store %arg10[%swap3A_187, %swap3A_188], %gather3A_186 {strides = array<i32>} : memref<513x64xf32, #tpu.memory_space<vmem>>, vector<16xf32>,
      %add3A_190 = arith.constant 16 : i32
      %add3A_191 = vector.broadcast %add3A_190 : i32 to vector<16xi32>
      %add3A_192 = arith.addi %add3A_191, %iota3A : vector<16xi32>
      %broadcast_in_dim3A_193 = vector.broadcast %min3A_181 : i32 to vector<16xi32>
      %gather3A_194 = tpu.vector_load_idx %arg8[%add3A_192, %broadcast_in_dim3A_193] : memref<64x128xf32, #tpu.memory_space<vmem>>[vector<16xi32>, vector<16xi32>], vector<16xf32>,
      %swap3A_195 = arith.index_cast %and3A_174 : i32 to index
      %swap3A_196 = arith.constant 16 : index
      %swap3A_197 = tpu.vector_load %arg10[%swap3A_195, %swap3A_196] {strides = array<i32>} : memref<513x64xf32, #tpu.memory_space<vmem>>, vector<16xf32>,
      tpu.vector_store %arg10[%swap3A_195, %swap3A_196], %gather3A_194 {strides = array<i32>} : memref<513x64xf32, #tpu.memory_space<vmem>>, vector<16xf32>,
      %add3A_198 = arith.constant 32 : i32
      %add3A_199 = vector.broadcast %add3A_198 : i32 to vector<16xi32>
      %add3A_200 = arith.addi %add3A_199, %iota3A : vector<16xi32>
      %broadcast_in_dim3A_201 = vector.broadcast %min3A_181 : i32 to vector<16xi32>
      %gather3A_202 = tpu.vector_load_idx %arg8[%add3A_200, %broadcast_in_dim3A_201] : memref<64x128xf32, #tpu.memory_space<vmem>>[vector<16xi32>, vector<16xi32>], vector<16xf32>,
      %swap3A_203 = arith.index_cast %and3A_174 : i32 to index
      %swap3A_204 = arith.constant 32 : index
      %swap3A_205 = tpu.vector_load %arg10[%swap3A_203, %swap3A_204] {strides = array<i32>} : memref<513x64xf32, #tpu.memory_space<vmem>>, vector<16xf32>,
      tpu.vector_store %arg10[%swap3A_203, %swap3A_204], %gather3A_202 {strides = array<i32>} : memref<513x64xf32, #tpu.memory_space<vmem>>, vector<16xf32>,
      %add3A_206 = arith.constant 48 : i32
      %add3A_207 = vector.broadcast %add3A_206 : i32 to vector<16xi32>
      %add3A_208 = arith.addi %add3A_207, %iota3A : vector<16xi32>
      %broadcast_in_dim3A_209 = vector.broadcast %min3A_181 : i32 to vector<16xi32>
      %gather3A_210 = tpu.vector_load_idx %arg8[%add3A_208, %broadcast_in_dim3A_209] : memref<64x128xf32, #tpu.memory_space<vmem>>[vector<16xi32>, vector<16xi32>], vector<16xf32>,
      %swap3A_211 = arith.index_cast %and3A_174 : i32 to index
      %swap3A_212 = arith.constant 48 : index
      %swap3A_213 = tpu.vector_load %arg10[%swap3A_211, %swap3A_212] {strides = array<i32>} : memref<513x64xf32, #tpu.memory_space<vmem>>, vector<16xf32>,
      tpu.vector_store %arg10[%swap3A_211, %swap3A_212], %gather3A_210 {strides = array<i32>} : memref<513x64xf32, #tpu.memory_space<vmem>>, vector<16xf32>,
      %mul3A_214 = arith.constant 4 : i32
      %mul3A_215 = arith.muli %mul3A_88, %mul3A_214 : i32
      %add3A_216 = arith.constant 2 : i32
      %add3A_217 = arith.addi %mul3A_215, %add3A_216 : i32
      %get3A_218 = arith.index_cast %add3A_217 : i32 to index
      %get3A_219 = tpu.vector_load %arg6[%get3A_218] {strides = array<i32>} : memref<2080xi32, #tpu.memory_space<vmem>>, vector<16xi32>,
      %slice3A_220 = vector.extract_strided_slice %get3A_219 {offsets = [0], sizes = [1], strides = [1]} : vector<16xi32> to vector<1xi32>
      %squeeze3A_221 = vector.extract %slice3A_220[0] : i32 from vector<1xi32>
      %and3A_222 = arith.constant 1023 : i32
      %and3A_223 = arith.andi %squeeze3A_221, %and3A_222 : i32
      %shift_right_arithmetic3A_224 = arith.constant 10 : i32
      %shift_right_arithmetic3A_225 = arith.shrsi %squeeze3A_221, %shift_right_arithmetic3A_224 : i32
      %sub3A_226 = arith.subi %shift_right_arithmetic3A_225, %multiple_of3A_122 : i32
      %jit3A_227 = arith.constant 0 : i32
      %jit3A_228 = arith.constant 127 : i32
      %max3A_229 = arith.maxsi %jit3A_227, %sub3A_226 : i32
      %min3A_230 = arith.minsi %jit3A_228, %max3A_229 : i32
      %add3A_231 = arith.constant 0 : i32
      %add3A_232 = vector.broadcast %add3A_231 : i32 to vector<16xi32>
      %add3A_233 = arith.addi %add3A_232, %iota3A : vector<16xi32>
      %broadcast_in_dim3A_234 = vector.broadcast %min3A_230 : i32 to vector<16xi32>
      %gather3A_235 = tpu.vector_load_idx %arg8[%add3A_233, %broadcast_in_dim3A_234] : memref<64x128xf32, #tpu.memory_space<vmem>>[vector<16xi32>, vector<16xi32>], vector<16xf32>,
      %swap3A_236 = arith.index_cast %and3A_223 : i32 to index
      %swap3A_237 = arith.constant 0 : index
      %swap3A_238 = tpu.vector_load %arg10[%swap3A_236, %swap3A_237] {strides = array<i32>} : memref<513x64xf32, #tpu.memory_space<vmem>>, vector<16xf32>,
      tpu.vector_store %arg10[%swap3A_236, %swap3A_237], %gather3A_235 {strides = array<i32>} : memref<513x64xf32, #tpu.memory_space<vmem>>, vector<16xf32>,
      %add3A_239 = arith.constant 16 : i32
      %add3A_240 = vector.broadcast %add3A_239 : i32 to vector<16xi32>
      %add3A_241 = arith.addi %add3A_240, %iota3A : vector<16xi32>
      %broadcast_in_dim3A_242 = vector.broadcast %min3A_230 : i32 to vector<16xi32>
      %gather3A_243 = tpu.vector_load_idx %arg8[%add3A_241, %broadcast_in_dim3A_242] : memref<64x128xf32, #tpu.memory_space<vmem>>[vector<16xi32>, vector<16xi32>], vector<16xf32>,
      %swap3A_244 = arith.index_cast %and3A_223 : i32 to index
      %swap3A_245 = arith.constant 16 : index
      %swap3A_246 = tpu.vector_load %arg10[%swap3A_244, %swap3A_245] {strides = array<i32>} : memref<513x64xf32, #tpu.memory_space<vmem>>, vector<16xf32>,
      tpu.vector_store %arg10[%swap3A_244, %swap3A_245], %gather3A_243 {strides = array<i32>} : memref<513x64xf32, #tpu.memory_space<vmem>>, vector<16xf32>,
      %add3A_247 = arith.constant 32 : i32
      %add3A_248 = vector.broadcast %add3A_247 : i32 to vector<16xi32>
      %add3A_249 = arith.addi %add3A_248, %iota3A : vector<16xi32>
      %broadcast_in_dim3A_250 = vector.broadcast %min3A_230 : i32 to vector<16xi32>
      %gather3A_251 = tpu.vector_load_idx %arg8[%add3A_249, %broadcast_in_dim3A_250] : memref<64x128xf32, #tpu.memory_space<vmem>>[vector<16xi32>, vector<16xi32>], vector<16xf32>,
      %swap3A_252 = arith.index_cast %and3A_223 : i32 to index
      %swap3A_253 = arith.constant 32 : index
      %swap3A_254 = tpu.vector_load %arg10[%swap3A_252, %swap3A_253] {strides = array<i32>} : memref<513x64xf32, #tpu.memory_space<vmem>>, vector<16xf32>,
      tpu.vector_store %arg10[%swap3A_252, %swap3A_253], %gather3A_251 {strides = array<i32>} : memref<513x64xf32, #tpu.memory_space<vmem>>, vector<16xf32>,
      %add3A_255 = arith.constant 48 : i32
      %add3A_256 = vector.broadcast %add3A_255 : i32 to vector<16xi32>
      %add3A_257 = arith.addi %add3A_256, %iota3A : vector<16xi32>
      %broadcast_in_dim3A_258 = vector.broadcast %min3A_230 : i32 to vector<16xi32>
      %gather3A_259 = tpu.vector_load_idx %arg8[%add3A_257, %broadcast_in_dim3A_258] : memref<64x128xf32, #tpu.memory_space<vmem>>[vector<16xi32>, vector<16xi32>], vector<16xf32>,
      %swap3A_260 = arith.index_cast %and3A_223 : i32 to index
      %swap3A_261 = arith.constant 48 : index
      %swap3A_262 = tpu.vector_load %arg10[%swap3A_260, %swap3A_261] {strides = array<i32>} : memref<513x64xf32, #tpu.memory_space<vmem>>, vector<16xf32>,
      tpu.vector_store %arg10[%swap3A_260, %swap3A_261], %gather3A_259 {strides = array<i32>} : memref<513x64xf32, #tpu.memory_space<vmem>>, vector<16xf32>,
      %mul3A_263 = arith.constant 4 : i32
      %mul3A_264 = arith.muli %mul3A_88, %mul3A_263 : i32
      %add3A_265 = arith.constant 3 : i32
      %add3A_266 = arith.addi %mul3A_264, %add3A_265 : i32
      %get3A_267 = arith.index_cast %add3A_266 : i32 to index
      %get3A_268 = tpu.vector_load %arg6[%get3A_267] {strides = array<i32>} : memref<2080xi32, #tpu.memory_space<vmem>>, vector<16xi32>,
      %slice3A_269 = vector.extract_strided_slice %get3A_268 {offsets = [0], sizes = [1], strides = [1]} : vector<16xi32> to vector<1xi32>
      %squeeze3A_270 = vector.extract %slice3A_269[0] : i32 from vector<1xi32>
      %and3A_271 = arith.constant 1023 : i32
      %and3A_272 = arith.andi %squeeze3A_270, %and3A_271 : i32
      %shift_right_arithmetic3A_273 = arith.constant 10 : i32
      %shift_right_arithmetic3A_274 = arith.shrsi %squeeze3A_270, %shift_right_arithmetic3A_273 : i32
      %sub3A_275 = arith.subi %shift_right_arithmetic3A_274, %multiple_of3A_122 : i32
      %jit3A_276 = arith.constant 0 : i32
      %jit3A_277 = arith.constant 127 : i32
      %max3A_278 = arith.maxsi %jit3A_276, %sub3A_275 : i32
      %min3A_279 = arith.minsi %jit3A_277, %max3A_278 : i32
      %add3A_280 = arith.constant 0 : i32
      %add3A_281 = vector.broadcast %add3A_280 : i32 to vector<16xi32>
      %add3A_282 = arith.addi %add3A_281, %iota3A : vector<16xi32>
      %broadcast_in_dim3A_283 = vector.broadcast %min3A_279 : i32 to vector<16xi32>
      %gather3A_284 = tpu.vector_load_idx %arg8[%add3A_282, %broadcast_in_dim3A_283] : memref<64x128xf32, #tpu.memory_space<vmem>>[vector<16xi32>, vector<16xi32>], vector<16xf32>,
      %swap3A_285 = arith.index_cast %and3A_272 : i32 to index
      %swap3A_286 = arith.constant 0 : index
      %swap3A_287 = tpu.vector_load %arg10[%swap3A_285, %swap3A_286] {strides = array<i32>} : memref<513x64xf32, #tpu.memory_space<vmem>>, vector<16xf32>,
      tpu.vector_store %arg10[%swap3A_285, %swap3A_286], %gather3A_284 {strides = array<i32>} : memref<513x64xf32, #tpu.memory_space<vmem>>, vector<16xf32>,
      %add3A_288 = arith.constant 16 : i32
      %add3A_289 = vector.broadcast %add3A_288 : i32 to vector<16xi32>
      %add3A_290 = arith.addi %add3A_289, %iota3A : vector<16xi32>
      %broadcast_in_dim3A_291 = vector.broadcast %min3A_279 : i32 to vector<16xi32>
      %gather3A_292 = tpu.vector_load_idx %arg8[%add3A_290, %broadcast_in_dim3A_291] : memref<64x128xf32, #tpu.memory_space<vmem>>[vector<16xi32>, vector<16xi32>], vector<16xf32>,
      %swap3A_293 = arith.index_cast %and3A_272 : i32 to index
      %swap3A_294 = arith.constant 16 : index
      %swap3A_295 = tpu.vector_load %arg10[%swap3A_293, %swap3A_294] {strides = array<i32>} : memref<513x64xf32, #tpu.memory_space<vmem>>, vector<16xf32>,
      tpu.vector_store %arg10[%swap3A_293, %swap3A_294], %gather3A_292 {strides = array<i32>} : memref<513x64xf32, #tpu.memory_space<vmem>>, vector<16xf32>,
      %add3A_296 = arith.constant 32 : i32
      %add3A_297 = vector.broadcast %add3A_296 : i32 to vector<16xi32>
      %add3A_298 = arith.addi %add3A_297, %iota3A : vector<16xi32>
      %broadcast_in_dim3A_299 = vector.broadcast %min3A_279 : i32 to vector<16xi32>
      %gather3A_300 = tpu.vector_load_idx %arg8[%add3A_298, %broadcast_in_dim3A_299] : memref<64x128xf32, #tpu.memory_space<vmem>>[vector<16xi32>, vector<16xi32>], vector<16xf32>,
      %swap3A_301 = arith.index_cast %and3A_272 : i32 to index
      %swap3A_302 = arith.constant 32 : index
      %swap3A_303 = tpu.vector_load %arg10[%swap3A_301, %swap3A_302] {strides = array<i32>} : memref<513x64xf32, #tpu.memory_space<vmem>>, vector<16xf32>,
      tpu.vector_store %arg10[%swap3A_301, %swap3A_302], %gather3A_300 {strides = array<i32>} : memref<513x64xf32, #tpu.memory_space<vmem>>, vector<16xf32>,
      %add3A_304 = arith.constant 48 : i32
      %add3A_305 = vector.broadcast %add3A_304 : i32 to vector<16xi32>
      %add3A_306 = arith.addi %add3A_305, %iota3A : vector<16xi32>
      %broadcast_in_dim3A_307 = vector.broadcast %min3A_279 : i32 to vector<16xi32>
      %gather3A_308 = tpu.vector_load_idx %arg8[%add3A_306, %broadcast_in_dim3A_307] : memref<64x128xf32, #tpu.memory_space<vmem>>[vector<16xi32>, vector<16xi32>], vector<16xf32>,
      %swap3A_309 = arith.index_cast %and3A_272 : i32 to index
      %swap3A_310 = arith.constant 48 : index
      %swap3A_311 = tpu.vector_load %arg10[%swap3A_309, %swap3A_310] {strides = array<i32>} : memref<513x64xf32, #tpu.memory_space<vmem>>, vector<16xf32>,
      tpu.vector_store %arg10[%swap3A_309, %swap3A_310], %gather3A_308 {strides = array<i32>} : memref<513x64xf32, #tpu.memory_space<vmem>>, vector<16xf32>,
      %add3A_312 = arith.constant 2 : i32
      %add3A_313 = arith.addi %mul3A_88, %add3A_312 : i32
      %mul3A_314 = arith.constant 4 : i32
      %mul3A_315 = arith.muli %add3A_313, %mul3A_314 : i32
      %get3A_316 = arith.index_cast %mul3A_315 : i32 to index
      %get3A_317 = tpu.vector_load %arg6[%get3A_316] {strides = array<i32>} : memref<2080xi32, #tpu.memory_space<vmem>>, vector<16xi32>,
      %slice3A_318 = vector.extract_strided_slice %get3A_317 {offsets = [0], sizes = [1], strides = [1]} : vector<16xi32> to vector<1xi32>
      %squeeze3A_319 = vector.extract %slice3A_318[0] : i32 from vector<1xi32>
      %shift_right_arithmetic3A_320 = arith.constant 10 : i32
      %shift_right_arithmetic3A_321 = arith.shrsi %squeeze3A_319, %shift_right_arithmetic3A_320 : i32
      %shift_right_arithmetic3A_322 = arith.constant 7 : i32
      %shift_right_arithmetic3A_323 = arith.shrsi %shift_right_arithmetic3A_321, %shift_right_arithmetic3A_322 : i32
      %mul3A_324 = arith.constant 128 : i32
      %mul3A_325 = arith.muli %shift_right_arithmetic3A_323, %mul3A_324 : i32
      %min3A_326 = arith.constant 999872 : i32
      %min3A_327 = arith.minsi %mul3A_325, %min3A_326 : i32
      %multiple_of3A_328 = tpu.assume_multiple %min3A_327, 128 : i32
      %dma_start3A_329 = arith.constant 0 : i32
      %dma_start3A_330 = tpu.memref_slice %arg4[%dma_start3A_329, %multiple_of3A_328] : memref<64x1000000xf32, #tpu.memory_space<hbm>> -> memref<64x128xf32, #tpu.memory_space<hbm>>
      %dma_start3A_331 = arith.constant 0 : i32
      %dma_start3A_332 = tpu.memref_slice %arg4[%dma_start3A_331, %multiple_of3A_328] : memref<64x1000000xf32, #tpu.memory_space<hbm>> -> memref<64x128xf32, #tpu.memory_space<hbm>>
      tpu.enqueue_dma source(%dma_start3A_332 : memref<64x128xf32, #tpu.memory_space<hbm>>) target(%arg8 : memref<64x128xf32, #tpu.memory_space<vmem>>) target_semaphore(%arg11 : memref<!tpu.dma_semaphore, #tpu.memory_space<semaphore_mem>>)
      %mul3A_333 = arith.constant 2 : i32
      %mul3A_334 = arith.muli %mul3A_333, %while3A_86 : i32
      %add3A_335 = arith.constant 1 : i32
      %add3A_336 = arith.addi %mul3A_334, %add3A_335 : i32
      %mul3A_337 = arith.constant 4 : i32
      %mul3A_338 = arith.muli %add3A_336, %mul3A_337 : i32
      %get3A_339 = arith.index_cast %mul3A_338 : i32 to index
      %get3A_340 = tpu.vector_load %arg6[%get3A_339] {strides = array<i32>} : memref<2080xi32, #tpu.memory_space<vmem>>, vector<16xi32>,
      %slice3A_341 = vector.extract_strided_slice %get3A_340 {offsets = [0], sizes = [1], strides = [1]} : vector<16xi32> to vector<1xi32>
      %squeeze3A_342 = vector.extract %slice3A_341[0] : i32 from vector<1xi32>
      %shift_right_arithmetic3A_343 = arith.constant 10 : i32
      %shift_right_arithmetic3A_344 = arith.shrsi %squeeze3A_342, %shift_right_arithmetic3A_343 : i32
      %shift_right_arithmetic3A_345 = arith.constant 7 : i32
      %shift_right_arithmetic3A_346 = arith.shrsi %shift_right_arithmetic3A_344, %shift_right_arithmetic3A_345 : i32
      %mul3A_347 = arith.constant 128 : i32
      %mul3A_348 = arith.muli %shift_right_arithmetic3A_346, %mul3A_347 : i32
      %min3A_349 = arith.constant 999872 : i32
      %min3A_350 = arith.minsi %mul3A_348, %min3A_349 : i32
      %multiple_of3A_351 = tpu.assume_multiple %min3A_350, 128 : i32
      %dma_wait3A_352 = arith.constant 0 : i32
      %dma_wait3A_353 = tpu.memref_slice %arg4[%dma_wait3A_352, %multiple_of3A_351] : memref<64x1000000xf32, #tpu.memory_space<hbm>> -> memref<64x128xf32, #tpu.memory_space<hbm>>
      %dma_wait3A_354 = arith.constant 0 : i32
      %dma_wait3A_355 = tpu.memref_slice %arg4[%dma_wait3A_354, %multiple_of3A_351] : memref<64x1000000xf32, #tpu.memory_space<hbm>> -> memref<64x128xf32, #tpu.memory_space<hbm>>
      tpu.wait_dma2 semaphore(%arg12 : memref<!tpu.dma_semaphore, #tpu.memory_space<semaphore_mem>>) src(%dma_wait3A_355 : memref<64x128xf32, #tpu.memory_space<hbm>>) dst(%arg9 : memref<64x128xf32, #tpu.memory_space<vmem>>)
      %mul3A_356 = arith.constant 4 : i32
      %mul3A_357 = arith.muli %add3A_336, %mul3A_356 : i32
      %get3A_358 = arith.index_cast %mul3A_357 : i32 to index
      %get3A_359 = tpu.vector_load %arg6[%get3A_358] {strides = array<i32>} : memref<2080xi32, #tpu.memory_space<vmem>>, vector<16xi32>,
      %slice3A_360 = vector.extract_strided_slice %get3A_359 {offsets = [0], sizes = [1], strides = [1]} : vector<16xi32> to vector<1xi32>
      %squeeze3A_361 = vector.extract %slice3A_360[0] : i32 from vector<1xi32>
      %shift_right_arithmetic3A_362 = arith.constant 10 : i32
      %shift_right_arithmetic3A_363 = arith.shrsi %squeeze3A_361, %shift_right_arithmetic3A_362 : i32
      %shift_right_arithmetic3A_364 = arith.constant 7 : i32
      %shift_right_arithmetic3A_365 = arith.shrsi %shift_right_arithmetic3A_363, %shift_right_arithmetic3A_364 : i32
      %mul3A_366 = arith.constant 128 : i32
      %mul3A_367 = arith.muli %shift_right_arithmetic3A_365, %mul3A_366 : i32
      %min3A_368 = arith.constant 999872 : i32
      %min3A_369 = arith.minsi %mul3A_367, %min3A_368 : i32
      %multiple_of3A_370 = tpu.assume_multiple %min3A_369, 128 : i32
      %mul3A_371 = arith.constant 4 : i32
      %mul3A_372 = arith.muli %add3A_336, %mul3A_371 : i32
      %add3A_373 = arith.constant 0 : i32
      %add3A_374 = arith.addi %mul3A_372, %add3A_373 : i32
      %get3A_375 = arith.index_cast %add3A_374 : i32 to index
      %get3A_376 = tpu.vector_load %arg6[%get3A_375] {strides = array<i32>} : memref<2080xi32, #tpu.memory_space<vmem>>, vector<16xi32>,
      %slice3A_377 = vector.extract_strided_slice %get3A_376 {offsets = [0], sizes = [1], strides = [1]} : vector<16xi32> to vector<1xi32>
      %squeeze3A_378 = vector.extract %slice3A_377[0] : i32 from vector<1xi32>
      %and3A_379 = arith.constant 1023 : i32
      %and3A_380 = arith.andi %squeeze3A_378, %and3A_379 : i32
      %shift_right_arithmetic3A_381 = arith.constant 10 : i32
      %shift_right_arithmetic3A_382 = arith.shrsi %squeeze3A_378, %shift_right_arithmetic3A_381 : i32
      %sub3A_383 = arith.subi %shift_right_arithmetic3A_382, %multiple_of3A_370 : i32
      %jit3A_384 = arith.constant 0 : i32
      %jit3A_385 = arith.constant 127 : i32
      %max3A_386 = arith.maxsi %jit3A_384, %sub3A_383 : i32
      %min3A_387 = arith.minsi %jit3A_385, %max3A_386 : i32
      %add3A_388 = arith.constant 0 : i32
      %add3A_389 = vector.broadcast %add3A_388 : i32 to vector<16xi32>
      %add3A_390 = arith.addi %add3A_389, %iota3A : vector<16xi32>
      %broadcast_in_dim3A_391 = vector.broadcast %min3A_387 : i32 to vector<16xi32>
      %gather3A_392 = tpu.vector_load_idx %arg9[%add3A_390, %broadcast_in_dim3A_391] : memref<64x128xf32, #tpu.memory_space<vmem>>[vector<16xi32>, vector<16xi32>], vector<16xf32>,
      %swap3A_393 = arith.index_cast %and3A_380 : i32 to index
      %swap3A_394 = arith.constant 0 : index
      %swap3A_395 = tpu.vector_load %arg10[%swap3A_393, %swap3A_394] {strides = array<i32>} : memref<513x64xf32, #tpu.memory_space<vmem>>, vector<16xf32>,
      tpu.vector_store %arg10[%swap3A_393, %swap3A_394], %gather3A_392 {strides = array<i32>} : memref<513x64xf32, #tpu.memory_space<vmem>>, vector<16xf32>,
      %add3A_396 = arith.constant 16 : i32
      %add3A_397 = vector.broadcast %add3A_396 : i32 to vector<16xi32>
      %add3A_398 = arith.addi %add3A_397, %iota3A : vector<16xi32>
      %broadcast_in_dim3A_399 = vector.broadcast %min3A_387 : i32 to vector<16xi32>
      %gather3A_400 = tpu.vector_load_idx %arg9[%add3A_398, %broadcast_in_dim3A_399] : memref<64x128xf32, #tpu.memory_space<vmem>>[vector<16xi32>, vector<16xi32>], vector<16xf32>,
      %swap3A_401 = arith.index_cast %and3A_380 : i32 to index
      %swap3A_402 = arith.constant 16 : index
      %swap3A_403 = tpu.vector_load %arg10[%swap3A_401, %swap3A_402] {strides = array<i32>} : memref<513x64xf32, #tpu.memory_space<vmem>>, vector<16xf32>,
      tpu.vector_store %arg10[%swap3A_401, %swap3A_402], %gather3A_400 {strides = array<i32>} : memref<513x64xf32, #tpu.memory_space<vmem>>, vector<16xf32>,
      %add3A_404 = arith.constant 32 : i32
      %add3A_405 = vector.broadcast %add3A_404 : i32 to vector<16xi32>
      %add3A_406 = arith.addi %add3A_405, %iota3A : vector<16xi32>
      %broadcast_in_dim3A_407 = vector.broadcast %min3A_387 : i32 to vector<16xi32>
      %gather3A_408 = tpu.vector_load_idx %arg9[%add3A_406, %broadcast_in_dim3A_407] : memref<64x128xf32, #tpu.memory_space<vmem>>[vector<16xi32>, vector<16xi32>], vector<16xf32>,
      %swap3A_409 = arith.index_cast %and3A_380 : i32 to index
      %swap3A_410 = arith.constant 32 : index
      %swap3A_411 = tpu.vector_load %arg10[%swap3A_409, %swap3A_410] {strides = array<i32>} : memref<513x64xf32, #tpu.memory_space<vmem>>, vector<16xf32>,
      tpu.vector_store %arg10[%swap3A_409, %swap3A_410], %gather3A_408 {strides = array<i32>} : memref<513x64xf32, #tpu.memory_space<vmem>>, vector<16xf32>,
      %add3A_412 = arith.constant 48 : i32
      %add3A_413 = vector.broadcast %add3A_412 : i32 to vector<16xi32>
      %add3A_414 = arith.addi %add3A_413, %iota3A : vector<16xi32>
      %broadcast_in_dim3A_415 = vector.broadcast %min3A_387 : i32 to vector<16xi32>
      %gather3A_416 = tpu.vector_load_idx %arg9[%add3A_414, %broadcast_in_dim3A_415] : memref<64x128xf32, #tpu.memory_space<vmem>>[vector<16xi32>, vector<16xi32>], vector<16xf32>,
      %swap3A_417 = arith.index_cast %and3A_380 : i32 to index
      %swap3A_418 = arith.constant 48 : index
      %swap3A_419 = tpu.vector_load %arg10[%swap3A_417, %swap3A_418] {strides = array<i32>} : memref<513x64xf32, #tpu.memory_space<vmem>>, vector<16xf32>,
      tpu.vector_store %arg10[%swap3A_417, %swap3A_418], %gather3A_416 {strides = array<i32>} : memref<513x64xf32, #tpu.memory_space<vmem>>, vector<16xf32>,
      %mul3A_420 = arith.constant 4 : i32
      %mul3A_421 = arith.muli %add3A_336, %mul3A_420 : i32
      %add3A_422 = arith.constant 1 : i32
      %add3A_423 = arith.addi %mul3A_421, %add3A_422 : i32
      %get3A_424 = arith.index_cast %add3A_423 : i32 to index
      %get3A_425 = tpu.vector_load %arg6[%get3A_424] {strides = array<i32>} : memref<2080xi32, #tpu.memory_space<vmem>>, vector<16xi32>,
      %slice3A_426 = vector.extract_strided_slice %get3A_425 {offsets = [0], sizes = [1], strides = [1]} : vector<16xi32> to vector<1xi32>
      %squeeze3A_427 = vector.extract %slice3A_426[0] : i32 from vector<1xi32>
      %and3A_428 = arith.constant 1023 : i32
      %and3A_429 = arith.andi %squeeze3A_427, %and3A_428 : i32
      %shift_right_arithmetic3A_430 = arith.constant 10 : i32
      %shift_right_arithmetic3A_431 = arith.shrsi %squeeze3A_427, %shift_right_arithmetic3A_430 : i32
      %sub3A_432 = arith.subi %shift_right_arithmetic3A_431, %multiple_of3A_370 : i32
      %jit3A_433 = arith.constant 0 : i32
      %jit3A_434 = arith.constant 127 : i32
      %max3A_435 = arith.maxsi %jit3A_433, %sub3A_432 : i32
      %min3A_436 = arith.minsi %jit3A_434, %max3A_435 : i32
      %add3A_437 = arith.constant 0 : i32
      %add3A_438 = vector.broadcast %add3A_437 : i32 to vector<16xi32>
      %add3A_439 = arith.addi %add3A_438, %iota3A : vector<16xi32>
      %broadcast_in_dim3A_440 = vector.broadcast %min3A_436 : i32 to vector<16xi32>
      %gather3A_441 = tpu.vector_load_idx %arg9[%add3A_439, %broadcast_in_dim3A_440] : memref<64x128xf32, #tpu.memory_space<vmem>>[vector<16xi32>, vector<16xi32>], vector<16xf32>,
      %swap3A_442 = arith.index_cast %and3A_429 : i32 to index
      %swap3A_443 = arith.constant 0 : index
      %swap3A_444 = tpu.vector_load %arg10[%swap3A_442, %swap3A_443] {strides = array<i32>} : memref<513x64xf32, #tpu.memory_space<vmem>>, vector<16xf32>,
      tpu.vector_store %arg10[%swap3A_442, %swap3A_443], %gather3A_441 {strides = array<i32>} : memref<513x64xf32, #tpu.memory_space<vmem>>, vector<16xf32>,
      %add3A_445 = arith.constant 16 : i32
      %add3A_446 = vector.broadcast %add3A_445 : i32 to vector<16xi32>
      %add3A_447 = arith.addi %add3A_446, %iota3A : vector<16xi32>
      %broadcast_in_dim3A_448 = vector.broadcast %min3A_436 : i32 to vector<16xi32>
      %gather3A_449 = tpu.vector_load_idx %arg9[%add3A_447, %broadcast_in_dim3A_448] : memref<64x128xf32, #tpu.memory_space<vmem>>[vector<16xi32>, vector<16xi32>], vector<16xf32>,
      %swap3A_450 = arith.index_cast %and3A_429 : i32 to index
      %swap3A_451 = arith.constant 16 : index
      %swap3A_452 = tpu.vector_load %arg10[%swap3A_450, %swap3A_451] {strides = array<i32>} : memref<513x64xf32, #tpu.memory_space<vmem>>, vector<16xf32>,
      tpu.vector_store %arg10[%swap3A_450, %swap3A_451], %gather3A_449 {strides = array<i32>} : memref<513x64xf32, #tpu.memory_space<vmem>>, vector<16xf32>,
      %add3A_453 = arith.constant 32 : i32
      %add3A_454 = vector.broadcast %add3A_453 : i32 to vector<16xi32>
      %add3A_455 = arith.addi %add3A_454, %iota3A : vector<16xi32>
      %broadcast_in_dim3A_456 = vector.broadcast %min3A_436 : i32 to vector<16xi32>
      %gather3A_457 = tpu.vector_load_idx %arg9[%add3A_455, %broadcast_in_dim3A_456] : memref<64x128xf32, #tpu.memory_space<vmem>>[vector<16xi32>, vector<16xi32>], vector<16xf32>,
      %swap3A_458 = arith.index_cast %and3A_429 : i32 to index
      %swap3A_459 = arith.constant 32 : index
      %swap3A_460 = tpu.vector_load %arg10[%swap3A_458, %swap3A_459] {strides = array<i32>} : memref<513x64xf32, #tpu.memory_space<vmem>>, vector<16xf32>,
      tpu.vector_store %arg10[%swap3A_458, %swap3A_459], %gather3A_457 {strides = array<i32>} : memref<513x64xf32, #tpu.memory_space<vmem>>, vector<16xf32>,
      %add3A_461 = arith.constant 48 : i32
      %add3A_462 = vector.broadcast %add3A_461 : i32 to vector<16xi32>
      %add3A_463 = arith.addi %add3A_462, %iota3A : vector<16xi32>
      %broadcast_in_dim3A_464 = vector.broadcast %min3A_436 : i32 to vector<16xi32>
      %gather3A_465 = tpu.vector_load_idx %arg9[%add3A_463, %broadcast_in_dim3A_464] : memref<64x128xf32, #tpu.memory_space<vmem>>[vector<16xi32>, vector<16xi32>], vector<16xf32>,
      %swap3A_466 = arith.index_cast %and3A_429 : i32 to index
      %swap3A_467 = arith.constant 48 : index
      %swap3A_468 = tpu.vector_load %arg10[%swap3A_466, %swap3A_467] {strides = array<i32>} : memref<513x64xf32, #tpu.memory_space<vmem>>, vector<16xf32>,
      tpu.vector_store %arg10[%swap3A_466, %swap3A_467], %gather3A_465 {strides = array<i32>} : memref<513x64xf32, #tpu.memory_space<vmem>>, vector<16xf32>,
      %mul3A_469 = arith.constant 4 : i32
      %mul3A_470 = arith.muli %add3A_336, %mul3A_469 : i32
      %add3A_471 = arith.constant 2 : i32
      %add3A_472 = arith.addi %mul3A_470, %add3A_471 : i32
      %get3A_473 = arith.index_cast %add3A_472 : i32 to index
      %get3A_474 = tpu.vector_load %arg6[%get3A_473] {strides = array<i32>} : memref<2080xi32, #tpu.memory_space<vmem>>, vector<16xi32>,
      %slice3A_475 = vector.extract_strided_slice %get3A_474 {offsets = [0], sizes = [1], strides = [1]} : vector<16xi32> to vector<1xi32>
      %squeeze3A_476 = vector.extract %slice3A_475[0] : i32 from vector<1xi32>
      %and3A_477 = arith.constant 1023 : i32
      %and3A_478 = arith.andi %squeeze3A_476, %and3A_477 : i32
      %shift_right_arithmetic3A_479 = arith.constant 10 : i32
      %shift_right_arithmetic3A_480 = arith.shrsi %squeeze3A_476, %shift_right_arithmetic3A_479 : i32
      %sub3A_481 = arith.subi %shift_right_arithmetic3A_480, %multiple_of3A_370 : i32
      %jit3A_482 = arith.constant 0 : i32
      %jit3A_483 = arith.constant 127 : i32
      %max3A_484 = arith.maxsi %jit3A_482, %sub3A_481 : i32
      %min3A_485 = arith.minsi %jit3A_483, %max3A_484 : i32
      %add3A_486 = arith.constant 0 : i32
      %add3A_487 = vector.broadcast %add3A_486 : i32 to vector<16xi32>
      %add3A_488 = arith.addi %add3A_487, %iota3A : vector<16xi32>
      %broadcast_in_dim3A_489 = vector.broadcast %min3A_485 : i32 to vector<16xi32>
      %gather3A_490 = tpu.vector_load_idx %arg9[%add3A_488, %broadcast_in_dim3A_489] : memref<64x128xf32, #tpu.memory_space<vmem>>[vector<16xi32>, vector<16xi32>], vector<16xf32>,
      %swap3A_491 = arith.index_cast %and3A_478 : i32 to index
      %swap3A_492 = arith.constant 0 : index
      %swap3A_493 = tpu.vector_load %arg10[%swap3A_491, %swap3A_492] {strides = array<i32>} : memref<513x64xf32, #tpu.memory_space<vmem>>, vector<16xf32>,
      tpu.vector_store %arg10[%swap3A_491, %swap3A_492], %gather3A_490 {strides = array<i32>} : memref<513x64xf32, #tpu.memory_space<vmem>>, vector<16xf32>,
      %add3A_494 = arith.constant 16 : i32
      %add3A_495 = vector.broadcast %add3A_494 : i32 to vector<16xi32>
      %add3A_496 = arith.addi %add3A_495, %iota3A : vector<16xi32>
      %broadcast_in_dim3A_497 = vector.broadcast %min3A_485 : i32 to vector<16xi32>
      %gather3A_498 = tpu.vector_load_idx %arg9[%add3A_496, %broadcast_in_dim3A_497] : memref<64x128xf32, #tpu.memory_space<vmem>>[vector<16xi32>, vector<16xi32>], vector<16xf32>,
      %swap3A_499 = arith.index_cast %and3A_478 : i32 to index
      %swap3A_500 = arith.constant 16 : index
      %swap3A_501 = tpu.vector_load %arg10[%swap3A_499, %swap3A_500] {strides = array<i32>} : memref<513x64xf32, #tpu.memory_space<vmem>>, vector<16xf32>,
      tpu.vector_store %arg10[%swap3A_499, %swap3A_500], %gather3A_498 {strides = array<i32>} : memref<513x64xf32, #tpu.memory_space<vmem>>, vector<16xf32>,
      %add3A_502 = arith.constant 32 : i32
      %add3A_503 = vector.broadcast %add3A_502 : i32 to vector<16xi32>
      %add3A_504 = arith.addi %add3A_503, %iota3A : vector<16xi32>
      %broadcast_in_dim3A_505 = vector.broadcast %min3A_485 : i32 to vector<16xi32>
      %gather3A_506 = tpu.vector_load_idx %arg9[%add3A_504, %broadcast_in_dim3A_505] : memref<64x128xf32, #tpu.memory_space<vmem>>[vector<16xi32>, vector<16xi32>], vector<16xf32>,
      %swap3A_507 = arith.index_cast %and3A_478 : i32 to index
      %swap3A_508 = arith.constant 32 : index
      %swap3A_509 = tpu.vector_load %arg10[%swap3A_507, %swap3A_508] {strides = array<i32>} : memref<513x64xf32, #tpu.memory_space<vmem>>, vector<16xf32>,
      tpu.vector_store %arg10[%swap3A_507, %swap3A_508], %gather3A_506 {strides = array<i32>} : memref<513x64xf32, #tpu.memory_space<vmem>>, vector<16xf32>,
      %add3A_510 = arith.constant 48 : i32
      %add3A_511 = vector.broadcast %add3A_510 : i32 to vector<16xi32>
      %add3A_512 = arith.addi %add3A_511, %iota3A : vector<16xi32>
      %broadcast_in_dim3A_513 = vector.broadcast %min3A_485 : i32 to vector<16xi32>
      %gather3A_514 = tpu.vector_load_idx %arg9[%add3A_512, %broadcast_in_dim3A_513] : memref<64x128xf32, #tpu.memory_space<vmem>>[vector<16xi32>, vector<16xi32>], vector<16xf32>,
      %swap3A_515 = arith.index_cast %and3A_478 : i32 to index
      %swap3A_516 = arith.constant 48 : index
      %swap3A_517 = tpu.vector_load %arg10[%swap3A_515, %swap3A_516] {strides = array<i32>} : memref<513x64xf32, #tpu.memory_space<vmem>>, vector<16xf32>,
      tpu.vector_store %arg10[%swap3A_515, %swap3A_516], %gather3A_514 {strides = array<i32>} : memref<513x64xf32, #tpu.memory_space<vmem>>, vector<16xf32>,
      %mul3A_518 = arith.constant 4 : i32
      %mul3A_519 = arith.muli %add3A_336, %mul3A_518 : i32
      %add3A_520 = arith.constant 3 : i32
      %add3A_521 = arith.addi %mul3A_519, %add3A_520 : i32
      %get3A_522 = arith.index_cast %add3A_521 : i32 to index
      %get3A_523 = tpu.vector_load %arg6[%get3A_522] {strides = array<i32>} : memref<2080xi32, #tpu.memory_space<vmem>>, vector<16xi32>,
      %slice3A_524 = vector.extract_strided_slice %get3A_523 {offsets = [0], sizes = [1], strides = [1]} : vector<16xi32> to vector<1xi32>
      %squeeze3A_525 = vector.extract %slice3A_524[0] : i32 from vector<1xi32>
      %and3A_526 = arith.constant 1023 : i32
      %and3A_527 = arith.andi %squeeze3A_525, %and3A_526 : i32
      %shift_right_arithmetic3A_528 = arith.constant 10 : i32
      %shift_right_arithmetic3A_529 = arith.shrsi %squeeze3A_525, %shift_right_arithmetic3A_528 : i32
      %sub3A_530 = arith.subi %shift_right_arithmetic3A_529, %multiple_of3A_370 : i32
      %jit3A_531 = arith.constant 0 : i32
      %jit3A_532 = arith.constant 127 : i32
      %max3A_533 = arith.maxsi %jit3A_531, %sub3A_530 : i32
      %min3A_534 = arith.minsi %jit3A_532, %max3A_533 : i32
      %add3A_535 = arith.constant 0 : i32
      %add3A_536 = vector.broadcast %add3A_535 : i32 to vector<16xi32>
      %add3A_537 = arith.addi %add3A_536, %iota3A : vector<16xi32>
      %broadcast_in_dim3A_538 = vector.broadcast %min3A_534 : i32 to vector<16xi32>
      %gather3A_539 = tpu.vector_load_idx %arg9[%add3A_537, %broadcast_in_dim3A_538] : memref<64x128xf32, #tpu.memory_space<vmem>>[vector<16xi32>, vector<16xi32>], vector<16xf32>,
      %swap3A_540 = arith.index_cast %and3A_527 : i32 to index
      %swap3A_541 = arith.constant 0 : index
      %swap3A_542 = tpu.vector_load %arg10[%swap3A_540, %swap3A_541] {strides = array<i32>} : memref<513x64xf32, #tpu.memory_space<vmem>>, vector<16xf32>,
      tpu.vector_store %arg10[%swap3A_540, %swap3A_541], %gather3A_539 {strides = array<i32>} : memref<513x64xf32, #tpu.memory_space<vmem>>, vector<16xf32>,
      %add3A_543 = arith.constant 16 : i32
      %add3A_544 = vector.broadcast %add3A_543 : i32 to vector<16xi32>
      %add3A_545 = arith.addi %add3A_544, %iota3A : vector<16xi32>
      %broadcast_in_dim3A_546 = vector.broadcast %min3A_534 : i32 to vector<16xi32>
      %gather3A_547 = tpu.vector_load_idx %arg9[%add3A_545, %broadcast_in_dim3A_546] : memref<64x128xf32, #tpu.memory_space<vmem>>[vector<16xi32>, vector<16xi32>], vector<16xf32>,
      %swap3A_548 = arith.index_cast %and3A_527 : i32 to index
      %swap3A_549 = arith.constant 16 : index
      %swap3A_550 = tpu.vector_load %arg10[%swap3A_548, %swap3A_549] {strides = array<i32>} : memref<513x64xf32, #tpu.memory_space<vmem>>, vector<16xf32>,
      tpu.vector_store %arg10[%swap3A_548, %swap3A_549], %gather3A_547 {strides = array<i32>} : memref<513x64xf32, #tpu.memory_space<vmem>>, vector<16xf32>,
      %add3A_551 = arith.constant 32 : i32
      %add3A_552 = vector.broadcast %add3A_551 : i32 to vector<16xi32>
      %add3A_553 = arith.addi %add3A_552, %iota3A : vector<16xi32>
      %broadcast_in_dim3A_554 = vector.broadcast %min3A_534 : i32 to vector<16xi32>
      %gather3A_555 = tpu.vector_load_idx %arg9[%add3A_553, %broadcast_in_dim3A_554] : memref<64x128xf32, #tpu.memory_space<vmem>>[vector<16xi32>, vector<16xi32>], vector<16xf32>,
      %swap3A_556 = arith.index_cast %and3A_527 : i32 to index
      %swap3A_557 = arith.constant 32 : index
      %swap3A_558 = tpu.vector_load %arg10[%swap3A_556, %swap3A_557] {strides = array<i32>} : memref<513x64xf32, #tpu.memory_space<vmem>>, vector<16xf32>,
      tpu.vector_store %arg10[%swap3A_556, %swap3A_557], %gather3A_555 {strides = array<i32>} : memref<513x64xf32, #tpu.memory_space<vmem>>, vector<16xf32>,
      %add3A_559 = arith.constant 48 : i32
      %add3A_560 = vector.broadcast %add3A_559 : i32 to vector<16xi32>
      %add3A_561 = arith.addi %add3A_560, %iota3A : vector<16xi32>
      %broadcast_in_dim3A_562 = vector.broadcast %min3A_534 : i32 to vector<16xi32>
      %gather3A_563 = tpu.vector_load_idx %arg9[%add3A_561, %broadcast_in_dim3A_562] : memref<64x128xf32, #tpu.memory_space<vmem>>[vector<16xi32>, vector<16xi32>], vector<16xf32>,
      %swap3A_564 = arith.index_cast %and3A_527 : i32 to index
      %swap3A_565 = arith.constant 48 : index
      %swap3A_566 = tpu.vector_load %arg10[%swap3A_564, %swap3A_565] {strides = array<i32>} : memref<513x64xf32, #tpu.memory_space<vmem>>, vector<16xf32>,
      tpu.vector_store %arg10[%swap3A_564, %swap3A_565], %gather3A_563 {strides = array<i32>} : memref<513x64xf32, #tpu.memory_space<vmem>>, vector<16xf32>,
      %add3A_567 = arith.constant 2 : i32
      %add3A_568 = arith.addi %add3A_336, %add3A_567 : i32
      %mul3A_569 = arith.constant 4 : i32
      %mul3A_570 = arith.muli %add3A_568, %mul3A_569 : i32
      %get3A_571 = arith.index_cast %mul3A_570 : i32 to index
      %get3A_572 = tpu.vector_load %arg6[%get3A_571] {strides = array<i32>} : memref<2080xi32, #tpu.memory_space<vmem>>, vector<16xi32>,
      %slice3A_573 = vector.extract_strided_slice %get3A_572 {offsets = [0], sizes = [1], strides = [1]} : vector<16xi32> to vector<1xi32>
      %squeeze3A_574 = vector.extract %slice3A_573[0] : i32 from vector<1xi32>
      %shift_right_arithmetic3A_575 = arith.constant 10 : i32
      %shift_right_arithmetic3A_576 = arith.shrsi %squeeze3A_574, %shift_right_arithmetic3A_575 : i32
      %shift_right_arithmetic3A_577 = arith.constant 7 : i32
      %shift_right_arithmetic3A_578 = arith.shrsi %shift_right_arithmetic3A_576, %shift_right_arithmetic3A_577 : i32
      %mul3A_579 = arith.constant 128 : i32
      %mul3A_580 = arith.muli %shift_right_arithmetic3A_578, %mul3A_579 : i32
      %min3A_581 = arith.constant 999872 : i32
      %min3A_582 = arith.minsi %mul3A_580, %min3A_581 : i32
      %multiple_of3A_583 = tpu.assume_multiple %min3A_582, 128 : i32
      %dma_start3A_584 = arith.constant 0 : i32
      %dma_start3A_585 = tpu.memref_slice %arg4[%dma_start3A_584, %multiple_of3A_583] : memref<64x1000000xf32, #tpu.memory_space<hbm>> -> memref<64x128xf32, #tpu.memory_space<hbm>>
      %dma_start3A_586 = arith.constant 0 : i32
      %dma_start3A_587 = tpu.memref_slice %arg4[%dma_start3A_586, %multiple_of3A_583] : memref<64x1000000xf32, #tpu.memory_space<hbm>> -> memref<64x128xf32, #tpu.memory_space<hbm>>
      tpu.enqueue_dma source(%dma_start3A_587 : memref<64x128xf32, #tpu.memory_space<hbm>>) target(%arg9 : memref<64x128xf32, #tpu.memory_space<vmem>>) target_semaphore(%arg12 : memref<!tpu.dma_semaphore, #tpu.memory_space<semaphore_mem>>)
    }
    %while3A_40 = arith.constant 1 : i32
    scf.for %while3A_86 = %while3A_38 to %while3A_34 step %while3A_40  : i32 {
      %mul3A_87 = arith.constant 2 : i32
      %mul3A_88 = arith.muli %mul3A_87, %while3A_86 : i32
      %mul3A_89 = arith.constant 4 : i32
      %mul3A_90 = arith.muli %mul3A_88, %mul3A_89 : i32
      %get3A_91 = arith.index_cast %mul3A_90 : i32 to index
      %get3A_92 = tpu.vector_load %arg6[%get3A_91] {strides = array<i32>} : memref<2080xi32, #tpu.memory_space<vmem>>, vector<16xi32>,
      %slice3A_93 = vector.extract_strided_slice %get3A_92 {offsets = [0], sizes = [1], strides = [1]} : vector<16xi32> to vector<1xi32>
      %squeeze3A_94 = vector.extract %slice3A_93[0] : i32 from vector<1xi32>
      %shift_right_arithmetic3A_95 = arith.constant 10 : i32
      %shift_right_arithmetic3A_96 = arith.shrsi %squeeze3A_94, %shift_right_arithmetic3A_95 : i32
      %shift_right_arithmetic3A_97 = arith.constant 7 : i32
      %shift_right_arithmetic3A_98 = arith.shrsi %shift_right_arithmetic3A_96, %shift_right_arithmetic3A_97 : i32
      %mul3A_99 = arith.constant 128 : i32
      %mul3A_100 = arith.muli %shift_right_arithmetic3A_98, %mul3A_99 : i32
      %min3A_101 = arith.constant 999872 : i32
      %min3A_102 = arith.minsi %mul3A_100, %min3A_101 : i32
      %multiple_of3A_103 = tpu.assume_multiple %min3A_102, 128 : i32
      %dma_wait3A_104 = arith.constant 0 : i32
      %dma_wait3A_105 = tpu.memref_slice %arg4[%dma_wait3A_104, %multiple_of3A_103] : memref<64x1000000xf32, #tpu.memory_space<hbm>> -> memref<64x128xf32, #tpu.memory_space<hbm>>
      %dma_wait3A_106 = arith.constant 0 : i32
      %dma_wait3A_107 = tpu.memref_slice %arg4[%dma_wait3A_106, %multiple_of3A_103] : memref<64x1000000xf32, #tpu.memory_space<hbm>> -> memref<64x128xf32, #tpu.memory_space<hbm>>
      tpu.wait_dma2 semaphore(%arg11 : memref<!tpu.dma_semaphore, #tpu.memory_space<semaphore_mem>>) src(%dma_wait3A_107 : memref<64x128xf32, #tpu.memory_space<hbm>>) dst(%arg8 : memref<64x128xf32, #tpu.memory_space<vmem>>)
      %mul3A_108 = arith.constant 4 : i32
      %mul3A_109 = arith.muli %mul3A_88, %mul3A_108 : i32
      %get3A_110 = arith.index_cast %mul3A_109 : i32 to index
      %get3A_111 = tpu.vector_load %arg6[%get3A_110] {strides = array<i32>} : memref<2080xi32, #tpu.memory_space<vmem>>, vector<16xi32>,
      %slice3A_112 = vector.extract_strided_slice %get3A_111 {offsets = [0], sizes = [1], strides = [1]} : vector<16xi32> to vector<1xi32>
      %squeeze3A_113 = vector.extract %slice3A_112[0] : i32 from vector<1xi32>
      %shift_right_arithmetic3A_114 = arith.constant 10 : i32
      %shift_right_arithmetic3A_115 = arith.shrsi %squeeze3A_113, %shift_right_arithmetic3A_114 : i32
      %shift_right_arithmetic3A_116 = arith.constant 7 : i32
      %shift_right_arithmetic3A_117 = arith.shrsi %shift_right_arithmetic3A_115, %shift_right_arithmetic3A_116 : i32
      %mul3A_118 = arith.constant 128 : i32
      %mul3A_119 = arith.muli %shift_right_arithmetic3A_117, %mul3A_118 : i32
      %min3A_120 = arith.constant 999872 : i32
      %min3A_121 = arith.minsi %mul3A_119, %min3A_120 : i32
      %multiple_of3A_122 = tpu.assume_multiple %min3A_121, 128 : i32
      %mul3A_123 = arith.constant 4 : i32
      %mul3A_124 = arith.muli %mul3A_88, %mul3A_123 : i32
      %add3A_125 = arith.constant 0 : i32
      %add3A_126 = arith.addi %mul3A_124, %add3A_125 : i32
      %get3A_127 = arith.index_cast %add3A_126 : i32 to index
      %get3A_128 = tpu.vector_load %arg6[%get3A_127] {strides = array<i32>} : memref<2080xi32, #tpu.memory_space<vmem>>, vector<16xi32>,
      %slice3A_129 = vector.extract_strided_slice %get3A_128 {offsets = [0], sizes = [1], strides = [1]} : vector<16xi32> to vector<1xi32>
      %squeeze3A_130 = vector.extract %slice3A_129[0] : i32 from vector<1xi32>
      %and3A = arith.constant 1023 : i32
      %and3A_131 = arith.andi %squeeze3A_130, %and3A : i32
      %shift_right_arithmetic3A_132 = arith.constant 10 : i32
      %shift_right_arithmetic3A_133 = arith.shrsi %squeeze3A_130, %shift_right_arithmetic3A_132 : i32
      %sub3A = arith.subi %shift_right_arithmetic3A_133, %multiple_of3A_122 : i32
      %jit3A = arith.constant 0 : i32
      %jit3A_134 = arith.constant 127 : i32
      %max3A = arith.maxsi %jit3A, %sub3A : i32
      %min3A_135 = arith.minsi %jit3A_134, %max3A : i32
      %add3A_136 = arith.constant 0 : i32
      %add3A_137 = vector.broadcast %add3A_136 : i32 to vector<16xi32>
      %add3A_138 = arith.addi %add3A_137, %iota3A : vector<16xi32>
      %broadcast_in_dim3A = vector.broadcast %min3A_135 : i32 to vector<16xi32>
      %gather3A = tpu.vector_load_idx %arg8[%add3A_138, %broadcast_in_dim3A] : memref<64x128xf32, #tpu.memory_space<vmem>>[vector<16xi32>, vector<16xi32>], vector<16xf32>,
      %swap3A = arith.index_cast %and3A_131 : i32 to index
      %swap3A_139 = arith.constant 0 : index
      %swap3A_140 = tpu.vector_load %arg10[%swap3A, %swap3A_139] {strides = array<i32>} : memref<513x64xf32, #tpu.memory_space<vmem>>, vector<16xf32>,
      tpu.vector_store %arg10[%swap3A, %swap3A_139], %gather3A {strides = array<i32>} : memref<513x64xf32, #tpu.memory_space<vmem>>, vector<16xf32>,
      %add3A_141 = arith.constant 16 : i32
      %add3A_142 = vector.broadcast %add3A_141 : i32 to vector<16xi32>
      %add3A_143 = arith.addi %add3A_142, %iota3A : vector<16xi32>
      %broadcast_in_dim3A_144 = vector.broadcast %min3A_135 : i32 to vector<16xi32>
      %gather3A_145 = tpu.vector_load_idx %arg8[%add3A_143, %broadcast_in_dim3A_144] : memref<64x128xf32, #tpu.memory_space<vmem>>[vector<16xi32>, vector<16xi32>], vector<16xf32>,
      %swap3A_146 = arith.index_cast %and3A_131 : i32 to index
      %swap3A_147 = arith.constant 16 : index
      %swap3A_148 = tpu.vector_load %arg10[%swap3A_146, %swap3A_147] {strides = array<i32>} : memref<513x64xf32, #tpu.memory_space<vmem>>, vector<16xf32>,
      tpu.vector_store %arg10[%swap3A_146, %swap3A_147], %gather3A_145 {strides = array<i32>} : memref<513x64xf32, #tpu.memory_space<vmem>>, vector<16xf32>,
      %add3A_149 = arith.constant 32 : i32
      %add3A_150 = vector.broadcast %add3A_149 : i32 to vector<16xi32>
      %add3A_151 = arith.addi %add3A_150, %iota3A : vector<16xi32>
      %broadcast_in_dim3A_152 = vector.broadcast %min3A_135 : i32 to vector<16xi32>
      %gather3A_153 = tpu.vector_load_idx %arg8[%add3A_151, %broadcast_in_dim3A_152] : memref<64x128xf32, #tpu.memory_space<vmem>>[vector<16xi32>, vector<16xi32>], vector<16xf32>,
      %swap3A_154 = arith.index_cast %and3A_131 : i32 to index
      %swap3A_155 = arith.constant 32 : index
      %swap3A_156 = tpu.vector_load %arg10[%swap3A_154, %swap3A_155] {strides = array<i32>} : memref<513x64xf32, #tpu.memory_space<vmem>>, vector<16xf32>,
      tpu.vector_store %arg10[%swap3A_154, %swap3A_155], %gather3A_153 {strides = array<i32>} : memref<513x64xf32, #tpu.memory_space<vmem>>, vector<16xf32>,
      %add3A_157 = arith.constant 48 : i32
      %add3A_158 = vector.broadcast %add3A_157 : i32 to vector<16xi32>
      %add3A_159 = arith.addi %add3A_158, %iota3A : vector<16xi32>
      %broadcast_in_dim3A_160 = vector.broadcast %min3A_135 : i32 to vector<16xi32>
      %gather3A_161 = tpu.vector_load_idx %arg8[%add3A_159, %broadcast_in_dim3A_160] : memref<64x128xf32, #tpu.memory_space<vmem>>[vector<16xi32>, vector<16xi32>], vector<16xf32>,
      %swap3A_162 = arith.index_cast %and3A_131 : i32 to index
      %swap3A_163 = arith.constant 48 : index
      %swap3A_164 = tpu.vector_load %arg10[%swap3A_162, %swap3A_163] {strides = array<i32>} : memref<513x64xf32, #tpu.memory_space<vmem>>, vector<16xf32>,
      tpu.vector_store %arg10[%swap3A_162, %swap3A_163], %gather3A_161 {strides = array<i32>} : memref<513x64xf32, #tpu.memory_space<vmem>>, vector<16xf32>,
      %mul3A_165 = arith.constant 4 : i32
      %mul3A_166 = arith.muli %mul3A_88, %mul3A_165 : i32
      %add3A_167 = arith.constant 1 : i32
      %add3A_168 = arith.addi %mul3A_166, %add3A_167 : i32
      %get3A_169 = arith.index_cast %add3A_168 : i32 to index
      %get3A_170 = tpu.vector_load %arg6[%get3A_169] {strides = array<i32>} : memref<2080xi32, #tpu.memory_space<vmem>>, vector<16xi32>,
      %slice3A_171 = vector.extract_strided_slice %get3A_170 {offsets = [0], sizes = [1], strides = [1]} : vector<16xi32> to vector<1xi32>
      %squeeze3A_172 = vector.extract %slice3A_171[0] : i32 from vector<1xi32>
      %and3A_173 = arith.constant 1023 : i32
      %and3A_174 = arith.andi %squeeze3A_172, %and3A_173 : i32
      %shift_right_arithmetic3A_175 = arith.constant 10 : i32
      %shift_right_arithmetic3A_176 = arith.shrsi %squeeze3A_172, %shift_right_arithmetic3A_175 : i32
      %sub3A_177 = arith.subi %shift_right_arithmetic3A_176, %multiple_of3A_122 : i32
      %jit3A_178 = arith.constant 0 : i32
      %jit3A_179 = arith.constant 127 : i32
      %max3A_180 = arith.maxsi %jit3A_178, %sub3A_177 : i32
      %min3A_181 = arith.minsi %jit3A_179, %max3A_180 : i32
      %add3A_182 = arith.constant 0 : i32
      %add3A_183 = vector.broadcast %add3A_182 : i32 to vector<16xi32>
      %add3A_184 = arith.addi %add3A_183, %iota3A : vector<16xi32>
      %broadcast_in_dim3A_185 = vector.broadcast %min3A_181 : i32 to vector<16xi32>
      %gather3A_186 = tpu.vector_load_idx %arg8[%add3A_184, %broadcast_in_dim3A_185] : memref<64x128xf32, #tpu.memory_space<vmem>>[vector<16xi32>, vector<16xi32>], vector<16xf32>,
      %swap3A_187 = arith.index_cast %and3A_174 : i32 to index
      %swap3A_188 = arith.constant 0 : index
      %swap3A_189 = tpu.vector_load %arg10[%swap3A_187, %swap3A_188] {strides = array<i32>} : memref<513x64xf32, #tpu.memory_space<vmem>>, vector<16xf32>,
      tpu.vector_store %arg10[%swap3A_187, %swap3A_188], %gather3A_186 {strides = array<i32>} : memref<513x64xf32, #tpu.memory_space<vmem>>, vector<16xf32>,
      %add3A_190 = arith.constant 16 : i32
      %add3A_191 = vector.broadcast %add3A_190 : i32 to vector<16xi32>
      %add3A_192 = arith.addi %add3A_191, %iota3A : vector<16xi32>
      %broadcast_in_dim3A_193 = vector.broadcast %min3A_181 : i32 to vector<16xi32>
      %gather3A_194 = tpu.vector_load_idx %arg8[%add3A_192, %broadcast_in_dim3A_193] : memref<64x128xf32, #tpu.memory_space<vmem>>[vector<16xi32>, vector<16xi32>], vector<16xf32>,
      %swap3A_195 = arith.index_cast %and3A_174 : i32 to index
      %swap3A_196 = arith.constant 16 : index
      %swap3A_197 = tpu.vector_load %arg10[%swap3A_195, %swap3A_196] {strides = array<i32>} : memref<513x64xf32, #tpu.memory_space<vmem>>, vector<16xf32>,
      tpu.vector_store %arg10[%swap3A_195, %swap3A_196], %gather3A_194 {strides = array<i32>} : memref<513x64xf32, #tpu.memory_space<vmem>>, vector<16xf32>,
      %add3A_198 = arith.constant 32 : i32
      %add3A_199 = vector.broadcast %add3A_198 : i32 to vector<16xi32>
      %add3A_200 = arith.addi %add3A_199, %iota3A : vector<16xi32>
      %broadcast_in_dim3A_201 = vector.broadcast %min3A_181 : i32 to vector<16xi32>
      %gather3A_202 = tpu.vector_load_idx %arg8[%add3A_200, %broadcast_in_dim3A_201] : memref<64x128xf32, #tpu.memory_space<vmem>>[vector<16xi32>, vector<16xi32>], vector<16xf32>,
      %swap3A_203 = arith.index_cast %and3A_174 : i32 to index
      %swap3A_204 = arith.constant 32 : index
      %swap3A_205 = tpu.vector_load %arg10[%swap3A_203, %swap3A_204] {strides = array<i32>} : memref<513x64xf32, #tpu.memory_space<vmem>>, vector<16xf32>,
      tpu.vector_store %arg10[%swap3A_203, %swap3A_204], %gather3A_202 {strides = array<i32>} : memref<513x64xf32, #tpu.memory_space<vmem>>, vector<16xf32>,
      %add3A_206 = arith.constant 48 : i32
      %add3A_207 = vector.broadcast %add3A_206 : i32 to vector<16xi32>
      %add3A_208 = arith.addi %add3A_207, %iota3A : vector<16xi32>
      %broadcast_in_dim3A_209 = vector.broadcast %min3A_181 : i32 to vector<16xi32>
      %gather3A_210 = tpu.vector_load_idx %arg8[%add3A_208, %broadcast_in_dim3A_209] : memref<64x128xf32, #tpu.memory_space<vmem>>[vector<16xi32>, vector<16xi32>], vector<16xf32>,
      %swap3A_211 = arith.index_cast %and3A_174 : i32 to index
      %swap3A_212 = arith.constant 48 : index
      %swap3A_213 = tpu.vector_load %arg10[%swap3A_211, %swap3A_212] {strides = array<i32>} : memref<513x64xf32, #tpu.memory_space<vmem>>, vector<16xf32>,
      tpu.vector_store %arg10[%swap3A_211, %swap3A_212], %gather3A_210 {strides = array<i32>} : memref<513x64xf32, #tpu.memory_space<vmem>>, vector<16xf32>,
      %mul3A_214 = arith.constant 4 : i32
      %mul3A_215 = arith.muli %mul3A_88, %mul3A_214 : i32
      %add3A_216 = arith.constant 2 : i32
      %add3A_217 = arith.addi %mul3A_215, %add3A_216 : i32
      %get3A_218 = arith.index_cast %add3A_217 : i32 to index
      %get3A_219 = tpu.vector_load %arg6[%get3A_218] {strides = array<i32>} : memref<2080xi32, #tpu.memory_space<vmem>>, vector<16xi32>,
      %slice3A_220 = vector.extract_strided_slice %get3A_219 {offsets = [0], sizes = [1], strides = [1]} : vector<16xi32> to vector<1xi32>
      %squeeze3A_221 = vector.extract %slice3A_220[0] : i32 from vector<1xi32>
      %and3A_222 = arith.constant 1023 : i32
      %and3A_223 = arith.andi %squeeze3A_221, %and3A_222 : i32
      %shift_right_arithmetic3A_224 = arith.constant 10 : i32
      %shift_right_arithmetic3A_225 = arith.shrsi %squeeze3A_221, %shift_right_arithmetic3A_224 : i32
      %sub3A_226 = arith.subi %shift_right_arithmetic3A_225, %multiple_of3A_122 : i32
      %jit3A_227 = arith.constant 0 : i32
      %jit3A_228 = arith.constant 127 : i32
      %max3A_229 = arith.maxsi %jit3A_227, %sub3A_226 : i32
      %min3A_230 = arith.minsi %jit3A_228, %max3A_229 : i32
      %add3A_231 = arith.constant 0 : i32
      %add3A_232 = vector.broadcast %add3A_231 : i32 to vector<16xi32>
      %add3A_233 = arith.addi %add3A_232, %iota3A : vector<16xi32>
      %broadcast_in_dim3A_234 = vector.broadcast %min3A_230 : i32 to vector<16xi32>
      %gather3A_235 = tpu.vector_load_idx %arg8[%add3A_233, %broadcast_in_dim3A_234] : memref<64x128xf32, #tpu.memory_space<vmem>>[vector<16xi32>, vector<16xi32>], vector<16xf32>,
      %swap3A_236 = arith.index_cast %and3A_223 : i32 to index
      %swap3A_237 = arith.constant 0 : index
      %swap3A_238 = tpu.vector_load %arg10[%swap3A_236, %swap3A_237] {strides = array<i32>} : memref<513x64xf32, #tpu.memory_space<vmem>>, vector<16xf32>,
      tpu.vector_store %arg10[%swap3A_236, %swap3A_237], %gather3A_235 {strides = array<i32>} : memref<513x64xf32, #tpu.memory_space<vmem>>, vector<16xf32>,
      %add3A_239 = arith.constant 16 : i32
      %add3A_240 = vector.broadcast %add3A_239 : i32 to vector<16xi32>
      %add3A_241 = arith.addi %add3A_240, %iota3A : vector<16xi32>
      %broadcast_in_dim3A_242 = vector.broadcast %min3A_230 : i32 to vector<16xi32>
      %gather3A_243 = tpu.vector_load_idx %arg8[%add3A_241, %broadcast_in_dim3A_242] : memref<64x128xf32, #tpu.memory_space<vmem>>[vector<16xi32>, vector<16xi32>], vector<16xf32>,
      %swap3A_244 = arith.index_cast %and3A_223 : i32 to index
      %swap3A_245 = arith.constant 16 : index
      %swap3A_246 = tpu.vector_load %arg10[%swap3A_244, %swap3A_245] {strides = array<i32>} : memref<513x64xf32, #tpu.memory_space<vmem>>, vector<16xf32>,
      tpu.vector_store %arg10[%swap3A_244, %swap3A_245], %gather3A_243 {strides = array<i32>} : memref<513x64xf32, #tpu.memory_space<vmem>>, vector<16xf32>,
      %add3A_247 = arith.constant 32 : i32
      %add3A_248 = vector.broadcast %add3A_247 : i32 to vector<16xi32>
      %add3A_249 = arith.addi %add3A_248, %iota3A : vector<16xi32>
      %broadcast_in_dim3A_250 = vector.broadcast %min3A_230 : i32 to vector<16xi32>
      %gather3A_251 = tpu.vector_load_idx %arg8[%add3A_249, %broadcast_in_dim3A_250] : memref<64x128xf32, #tpu.memory_space<vmem>>[vector<16xi32>, vector<16xi32>], vector<16xf32>,
      %swap3A_252 = arith.index_cast %and3A_223 : i32 to index
      %swap3A_253 = arith.constant 32 : index
      %swap3A_254 = tpu.vector_load %arg10[%swap3A_252, %swap3A_253] {strides = array<i32>} : memref<513x64xf32, #tpu.memory_space<vmem>>, vector<16xf32>,
      tpu.vector_store %arg10[%swap3A_252, %swap3A_253], %gather3A_251 {strides = array<i32>} : memref<513x64xf32, #tpu.memory_space<vmem>>, vector<16xf32>,
      %add3A_255 = arith.constant 48 : i32
      %add3A_256 = vector.broadcast %add3A_255 : i32 to vector<16xi32>
      %add3A_257 = arith.addi %add3A_256, %iota3A : vector<16xi32>
      %broadcast_in_dim3A_258 = vector.broadcast %min3A_230 : i32 to vector<16xi32>
      %gather3A_259 = tpu.vector_load_idx %arg8[%add3A_257, %broadcast_in_dim3A_258] : memref<64x128xf32, #tpu.memory_space<vmem>>[vector<16xi32>, vector<16xi32>], vector<16xf32>,
      %swap3A_260 = arith.index_cast %and3A_223 : i32 to index
      %swap3A_261 = arith.constant 48 : index
      %swap3A_262 = tpu.vector_load %arg10[%swap3A_260, %swap3A_261] {strides = array<i32>} : memref<513x64xf32, #tpu.memory_space<vmem>>, vector<16xf32>,
      tpu.vector_store %arg10[%swap3A_260, %swap3A_261], %gather3A_259 {strides = array<i32>} : memref<513x64xf32, #tpu.memory_space<vmem>>, vector<16xf32>,
      %mul3A_263 = arith.constant 4 : i32
      %mul3A_264 = arith.muli %mul3A_88, %mul3A_263 : i32
      %add3A_265 = arith.constant 3 : i32
      %add3A_266 = arith.addi %mul3A_264, %add3A_265 : i32
      %get3A_267 = arith.index_cast %add3A_266 : i32 to index
      %get3A_268 = tpu.vector_load %arg6[%get3A_267] {strides = array<i32>} : memref<2080xi32, #tpu.memory_space<vmem>>, vector<16xi32>,
      %slice3A_269 = vector.extract_strided_slice %get3A_268 {offsets = [0], sizes = [1], strides = [1]} : vector<16xi32> to vector<1xi32>
      %squeeze3A_270 = vector.extract %slice3A_269[0] : i32 from vector<1xi32>
      %and3A_271 = arith.constant 1023 : i32
      %and3A_272 = arith.andi %squeeze3A_270, %and3A_271 : i32
      %shift_right_arithmetic3A_273 = arith.constant 10 : i32
      %shift_right_arithmetic3A_274 = arith.shrsi %squeeze3A_270, %shift_right_arithmetic3A_273 : i32
      %sub3A_275 = arith.subi %shift_right_arithmetic3A_274, %multiple_of3A_122 : i32
      %jit3A_276 = arith.constant 0 : i32
      %jit3A_277 = arith.constant 127 : i32
      %max3A_278 = arith.maxsi %jit3A_276, %sub3A_275 : i32
      %min3A_279 = arith.minsi %jit3A_277, %max3A_278 : i32
      %add3A_280 = arith.constant 0 : i32
      %add3A_281 = vector.broadcast %add3A_280 : i32 to vector<16xi32>
      %add3A_282 = arith.addi %add3A_281, %iota3A : vector<16xi32>
      %broadcast_in_dim3A_283 = vector.broadcast %min3A_279 : i32 to vector<16xi32>
      %gather3A_284 = tpu.vector_load_idx %arg8[%add3A_282, %broadcast_in_dim3A_283] : memref<64x128xf32, #tpu.memory_space<vmem>>[vector<16xi32>, vector<16xi32>], vector<16xf32>,
      %swap3A_285 = arith.index_cast %and3A_272 : i32 to index
      %swap3A_286 = arith.constant 0 : index
      %swap3A_287 = tpu.vector_load %arg10[%swap3A_285, %swap3A_286] {strides = array<i32>} : memref<513x64xf32, #tpu.memory_space<vmem>>, vector<16xf32>,
      tpu.vector_store %arg10[%swap3A_285, %swap3A_286], %gather3A_284 {strides = array<i32>} : memref<513x64xf32, #tpu.memory_space<vmem>>, vector<16xf32>,
      %add3A_288 = arith.constant 16 : i32
      %add3A_289 = vector.broadcast %add3A_288 : i32 to vector<16xi32>
      %add3A_290 = arith.addi %add3A_289, %iota3A : vector<16xi32>
      %broadcast_in_dim3A_291 = vector.broadcast %min3A_279 : i32 to vector<16xi32>
      %gather3A_292 = tpu.vector_load_idx %arg8[%add3A_290, %broadcast_in_dim3A_291] : memref<64x128xf32, #tpu.memory_space<vmem>>[vector<16xi32>, vector<16xi32>], vector<16xf32>,
      %swap3A_293 = arith.index_cast %and3A_272 : i32 to index
      %swap3A_294 = arith.constant 16 : index
      %swap3A_295 = tpu.vector_load %arg10[%swap3A_293, %swap3A_294] {strides = array<i32>} : memref<513x64xf32, #tpu.memory_space<vmem>>, vector<16xf32>,
      tpu.vector_store %arg10[%swap3A_293, %swap3A_294], %gather3A_292 {strides = array<i32>} : memref<513x64xf32, #tpu.memory_space<vmem>>, vector<16xf32>,
      %add3A_296 = arith.constant 32 : i32
      %add3A_297 = vector.broadcast %add3A_296 : i32 to vector<16xi32>
      %add3A_298 = arith.addi %add3A_297, %iota3A : vector<16xi32>
      %broadcast_in_dim3A_299 = vector.broadcast %min3A_279 : i32 to vector<16xi32>
      %gather3A_300 = tpu.vector_load_idx %arg8[%add3A_298, %broadcast_in_dim3A_299] : memref<64x128xf32, #tpu.memory_space<vmem>>[vector<16xi32>, vector<16xi32>], vector<16xf32>,
      %swap3A_301 = arith.index_cast %and3A_272 : i32 to index
      %swap3A_302 = arith.constant 32 : index
      %swap3A_303 = tpu.vector_load %arg10[%swap3A_301, %swap3A_302] {strides = array<i32>} : memref<513x64xf32, #tpu.memory_space<vmem>>, vector<16xf32>,
      tpu.vector_store %arg10[%swap3A_301, %swap3A_302], %gather3A_300 {strides = array<i32>} : memref<513x64xf32, #tpu.memory_space<vmem>>, vector<16xf32>,
      %add3A_304 = arith.constant 48 : i32
      %add3A_305 = vector.broadcast %add3A_304 : i32 to vector<16xi32>
      %add3A_306 = arith.addi %add3A_305, %iota3A : vector<16xi32>
      %broadcast_in_dim3A_307 = vector.broadcast %min3A_279 : i32 to vector<16xi32>
      %gather3A_308 = tpu.vector_load_idx %arg8[%add3A_306, %broadcast_in_dim3A_307] : memref<64x128xf32, #tpu.memory_space<vmem>>[vector<16xi32>, vector<16xi32>], vector<16xf32>,
      %swap3A_309 = arith.index_cast %and3A_272 : i32 to index
      %swap3A_310 = arith.constant 48 : index
      %swap3A_311 = tpu.vector_load %arg10[%swap3A_309, %swap3A_310] {strides = array<i32>} : memref<513x64xf32, #tpu.memory_space<vmem>>, vector<16xf32>,
      tpu.vector_store %arg10[%swap3A_309, %swap3A_310], %gather3A_308 {strides = array<i32>} : memref<513x64xf32, #tpu.memory_space<vmem>>, vector<16xf32>,
      %add3A_312 = arith.constant 2 : i32
      %add3A_313 = arith.addi %mul3A_88, %add3A_312 : i32
      %mul3A_314 = arith.constant 4 : i32
      %mul3A_315 = arith.muli %add3A_313, %mul3A_314 : i32
      %get3A_316 = arith.index_cast %mul3A_315 : i32 to index
      %get3A_317 = tpu.vector_load %arg6[%get3A_316] {strides = array<i32>} : memref<2080xi32, #tpu.memory_space<vmem>>, vector<16xi32>,
      %slice3A_318 = vector.extract_strided_slice %get3A_317 {offsets = [0], sizes = [1], strides = [1]} : vector<16xi32> to vector<1xi32>
      %squeeze3A_319 = vector.extract %slice3A_318[0] : i32 from vector<1xi32>
      %shift_right_arithmetic3A_320 = arith.constant 10 : i32
      %shift_right_arithmetic3A_321 = arith.shrsi %squeeze3A_319, %shift_right_arithmetic3A_320 : i32
      %shift_right_arithmetic3A_322 = arith.constant 7 : i32
      %shift_right_arithmetic3A_323 = arith.shrsi %shift_right_arithmetic3A_321, %shift_right_arithmetic3A_322 : i32
      %mul3A_324 = arith.constant 128 : i32
      %mul3A_325 = arith.muli %shift_right_arithmetic3A_323, %mul3A_324 : i32
      %min3A_326 = arith.constant 999872 : i32
      %min3A_327 = arith.minsi %mul3A_325, %min3A_326 : i32
      %multiple_of3A_328 = tpu.assume_multiple %min3A_327, 128 : i32
      %dma_start3A_329 = arith.constant 0 : i32
      %dma_start3A_330 = tpu.memref_slice %arg4[%dma_start3A_329, %multiple_of3A_328] : memref<64x1000000xf32, #tpu.memory_space<hbm>> -> memref<64x128xf32, #tpu.memory_space<hbm>>
      %dma_start3A_331 = arith.constant 0 : i32
      %dma_start3A_332 = tpu.memref_slice %arg4[%dma_start3A_331, %multiple_of3A_328] : memref<64x1000000xf32, #tpu.memory_space<hbm>> -> memref<64x128xf32, #tpu.memory_space<hbm>>
      tpu.enqueue_dma source(%dma_start3A_332 : memref<64x128xf32, #tpu.memory_space<hbm>>) target(%arg8 : memref<64x128xf32, #tpu.memory_space<vmem>>) target_semaphore(%arg11 : memref<!tpu.dma_semaphore, #tpu.memory_space<semaphore_mem>>)
      %mul3A_333 = arith.constant 2 : i32
      %mul3A_334 = arith.muli %mul3A_333, %while3A_86 : i32
      %add3A_335 = arith.constant 1 : i32
      %add3A_336 = arith.addi %mul3A_334, %add3A_335 : i32
      %mul3A_337 = arith.constant 4 : i32
      %mul3A_338 = arith.muli %add3A_336, %mul3A_337 : i32
      %get3A_339 = arith.index_cast %mul3A_338 : i32 to index
      %get3A_340 = tpu.vector_load %arg6[%get3A_339] {strides = array<i32>} : memref<2080xi32, #tpu.memory_space<vmem>>, vector<16xi32>,
      %slice3A_341 = vector.extract_strided_slice %get3A_340 {offsets = [0], sizes = [1], strides = [1]} : vector<16xi32> to vector<1xi32>
      %squeeze3A_342 = vector.extract %slice3A_341[0] : i32 from vector<1xi32>
      %shift_right_arithmetic3A_343 = arith.constant 10 : i32
      %shift_right_arithmetic3A_344 = arith.shrsi %squeeze3A_342, %shift_right_arithmetic3A_343 : i32
      %shift_right_arithmetic3A_345 = arith.constant 7 : i32
      %shift_right_arithmetic3A_346 = arith.shrsi %shift_right_arithmetic3A_344, %shift_right_arithmetic3A_345 : i32
      %mul3A_347 = arith.constant 128 : i32
      %mul3A_348 = arith.muli %shift_right_arithmetic3A_346, %mul3A_347 : i32
      %min3A_349 = arith.constant 999872 : i32
      %min3A_350 = arith.minsi %mul3A_348, %min3A_349 : i32
      %multiple_of3A_351 = tpu.assume_multiple %min3A_350, 128 : i32
      %dma_wait3A_352 = arith.constant 0 : i32
      %dma_wait3A_353 = tpu.memref_slice %arg4[%dma_wait3A_352, %multiple_of3A_351] : memref<64x1000000xf32, #tpu.memory_space<hbm>> -> memref<64x128xf32, #tpu.memory_space<hbm>>
      %dma_wait3A_354 = arith.constant 0 : i32
      %dma_wait3A_355 = tpu.memref_slice %arg4[%dma_wait3A_354, %multiple_of3A_351] : memref<64x1000000xf32, #tpu.memory_space<hbm>> -> memref<64x128xf32, #tpu.memory_space<hbm>>
      tpu.wait_dma2 semaphore(%arg12 : memref<!tpu.dma_semaphore, #tpu.memory_space<semaphore_mem>>) src(%dma_wait3A_355 : memref<64x128xf32, #tpu.memory_space<hbm>>) dst(%arg9 : memref<64x128xf32, #tpu.memory_space<vmem>>)
      %mul3A_356 = arith.constant 4 : i32
      %mul3A_357 = arith.muli %add3A_336, %mul3A_356 : i32
      %get3A_358 = arith.index_cast %mul3A_357 : i32 to index
      %get3A_359 = tpu.vector_load %arg6[%get3A_358] {strides = array<i32>} : memref<2080xi32, #tpu.memory_space<vmem>>, vector<16xi32>,
      %slice3A_360 = vector.extract_strided_slice %get3A_359 {offsets = [0], sizes = [1], strides = [1]} : vector<16xi32> to vector<1xi32>
      %squeeze3A_361 = vector.extract %slice3A_360[0] : i32 from vector<1xi32>
      %shift_right_arithmetic3A_362 = arith.constant 10 : i32
      %shift_right_arithmetic3A_363 = arith.shrsi %squeeze3A_361, %shift_right_arithmetic3A_362 : i32
      %shift_right_arithmetic3A_364 = arith.constant 7 : i32
      %shift_right_arithmetic3A_365 = arith.shrsi %shift_right_arithmetic3A_363, %shift_right_arithmetic3A_364 : i32
      %mul3A_366 = arith.constant 128 : i32
      %mul3A_367 = arith.muli %shift_right_arithmetic3A_365, %mul3A_366 : i32
      %min3A_368 = arith.constant 999872 : i32
      %min3A_369 = arith.minsi %mul3A_367, %min3A_368 : i32
      %multiple_of3A_370 = tpu.assume_multiple %min3A_369, 128 : i32
      %mul3A_371 = arith.constant 4 : i32
      %mul3A_372 = arith.muli %add3A_336, %mul3A_371 : i32
      %add3A_373 = arith.constant 0 : i32
      %add3A_374 = arith.addi %mul3A_372, %add3A_373 : i32
      %get3A_375 = arith.index_cast %add3A_374 : i32 to index
      %get3A_376 = tpu.vector_load %arg6[%get3A_375] {strides = array<i32>} : memref<2080xi32, #tpu.memory_space<vmem>>, vector<16xi32>,
      %slice3A_377 = vector.extract_strided_slice %get3A_376 {offsets = [0], sizes = [1], strides = [1]} : vector<16xi32> to vector<1xi32>
      %squeeze3A_378 = vector.extract %slice3A_377[0] : i32 from vector<1xi32>
      %and3A_379 = arith.constant 1023 : i32
      %and3A_380 = arith.andi %squeeze3A_378, %and3A_379 : i32
      %shift_right_arithmetic3A_381 = arith.constant 10 : i32
      %shift_right_arithmetic3A_382 = arith.shrsi %squeeze3A_378, %shift_right_arithmetic3A_381 : i32
      %sub3A_383 = arith.subi %shift_right_arithmetic3A_382, %multiple_of3A_370 : i32
      %jit3A_384 = arith.constant 0 : i32
      %jit3A_385 = arith.constant 127 : i32
      %max3A_386 = arith.maxsi %jit3A_384, %sub3A_383 : i32
      %min3A_387 = arith.minsi %jit3A_385, %max3A_386 : i32
      %add3A_388 = arith.constant 0 : i32
      %add3A_389 = vector.broadcast %add3A_388 : i32 to vector<16xi32>
      %add3A_390 = arith.addi %add3A_389, %iota3A : vector<16xi32>
      %broadcast_in_dim3A_391 = vector.broadcast %min3A_387 : i32 to vector<16xi32>
      %gather3A_392 = tpu.vector_load_idx %arg9[%add3A_390, %broadcast_in_dim3A_391] : memref<64x128xf32, #tpu.memory_space<vmem>>[vector<16xi32>, vector<16xi32>], vector<16xf32>,
      %swap3A_393 = arith.index_cast %and3A_380 : i32 to index
      %swap3A_394 = arith.constant 0 : index
      %swap3A_395 = tpu.vector_load %arg10[%swap3A_393, %swap3A_394] {strides = array<i32>} : memref<513x64xf32, #tpu.memory_space<vmem>>, vector<16xf32>,
      tpu.vector_store %arg10[%swap3A_393, %swap3A_394], %gather3A_392 {strides = array<i32>} : memref<513x64xf32, #tpu.memory_space<vmem>>, vector<16xf32>,
      %add3A_396 = arith.constant 16 : i32
      %add3A_397 = vector.broadcast %add3A_396 : i32 to vector<16xi32>
      %add3A_398 = arith.addi %add3A_397, %iota3A : vector<16xi32>
      %broadcast_in_dim3A_399 = vector.broadcast %min3A_387 : i32 to vector<16xi32>
      %gather3A_400 = tpu.vector_load_idx %arg9[%add3A_398, %broadcast_in_dim3A_399] : memref<64x128xf32, #tpu.memory_space<vmem>>[vector<16xi32>, vector<16xi32>], vector<16xf32>,
      %swap3A_401 = arith.index_cast %and3A_380 : i32 to index
      %swap3A_402 = arith.constant 16 : index
      %swap3A_403 = tpu.vector_load %arg10[%swap3A_401, %swap3A_402] {strides = array<i32>} : memref<513x64xf32, #tpu.memory_space<vmem>>, vector<16xf32>,
      tpu.vector_store %arg10[%swap3A_401, %swap3A_402], %gather3A_400 {strides = array<i32>} : memref<513x64xf32, #tpu.memory_space<vmem>>, vector<16xf32>,
      %add3A_404 = arith.constant 32 : i32
      %add3A_405 = vector.broadcast %add3A_404 : i32 to vector<16xi32>
      %add3A_406 = arith.addi %add3A_405, %iota3A : vector<16xi32>
      %broadcast_in_dim3A_407 = vector.broadcast %min3A_387 : i32 to vector<16xi32>
      %gather3A_408 = tpu.vector_load_idx %arg9[%add3A_406, %broadcast_in_dim3A_407] : memref<64x128xf32, #tpu.memory_space<vmem>>[vector<16xi32>, vector<16xi32>], vector<16xf32>,
      %swap3A_409 = arith.index_cast %and3A_380 : i32 to index
      %swap3A_410 = arith.constant 32 : index
      %swap3A_411 = tpu.vector_load %arg10[%swap3A_409, %swap3A_410] {strides = array<i32>} : memref<513x64xf32, #tpu.memory_space<vmem>>, vector<16xf32>,
      tpu.vector_store %arg10[%swap3A_409, %swap3A_410], %gather3A_408 {strides = array<i32>} : memref<513x64xf32, #tpu.memory_space<vmem>>, vector<16xf32>,
      %add3A_412 = arith.constant 48 : i32
      %add3A_413 = vector.broadcast %add3A_412 : i32 to vector<16xi32>
      %add3A_414 = arith.addi %add3A_413, %iota3A : vector<16xi32>
      %broadcast_in_dim3A_415 = vector.broadcast %min3A_387 : i32 to vector<16xi32>
      %gather3A_416 = tpu.vector_load_idx %arg9[%add3A_414, %broadcast_in_dim3A_415] : memref<64x128xf32, #tpu.memory_space<vmem>>[vector<16xi32>, vector<16xi32>], vector<16xf32>,
      %swap3A_417 = arith.index_cast %and3A_380 : i32 to index
      %swap3A_418 = arith.constant 48 : index
      %swap3A_419 = tpu.vector_load %arg10[%swap3A_417, %swap3A_418] {strides = array<i32>} : memref<513x64xf32, #tpu.memory_space<vmem>>, vector<16xf32>,
      tpu.vector_store %arg10[%swap3A_417, %swap3A_418], %gather3A_416 {strides = array<i32>} : memref<513x64xf32, #tpu.memory_space<vmem>>, vector<16xf32>,
      %mul3A_420 = arith.constant 4 : i32
      %mul3A_421 = arith.muli %add3A_336, %mul3A_420 : i32
      %add3A_422 = arith.constant 1 : i32
      %add3A_423 = arith.addi %mul3A_421, %add3A_422 : i32
      %get3A_424 = arith.index_cast %add3A_423 : i32 to index
      %get3A_425 = tpu.vector_load %arg6[%get3A_424] {strides = array<i32>} : memref<2080xi32, #tpu.memory_space<vmem>>, vector<16xi32>,
      %slice3A_426 = vector.extract_strided_slice %get3A_425 {offsets = [0], sizes = [1], strides = [1]} : vector<16xi32> to vector<1xi32>
      %squeeze3A_427 = vector.extract %slice3A_426[0] : i32 from vector<1xi32>
      %and3A_428 = arith.constant 1023 : i32
      %and3A_429 = arith.andi %squeeze3A_427, %and3A_428 : i32
      %shift_right_arithmetic3A_430 = arith.constant 10 : i32
      %shift_right_arithmetic3A_431 = arith.shrsi %squeeze3A_427, %shift_right_arithmetic3A_430 : i32
      %sub3A_432 = arith.subi %shift_right_arithmetic3A_431, %multiple_of3A_370 : i32
      %jit3A_433 = arith.constant 0 : i32
      %jit3A_434 = arith.constant 127 : i32
      %max3A_435 = arith.maxsi %jit3A_433, %sub3A_432 : i32
      %min3A_436 = arith.minsi %jit3A_434, %max3A_435 : i32
      %add3A_437 = arith.constant 0 : i32
      %add3A_438 = vector.broadcast %add3A_437 : i32 to vector<16xi32>
      %add3A_439 = arith.addi %add3A_438, %iota3A : vector<16xi32>
      %broadcast_in_dim3A_440 = vector.broadcast %min3A_436 : i32 to vector<16xi32>
      %gather3A_441 = tpu.vector_load_idx %arg9[%add3A_439, %broadcast_in_dim3A_440] : memref<64x128xf32, #tpu.memory_space<vmem>>[vector<16xi32>, vector<16xi32>], vector<16xf32>,
      %swap3A_442 = arith.index_cast %and3A_429 : i32 to index
      %swap3A_443 = arith.constant 0 : index
      %swap3A_444 = tpu.vector_load %arg10[%swap3A_442, %swap3A_443] {strides = array<i32>} : memref<513x64xf32, #tpu.memory_space<vmem>>, vector<16xf32>,
      tpu.vector_store %arg10[%swap3A_442, %swap3A_443], %gather3A_441 {strides = array<i32>} : memref<513x64xf32, #tpu.memory_space<vmem>>, vector<16xf32>,
      %add3A_445 = arith.constant 16 : i32
      %add3A_446 = vector.broadcast %add3A_445 : i32 to vector<16xi32>
      %add3A_447 = arith.addi %add3A_446, %iota3A : vector<16xi32>
      %broadcast_in_dim3A_448 = vector.broadcast %min3A_436 : i32 to vector<16xi32>
      %gather3A_449 = tpu.vector_load_idx %arg9[%add3A_447, %broadcast_in_dim3A_448] : memref<64x128xf32, #tpu.memory_space<vmem>>[vector<16xi32>, vector<16xi32>], vector<16xf32>,
      %swap3A_450 = arith.index_cast %and3A_429 : i32 to index
      %swap3A_451 = arith.constant 16 : index
      %swap3A_452 = tpu.vector_load %arg10[%swap3A_450, %swap3A_451] {strides = array<i32>} : memref<513x64xf32, #tpu.memory_space<vmem>>, vector<16xf32>,
      tpu.vector_store %arg10[%swap3A_450, %swap3A_451], %gather3A_449 {strides = array<i32>} : memref<513x64xf32, #tpu.memory_space<vmem>>, vector<16xf32>,
      %add3A_453 = arith.constant 32 : i32
      %add3A_454 = vector.broadcast %add3A_453 : i32 to vector<16xi32>
      %add3A_455 = arith.addi %add3A_454, %iota3A : vector<16xi32>
      %broadcast_in_dim3A_456 = vector.broadcast %min3A_436 : i32 to vector<16xi32>
      %gather3A_457 = tpu.vector_load_idx %arg9[%add3A_455, %broadcast_in_dim3A_456] : memref<64x128xf32, #tpu.memory_space<vmem>>[vector<16xi32>, vector<16xi32>], vector<16xf32>,
      %swap3A_458 = arith.index_cast %and3A_429 : i32 to index
      %swap3A_459 = arith.constant 32 : index
      %swap3A_460 = tpu.vector_load %arg10[%swap3A_458, %swap3A_459] {strides = array<i32>} : memref<513x64xf32, #tpu.memory_space<vmem>>, vector<16xf32>,
      tpu.vector_store %arg10[%swap3A_458, %swap3A_459], %gather3A_457 {strides = array<i32>} : memref<513x64xf32, #tpu.memory_space<vmem>>, vector<16xf32>,
      %add3A_461 = arith.constant 48 : i32
      %add3A_462 = vector.broadcast %add3A_461 : i32 to vector<16xi32>
      %add3A_463 = arith.addi %add3A_462, %iota3A : vector<16xi32>
      %broadcast_in_dim3A_464 = vector.broadcast %min3A_436 : i32 to vector<16xi32>
      %gather3A_465 = tpu.vector_load_idx %arg9[%add3A_463, %broadcast_in_dim3A_464] : memref<64x128xf32, #tpu.memory_space<vmem>>[vector<16xi32>, vector<16xi32>], vector<16xf32>,
      %swap3A_466 = arith.index_cast %and3A_429 : i32 to index
      %swap3A_467 = arith.constant 48 : index
      %swap3A_468 = tpu.vector_load %arg10[%swap3A_466, %swap3A_467] {strides = array<i32>} : memref<513x64xf32, #tpu.memory_space<vmem>>, vector<16xf32>,
      tpu.vector_store %arg10[%swap3A_466, %swap3A_467], %gather3A_465 {strides = array<i32>} : memref<513x64xf32, #tpu.memory_space<vmem>>, vector<16xf32>,
      %mul3A_469 = arith.constant 4 : i32
      %mul3A_470 = arith.muli %add3A_336, %mul3A_469 : i32
      %add3A_471 = arith.constant 2 : i32
      %add3A_472 = arith.addi %mul3A_470, %add3A_471 : i32
      %get3A_473 = arith.index_cast %add3A_472 : i32 to index
      %get3A_474 = tpu.vector_load %arg6[%get3A_473] {strides = array<i32>} : memref<2080xi32, #tpu.memory_space<vmem>>, vector<16xi32>,
      %slice3A_475 = vector.extract_strided_slice %get3A_474 {offsets = [0], sizes = [1], strides = [1]} : vector<16xi32> to vector<1xi32>
      %squeeze3A_476 = vector.extract %slice3A_475[0] : i32 from vector<1xi32>
      %and3A_477 = arith.constant 1023 : i32
      %and3A_478 = arith.andi %squeeze3A_476, %and3A_477 : i32
      %shift_right_arithmetic3A_479 = arith.constant 10 : i32
      %shift_right_arithmetic3A_480 = arith.shrsi %squeeze3A_476, %shift_right_arithmetic3A_479 : i32
      %sub3A_481 = arith.subi %shift_right_arithmetic3A_480, %multiple_of3A_370 : i32
      %jit3A_482 = arith.constant 0 : i32
      %jit3A_483 = arith.constant 127 : i32
      %max3A_484 = arith.maxsi %jit3A_482, %sub3A_481 : i32
      %min3A_485 = arith.minsi %jit3A_483, %max3A_484 : i32
      %add3A_486 = arith.constant 0 : i32
      %add3A_487 = vector.broadcast %add3A_486 : i32 to vector<16xi32>
      %add3A_488 = arith.addi %add3A_487, %iota3A : vector<16xi32>
      %broadcast_in_dim3A_489 = vector.broadcast %min3A_485 : i32 to vector<16xi32>
      %gather3A_490 = tpu.vector_load_idx %arg9[%add3A_488, %broadcast_in_dim3A_489] : memref<64x128xf32, #tpu.memory_space<vmem>>[vector<16xi32>, vector<16xi32>], vector<16xf32>,
      %swap3A_491 = arith.index_cast %and3A_478 : i32 to index
      %swap3A_492 = arith.constant 0 : index
      %swap3A_493 = tpu.vector_load %arg10[%swap3A_491, %swap3A_492] {strides = array<i32>} : memref<513x64xf32, #tpu.memory_space<vmem>>, vector<16xf32>,
      tpu.vector_store %arg10[%swap3A_491, %swap3A_492], %gather3A_490 {strides = array<i32>} : memref<513x64xf32, #tpu.memory_space<vmem>>, vector<16xf32>,
      %add3A_494 = arith.constant 16 : i32
      %add3A_495 = vector.broadcast %add3A_494 : i32 to vector<16xi32>
      %add3A_496 = arith.addi %add3A_495, %iota3A : vector<16xi32>
      %broadcast_in_dim3A_497 = vector.broadcast %min3A_485 : i32 to vector<16xi32>
      %gather3A_498 = tpu.vector_load_idx %arg9[%add3A_496, %broadcast_in_dim3A_497] : memref<64x128xf32, #tpu.memory_space<vmem>>[vector<16xi32>, vector<16xi32>], vector<16xf32>,
      %swap3A_499 = arith.index_cast %and3A_478 : i32 to index
      %swap3A_500 = arith.constant 16 : index
      %swap3A_501 = tpu.vector_load %arg10[%swap3A_499, %swap3A_500] {strides = array<i32>} : memref<513x64xf32, #tpu.memory_space<vmem>>, vector<16xf32>,
      tpu.vector_store %arg10[%swap3A_499, %swap3A_500], %gather3A_498 {strides = array<i32>} : memref<513x64xf32, #tpu.memory_space<vmem>>, vector<16xf32>,
      %add3A_502 = arith.constant 32 : i32
      %add3A_503 = vector.broadcast %add3A_502 : i32 to vector<16xi32>
      %add3A_504 = arith.addi %add3A_503, %iota3A : vector<16xi32>
      %broadcast_in_dim3A_505 = vector.broadcast %min3A_485 : i32 to vector<16xi32>
      %gather3A_506 = tpu.vector_load_idx %arg9[%add3A_504, %broadcast_in_dim3A_505] : memref<64x128xf32, #tpu.memory_space<vmem>>[vector<16xi32>, vector<16xi32>], vector<16xf32>,
      %swap3A_507 = arith.index_cast %and3A_478 : i32 to index
      %swap3A_508 = arith.constant 32 : index
      %swap3A_509 = tpu.vector_load %arg10[%swap3A_507, %swap3A_508] {strides = array<i32>} : memref<513x64xf32, #tpu.memory_space<vmem>>, vector<16xf32>,
      tpu.vector_store %arg10[%swap3A_507, %swap3A_508], %gather3A_506 {strides = array<i32>} : memref<513x64xf32, #tpu.memory_space<vmem>>, vector<16xf32>,
      %add3A_510 = arith.constant 48 : i32
      %add3A_511 = vector.broadcast %add3A_510 : i32 to vector<16xi32>
      %add3A_512 = arith.addi %add3A_511, %iota3A : vector<16xi32>
      %broadcast_in_dim3A_513 = vector.broadcast %min3A_485 : i32 to vector<16xi32>
      %gather3A_514 = tpu.vector_load_idx %arg9[%add3A_512, %broadcast_in_dim3A_513] : memref<64x128xf32, #tpu.memory_space<vmem>>[vector<16xi32>, vector<16xi32>], vector<16xf32>,
      %swap3A_515 = arith.index_cast %and3A_478 : i32 to index
      %swap3A_516 = arith.constant 48 : index
      %swap3A_517 = tpu.vector_load %arg10[%swap3A_515, %swap3A_516] {strides = array<i32>} : memref<513x64xf32, #tpu.memory_space<vmem>>, vector<16xf32>,
      tpu.vector_store %arg10[%swap3A_515, %swap3A_516], %gather3A_514 {strides = array<i32>} : memref<513x64xf32, #tpu.memory_space<vmem>>, vector<16xf32>,
      %mul3A_518 = arith.constant 4 : i32
      %mul3A_519 = arith.muli %add3A_336, %mul3A_518 : i32
      %add3A_520 = arith.constant 3 : i32
      %add3A_521 = arith.addi %mul3A_519, %add3A_520 : i32
      %get3A_522 = arith.index_cast %add3A_521 : i32 to index
      %get3A_523 = tpu.vector_load %arg6[%get3A_522] {strides = array<i32>} : memref<2080xi32, #tpu.memory_space<vmem>>, vector<16xi32>,
      %slice3A_524 = vector.extract_strided_slice %get3A_523 {offsets = [0], sizes = [1], strides = [1]} : vector<16xi32> to vector<1xi32>
      %squeeze3A_525 = vector.extract %slice3A_524[0] : i32 from vector<1xi32>
      %and3A_526 = arith.constant 1023 : i32
      %and3A_527 = arith.andi %squeeze3A_525, %and3A_526 : i32
      %shift_right_arithmetic3A_528 = arith.constant 10 : i32
      %shift_right_arithmetic3A_529 = arith.shrsi %squeeze3A_525, %shift_right_arithmetic3A_528 : i32
      %sub3A_530 = arith.subi %shift_right_arithmetic3A_529, %multiple_of3A_370 : i32
      %jit3A_531 = arith.constant 0 : i32
      %jit3A_532 = arith.constant 127 : i32
      %max3A_533 = arith.maxsi %jit3A_531, %sub3A_530 : i32
      %min3A_534 = arith.minsi %jit3A_532, %max3A_533 : i32
      %add3A_535 = arith.constant 0 : i32
      %add3A_536 = vector.broadcast %add3A_535 : i32 to vector<16xi32>
      %add3A_537 = arith.addi %add3A_536, %iota3A : vector<16xi32>
      %broadcast_in_dim3A_538 = vector.broadcast %min3A_534 : i32 to vector<16xi32>
      %gather3A_539 = tpu.vector_load_idx %arg9[%add3A_537, %broadcast_in_dim3A_538] : memref<64x128xf32, #tpu.memory_space<vmem>>[vector<16xi32>, vector<16xi32>], vector<16xf32>,
      %swap3A_540 = arith.index_cast %and3A_527 : i32 to index
      %swap3A_541 = arith.constant 0 : index
      %swap3A_542 = tpu.vector_load %arg10[%swap3A_540, %swap3A_541] {strides = array<i32>} : memref<513x64xf32, #tpu.memory_space<vmem>>, vector<16xf32>,
      tpu.vector_store %arg10[%swap3A_540, %swap3A_541], %gather3A_539 {strides = array<i32>} : memref<513x64xf32, #tpu.memory_space<vmem>>, vector<16xf32>,
      %add3A_543 = arith.constant 16 : i32
      %add3A_544 = vector.broadcast %add3A_543 : i32 to vector<16xi32>
      %add3A_545 = arith.addi %add3A_544, %iota3A : vector<16xi32>
      %broadcast_in_dim3A_546 = vector.broadcast %min3A_534 : i32 to vector<16xi32>
      %gather3A_547 = tpu.vector_load_idx %arg9[%add3A_545, %broadcast_in_dim3A_546] : memref<64x128xf32, #tpu.memory_space<vmem>>[vector<16xi32>, vector<16xi32>], vector<16xf32>,
      %swap3A_548 = arith.index_cast %and3A_527 : i32 to index
      %swap3A_549 = arith.constant 16 : index
      %swap3A_550 = tpu.vector_load %arg10[%swap3A_548, %swap3A_549] {strides = array<i32>} : memref<513x64xf32, #tpu.memory_space<vmem>>, vector<16xf32>,
      tpu.vector_store %arg10[%swap3A_548, %swap3A_549], %gather3A_547 {strides = array<i32>} : memref<513x64xf32, #tpu.memory_space<vmem>>, vector<16xf32>,
      %add3A_551 = arith.constant 32 : i32
      %add3A_552 = vector.broadcast %add3A_551 : i32 to vector<16xi32>
      %add3A_553 = arith.addi %add3A_552, %iota3A : vector<16xi32>
      %broadcast_in_dim3A_554 = vector.broadcast %min3A_534 : i32 to vector<16xi32>
      %gather3A_555 = tpu.vector_load_idx %arg9[%add3A_553, %broadcast_in_dim3A_554] : memref<64x128xf32, #tpu.memory_space<vmem>>[vector<16xi32>, vector<16xi32>], vector<16xf32>,
      %swap3A_556 = arith.index_cast %and3A_527 : i32 to index
      %swap3A_557 = arith.constant 32 : index
      %swap3A_558 = tpu.vector_load %arg10[%swap3A_556, %swap3A_557] {strides = array<i32>} : memref<513x64xf32, #tpu.memory_space<vmem>>, vector<16xf32>,
      tpu.vector_store %arg10[%swap3A_556, %swap3A_557], %gather3A_555 {strides = array<i32>} : memref<513x64xf32, #tpu.memory_space<vmem>>, vector<16xf32>,
      %add3A_559 = arith.constant 48 : i32
      %add3A_560 = vector.broadcast %add3A_559 : i32 to vector<16xi32>
      %add3A_561 = arith.addi %add3A_560, %iota3A : vector<16xi32>
      %broadcast_in_dim3A_562 = vector.broadcast %min3A_534 : i32 to vector<16xi32>
      %gather3A_563 = tpu.vector_load_idx %arg9[%add3A_561, %broadcast_in_dim3A_562] : memref<64x128xf32, #tpu.memory_space<vmem>>[vector<16xi32>, vector<16xi32>], vector<16xf32>,
      %swap3A_564 = arith.index_cast %and3A_527 : i32 to index
      %swap3A_565 = arith.constant 48 : index
      %swap3A_566 = tpu.vector_load %arg10[%swap3A_564, %swap3A_565] {strides = array<i32>} : memref<513x64xf32, #tpu.memory_space<vmem>>, vector<16xf32>,
      tpu.vector_store %arg10[%swap3A_564, %swap3A_565], %gather3A_563 {strides = array<i32>} : memref<513x64xf32, #tpu.memory_space<vmem>>, vector<16xf32>,
      %add3A_567 = arith.constant 2 : i32
      %add3A_568 = arith.addi %add3A_336, %add3A_567 : i32
      %mul3A_569 = arith.constant 4 : i32
      %mul3A_570 = arith.muli %add3A_568, %mul3A_569 : i32
      %get3A_571 = arith.index_cast %mul3A_570 : i32 to index
      %get3A_572 = tpu.vector_load %arg6[%get3A_571] {strides = array<i32>} : memref<2080xi32, #tpu.memory_space<vmem>>, vector<16xi32>,
      %slice3A_573 = vector.extract_strided_slice %get3A_572 {offsets = [0], sizes = [1], strides = [1]} : vector<16xi32> to vector<1xi32>
      %squeeze3A_574 = vector.extract %slice3A_573[0] : i32 from vector<1xi32>
      %shift_right_arithmetic3A_575 = arith.constant 10 : i32
      %shift_right_arithmetic3A_576 = arith.shrsi %squeeze3A_574, %shift_right_arithmetic3A_575 : i32
      %shift_right_arithmetic3A_577 = arith.constant 7 : i32
      %shift_right_arithmetic3A_578 = arith.shrsi %shift_right_arithmetic3A_576, %shift_right_arithmetic3A_577 : i32
      %mul3A_579 = arith.constant 128 : i32
      %mul3A_580 = arith.muli %shift_right_arithmetic3A_578, %mul3A_579 : i32
      %min3A_581 = arith.constant 999872 : i32
      %min3A_582 = arith.minsi %mul3A_580, %min3A_581 : i32
      %multiple_of3A_583 = tpu.assume_multiple %min3A_582, 128 : i32
      %dma_start3A_584 = arith.constant 0 : i32
      %dma_start3A_585 = tpu.memref_slice %arg4[%dma_start3A_584, %multiple_of3A_583] : memref<64x1000000xf32, #tpu.memory_space<hbm>> -> memref<64x128xf32, #tpu.memory_space<hbm>>
      %dma_start3A_586 = arith.constant 0 : i32
      %dma_start3A_587 = tpu.memref_slice %arg4[%dma_start3A_586, %multiple_of3A_583] : memref<64x1000000xf32, #tpu.memory_space<hbm>> -> memref<64x128xf32, #tpu.memory_space<hbm>>
      tpu.enqueue_dma source(%dma_start3A_587 : memref<64x128xf32, #tpu.memory_space<hbm>>) target(%arg9 : memref<64x128xf32, #tpu.memory_space<vmem>>) target_semaphore(%arg12 : memref<!tpu.dma_semaphore, #tpu.memory_space<semaphore_mem>>)
    }
    %mul3A_41 = arith.constant 2 : i32
    %mul3A_42 = arith.muli %mul3A_41, %squeeze3A : i32
    %mul3A_43 = arith.constant 4 : i32
    %mul3A_44 = arith.muli %mul3A_42, %mul3A_43 : i32
    %get3A_45 = arith.index_cast %mul3A_44 : i32 to index
    %get3A_46 = tpu.vector_load %arg6[%get3A_45] {strides = array<i32>} : memref<2080xi32, #tpu.memory_space<vmem>>, vector<16xi32>,
    %slice3A_47 = vector.extract_strided_slice %get3A_46 {offsets = [0], sizes = [1], strides = [1]} : vector<16xi32> to vector<1xi32>
    %squeeze3A_48 = vector.extract %slice3A_47[0] : i32 from vector<1xi32>
    %shift_right_arithmetic3A_49 = arith.constant 10 : i32
    %shift_right_arithmetic3A_50 = arith.shrsi %squeeze3A_48, %shift_right_arithmetic3A_49 : i32
    %shift_right_arithmetic3A_51 = arith.constant 7 : i32
    %shift_right_arithmetic3A_52 = arith.shrsi %shift_right_arithmetic3A_50, %shift_right_arithmetic3A_51 : i32
    %mul3A_53 = arith.constant 128 : i32
    %mul3A_54 = arith.muli %shift_right_arithmetic3A_52, %mul3A_53 : i32
    %min3A_55 = arith.constant 999872 : i32
    %min3A_56 = arith.minsi %mul3A_54, %min3A_55 : i32
    %multiple_of3A_57 = tpu.assume_multiple %min3A_56, 128 : i32
    %dma_wait3A = arith.constant 0 : i32
    %dma_wait3A_58 = tpu.memref_slice %arg4[%dma_wait3A, %multiple_of3A_57] : memref<64x1000000xf32, #tpu.memory_space<hbm>> -> memref<64x128xf32, #tpu.memory_space<hbm>>
    %dma_wait3A_59 = arith.constant 0 : i32
    %dma_wait3A_60 = tpu.memref_slice %arg4[%dma_wait3A_59, %multiple_of3A_57] : memref<64x1000000xf32, #tpu.memory_space<hbm>> -> memref<64x128xf32, #tpu.memory_space<hbm>>
    tpu.wait_dma2 semaphore(%arg11 : memref<!tpu.dma_semaphore, #tpu.memory_space<semaphore_mem>>) src(%dma_wait3A_60 : memref<64x128xf32, #tpu.memory_space<hbm>>) dst(%arg8 : memref<64x128xf32, #tpu.memory_space<vmem>>)
    %mul3A_61 = arith.constant 2 : i32
    %mul3A_62 = arith.muli %mul3A_61, %squeeze3A : i32
    %add3A_63 = arith.constant 1 : i32
    %add3A_64 = arith.addi %mul3A_62, %add3A_63 : i32
    %mul3A_65 = arith.constant 4 : i32
    %mul3A_66 = arith.muli %add3A_64, %mul3A_65 : i32
    %get3A_67 = arith.index_cast %mul3A_66 : i32 to index
    %get3A_68 = tpu.vector_load %arg6[%get3A_67] {strides = array<i32>} : memref<2080xi32, #tpu.memory_space<vmem>>, vector<16xi32>,
    %slice3A_69 = vector.extract_strided_slice %get3A_68 {offsets = [0], sizes = [1], strides = [1]} : vector<16xi32> to vector<1xi32>
    %squeeze3A_70 = vector.extract %slice3A_69[0] : i32 from vector<1xi32>
    %shift_right_arithmetic3A_71 = arith.constant 10 : i32
    %shift_right_arithmetic3A_72 = arith.shrsi %squeeze3A_70, %shift_right_arithmetic3A_71 : i32
    %shift_right_arithmetic3A_73 = arith.constant 7 : i32
    %shift_right_arithmetic3A_74 = arith.shrsi %shift_right_arithmetic3A_72, %shift_right_arithmetic3A_73 : i32
    %mul3A_75 = arith.constant 128 : i32
    %mul3A_76 = arith.muli %shift_right_arithmetic3A_74, %mul3A_75 : i32
    %min3A_77 = arith.constant 999872 : i32
    %min3A_78 = arith.minsi %mul3A_76, %min3A_77 : i32
    %multiple_of3A_79 = tpu.assume_multiple %min3A_78, 128 : i32
    %dma_wait3A_80 = arith.constant 0 : i32
    %dma_wait3A_81 = tpu.memref_slice %arg4[%dma_wait3A_80, %multiple_of3A_79] : memref<64x1000000xf32, #tpu.memory_space<hbm>> -> memref<64x128xf32, #tpu.memory_space<hbm>>
    %dma_wait3A_82 = arith.constant 0 : i32
    %dma_wait3A_83 = tpu.memref_slice %arg4[%dma_wait3A_82, %multiple_of3A_79] : memref<64x1000000xf32, #tpu.memory_space<hbm>> -> memref<64x128xf32, #tpu.memory_space<hbm>>
    tpu.wait_dma2 semaphore(%arg12 : memref<!tpu.dma_semaphore, #tpu.memory_space<semaphore_mem>>) src(%dma_wait3A_83 : memref<64x128xf32, #tpu.memory_space<hbm>>) dst(%arg9 : memref<64x128xf32, #tpu.memory_space<vmem>>)
    %mul3A_84 = arith.constant 512 : i32
    %mul3A_85 = arith.muli %add3A, %mul3A_84 : i32
    "tpu.region"() ({
      %run_scoped3A = tpu.sem_alloc : memref<!tpu.dma_semaphore, #tpu.memory_space<semaphore_mem>>
      %dma_start3A_86 = arith.constant 0 : i32
      %dma_start3A_87 = arith.constant 0 : i32
      %dma_start3A_88 = tpu.memref_slice %arg10[%dma_start3A_86, %dma_start3A_87] : memref<513x64xf32, #tpu.memory_space<vmem>> -> memref<512x64xf32, #tpu.memory_space<vmem>>
      %dma_start3A_89 = arith.constant 0 : i32
      %dma_start3A_90 = tpu.memref_slice %arg5[%mul3A_85, %dma_start3A_89] : memref<16384x64xf32, #tpu.memory_space<hbm>> -> memref<512x64xf32, #tpu.memory_space<hbm>>
      %dma_start3A_91 = arith.constant 0 : i32
      %dma_start3A_92 = tpu.memref_slice %arg5[%mul3A_85, %dma_start3A_91] : memref<16384x64xf32, #tpu.memory_space<hbm>> -> memref<512x64xf32, #tpu.memory_space<hbm>>
      %dma_start3A_93 = arith.constant 0 : i32
      %dma_start3A_94 = arith.constant 0 : i32
      %dma_start3A_95 = tpu.memref_slice %arg10[%dma_start3A_93, %dma_start3A_94] : memref<513x64xf32, #tpu.memory_space<vmem>> -> memref<512x64xf32, #tpu.memory_space<vmem>>
      tpu.enqueue_dma source(%dma_start3A_95 : memref<512x64xf32, #tpu.memory_space<vmem>>) target(%dma_start3A_92 : memref<512x64xf32, #tpu.memory_space<hbm>>) target_semaphore(%run_scoped3A : memref<!tpu.dma_semaphore, #tpu.memory_space<semaphore_mem>>)
      %dma_wait3A_96 = arith.constant 0 : i32
      %dma_wait3A_97 = arith.constant 0 : i32
      %dma_wait3A_98 = tpu.memref_slice %arg10[%dma_wait3A_96, %dma_wait3A_97] : memref<513x64xf32, #tpu.memory_space<vmem>> -> memref<512x64xf32, #tpu.memory_space<vmem>>
      %dma_wait3A_99 = arith.constant 0 : i32
      %dma_wait3A_100 = tpu.memref_slice %arg5[%mul3A_85, %dma_wait3A_99] : memref<16384x64xf32, #tpu.memory_space<hbm>> -> memref<512x64xf32, #tpu.memory_space<hbm>>
      %dma_wait3A_101 = arith.constant 0 : i32
      %dma_wait3A_102 = tpu.memref_slice %arg5[%mul3A_85, %dma_wait3A_101] : memref<16384x64xf32, #tpu.memory_space<hbm>> -> memref<512x64xf32, #tpu.memory_space<hbm>>
      %dma_wait3A_103 = arith.constant 0 : i32
      %dma_wait3A_104 = arith.constant 0 : i32
      %dma_wait3A_105 = tpu.memref_slice %arg10[%dma_wait3A_103, %dma_wait3A_104] : memref<513x64xf32, #tpu.memory_space<vmem>> -> memref<512x64xf32, #tpu.memory_space<vmem>>
      tpu.wait_dma2 semaphore(%run_scoped3A : memref<!tpu.dma_semaphore, #tpu.memory_space<semaphore_mem>>) src(%dma_wait3A_105 : memref<512x64xf32, #tpu.memory_space<vmem>>) dst(%dma_wait3A_102 : memref<512x64xf32, #tpu.memory_space<hbm>>)
      tpu.yield
    }) : () -> ()
    return
  }
}

#map = affine_map<(d0, d1) -> (0, 0)>
#map1 = affine_map<(d0, d1) -> (0, 0, 0)>
module attributes {stable_mosaic.version = 14 : i64} {
  func.func @k(%arg0: i32, %arg1: i32, %arg2: memref<16384x64xf32, #tpu.memory_space<hbm>>, %arg3: memref<32x4x128xi32, #tpu.memory_space<hbm>>, %arg4: memref<128x16xf32, #tpu.memory_space<hbm>>, %arg5: memref<256x64xf32, #tpu.memory_space<hbm>>, %arg6: memref<256x16xf32, #tpu.memory_space<hbm>>, %arg7: memref<8192x64xf32, #tpu.memory_space<hbm>>, %arg8: memref<8192x16xf32, #tpu.memory_space<hbm>>, %arg9: memref<4x128xi32, #tpu.memory_space<vmem>>, %arg10: memref<512x64xf32, #tpu.memory_space<vmem>>, %arg11: memref<128x16xf32, #tpu.memory_space<vmem>>, %arg12: memref<4096x64xf32, #tpu.memory_space<vmem_shared>>, %arg13: memref<4096x16xf32, #tpu.memory_space<vmem_shared>>) attributes {dimension_semantics = [#tpu.dimension_semantics<core_parallel>, #tpu.dimension_semantics<subcore_parallel>], iteration_bounds = array<i64: 2, 16>, scalar_prefetch = 0 : i64, scratch_operands = 5 : i64, tpu.core_type = #tpu.core_type<sc_vector_subcore>, window_params = [{transform_indices = #map}, {transform_indices = #map1}, {transform_indices = #map}, {transform_indices = #map}, {transform_indices = #map}, {transform_indices = #map}, {transform_indices = #map}]} {
    %mul3A = arith.constant 2 : i32
    %mul3A_0 = arith.muli %arg1, %mul3A : i32
    %add3A = arith.addi %mul3A_0, %arg0 : i32
    %mul3A_1 = arith.constant 256 : i32
    %mul3A_2 = arith.muli %arg1, %mul3A_1 : i32
    "tpu.region"() ({
      %run_scoped3A_24 = tpu.sem_alloc : memref<!tpu.dma_semaphore, #tpu.memory_space<semaphore_mem>>
      %dma_start3A = arith.constant 0 : i32
      %dma_start3A_25 = tpu.memref_slice %arg12[%mul3A_2, %dma_start3A] : memref<4096x64xf32, #tpu.memory_space<vmem_shared>> -> memref<256x64xf32, #tpu.memory_space<vmem_shared>>
      tpu.enqueue_dma source(%arg5 : memref<256x64xf32, #tpu.memory_space<hbm>>) target(%dma_start3A_25 : memref<256x64xf32, #tpu.memory_space<vmem_shared>>) target_semaphore(%run_scoped3A_24 : memref<!tpu.dma_semaphore, #tpu.memory_space<semaphore_mem>>)
      %dma_wait3A = arith.constant 0 : i32
      %dma_wait3A_26 = tpu.memref_slice %arg12[%mul3A_2, %dma_wait3A] : memref<4096x64xf32, #tpu.memory_space<vmem_shared>> -> memref<256x64xf32, #tpu.memory_space<vmem_shared>>
      tpu.wait_dma2 semaphore(%run_scoped3A_24 : memref<!tpu.dma_semaphore, #tpu.memory_space<semaphore_mem>>) src(%arg5 : memref<256x64xf32, #tpu.memory_space<hbm>>) dst(%dma_wait3A_26 : memref<256x64xf32, #tpu.memory_space<vmem_shared>>)
      tpu.yield
    }) : () -> ()
    %mul3A_3 = arith.constant 256 : i32
    %mul3A_4 = arith.muli %arg1, %mul3A_3 : i32
    "tpu.region"() ({
      %run_scoped3A_24 = tpu.sem_alloc : memref<!tpu.dma_semaphore, #tpu.memory_space<semaphore_mem>>
      %dma_start3A = arith.constant 0 : i32
      %dma_start3A_25 = tpu.memref_slice %arg13[%mul3A_4, %dma_start3A] : memref<4096x16xf32, #tpu.memory_space<vmem_shared>> -> memref<256x16xf32, #tpu.memory_space<vmem_shared>>
      tpu.enqueue_dma source(%arg6 : memref<256x16xf32, #tpu.memory_space<hbm>>) target(%dma_start3A_25 : memref<256x16xf32, #tpu.memory_space<vmem_shared>>) target_semaphore(%run_scoped3A_24 : memref<!tpu.dma_semaphore, #tpu.memory_space<semaphore_mem>>)
      %dma_wait3A = arith.constant 0 : i32
      %dma_wait3A_26 = tpu.memref_slice %arg13[%mul3A_4, %dma_wait3A] : memref<4096x16xf32, #tpu.memory_space<vmem_shared>> -> memref<256x16xf32, #tpu.memory_space<vmem_shared>>
      tpu.wait_dma2 semaphore(%run_scoped3A_24 : memref<!tpu.dma_semaphore, #tpu.memory_space<semaphore_mem>>) src(%arg6 : memref<256x16xf32, #tpu.memory_space<hbm>>) dst(%dma_wait3A_26 : memref<256x16xf32, #tpu.memory_space<vmem_shared>>)
      tpu.yield
    }) : () -> ()
    "tpu.region"() ({
      %run_scoped3A_24 = tpu.sem_alloc : memref<!tpu.dma_semaphore, #tpu.memory_space<semaphore_mem>>
      %dma_start3A = arith.constant 0 : i32
      %dma_start3A_25 = arith.constant 0 : i32
      %dma_start3A_26 = tpu.memref_slice %arg3[%add3A, %dma_start3A, %dma_start3A_25] : memref<32x4x128xi32, #tpu.memory_space<hbm>> -> memref<1x4x128xi32, #tpu.memory_space<hbm>>
      %dma_start3A_27 = tpu.memref_squeeze %dma_start3A_26 : memref<1x4x128xi32, #tpu.memory_space<hbm>> -> memref<4x128xi32, #tpu.memory_space<hbm>>
      %dma_start3A_28 = arith.constant 0 : i32
      %dma_start3A_29 = arith.constant 0 : i32
      %dma_start3A_30 = tpu.memref_slice %arg3[%add3A, %dma_start3A_28, %dma_start3A_29] : memref<32x4x128xi32, #tpu.memory_space<hbm>> -> memref<1x4x128xi32, #tpu.memory_space<hbm>>
      %dma_start3A_31 = tpu.memref_squeeze %dma_start3A_30 : memref<1x4x128xi32, #tpu.memory_space<hbm>> -> memref<4x128xi32, #tpu.memory_space<hbm>>
      tpu.enqueue_dma source(%dma_start3A_31 : memref<4x128xi32, #tpu.memory_space<hbm>>) target(%arg9 : memref<4x128xi32, #tpu.memory_space<vmem>>) target_semaphore(%run_scoped3A_24 : memref<!tpu.dma_semaphore, #tpu.memory_space<semaphore_mem>>)
      %dma_wait3A = arith.constant 0 : i32
      %dma_wait3A_32 = arith.constant 0 : i32
      %dma_wait3A_33 = tpu.memref_slice %arg3[%add3A, %dma_wait3A, %dma_wait3A_32] : memref<32x4x128xi32, #tpu.memory_space<hbm>> -> memref<1x4x128xi32, #tpu.memory_space<hbm>>
      %dma_wait3A_34 = tpu.memref_squeeze %dma_wait3A_33 : memref<1x4x128xi32, #tpu.memory_space<hbm>> -> memref<4x128xi32, #tpu.memory_space<hbm>>
      %dma_wait3A_35 = arith.constant 0 : i32
      %dma_wait3A_36 = arith.constant 0 : i32
      %dma_wait3A_37 = tpu.memref_slice %arg3[%add3A, %dma_wait3A_35, %dma_wait3A_36] : memref<32x4x128xi32, #tpu.memory_space<hbm>> -> memref<1x4x128xi32, #tpu.memory_space<hbm>>
      %dma_wait3A_38 = tpu.memref_squeeze %dma_wait3A_37 : memref<1x4x128xi32, #tpu.memory_space<hbm>> -> memref<4x128xi32, #tpu.memory_space<hbm>>
      tpu.wait_dma2 semaphore(%run_scoped3A_24 : memref<!tpu.dma_semaphore, #tpu.memory_space<semaphore_mem>>) src(%dma_wait3A_38 : memref<4x128xi32, #tpu.memory_space<hbm>>) dst(%arg9 : memref<4x128xi32, #tpu.memory_space<vmem>>)
      tpu.yield
    }) : () -> ()
    %mul3A_5 = arith.constant 512 : i32
    %mul3A_6 = arith.muli %add3A, %mul3A_5 : i32
    "tpu.region"() ({
      %run_scoped3A_24 = tpu.sem_alloc : memref<!tpu.dma_semaphore, #tpu.memory_space<semaphore_mem>>
      %dma_start3A = arith.constant 0 : i32
      %dma_start3A_25 = tpu.memref_slice %arg2[%mul3A_6, %dma_start3A] : memref<16384x64xf32, #tpu.memory_space<hbm>> -> memref<512x64xf32, #tpu.memory_space<hbm>>
      %dma_start3A_26 = arith.constant 0 : i32
      %dma_start3A_27 = tpu.memref_slice %arg2[%mul3A_6, %dma_start3A_26] : memref<16384x64xf32, #tpu.memory_space<hbm>> -> memref<512x64xf32, #tpu.memory_space<hbm>>
      tpu.enqueue_dma source(%dma_start3A_27 : memref<512x64xf32, #tpu.memory_space<hbm>>) target(%arg10 : memref<512x64xf32, #tpu.memory_space<vmem>>) target_semaphore(%run_scoped3A_24 : memref<!tpu.dma_semaphore, #tpu.memory_space<semaphore_mem>>)
      %dma_wait3A = arith.constant 0 : i32
      %dma_wait3A_28 = tpu.memref_slice %arg2[%mul3A_6, %dma_wait3A] : memref<16384x64xf32, #tpu.memory_space<hbm>> -> memref<512x64xf32, #tpu.memory_space<hbm>>
      %dma_wait3A_29 = arith.constant 0 : i32
      %dma_wait3A_30 = tpu.memref_slice %arg2[%mul3A_6, %dma_wait3A_29] : memref<16384x64xf32, #tpu.memory_space<hbm>> -> memref<512x64xf32, #tpu.memory_space<hbm>>
      tpu.wait_dma2 semaphore(%run_scoped3A_24 : memref<!tpu.dma_semaphore, #tpu.memory_space<semaphore_mem>>) src(%dma_wait3A_30 : memref<512x64xf32, #tpu.memory_space<hbm>>) dst(%arg10 : memref<512x64xf32, #tpu.memory_space<vmem>>)
      tpu.yield
    }) : () -> ()
    "tpu.region"() ({
      %run_scoped3A_24 = tpu.sem_alloc : memref<!tpu.dma_semaphore, #tpu.memory_space<semaphore_mem>>
      tpu.enqueue_dma source(%arg4 : memref<128x16xf32, #tpu.memory_space<hbm>>) target(%arg11 : memref<128x16xf32, #tpu.memory_space<vmem>>) target_semaphore(%run_scoped3A_24 : memref<!tpu.dma_semaphore, #tpu.memory_space<semaphore_mem>>)
      tpu.wait_dma2 semaphore(%run_scoped3A_24 : memref<!tpu.dma_semaphore, #tpu.memory_space<semaphore_mem>>) src(%arg4 : memref<128x16xf32, #tpu.memory_space<hbm>>) dst(%arg11 : memref<128x16xf32, #tpu.memory_space<vmem>>)
      tpu.yield
    }) : () -> ()
    %barrier3A = arith.constant 0 : index
    tpu.barrier barrier_id(%barrier3A)
    %run_scoped3A = arith.constant 0 : i32
    "tpu.region"() ({
      %run_scoped3A_24 = tpu.sem_alloc : memref<!tpu.dma_semaphore, #tpu.memory_space<semaphore_mem>>
      %dma_start3A = arith.constant 0 : i32
      %dma_start3A_25 = arith.constant 0 : i32
      %dma_start3A_26 = tpu.memref_slice %arg10[%dma_start3A, %dma_start3A_25] : memref<512x64xf32, #tpu.memory_space<vmem>> -> memref<128x64xf32, #tpu.memory_space<vmem>>
      %dma_start3A_27 = arith.constant 0 : i32
      %dma_start3A_28 = tpu.memref_slice %arg9[%run_scoped3A, %dma_start3A_27] : memref<4x128xi32, #tpu.memory_space<vmem>> -> memref<1x128xi32, #tpu.memory_space<vmem>>
      %dma_start3A_29 = tpu.memref_squeeze %dma_start3A_28 : memref<1x128xi32, #tpu.memory_space<vmem>> -> memref<128xi32, #tpu.memory_space<vmem>>
      %dma_start3A_30 = arith.constant 0 : i32
      %dma_start3A_31 = arith.constant 0 : i32
      %dma_start3A_32 = tpu.memref_slice %arg12[%dma_start3A_30, %dma_start3A_31] : memref<4096x64xf32, #tpu.memory_space<vmem_shared>> -> memref<4096x64xf32, #tpu.memory_space<vmem_shared>>
      tpu.enqueue_indirect_dma source(%dma_start3A_26 : memref<128x64xf32, #tpu.memory_space<vmem>>) target(%dma_start3A_32 : memref<4096x64xf32, #tpu.memory_space<vmem_shared>>) offsets(%dma_start3A_29 : memref<128xi32, #tpu.memory_space<vmem>>) semaphore(%run_scoped3A_24 : memref<!tpu.dma_semaphore, #tpu.memory_space<semaphore_mem>>) {add = true}
      %dma_wait3A = arith.constant 0 : i32
      %dma_wait3A_33 = arith.constant 0 : i32
      %dma_wait3A_34 = tpu.memref_slice %arg10[%dma_wait3A, %dma_wait3A_33] : memref<512x64xf32, #tpu.memory_space<vmem>> -> memref<128x64xf32, #tpu.memory_space<vmem>>
      %dma_wait3A_35 = arith.constant 0 : i32
      %dma_wait3A_36 = tpu.memref_slice %arg9[%run_scoped3A, %dma_wait3A_35] : memref<4x128xi32, #tpu.memory_space<vmem>> -> memref<1x128xi32, #tpu.memory_space<vmem>>
      %dma_wait3A_37 = tpu.memref_squeeze %dma_wait3A_36 : memref<1x128xi32, #tpu.memory_space<vmem>> -> memref<128xi32, #tpu.memory_space<vmem>>
      %dma_wait3A_38 = arith.constant 0 : i32
      %dma_wait3A_39 = arith.constant 0 : i32
      %dma_wait3A_40 = tpu.memref_slice %arg12[%dma_wait3A_38, %dma_wait3A_39] : memref<4096x64xf32, #tpu.memory_space<vmem_shared>> -> memref<4096x64xf32, #tpu.memory_space<vmem_shared>>
      tpu.wait_indirect_dma semaphore(%run_scoped3A_24 : memref<!tpu.dma_semaphore, #tpu.memory_space<semaphore_mem>>) src(%dma_wait3A_34 : memref<128x64xf32, #tpu.memory_space<vmem>>) dst(%dma_wait3A_40 : memref<4096x64xf32, #tpu.memory_space<vmem_shared>>)
      tpu.yield
    }) : () -> ()
    %run_scoped3A_7 = arith.constant 0 : i32
    "tpu.region"() ({
      %run_scoped3A_24 = tpu.sem_alloc : memref<!tpu.dma_semaphore, #tpu.memory_space<semaphore_mem>>
      %dma_start3A = arith.constant 0 : i32
      %dma_start3A_25 = tpu.memref_slice %arg9[%run_scoped3A_7, %dma_start3A] : memref<4x128xi32, #tpu.memory_space<vmem>> -> memref<1x128xi32, #tpu.memory_space<vmem>>
      %dma_start3A_26 = tpu.memref_squeeze %dma_start3A_25 : memref<1x128xi32, #tpu.memory_space<vmem>> -> memref<128xi32, #tpu.memory_space<vmem>>
      %dma_start3A_27 = arith.constant 0 : i32
      %dma_start3A_28 = arith.constant 0 : i32
      %dma_start3A_29 = tpu.memref_slice %arg13[%dma_start3A_27, %dma_start3A_28] : memref<4096x16xf32, #tpu.memory_space<vmem_shared>> -> memref<4096x16xf32, #tpu.memory_space<vmem_shared>>
      tpu.enqueue_indirect_dma source(%arg11 : memref<128x16xf32, #tpu.memory_space<vmem>>) target(%dma_start3A_29 : memref<4096x16xf32, #tpu.memory_space<vmem_shared>>) offsets(%dma_start3A_26 : memref<128xi32, #tpu.memory_space<vmem>>) semaphore(%run_scoped3A_24 : memref<!tpu.dma_semaphore, #tpu.memory_space<semaphore_mem>>) {add = true}
      %dma_wait3A = arith.constant 0 : i32
      %dma_wait3A_30 = tpu.memref_slice %arg9[%run_scoped3A_7, %dma_wait3A] : memref<4x128xi32, #tpu.memory_space<vmem>> -> memref<1x128xi32, #tpu.memory_space<vmem>>
      %dma_wait3A_31 = tpu.memref_squeeze %dma_wait3A_30 : memref<1x128xi32, #tpu.memory_space<vmem>> -> memref<128xi32, #tpu.memory_space<vmem>>
      %dma_wait3A_32 = arith.constant 0 : i32
      %dma_wait3A_33 = arith.constant 0 : i32
      %dma_wait3A_34 = tpu.memref_slice %arg13[%dma_wait3A_32, %dma_wait3A_33] : memref<4096x16xf32, #tpu.memory_space<vmem_shared>> -> memref<4096x16xf32, #tpu.memory_space<vmem_shared>>
      tpu.wait_indirect_dma semaphore(%run_scoped3A_24 : memref<!tpu.dma_semaphore, #tpu.memory_space<semaphore_mem>>) src(%arg11 : memref<128x16xf32, #tpu.memory_space<vmem>>) dst(%dma_wait3A_34 : memref<4096x16xf32, #tpu.memory_space<vmem_shared>>)
      tpu.yield
    }) : () -> ()
    %run_scoped3A_8 = arith.constant 1 : i32
    "tpu.region"() ({
      %run_scoped3A_24 = tpu.sem_alloc : memref<!tpu.dma_semaphore, #tpu.memory_space<semaphore_mem>>
      %dma_start3A = arith.constant 128 : i32
      %dma_start3A_25 = arith.constant 0 : i32
      %dma_start3A_26 = tpu.memref_slice %arg10[%dma_start3A, %dma_start3A_25] : memref<512x64xf32, #tpu.memory_space<vmem>> -> memref<128x64xf32, #tpu.memory_space<vmem>>
      %dma_start3A_27 = arith.constant 0 : i32
      %dma_start3A_28 = tpu.memref_slice %arg9[%run_scoped3A_8, %dma_start3A_27] : memref<4x128xi32, #tpu.memory_space<vmem>> -> memref<1x128xi32, #tpu.memory_space<vmem>>
      %dma_start3A_29 = tpu.memref_squeeze %dma_start3A_28 : memref<1x128xi32, #tpu.memory_space<vmem>> -> memref<128xi32, #tpu.memory_space<vmem>>
      %dma_start3A_30 = arith.constant 0 : i32
      %dma_start3A_31 = arith.constant 0 : i32
      %dma_start3A_32 = tpu.memref_slice %arg12[%dma_start3A_30, %dma_start3A_31] : memref<4096x64xf32, #tpu.memory_space<vmem_shared>> -> memref<4096x64xf32, #tpu.memory_space<vmem_shared>>
      tpu.enqueue_indirect_dma source(%dma_start3A_26 : memref<128x64xf32, #tpu.memory_space<vmem>>) target(%dma_start3A_32 : memref<4096x64xf32, #tpu.memory_space<vmem_shared>>) offsets(%dma_start3A_29 : memref<128xi32, #tpu.memory_space<vmem>>) semaphore(%run_scoped3A_24 : memref<!tpu.dma_semaphore, #tpu.memory_space<semaphore_mem>>) {add = true}
      %dma_wait3A = arith.constant 128 : i32
      %dma_wait3A_33 = arith.constant 0 : i32
      %dma_wait3A_34 = tpu.memref_slice %arg10[%dma_wait3A, %dma_wait3A_33] : memref<512x64xf32, #tpu.memory_space<vmem>> -> memref<128x64xf32, #tpu.memory_space<vmem>>
      %dma_wait3A_35 = arith.constant 0 : i32
      %dma_wait3A_36 = tpu.memref_slice %arg9[%run_scoped3A_8, %dma_wait3A_35] : memref<4x128xi32, #tpu.memory_space<vmem>> -> memref<1x128xi32, #tpu.memory_space<vmem>>
      %dma_wait3A_37 = tpu.memref_squeeze %dma_wait3A_36 : memref<1x128xi32, #tpu.memory_space<vmem>> -> memref<128xi32, #tpu.memory_space<vmem>>
      %dma_wait3A_38 = arith.constant 0 : i32
      %dma_wait3A_39 = arith.constant 0 : i32
      %dma_wait3A_40 = tpu.memref_slice %arg12[%dma_wait3A_38, %dma_wait3A_39] : memref<4096x64xf32, #tpu.memory_space<vmem_shared>> -> memref<4096x64xf32, #tpu.memory_space<vmem_shared>>
      tpu.wait_indirect_dma semaphore(%run_scoped3A_24 : memref<!tpu.dma_semaphore, #tpu.memory_space<semaphore_mem>>) src(%dma_wait3A_34 : memref<128x64xf32, #tpu.memory_space<vmem>>) dst(%dma_wait3A_40 : memref<4096x64xf32, #tpu.memory_space<vmem_shared>>)
      tpu.yield
    }) : () -> ()
    %run_scoped3A_9 = arith.constant 1 : i32
    "tpu.region"() ({
      %run_scoped3A_24 = tpu.sem_alloc : memref<!tpu.dma_semaphore, #tpu.memory_space<semaphore_mem>>
      %dma_start3A = arith.constant 0 : i32
      %dma_start3A_25 = tpu.memref_slice %arg9[%run_scoped3A_9, %dma_start3A] : memref<4x128xi32, #tpu.memory_space<vmem>> -> memref<1x128xi32, #tpu.memory_space<vmem>>
      %dma_start3A_26 = tpu.memref_squeeze %dma_start3A_25 : memref<1x128xi32, #tpu.memory_space<vmem>> -> memref<128xi32, #tpu.memory_space<vmem>>
      %dma_start3A_27 = arith.constant 0 : i32
      %dma_start3A_28 = arith.constant 0 : i32
      %dma_start3A_29 = tpu.memref_slice %arg13[%dma_start3A_27, %dma_start3A_28] : memref<4096x16xf32, #tpu.memory_space<vmem_shared>> -> memref<4096x16xf32, #tpu.memory_space<vmem_shared>>
      tpu.enqueue_indirect_dma source(%arg11 : memref<128x16xf32, #tpu.memory_space<vmem>>) target(%dma_start3A_29 : memref<4096x16xf32, #tpu.memory_space<vmem_shared>>) offsets(%dma_start3A_26 : memref<128xi32, #tpu.memory_space<vmem>>) semaphore(%run_scoped3A_24 : memref<!tpu.dma_semaphore, #tpu.memory_space<semaphore_mem>>) {add = true}
      %dma_wait3A = arith.constant 0 : i32
      %dma_wait3A_30 = tpu.memref_slice %arg9[%run_scoped3A_9, %dma_wait3A] : memref<4x128xi32, #tpu.memory_space<vmem>> -> memref<1x128xi32, #tpu.memory_space<vmem>>
      %dma_wait3A_31 = tpu.memref_squeeze %dma_wait3A_30 : memref<1x128xi32, #tpu.memory_space<vmem>> -> memref<128xi32, #tpu.memory_space<vmem>>
      %dma_wait3A_32 = arith.constant 0 : i32
      %dma_wait3A_33 = arith.constant 0 : i32
      %dma_wait3A_34 = tpu.memref_slice %arg13[%dma_wait3A_32, %dma_wait3A_33] : memref<4096x16xf32, #tpu.memory_space<vmem_shared>> -> memref<4096x16xf32, #tpu.memory_space<vmem_shared>>
      tpu.wait_indirect_dma semaphore(%run_scoped3A_24 : memref<!tpu.dma_semaphore, #tpu.memory_space<semaphore_mem>>) src(%arg11 : memref<128x16xf32, #tpu.memory_space<vmem>>) dst(%dma_wait3A_34 : memref<4096x16xf32, #tpu.memory_space<vmem_shared>>)
      tpu.yield
    }) : () -> ()
    %run_scoped3A_10 = arith.constant 2 : i32
    "tpu.region"() ({
      %run_scoped3A_24 = tpu.sem_alloc : memref<!tpu.dma_semaphore, #tpu.memory_space<semaphore_mem>>
      %dma_start3A = arith.constant 256 : i32
      %dma_start3A_25 = arith.constant 0 : i32
      %dma_start3A_26 = tpu.memref_slice %arg10[%dma_start3A, %dma_start3A_25] : memref<512x64xf32, #tpu.memory_space<vmem>> -> memref<128x64xf32, #tpu.memory_space<vmem>>
      %dma_start3A_27 = arith.constant 0 : i32
      %dma_start3A_28 = tpu.memref_slice %arg9[%run_scoped3A_10, %dma_start3A_27] : memref<4x128xi32, #tpu.memory_space<vmem>> -> memref<1x128xi32, #tpu.memory_space<vmem>>
      %dma_start3A_29 = tpu.memref_squeeze %dma_start3A_28 : memref<1x128xi32, #tpu.memory_space<vmem>> -> memref<128xi32, #tpu.memory_space<vmem>>
      %dma_start3A_30 = arith.constant 0 : i32
      %dma_start3A_31 = arith.constant 0 : i32
      %dma_start3A_32 = tpu.memref_slice %arg12[%dma_start3A_30, %dma_start3A_31] : memref<4096x64xf32, #tpu.memory_space<vmem_shared>> -> memref<4096x64xf32, #tpu.memory_space<vmem_shared>>
      tpu.enqueue_indirect_dma source(%dma_start3A_26 : memref<128x64xf32, #tpu.memory_space<vmem>>) target(%dma_start3A_32 : memref<4096x64xf32, #tpu.memory_space<vmem_shared>>) offsets(%dma_start3A_29 : memref<128xi32, #tpu.memory_space<vmem>>) semaphore(%run_scoped3A_24 : memref<!tpu.dma_semaphore, #tpu.memory_space<semaphore_mem>>) {add = true}
      %dma_wait3A = arith.constant 256 : i32
      %dma_wait3A_33 = arith.constant 0 : i32
      %dma_wait3A_34 = tpu.memref_slice %arg10[%dma_wait3A, %dma_wait3A_33] : memref<512x64xf32, #tpu.memory_space<vmem>> -> memref<128x64xf32, #tpu.memory_space<vmem>>
      %dma_wait3A_35 = arith.constant 0 : i32
      %dma_wait3A_36 = tpu.memref_slice %arg9[%run_scoped3A_10, %dma_wait3A_35] : memref<4x128xi32, #tpu.memory_space<vmem>> -> memref<1x128xi32, #tpu.memory_space<vmem>>
      %dma_wait3A_37 = tpu.memref_squeeze %dma_wait3A_36 : memref<1x128xi32, #tpu.memory_space<vmem>> -> memref<128xi32, #tpu.memory_space<vmem>>
      %dma_wait3A_38 = arith.constant 0 : i32
      %dma_wait3A_39 = arith.constant 0 : i32
      %dma_wait3A_40 = tpu.memref_slice %arg12[%dma_wait3A_38, %dma_wait3A_39] : memref<4096x64xf32, #tpu.memory_space<vmem_shared>> -> memref<4096x64xf32, #tpu.memory_space<vmem_shared>>
      tpu.wait_indirect_dma semaphore(%run_scoped3A_24 : memref<!tpu.dma_semaphore, #tpu.memory_space<semaphore_mem>>) src(%dma_wait3A_34 : memref<128x64xf32, #tpu.memory_space<vmem>>) dst(%dma_wait3A_40 : memref<4096x64xf32, #tpu.memory_space<vmem_shared>>)
      tpu.yield
    }) : () -> ()
    %run_scoped3A_11 = arith.constant 2 : i32
    "tpu.region"() ({
      %run_scoped3A_24 = tpu.sem_alloc : memref<!tpu.dma_semaphore, #tpu.memory_space<semaphore_mem>>
      %dma_start3A = arith.constant 0 : i32
      %dma_start3A_25 = tpu.memref_slice %arg9[%run_scoped3A_11, %dma_start3A] : memref<4x128xi32, #tpu.memory_space<vmem>> -> memref<1x128xi32, #tpu.memory_space<vmem>>
      %dma_start3A_26 = tpu.memref_squeeze %dma_start3A_25 : memref<1x128xi32, #tpu.memory_space<vmem>> -> memref<128xi32, #tpu.memory_space<vmem>>
      %dma_start3A_27 = arith.constant 0 : i32
      %dma_start3A_28 = arith.constant 0 : i32
      %dma_start3A_29 = tpu.memref_slice %arg13[%dma_start3A_27, %dma_start3A_28] : memref<4096x16xf32, #tpu.memory_space<vmem_shared>> -> memref<4096x16xf32, #tpu.memory_space<vmem_shared>>
      tpu.enqueue_indirect_dma source(%arg11 : memref<128x16xf32, #tpu.memory_space<vmem>>) target(%dma_start3A_29 : memref<4096x16xf32, #tpu.memory_space<vmem_shared>>) offsets(%dma_start3A_26 : memref<128xi32, #tpu.memory_space<vmem>>) semaphore(%run_scoped3A_24 : memref<!tpu.dma_semaphore, #tpu.memory_space<semaphore_mem>>) {add = true}
      %dma_wait3A = arith.constant 0 : i32
      %dma_wait3A_30 = tpu.memref_slice %arg9[%run_scoped3A_11, %dma_wait3A] : memref<4x128xi32, #tpu.memory_space<vmem>> -> memref<1x128xi32, #tpu.memory_space<vmem>>
      %dma_wait3A_31 = tpu.memref_squeeze %dma_wait3A_30 : memref<1x128xi32, #tpu.memory_space<vmem>> -> memref<128xi32, #tpu.memory_space<vmem>>
      %dma_wait3A_32 = arith.constant 0 : i32
      %dma_wait3A_33 = arith.constant 0 : i32
      %dma_wait3A_34 = tpu.memref_slice %arg13[%dma_wait3A_32, %dma_wait3A_33] : memref<4096x16xf32, #tpu.memory_space<vmem_shared>> -> memref<4096x16xf32, #tpu.memory_space<vmem_shared>>
      tpu.wait_indirect_dma semaphore(%run_scoped3A_24 : memref<!tpu.dma_semaphore, #tpu.memory_space<semaphore_mem>>) src(%arg11 : memref<128x16xf32, #tpu.memory_space<vmem>>) dst(%dma_wait3A_34 : memref<4096x16xf32, #tpu.memory_space<vmem_shared>>)
      tpu.yield
    }) : () -> ()
    %run_scoped3A_12 = arith.constant 3 : i32
    "tpu.region"() ({
      %run_scoped3A_24 = tpu.sem_alloc : memref<!tpu.dma_semaphore, #tpu.memory_space<semaphore_mem>>
      %dma_start3A = arith.constant 384 : i32
      %dma_start3A_25 = arith.constant 0 : i32
      %dma_start3A_26 = tpu.memref_slice %arg10[%dma_start3A, %dma_start3A_25] : memref<512x64xf32, #tpu.memory_space<vmem>> -> memref<128x64xf32, #tpu.memory_space<vmem>>
      %dma_start3A_27 = arith.constant 0 : i32
      %dma_start3A_28 = tpu.memref_slice %arg9[%run_scoped3A_12, %dma_start3A_27] : memref<4x128xi32, #tpu.memory_space<vmem>> -> memref<1x128xi32, #tpu.memory_space<vmem>>
      %dma_start3A_29 = tpu.memref_squeeze %dma_start3A_28 : memref<1x128xi32, #tpu.memory_space<vmem>> -> memref<128xi32, #tpu.memory_space<vmem>>
      %dma_start3A_30 = arith.constant 0 : i32
      %dma_start3A_31 = arith.constant 0 : i32
      %dma_start3A_32 = tpu.memref_slice %arg12[%dma_start3A_30, %dma_start3A_31] : memref<4096x64xf32, #tpu.memory_space<vmem_shared>> -> memref<4096x64xf32, #tpu.memory_space<vmem_shared>>
      tpu.enqueue_indirect_dma source(%dma_start3A_26 : memref<128x64xf32, #tpu.memory_space<vmem>>) target(%dma_start3A_32 : memref<4096x64xf32, #tpu.memory_space<vmem_shared>>) offsets(%dma_start3A_29 : memref<128xi32, #tpu.memory_space<vmem>>) semaphore(%run_scoped3A_24 : memref<!tpu.dma_semaphore, #tpu.memory_space<semaphore_mem>>) {add = true}
      %dma_wait3A = arith.constant 384 : i32
      %dma_wait3A_33 = arith.constant 0 : i32
      %dma_wait3A_34 = tpu.memref_slice %arg10[%dma_wait3A, %dma_wait3A_33] : memref<512x64xf32, #tpu.memory_space<vmem>> -> memref<128x64xf32, #tpu.memory_space<vmem>>
      %dma_wait3A_35 = arith.constant 0 : i32
      %dma_wait3A_36 = tpu.memref_slice %arg9[%run_scoped3A_12, %dma_wait3A_35] : memref<4x128xi32, #tpu.memory_space<vmem>> -> memref<1x128xi32, #tpu.memory_space<vmem>>
      %dma_wait3A_37 = tpu.memref_squeeze %dma_wait3A_36 : memref<1x128xi32, #tpu.memory_space<vmem>> -> memref<128xi32, #tpu.memory_space<vmem>>
      %dma_wait3A_38 = arith.constant 0 : i32
      %dma_wait3A_39 = arith.constant 0 : i32
      %dma_wait3A_40 = tpu.memref_slice %arg12[%dma_wait3A_38, %dma_wait3A_39] : memref<4096x64xf32, #tpu.memory_space<vmem_shared>> -> memref<4096x64xf32, #tpu.memory_space<vmem_shared>>
      tpu.wait_indirect_dma semaphore(%run_scoped3A_24 : memref<!tpu.dma_semaphore, #tpu.memory_space<semaphore_mem>>) src(%dma_wait3A_34 : memref<128x64xf32, #tpu.memory_space<vmem>>) dst(%dma_wait3A_40 : memref<4096x64xf32, #tpu.memory_space<vmem_shared>>)
      tpu.yield
    }) : () -> ()
    %run_scoped3A_13 = arith.constant 3 : i32
    "tpu.region"() ({
      %run_scoped3A_24 = tpu.sem_alloc : memref<!tpu.dma_semaphore, #tpu.memory_space<semaphore_mem>>
      %dma_start3A = arith.constant 0 : i32
      %dma_start3A_25 = tpu.memref_slice %arg9[%run_scoped3A_13, %dma_start3A] : memref<4x128xi32, #tpu.memory_space<vmem>> -> memref<1x128xi32, #tpu.memory_space<vmem>>
      %dma_start3A_26 = tpu.memref_squeeze %dma_start3A_25 : memref<1x128xi32, #tpu.memory_space<vmem>> -> memref<128xi32, #tpu.memory_space<vmem>>
      %dma_start3A_27 = arith.constant 0 : i32
      %dma_start3A_28 = arith.constant 0 : i32
      %dma_start3A_29 = tpu.memref_slice %arg13[%dma_start3A_27, %dma_start3A_28] : memref<4096x16xf32, #tpu.memory_space<vmem_shared>> -> memref<4096x16xf32, #tpu.memory_space<vmem_shared>>
      tpu.enqueue_indirect_dma source(%arg11 : memref<128x16xf32, #tpu.memory_space<vmem>>) target(%dma_start3A_29 : memref<4096x16xf32, #tpu.memory_space<vmem_shared>>) offsets(%dma_start3A_26 : memref<128xi32, #tpu.memory_space<vmem>>) semaphore(%run_scoped3A_24 : memref<!tpu.dma_semaphore, #tpu.memory_space<semaphore_mem>>) {add = true}
      %dma_wait3A = arith.constant 0 : i32
      %dma_wait3A_30 = tpu.memref_slice %arg9[%run_scoped3A_13, %dma_wait3A] : memref<4x128xi32, #tpu.memory_space<vmem>> -> memref<1x128xi32, #tpu.memory_space<vmem>>
      %dma_wait3A_31 = tpu.memref_squeeze %dma_wait3A_30 : memref<1x128xi32, #tpu.memory_space<vmem>> -> memref<128xi32, #tpu.memory_space<vmem>>
      %dma_wait3A_32 = arith.constant 0 : i32
      %dma_wait3A_33 = arith.constant 0 : i32
      %dma_wait3A_34 = tpu.memref_slice %arg13[%dma_wait3A_32, %dma_wait3A_33] : memref<4096x16xf32, #tpu.memory_space<vmem_shared>> -> memref<4096x16xf32, #tpu.memory_space<vmem_shared>>
      tpu.wait_indirect_dma semaphore(%run_scoped3A_24 : memref<!tpu.dma_semaphore, #tpu.memory_space<semaphore_mem>>) src(%arg11 : memref<128x16xf32, #tpu.memory_space<vmem>>) dst(%dma_wait3A_34 : memref<4096x16xf32, #tpu.memory_space<vmem_shared>>)
      tpu.yield
    }) : () -> ()
    %barrier3A_14 = arith.constant 0 : index
    tpu.barrier barrier_id(%barrier3A_14)
    %mul3A_15 = arith.constant 4096 : i32
    %mul3A_16 = arith.muli %arg0, %mul3A_15 : i32
    %mul3A_17 = arith.constant 256 : i32
    %mul3A_18 = arith.muli %arg1, %mul3A_17 : i32
    %add3A_19 = arith.addi %mul3A_16, %mul3A_18 : i32
    %mul3A_20 = arith.constant 256 : i32
    %mul3A_21 = arith.muli %arg1, %mul3A_20 : i32
    "tpu.region"() ({
      %run_scoped3A_24 = tpu.sem_alloc : memref<!tpu.dma_semaphore, #tpu.memory_space<semaphore_mem>>
      %dma_start3A = arith.constant 0 : i32
      %dma_start3A_25 = tpu.memref_slice %arg7[%add3A_19, %dma_start3A] : memref<8192x64xf32, #tpu.memory_space<hbm>> -> memref<256x64xf32, #tpu.memory_space<hbm>>
      %dma_start3A_26 = arith.constant 0 : i32
      %dma_start3A_27 = tpu.memref_slice %arg12[%mul3A_21, %dma_start3A_26] : memref<4096x64xf32, #tpu.memory_space<vmem_shared>> -> memref<256x64xf32, #tpu.memory_space<vmem_shared>>
      tpu.enqueue_dma source(%dma_start3A_27 : memref<256x64xf32, #tpu.memory_space<vmem_shared>>) target(%dma_start3A_25 : memref<256x64xf32, #tpu.memory_space<hbm>>) target_semaphore(%run_scoped3A_24 : memref<!tpu.dma_semaphore, #tpu.memory_space<semaphore_mem>>)
      %dma_wait3A = arith.constant 0 : i32
      %dma_wait3A_28 = tpu.memref_slice %arg7[%add3A_19, %dma_wait3A] : memref<8192x64xf32, #tpu.memory_space<hbm>> -> memref<256x64xf32, #tpu.memory_space<hbm>>
      %dma_wait3A_29 = arith.constant 0 : i32
      %dma_wait3A_30 = tpu.memref_slice %arg12[%mul3A_21, %dma_wait3A_29] : memref<4096x64xf32, #tpu.memory_space<vmem_shared>> -> memref<256x64xf32, #tpu.memory_space<vmem_shared>>
      tpu.wait_dma2 semaphore(%run_scoped3A_24 : memref<!tpu.dma_semaphore, #tpu.memory_space<semaphore_mem>>) src(%dma_wait3A_30 : memref<256x64xf32, #tpu.memory_space<vmem_shared>>) dst(%dma_wait3A_28 : memref<256x64xf32, #tpu.memory_space<hbm>>)
      tpu.yield
    }) : () -> ()
    %mul3A_22 = arith.constant 256 : i32
    %mul3A_23 = arith.muli %arg1, %mul3A_22 : i32
    "tpu.region"() ({
      %run_scoped3A_24 = tpu.sem_alloc : memref<!tpu.dma_semaphore, #tpu.memory_space<semaphore_mem>>
      %dma_start3A = arith.constant 0 : i32
      %dma_start3A_25 = tpu.memref_slice %arg8[%add3A_19, %dma_start3A] : memref<8192x16xf32, #tpu.memory_space<hbm>> -> memref<256x16xf32, #tpu.memory_space<hbm>>
      %dma_start3A_26 = arith.constant 0 : i32
      %dma_start3A_27 = tpu.memref_slice %arg13[%mul3A_23, %dma_start3A_26] : memref<4096x16xf32, #tpu.memory_space<vmem_shared>> -> memref<256x16xf32, #tpu.memory_space<vmem_shared>>
      tpu.enqueue_dma source(%dma_start3A_27 : memref<256x16xf32, #tpu.memory_space<vmem_shared>>) target(%dma_start3A_25 : memref<256x16xf32, #tpu.memory_space<hbm>>) target_semaphore(%run_scoped3A_24 : memref<!tpu.dma_semaphore, #tpu.memory_space<semaphore_mem>>)
      %dma_wait3A = arith.constant 0 : i32
      %dma_wait3A_28 = tpu.memref_slice %arg8[%add3A_19, %dma_wait3A] : memref<8192x16xf32, #tpu.memory_space<hbm>> -> memref<256x16xf32, #tpu.memory_space<hbm>>
      %dma_wait3A_29 = arith.constant 0 : i32
      %dma_wait3A_30 = tpu.memref_slice %arg13[%mul3A_23, %dma_wait3A_29] : memref<4096x16xf32, #tpu.memory_space<vmem_shared>> -> memref<256x16xf32, #tpu.memory_space<vmem_shared>>
      tpu.wait_dma2 semaphore(%run_scoped3A_24 : memref<!tpu.dma_semaphore, #tpu.memory_space<semaphore_mem>>) src(%dma_wait3A_30 : memref<256x16xf32, #tpu.memory_space<vmem_shared>>) dst(%dma_wait3A_28 : memref<256x16xf32, #tpu.memory_space<hbm>>)
      tpu.yield
    }) : () -> ()
    return
  }
}

module attributes {stable_mosaic.version = 14 : i64} {
  func.func @_tc_loss_body(%arg0: memref<8192x64xf32, #tpu.memory_space<vmem>>, %arg1: memref<8192x16xf32, #tpu.memory_space<vmem>>, %arg2: memref<4096x64xf32, #tpu.memory_space<vmem>>, %arg3: memref<4096x1xf32, #tpu.memory_space<vmem>>, %arg4: memref<64x64xf32, #tpu.memory_space<vmem>>, %arg5: memref<1x64xf32, #tpu.memory_space<vmem>>, %arg6: memref<64x64xf32, #tpu.memory_space<vmem>>, %arg7: memref<1x64xf32, #tpu.memory_space<vmem>>, %arg8: memref<1x1xf32, #tpu.memory_space<vmem>>) attributes {dimension_semantics = [], scalar_prefetch = 0 : i64, scratch_operands = 0 : i64, tpu.core_type = #tpu.core_type<tc>} {
    %get3A = arith.constant 0 : index
    %get3A_0 = arith.constant 0 : index
    %get3A_1 = vector.load %arg0[%get3A, %get3A_0] : memref<8192x64xf32, #tpu.memory_space<vmem>>, vector<4096x64xf32>
    %get3A_2 = arith.constant 4096 : index
    %get3A_3 = arith.constant 0 : index
    %get3A_4 = vector.load %arg0[%get3A_2, %get3A_3] : memref<8192x64xf32, #tpu.memory_space<vmem>>, vector<4096x64xf32>
    %add3A = arith.addf %get3A_1, %get3A_4 : vector<4096x64xf32>
    %get3A_5 = arith.constant 0 : index
    %get3A_6 = arith.constant 0 : index
    %get3A_7 = vector.load %arg1[%get3A_5, %get3A_6] : memref<8192x16xf32, #tpu.memory_space<vmem>>, vector<4096x16xf32>
    %get3A_8 = arith.constant 4096 : index
    %get3A_9 = arith.constant 0 : index
    %get3A_10 = vector.load %arg1[%get3A_8, %get3A_9] : memref<8192x16xf32, #tpu.memory_space<vmem>>, vector<4096x16xf32>
    %add3A_11 = arith.addf %get3A_7, %get3A_10 : vector<4096x16xf32>
    %reduce_sum3A = arith.constant dense<0.000000e+00> : vector<4096xf32>
    %reduce_sum3A_12 = vector.multi_reduction <add>, %add3A_11, %reduce_sum3A [1] : vector<4096x16xf32> to vector<4096xf32>
    %broadcast_in_dim3A = vector.shape_cast %reduce_sum3A_12 : vector<4096xf32> to vector<4096x1xf32>
    %mul3A = arith.constant 6.250000e-02 : f32
    %mul3A_13 = vector.broadcast %mul3A : f32 to vector<4096x1xf32>
    %mul3A_14 = arith.mulf %broadcast_in_dim3A, %mul3A_13 : vector<4096x1xf32>
    %max3A = arith.constant 1.000000e+00 : f32
    %max3A_15 = vector.broadcast %max3A : f32 to vector<4096x1xf32>
    %max3A_16 = arith.maximumf %mul3A_14, %max3A_15 : vector<4096x1xf32>
    %div3A = vector.broadcast %max3A_16 : vector<4096x1xf32> to vector<4096x64xf32>
    %div3A_17 = arith.divf %add3A, %div3A : vector<4096x64xf32>
    %get3A_18 = arith.constant 0 : index
    %get3A_19 = arith.constant 0 : index
    %get3A_20 = vector.load %arg4[%get3A_18, %get3A_19] : memref<64x64xf32, #tpu.memory_space<vmem>>, vector<64x64xf32>
    %dot_general3A = arith.constant dense<0.000000e+00> : vector<4096x64xf32>
    %dot_general3A_21 = tpu.matmul %div3A_17, %get3A_20, %dot_general3A {dimension_numbers = #tpu.dot_dimension_numbers<[1], [1], [0], [0], [0, 0, 1, 0], [], []>, transpose_lhs_hint = false} : vector<4096x64xf32>, vector<64x64xf32>, vector<4096x64xf32> -> vector<4096x64xf32>
    %add3A_22 = arith.addf %div3A_17, %dot_general3A_21 : vector<4096x64xf32>
    %min3A = arith.constant 1.000000e+00 : f32
    %min3A_23 = vector.broadcast %min3A : f32 to vector<4096x1xf32>
    %min3A_24 = arith.minimumf %mul3A_14, %min3A_23 : vector<4096x1xf32>
    %get3A_25 = arith.constant 0 : index
    %get3A_26 = arith.constant 0 : index
    %get3A_27 = vector.load %arg5[%get3A_25, %get3A_26] : memref<1x64xf32, #tpu.memory_space<vmem>>, vector<1x64xf32>
    %mul3A_28 = vector.broadcast %min3A_24 : vector<4096x1xf32> to vector<4096x64xf32>
    %mul3A_29 = vector.broadcast %get3A_27 : vector<1x64xf32> to vector<4096x64xf32>
    %mul3A_30 = arith.mulf %mul3A_28, %mul3A_29 : vector<4096x64xf32>
    %add3A_31 = arith.addf %add3A_22, %mul3A_30 : vector<4096x64xf32>
    %get3A_32 = arith.constant 0 : index
    %get3A_33 = arith.constant 0 : index
    %get3A_34 = vector.load %arg6[%get3A_32, %get3A_33] : memref<64x64xf32, #tpu.memory_space<vmem>>, vector<64x64xf32>
    %dot_general3A_35 = arith.constant dense<0.000000e+00> : vector<4096x64xf32>
    %dot_general3A_36 = tpu.matmul %add3A_31, %get3A_34, %dot_general3A_35 {dimension_numbers = #tpu.dot_dimension_numbers<[1], [1], [0], [0], [0, 0, 1, 0], [], []>, transpose_lhs_hint = false} : vector<4096x64xf32>, vector<64x64xf32>, vector<4096x64xf32> -> vector<4096x64xf32>
    %get3A_37 = arith.constant 0 : index
    %get3A_38 = arith.constant 0 : index
    %get3A_39 = vector.load %arg7[%get3A_37, %get3A_38] : memref<1x64xf32, #tpu.memory_space<vmem>>, vector<1x64xf32>
    %add3A_40 = vector.broadcast %get3A_39 : vector<1x64xf32> to vector<4096x64xf32>
    %add3A_41 = arith.addf %dot_general3A_36, %add3A_40 : vector<4096x64xf32>
    %get3A_42 = arith.constant 0 : index
    %get3A_43 = arith.constant 0 : index
    %get3A_44 = vector.load %arg2[%get3A_42, %get3A_43] : memref<4096x64xf32, #tpu.memory_space<vmem>>, vector<4096x64xf32>
    %sub3A = arith.subf %add3A_41, %get3A_44 : vector<4096x64xf32>
    %get3A_45 = arith.constant 0 : index
    %get3A_46 = arith.constant 0 : index
    %get3A_47 = vector.load %arg3[%get3A_45, %get3A_46] : memref<4096x1xf32, #tpu.memory_space<vmem>>, vector<4096x1xf32>
    %mul3A_48 = vector.broadcast %get3A_47 : vector<4096x1xf32> to vector<4096x64xf32>
    %mul3A_49 = arith.mulf %mul3A_48, %sub3A : vector<4096x64xf32>
    %mul3A_50 = arith.mulf %mul3A_49, %sub3A : vector<4096x64xf32>
    %reduce_sum3A_51 = vector.shape_cast %mul3A_50 : vector<4096x64xf32> to vector<1x4096x64xf32>
    %reduce_sum3A_52 = arith.constant dense<0.000000e+00> : vector<1xf32>
    %reduce_sum3A_53 = vector.multi_reduction <add>, %reduce_sum3A_51, %reduce_sum3A_52 [1, 2] : vector<1x4096x64xf32> to vector<1xf32>
    %reduce_sum3A_54 = vector.shape_cast %reduce_sum3A_53 : vector<1xf32> to vector<1x1x1xf32>
    %reduce_sum3A_55 = vector.extract %reduce_sum3A_54[0, 0, 0] : f32 from vector<1x1x1xf32>
    %mul3A_56 = arith.constant 3.81469727E-6 : f32
    %mul3A_57 = arith.mulf %reduce_sum3A_55, %mul3A_56 : f32
    %reshape3A = vector.broadcast %mul3A_57 : f32 to vector<1x1xf32>
    %swap3A = arith.constant 0 : index
    %swap3A_58 = arith.constant 0 : index
    %swap3A_59 = vector.load %arg8[%swap3A, %swap3A_58] : memref<1x1xf32, #tpu.memory_space<vmem>>, vector<1x1xf32>
    tpu.vector_store %arg8[%swap3A, %swap3A_58], %reshape3A {strides = array<i32>} : memref<1x1xf32, #tpu.memory_space<vmem>>, vector<1x1xf32>,
    return
  }
}

</mosaic_0001>

<sc_bundles>
// kernel: gather_offload_async_start.1
scs
__scs_entry_jumppad:
0x0: {  	(pc) =	sbr.rel $0x88, $3  }
0x1: {  	(tag) =	ssettag $0x0;
	lr =	simm.s32 $0x1  }
0x2: {  	[smem:$0x3F98] =	sst lr;
	_ =	strace $0xD0000000  }
0x3: {  	_ = 	snop  }
0x4: {  	_ = 	snop  }
0x5: {  	_ = 	snop  }
0x6: {  	_ = 	snop  }
0x7: {  	_ = 	snop  }
__scs_overlays_trampoline_lowered:
0x8: {  	[smem:$0x3FA7] =	sst s0  }
0x9: {  	[smem:$0x3FA8] =	sst s1  }
0xa: {  	[smem:$0x3FA9] =	sst s2  }
0xb: {  	[smem:$0x3FAA] =	sst s3  }
0xc: {  	[smem:$0x3FAB] =	sst s4  }
0xd: {  	[smem:$0x3FAC] =	sst s5  }
0xe: {  	[smem:$0x3FAD] =	sst s6  }
0xf: {  	[smem:$0x3FAE] =	sst s7  }
0x10: {  	[smem:$0x3FAF] =	sst s8  }
0x11: {  	[smem:$0x3FB0] =	sst s9;
	s0 =	simm.s32 @!p0 $0x0  }
0x12: {  	s1 =	sld [smem:$0x3F96];
	s0 =	simm.s32 @p0 $0x1  }
0x13: {  	[smem:$0x3FB1] =	sst s0;
	s0 =	simm.s32 @!p1 $0x0  }
0x14: {  	s2 =	sld [smem:$0x3F95];
	s0 =	simm.s32 @p1 $0x1  }
0x15: {  	[smem:$0x3FB2] =	sst s0;
	s0 =	simm.s32 @!p2 $0x0  }
0x16: {  	s3 =	sld [smem:$0x3FDB];
	s0 =	simm.s32 @p2 $0x1  }
0x17: {  	s4 =	simm.s32 $0x1BF5;
	[smem:$0x3FB4] =	sst s0  }
0x18: {  	s0 =	sld [smem:$0x3F97];
	_ =	swait.ge [sflag:s4], $0x0  }
0x19: {  	s7 =	sld [smem:$0x3F98]  }
0x1a: {  	s8 =	sadd.s32 $0xFFFFE003, lr  }
0x1b: {  	s9 =	sadd.s32 $0xFFFFFEF7, lr;
	s5 =	simm.s32 $0xFFFFFFFF;
	p2 =	slt.u32 s8, $0xFFFFF086  }
0x1c: {  	p1 =	slt.u32 s9, $0xF7A;
	s5 =	simm.s32 @!p2 $0x0  }
0x1d: {  	s5 =	simm.s32 @p1 $0x1;
	p0 =	seq.s32 s7, s2  }
0x1e: {  	s7 =	smul.u32 @!p0 $0xF7A, s2;
	p2 =	seq.s32 @!p0 s5, $0x0  }
0x1f: {  	s9 =	smul.u32 $0xF7A, s1;
	s8 =	simm.s32 @!p0 $0x1BF5;
	p2 =	por !p2, p0  }
0x20: {  	[sflag:s8] =	ssyncset.s32 @!p0 $0xFFFFF086;
	s6 =	sadd.s32 @!p0 s3, s7;
	s7 =	simm.s32 @!p0 $0x108  }
0x21: {  	s3 =	sadd.s32 s3, s9;
	s6 =	sadd.s32 @!p0 $0x88, s6;
	s7 =	simm.s32 @p2 $0x1082  }
0x22: {  	[simem:s7], [sflag:s8] =	dma.local @!p0 [hbm:s6], $0xF7A  }
0x23: {  	s9 =	sor.u32 $0xD0000000, s2;
	s6 =	simm.s32 $0x108;
	_ =	swait.ge @!p0 [sflag:s8], $0x0  }
0x24: {  	s3 =	sadd.s32 $0x88, s3;
	s6 =	simm.s32 @!p1 $0x1082;
	[sflag:s4] =	ssyncset.s32 $0xFFFFF086  }
0x25: {  	[simem:s6], [sflag:s4] =	dma.local [hbm:s3], $0xF7A  }
0x26: {  	[smem:$0x3F98] =	sst s1;
	(tag) =	ssettag s2;
	_ =	strace s9  }
0x27: {  	s1 =	sld [smem:$0x3FA8]  }
0x28: {  	s2 =	sld [smem:$0x3FA9]  }
0x29: {  	s4 =	sld [smem:$0x3FAB]  }
0x2a: {  	p0 =	seq.s32 s5, $0x0;
	s5 =	sld [smem:$0x3FAC]  }
0x2b: {  	s6 =	sld [smem:$0x3FAD]  }
0x2c: {  	s7 =	sld [smem:$0x3FAE]  }
0x2d: {  	s3 =	simm.s32 $0x108;
	s8 =	sld [smem:$0x3FAF]  }
0x2e: {  	s3 =	simm.s32 @!p0 $0x1082;
	s9 =	sld [smem:$0x3FB0]  }
0x2f: {  	lr =	sadd.s32 s0, s3;
	s0 =	sld [smem:$0x3FA7]  }
0x30: {  	s3 =	sld [smem:$0x3FAA]  }
0x31: {  	[smem:$0x3FB3] =	sst s10  }
0x32: {  	s10 =	sld [smem:$0x3FB1];
	_ =	sdelay $0x3  }
0x33: {  	p0 =	seq.s32 s10, $0x1;
	s10 =	sld [smem:$0x3FB3];
	_ =	sdelay $0x3  }
0x34: {  	[smem:$0x3FB3] =	sst s10  }
0x35: {  	s10 =	sld [smem:$0x3FB2];
	_ =	sdelay $0x3  }
0x36: {  	p1 =	seq.s32 s10, $0x1;
	s10 =	sld [smem:$0x3FB3];
	_ =	sdelay $0x3  }
0x37: {  	[smem:$0x3FB3] =	sst s10  }
0x38: {  	s10 =	sld [smem:$0x3FB4]  }
0x39: {  	_ = 	snop;
	(pc) =	sbr.ind lr, $3  }
0x3a: {  	_ = 	snop  }
0x3b: {  	_ = 	snop  }
0x3c: {  	p2 =	seq.s32 s10, $0x1;
	s10 =	sld [smem:$0x3FB3]  }
0x3d: {  	_ =	shalt  }
0x3e: {  	_ =	shalt  }
0x3f: {  	_ =	shalt  }
0x40: {  	_ =	shalt  }
0x41: {  	_ =	shalt  }
0x42: {  	_ =	shalt  }
0x43: {  	_ =	shalt  }
0x44: {  	_ =	shalt  }
0x45: {  	_ =	shalt  }
0x46: {  	_ =	shalt  }
0x47: {  	_ =	shalt  }
0x48: {  	_ =	shalt  }
0x49: {  	_ =	shalt  }
0x4a: {  	_ =	shalt  }
0x4b: {  	_ =	shalt  }
0x4c: {  	_ =	shalt  }
0x4d: {  	_ =	shalt  }
0x4e: {  	_ =	shalt  }
0x4f: {  	_ =	shalt  }
0x50: {  	_ =	shalt  }
0x51: {  	_ =	shalt  }
0x52: {  	_ =	shalt  }
0x53: {  	_ =	shalt  }
0x54: {  	_ =	shalt  }
0x55: {  	_ =	shalt  }
0x56: {  	_ =	shalt  }
0x57: {  	_ =	shalt  }
0x58: {  	_ =	shalt  }
0x59: {  	_ =	shalt  }
0x5a: {  	_ =	shalt  }
0x5b: {  	_ =	shalt  }
0x5c: {  	_ =	shalt  }
0x5d: {  	_ =	shalt  }
0x5e: {  	_ =	shalt  }
0x5f: {  	_ =	shalt  }
0x60: {  	_ =	shalt  }
0x61: {  	_ =	shalt  }
0x62: {  	_ =	shalt  }
0x63: {  	_ =	shalt  }
0x64: {  	_ =	shalt  }
0x65: {  	_ =	shalt  }
0x66: {  	_ =	shalt  }
0x67: {  	_ =	shalt  }
0x68: {  	_ =	shalt  }
0x69: {  	_ =	shalt  }
0x6a: {  	_ =	shalt  }
0x6b: {  	_ =	shalt  }
0x6c: {  	_ =	shalt  }
0x6d: {  	_ =	shalt  }
0x6e: {  	_ =	shalt  }
0x6f: {  	_ =	shalt  }
0x70: {  	_ =	shalt  }
0x71: {  	_ =	shalt  }
0x72: {  	_ =	shalt  }
0x73: {  	_ =	shalt  }
0x74: {  	_ =	shalt  }
0x75: {  	_ =	shalt  }
0x76: {  	_ =	shalt  }
0x77: {  	_ =	shalt  }
0x78: {  	_ =	shalt  }
0x79: {  	_ =	shalt  }
0x7a: {  	_ =	shalt  }
0x7b: {  	_ =	shalt  }
0x7c: {  	_ =	shalt  }
0x7d: {  	_ =	shalt  }
0x7e: {  	_ =	shalt  }
0x7f: {  	_ =	shalt  }
0x80: {  	_ =	shalt  }
0x81: {  	_ =	shalt  }
0x82: {  	_ =	shalt  }
0x83: {  	_ =	shalt  }
0x84: {  	_ =	shalt  }
0x85: {  	_ =	shalt  }
0x86: {  	_ =	shalt  }
0x87: {  	_ =	shalt  }
.Lfunc_end0:
.L_simem_size_0:
called_computation.1_lowered:
.L_overlay_start_0:
0x88: {  	s2 =	sld [smem:$0x3FD9]  }
0x89: {  	s3 =	sld [smem:$0x3FFE];
	_ =	sdelay $0x1  }
0x8a: {  	s1 =	srdreg.scid  }
0x8b: {  	s0 =	sand.u32 $0x1, s1  }
0x8c: {  	s17 =	sshll.u32 s0, $0xA;
	s2 =	sadd.s32 s3, s2  }
0x8d: {  	s2 =	sadd.s32 s2, s17  }
0x8e: {  	[smem:$0x3FBF] =	sst s2  }
0x8f: {  	_ = 	snop  }
0x90: {  	s18 =	sld [smem:$0x3FC8];
	(tm) =	ssettm $0x1  }
0x91: {  	s19 =	sld [smem:$0x3FFB];
	_ =	sdelay $0x3  }
0x92: {  	_ =	strace s19  }
0x93: {  	s2 =	sld [smem:$0x3FFC];
	_ =	sdelay $0x3  }
0x94: {  	_ =	strace s2  }
0x95: {  	s2 =	sld [smem:$0x3FFD];
	_ =	sdelay $0x3  }
0x96: {  	_ =	strace s2  }
0x97: {  	_ =	strace $0x8FFFFFFF  }
0x98: {  	s20 =	sld [smem:$0x3FDB];
	_ =	sdelay $0x1  }
0x99: {  	s4 =	simm.s32 $_scs_section_size  }
0x9a: {  	s5 =	simm.s32 $_size__tile_overlayer_lowered;
	s6 =	simm.s32 $_tile_overlayer_lowered  }
0x9b: {  	s7 =	simm.s32 $0x1BFF;
	s21 =	sshll.u32 s6, $0x1;
	s4 =	sadd.s32 s4, s20  }
0x9c: {  	s22 =	simm.s32 $0x0;
	s5 =	sshll.u32 s5, $0x1;
	s6 =	sadd.s32 s21, s4  }
0x9d: {  	[timem:s22], [sflag:s7] =	dma.local [hbm:s6], s5  }
0x9e: {  	_ =	swait.ge [sflag:s7], s5  }
0x9f: {  	s5 =	ssub.s32 $0x0, s5;
	[sflag:s7] =	ssyncset.done $0x0  }
0xa0: {  	[sflag:s7] =	ssyncadd.s32 s5;
	_ =	sdelay $0x1  }
0xa1: {  	s23 =	simm.s32 $0x1B8B  }
0xa2: {  	_ =	swait.ge [sflag:s23], $0x1  }
0xa3: {  	[sflag:s23] =	ssyncset.done $0x0  }
0xa4: {  	[sflag:s23] =	ssyncadd.s32 $0xFFFFFFFF  }
0xa5: {  	s5 =	sld [smem:$0x0]  }
0xa6: {  	s6 =	sand.u32 $0xFFFFFFFE, s1  }
0xa7: {  	p0 =	sne.s32 s1, s6  }
0xa8: {  	s6 =	sshll.u32 @p0 s6, $0xE  }
0xa9: {  	s6 =	sadd.s32 @p0 $0x11B8D, s6;
	s7 =	sshll.u32 @p0 s5, $0x11  }
0xaa: {  	s6 =	sor.u32 @p0 s7, s6  }
0xab: {  	[sflag:s6] =	ssyncadd.remote.s32 @p0 $0x1;
	_ =	sdelay $0x1  }
0xac: {  	s6 =	simm.s32 @p0 $0x1B8D  }
0xad: {  	_ =	swait.eq @p0 [sflag:s6], $0x1  }
0xae: {  	[sflag:s6] =	ssyncadd.s32 @p0 $0xFFFFFFFF  }
0xaf: {  	s7 =	sshll.u32 @!p0 s1, $0xE  }
0xb0: {  	s7 =	sor.u32 @!p0 $0x4000, s7;
	s6 =	simm.s32 @!p0 $0x1B8D  }
0xb1: {  	s5 =	sshll.u32 @!p0 s5, $0x11;
	s7 =	sadd.s32 @!p0 $0x11B8D, s7;
	_ =	swait.eq @!p0 [sflag:s6], $0x1  }
0xb2: {  	s5 =	sor.u32 @!p0 s5, s7;
	[sflag:s6] =	ssyncadd.s32 @!p0 $0xFFFFFFFF  }
0xb3: {  	s25 =	simm.s32 $0x1B8E;
	s24 =	sld [smem:$0x3FFE];
	[sflag:s5] =	ssyncadd.remote.s32 @!p0 $0x1  }
0xb4: {  	s26 =	simm.s32 $execute0_lowered;
	[smem:$0x3FD2] =	sst s25  }
0xb5: {  	s6 =	sshll.u32 s26, $0x1;
	_ =	strace $0x80000058;
	[dreg:$0x1] =	wrdreg $0xFFFFFFFF  }
0xb6: {  	s28 =	simm.s32 $_size_execute0_lowered;
	s4 =	sadd.s32 s4, s6;
	[dreg:$0x0] =	wrdreg $0x0  }
0xb7: {  	s6 =	sshll.u32 s28, $0x1;
	[dreg:$0x2] =	wrdreg s4  }
0xb8: {  	[dreg:$0x3] =	wrdreg s6  }
0xb9: {  	[dreg:$0x4] =	wrdreg $0xC0  }
0xba: {  	_ =	task [dreg:s22], $0x5FFFF  }
0xbb: {  	[dreg:$0x1] =	wrdreg $0xFFFFFFFF  }
0xbc: {  	[dreg:$0x0] =	wrdreg $0x60  }
0xbd: {  	[dreg:$0x2] =	wrdreg s18  }
0xbe: {  	[dreg:$0x3] =	wrdreg s24  }
0xbf: {  	[dreg:$0x4] =	wrdreg $0x9  }
0xc0: {  	_ =	task.clear_ibuf [dreg:s22], $0x5FFFF;
	_ =	strace $0x90000058  }
0xc1: {  	s29 =	simm.s32 $0x9;
	_ =	strace $0x8000005A  }
0xc2: {  	_ =	swait.ge [sflag:s29], $0x1  }
0xc3: {  	[sflag:s29] =	ssyncadd.s32 $0xFFFFFFFF  }
0xc4: {  	_ =	strace $0x9000005A  }
0xc5: {  	_ =	sfence  }
0xc6: {  	s30 =	sld [smem:$0x0];
	_ =	sdelay $0x2  }
0xc7: {  	s31 =	sshll.u32 s1, $0xD;
	s1 =	sshrl.u32 s1, $0x2  }
0xc8: {  	s4 =	sand.u32 $0x4000, s31;
	s1 =	sadd.s32 s1, s30  }
0xc9: {  	s0 =	sor.u32 s4, s0;
	s1 =	sshll.u32 s1, $0x11  }
0xca: {  	s0 =	sor.u32 s1, s0  }
0xcb: {  	s0 =	sadd.s32 $0x8F2B, s0  }
0xcc: {  	[sflag:s0] =	ssyncadd.remote.s32 $0x1  }
0xcd: {  	_ =	sfence.sel $0xFFFF  }
0xce: {  	[dreg:$0x0] =	wrdreg $0xFFFFFFFF;
	(pc) =	sbr.abs _section_cstart, $3  }
0xcf: {  	[dreg:$0x1] =	wrdreg $0xFFFFFFFF  }
0xd0: {  	_ =	task.clear_ibuf [dreg:s22], $0x2FFFF;
	_ =	strace $0x9FFFFFFF  }
0xd1: {  	(tm) =	ssettm $0x7FFFFFFF  }
tec
execute0_lowered:
.L_overlay_start_1:
0x0: {  	(tag) =	ssettag $0x1  }
0x1: {  	s1 =	srdreg.scid;
	s2 =	rddreg [dreg:$0x0]  }
0x2: {  	s0 =	stileid.u32;
	s5 =	rddreg [dreg:$0x1];
	s6 =	simm.s32 $0x1  }
0x3: {  	s9 =	simm.s32 $0x1;
	s10 =	simm.s32 $0x3;
	s1 =	sshll.u32 s1, $0x8  }
0x4: {  	s13 =	simm.s32 $0x0;
	s3 =	sshll.u32 s0, $0x9;
	s4 =	sand.u32 $0x100, s1  }
0x5: {  	s12 =	simm.s32 $0x0;
	s1 =	rddreg [dreg:$0x2];
	s3 =	sor.u32 s3, s4  }
0x6: {  	_ =	strace $0x80000059;
	s4 =	sadd.s32 $0x800, s5;
	s8 =	ssub.s32 $0x4000, s3  }
.Ltmp0:
0x7: {  	s5 =	sadd.s32 $0x4200, s5;
	s7 =	sand.u32 $0x1F00, s8;
	(pc) =	sbr.rel .LBB2_1-.Ltmp0, $4  }
0x8: {  	[sflag:s6] =	ssyncpa.u1 $0x0;
	s11 =	smov.u32 s3;
	p0 =	sne.s32 s7, $0x0  }
0x9: {  	s8 =	sshrl.u32 s8, $0xD;
	s7 =	simm.s32 $0x2;
	s9 =	simm.s32 @!p0 $0x0  }
0xa: {  	[sflag:s7] =	ssyncpa.u1 $0x0;
	p0 =	por $0x0, $0x0;
	s8 =	sadd.s32 s9, s8  }
0xb: {  	vm0 =	vmmov $0xffff;
	[sflag:s10] =	ssyncpa.u1 $0x0;
	s10 =	simm.s32 $0x0;
	s9 =	sadd.s32 $0x1, s8  }
.LBB2_4:
0xc: {  	v2 =	vnsel vm1, $0x0, v2  }
0xd: {  	vm1 =	vgt.s32 v0, $0x0;
	v2 =	vmin.u32 v2, $0x3FFF  }
0xe: {  	v0 =	vnsel vm1, $0x0, v0  }
0xf: {  	v0 =	vmin.u32 v0, $0x3FFF  }
0x10: {  	[tilespmem:s15], [sflag:$0x1] =	stream.indirect_vreg.gather [hbm4b:s2+s10], $0x1, v1, vm0, $0x4038;
	[tilespmem:$0x400] =	vst v63  }
0x11: {  	(ifvalue) =	ssetifvalue $0x7FFFFFFF  }
0x12: {  	[tilespmem:s16], [sflag:$0x1] =	stream.indirect_vreg.gather [hbm4b:s2+s10], $0x1, v2, vm0, $0x4038;
	[tilespmem:$0x400] =	vst v63  }
0x13: {  	s29 =	sadd.s32 $0x10, s16;
	(ifvalue) =	ssetifvalue $0x7FFFFFFF  }
0x14: {  	[tilespmem:s29], [sflag:$0x1] =	stream.indirect_vreg.gather [hbm4b:s2+s10], $0x1, v0, vm0, $0x4038;
	[tilespmem:$0x400] =	vst v63  }
0x15: {  	_ =	swait.ge [sflag:s6], $0x100  }
0x16: {  	s30 =	sshrl.u32 s13, $0x3;
	[sflag:s6] =	ssyncset.done $0x0  }
0x17: {  	s31 =	sand.u32 $0x7, s13;
	s15 =	sadd.s32 s5, s30;
	[sflag:s6] =	ssyncadd.s32 $0xFFFFFF00  }
0x18: {  	[hbm4b:s15+s31] =	stream.linear.scatter [tilespmem:s14], [sflag:$0x3], $0x100, $0x38;
	[tilespmem:$0x400] =	vst v63  }
.LBB2_5:
0x19: {  	s15 =	sadd.s32 $0x2000, s11  }
0x1a: {  	p2 =	sgt.s32 s15, $0x3FFF  }
0x1b: {  	s15 =	smov.u32 @p2 s3;
	p2 =	sne.s32 s12, s9  }
.Ltmp1:
0x1c: {  	p1 =	slt.u32 s12, $0x2;
	(pc) =	sbr.rel @!p2 .LBB2_6-.Ltmp1, $4  }
0x1d: {  	s14 =	simm.s32 @!p1 $0x3  }
0x1e: {  	s16 =	sadd.s32 $0x1, s12;
	_ =	swait.ge @!p1 [sflag:s14], $0x100  }
0x1f: {  	s13 =	smov.u32 s11;
	p0 =	por !p0, !p0;
	[sflag:s14] =	ssyncset.done @!p1 $0x0  }
0x20: {  	s12 =	smov.u32 s16;
	s11 =	smov.u32 s15;
	[sflag:s14] =	ssyncadd.s32 @!p1 $0xFFFFFF00  }
.LBB2_1:
0x21: {  	p1 =	sge.u32 s12, s8  }
0x22: {  	s14 =	sxor.u32 @!p1 $0xFFFFFFFF, s12  }
0x23: {  	s31 =	sadd.s32 $0xFFFFFFFF, s12;
	s15 =	sshrl.u32 @!p1 s11, $0x3;
	s14 =	sshll.u32 @!p1 s14, $0x8  }
0x24: {  	s16 =	sand.u32 @!p1 $0x7, s11;
	s15 =	sadd.s32 @!p1 s4, s15;
	s14 =	sand.u32 @!p1 $0x100, s14  }
0x25: {  	[tilespmem:s14], [sflag:$0x2] =	stream.linear.gather @!p1 [hbm4b:s15+s16], $0x100, $0x38;
	[tilespmem:$0x400] =	vst v63  }
0x26: {  	p1 =	sge.u32 s31, s8  }
.Ltmp2:
0x27: {  	_ = 	snop;
	(pc) =	sbr.rel @p1 .LBB2_5-.Ltmp2, $1  }
0x28: {  	_ =	sdelay $0x3  }
0x29: {  	s14 =	simm.s32 $0x1  }
0x2a: {  	_ =	swait.ge [sflag:s7], $0x100;
	s14 =	simm.s32 @!p0 $0x0  }
0x2b: {  	[sflag:s7] =	ssyncset.done $0x0;
	s14 =	sshll.u32 s14, $0x8  }
0x2c: {  	[sflag:s7] =	ssyncadd.s32 $0xFFFFFF00;
	(ifvalue) =	ssetifvalue $0x7FFFFFFF;
	v0 =	vld.msk [tilespmem:s14+$0x0 ss:$0x1], $0xffff;
	_ =	sdelay $0x4  }
0x2d: {  	s15 =	sadd.s32 $0x10, s14;
	vm1 =	vgt.s32 v0, $0x0  }
0x2e: {  	v2 =	vld.msk [tilespmem:s15+$0x0 ss:$0x1], $0xffff;
	v1 =	vnsel vm1, $0x0, v0  }
0x2f: {  	v1 =	vmin.u32 v1, $0x3FFF;
	_ =	sdelay $0x1  }
0x30: {  	s16 =	sshll.u32 s12, $0x8;
	s18 =	simm.s32 $0x20  }
0x31: {  	s16 =	sand.u32 $0x100, s16;
	s17 =	sadd.s32 $0x10, s15;
	s15 =	sor.u32 $0x200, s14  }
0x32: {  	s14 =	sor.u32 $0x200, s16;
	s16 =	sadd.s32 $0x10, s15;
	v0 =	vld.msk [tilespmem:s17+$0x0 ss:$0x1], $0xffff;
	vm1 =	vgt.s32 v2, $0x0;
	(ifvalue) =	ssetifvalue $0x7FFFFFFF  }
.LBB2_3:
0x33: {  	[tilespmem:s15], [sflag:$0x1] =	stream.indirect_vreg.gather [hbm4b:s2+s10], $0x1, v1, vm0, $0x4038;
	[tilespmem:$0x400] =	vst v63  }
0x34: {  	s18 =	sadd.s32 $0x10, s18  }
0x35: {  	v2 =	vnsel vm1, $0x0, v2;
	p1 =	slt.u32 s18, $0xF0  }
.Ltmp3:
0x36: {  	s15 =	smov.u32 s16;
	v1 =	vmin.u32 v2, $0x3FFF;
	(pc) =	sbr.rel @p1 .LBB2_3-.Ltmp3, $3  }
0x37: {  	_ =	sdelay $0x1  }
0x38: {  	s17 =	sadd.s32 $0x10, s17  }
0x39: {  	vm1 =	vgt.s32 v0, $0x0;
	s16 =	sadd.s32 $0x10, s16;
	v2 =	vmov v0;
	(ifvalue) =	ssetifvalue $0x7FFFFFFF;
	v0 =	vld.msk [tilespmem:s17+$0x0 ss:$0x1], $0xffff  }
.Ltmp4:
0x3a: {  	_ = 	snop;
	(pc) =	sbr.rel .LBB2_4-.Ltmp4, $1  }
0x3b: {  	_ =	sdelay $0x3  }
.LBB2_6:
0x3c: {  	_ =	sfence.sel $0x180000  }
0x3d: {  	s2 =	simm.s32 $0x2;
	[bflag:$0x0] =	sbarrier.arrive $0xFFFF  }
0x3e: {  	s30 =	simm.s32 $0x3;
	[sflag:s2] =	ssyncpa.u1 $0x1  }
0x3f: {  	s31 =	simm.s32 $0x1;
	[sflag:s30] =	ssyncpa.u1 $0x1  }
0x40: {  	[sflag:s31] =	ssyncpa.u1 $0x1  }
0x41: {  	p0 =	sne.s32 s0, $0x0;
	_ =	strace $0x90000059  }
0x42: {  	s0 =	sadd.s32 @!p0 $0x100000, s1;
	[bflag:$0x2] =	sbarrier.arrive $0xFFFF  }
0x43: {  	[sflag:s0] =	ssyncadd.tile.s32 @!p0 $0x1;
	_ =	shalt  }
.Lfunc_end2:
_tile_overlayer_lowered:
.L_overlay_start_2:
0x44: {  	(tag) =	ssettag $0x2  }
0x45: {  	s0 =	rddreg [dreg:$0x0];
	s2 =	stileid.u32  }
0x46: {  	s1 =	rddreg [dreg:$0x1];
	p0 =	sne.s32 s2, $0x0  }
0x47: {  	s3 =	rddreg [dreg:$0x2];
	[bflag:$0x3] =	sbarrier.arrive $0xFFFF;
	s2 =	simm.s32 @!p0 $0x1C01  }
0x48: {  	[timem:s3], [sflag:s2] =	dma.local @!p0 [hbm:s0], s1  }
0x49: {  	s0 =	simm.s32 @!p0 $0x1  }
0x4a: {  	_ =	swait.ge @!p0 [sflag:s0], s1  }
0x4b: {  	s1 =	ssub.s32 @!p0 $0x0, s1;
	[sflag:s0] =	ssyncset.done @!p0 $0x0  }
0x4c: {  	[sflag:s0] =	ssyncadd.s32 @!p0 s1  }
0x4d: {  	[bflag:$0x3] =	sbarrier.arrive $0xFFFF  }
0x4e: {  	_ =	shalt  }

// kernel: gather_offload_async_start.2
scs
__scs_entry_jumppad:
0x0: {  	(pc) =	sbr.rel $0x88, $3  }
0x1: {  	(tag) =	ssettag $0x0;
	lr =	simm.s32 $0x1  }
0x2: {  	[smem:$0x3F98] =	sst lr;
	_ =	strace $0xD0000000  }
0x3: {  	_ = 	snop  }
0x4: {  	_ = 	snop  }
0x5: {  	_ = 	snop  }
0x6: {  	_ = 	snop  }
0x7: {  	_ = 	snop  }
__scs_overlays_trampoline_lowered:
0x8: {  	[smem:$0x3FA7] =	sst s0  }
0x9: {  	[smem:$0x3FA8] =	sst s1  }
0xa: {  	[smem:$0x3FA9] =	sst s2  }
0xb: {  	[smem:$0x3FAA] =	sst s3  }
0xc: {  	[smem:$0x3FAB] =	sst s4  }
0xd: {  	[smem:$0x3FAC] =	sst s5  }
0xe: {  	[smem:$0x3FAD] =	sst s6  }
0xf: {  	[smem:$0x3FAE] =	sst s7  }
0x10: {  	[smem:$0x3FAF] =	sst s8  }
0x11: {  	[smem:$0x3FB0] =	sst s9;
	s0 =	simm.s32 @!p0 $0x0  }
0x12: {  	s1 =	sld [smem:$0x3F96];
	s0 =	simm.s32 @p0 $0x1  }
0x13: {  	[smem:$0x3FB1] =	sst s0;
	s0 =	simm.s32 @!p1 $0x0  }
0x14: {  	s2 =	sld [smem:$0x3F95];
	s0 =	simm.s32 @p1 $0x1  }
0x15: {  	[smem:$0x3FB2] =	sst s0;
	s0 =	simm.s32 @!p2 $0x0  }
0x16: {  	s3 =	sld [smem:$0x3FDB];
	s0 =	simm.s32 @p2 $0x1  }
0x17: {  	s4 =	simm.s32 $0x1BF5;
	[smem:$0x3FB4] =	sst s0  }
0x18: {  	s0 =	sld [smem:$0x3F97];
	_ =	swait.ge [sflag:s4], $0x0  }
0x19: {  	s7 =	sld [smem:$0x3F98]  }
0x1a: {  	s8 =	sadd.s32 $0xFFFFE003, lr  }
0x1b: {  	s9 =	sadd.s32 $0xFFFFFEF7, lr;
	s5 =	simm.s32 $0xFFFFFFFF;
	p2 =	slt.u32 s8, $0xFFFFF086  }
0x1c: {  	p1 =	slt.u32 s9, $0xF7A;
	s5 =	simm.s32 @!p2 $0x0  }
0x1d: {  	s5 =	simm.s32 @p1 $0x1;
	p0 =	seq.s32 s7, s2  }
0x1e: {  	s7 =	smul.u32 @!p0 $0xF7A, s2;
	p2 =	seq.s32 @!p0 s5, $0x0  }
0x1f: {  	s9 =	smul.u32 $0xF7A, s1;
	s8 =	simm.s32 @!p0 $0x1BF5;
	p2 =	por !p2, p0  }
0x20: {  	[sflag:s8] =	ssyncset.s32 @!p0 $0xFFFFF086;
	s6 =	sadd.s32 @!p0 s3, s7;
	s7 =	simm.s32 @!p0 $0x108  }
0x21: {  	s3 =	sadd.s32 s3, s9;
	s6 =	sadd.s32 @!p0 $0x88, s6;
	s7 =	simm.s32 @p2 $0x1082  }
0x22: {  	[simem:s7], [sflag:s8] =	dma.local @!p0 [hbm:s6], $0xF7A  }
0x23: {  	s9 =	sor.u32 $0xD0000000, s2;
	s6 =	simm.s32 $0x108;
	_ =	swait.ge @!p0 [sflag:s8], $0x0  }
0x24: {  	s3 =	sadd.s32 $0x88, s3;
	s6 =	simm.s32 @!p1 $0x1082;
	[sflag:s4] =	ssyncset.s32 $0xFFFFF086  }
0x25: {  	[simem:s6], [sflag:s4] =	dma.local [hbm:s3], $0xF7A  }
0x26: {  	[smem:$0x3F98] =	sst s1;
	(tag) =	ssettag s2;
	_ =	strace s9  }
0x27: {  	s1 =	sld [smem:$0x3FA8]  }
0x28: {  	s2 =	sld [smem:$0x3FA9]  }
0x29: {  	s4 =	sld [smem:$0x3FAB]  }
0x2a: {  	p0 =	seq.s32 s5, $0x0;
	s5 =	sld [smem:$0x3FAC]  }
0x2b: {  	s6 =	sld [smem:$0x3FAD]  }
0x2c: {  	s7 =	sld [smem:$0x3FAE]  }
0x2d: {  	s3 =	simm.s32 $0x108;
	s8 =	sld [smem:$0x3FAF]  }
0x2e: {  	s3 =	simm.s32 @!p0 $0x1082;
	s9 =	sld [smem:$0x3FB0]  }
0x2f: {  	lr =	sadd.s32 s0, s3;
	s0 =	sld [smem:$0x3FA7]  }
0x30: {  	s3 =	sld [smem:$0x3FAA]  }
0x31: {  	[smem:$0x3FB3] =	sst s10  }
0x32: {  	s10 =	sld [smem:$0x3FB1];
	_ =	sdelay $0x3  }
0x33: {  	p0 =	seq.s32 s10, $0x1;
	s10 =	sld [smem:$0x3FB3];
	_ =	sdelay $0x3  }
0x34: {  	[smem:$0x3FB3] =	sst s10  }
0x35: {  	s10 =	sld [smem:$0x3FB2];
	_ =	sdelay $0x3  }
0x36: {  	p1 =	seq.s32 s10, $0x1;
	s10 =	sld [smem:$0x3FB3];
	_ =	sdelay $0x3  }
0x37: {  	[smem:$0x3FB3] =	sst s10  }
0x38: {  	s10 =	sld [smem:$0x3FB4]  }
0x39: {  	_ = 	snop;
	(pc) =	sbr.ind lr, $3  }
0x3a: {  	_ = 	snop  }
0x3b: {  	_ = 	snop  }
0x3c: {  	p2 =	seq.s32 s10, $0x1;
	s10 =	sld [smem:$0x3FB3]  }
0x3d: {  	_ =	shalt  }
0x3e: {  	_ =	shalt  }
0x3f: {  	_ =	shalt  }
0x40: {  	_ =	shalt  }
0x41: {  	_ =	shalt  }
0x42: {  	_ =	shalt  }
0x43: {  	_ =	shalt  }
0x44: {  	_ =	shalt  }
0x45: {  	_ =	shalt  }
0x46: {  	_ =	shalt  }
0x47: {  	_ =	shalt  }
0x48: {  	_ =	shalt  }
0x49: {  	_ =	shalt  }
0x4a: {  	_ =	shalt  }
0x4b: {  	_ =	shalt  }
0x4c: {  	_ =	shalt  }
0x4d: {  	_ =	shalt  }
0x4e: {  	_ =	shalt  }
0x4f: {  	_ =	shalt  }
0x50: {  	_ =	shalt  }
0x51: {  	_ =	shalt  }
0x52: {  	_ =	shalt  }
0x53: {  	_ =	shalt  }
0x54: {  	_ =	shalt  }
0x55: {  	_ =	shalt  }
0x56: {  	_ =	shalt  }
0x57: {  	_ =	shalt  }
0x58: {  	_ =	shalt  }
0x59: {  	_ =	shalt  }
0x5a: {  	_ =	shalt  }
0x5b: {  	_ =	shalt  }
0x5c: {  	_ =	shalt  }
0x5d: {  	_ =	shalt  }
0x5e: {  	_ =	shalt  }
0x5f: {  	_ =	shalt  }
0x60: {  	_ =	shalt  }
0x61: {  	_ =	shalt  }
0x62: {  	_ =	shalt  }
0x63: {  	_ =	shalt  }
0x64: {  	_ =	shalt  }
0x65: {  	_ =	shalt  }
0x66: {  	_ =	shalt  }
0x67: {  	_ =	shalt  }
0x68: {  	_ =	shalt  }
0x69: {  	_ =	shalt  }
0x6a: {  	_ =	shalt  }
0x6b: {  	_ =	shalt  }
0x6c: {  	_ =	shalt  }
0x6d: {  	_ =	shalt  }
0x6e: {  	_ =	shalt  }
0x6f: {  	_ =	shalt  }
0x70: {  	_ =	shalt  }
0x71: {  	_ =	shalt  }
0x72: {  	_ =	shalt  }
0x73: {  	_ =	shalt  }
0x74: {  	_ =	shalt  }
0x75: {  	_ =	shalt  }
0x76: {  	_ =	shalt  }
0x77: {  	_ =	shalt  }
0x78: {  	_ =	shalt  }
0x79: {  	_ =	shalt  }
0x7a: {  	_ =	shalt  }
0x7b: {  	_ =	shalt  }
0x7c: {  	_ =	shalt  }
0x7d: {  	_ =	shalt  }
0x7e: {  	_ =	shalt  }
0x7f: {  	_ =	shalt  }
0x80: {  	_ =	shalt  }
0x81: {  	_ =	shalt  }
0x82: {  	_ =	shalt  }
0x83: {  	_ =	shalt  }
0x84: {  	_ =	shalt  }
0x85: {  	_ =	shalt  }
0x86: {  	_ =	shalt  }
0x87: {  	_ =	shalt  }
.Lfunc_end0:
.L_simem_size_0:
called_computation.2_lowered:
.L_overlay_start_0:
0x88: {  	s2 =	sld [smem:$0x3FD9]  }
0x89: {  	s3 =	sld [smem:$0x3FFE];
	_ =	sdelay $0x1  }
0x8a: {  	s1 =	srdreg.scid  }
0x8b: {  	s0 =	sand.u32 $0x1, s1  }
0x8c: {  	s17 =	sshll.u32 s0, $0xA;
	s2 =	sadd.s32 s3, s2  }
0x8d: {  	s2 =	sadd.s32 s2, s17  }
0x8e: {  	[smem:$0x3FBF] =	sst s2  }
0x8f: {  	_ = 	snop  }
0x90: {  	s2 =	sld [smem:$0x3FC7];
	(tm) =	ssettm $0x1  }
0x91: {  	s18 =	sld [smem:$0x3FFB];
	_ =	sdelay $0x3  }
0x92: {  	_ =	strace s18  }
0x93: {  	s3 =	sld [smem:$0x3FFC];
	_ =	sdelay $0x3  }
0x94: {  	_ =	strace s3  }
0x95: {  	s3 =	sld [smem:$0x3FFD];
	_ =	sdelay $0x3  }
0x96: {  	_ =	strace s3  }
0x97: {  	_ =	strace $0x8FFFFFFF  }
0x98: {  	s19 =	sld [smem:$0x3FDB];
	_ =	sdelay $0x1  }
0x99: {  	s4 =	simm.s32 $_scs_section_size  }
0x9a: {  	s5 =	simm.s32 $_size__tile_overlayer_lowered;
	s6 =	simm.s32 $_tile_overlayer_lowered  }
0x9b: {  	s22 =	simm.s32 $0x1BFF;
	s21 =	sshll.u32 s6, $0x1;
	s3 =	sadd.s32 s4, s19  }
0x9c: {  	s7 =	simm.s32 $0x0;
	s20 =	sshll.u32 s5, $0x1;
	s5 =	sadd.s32 s21, s3  }
0x9d: {  	[timem:s7], [sflag:s22] =	dma.local [hbm:s5], s20  }
0x9e: {  	_ =	swait.ge [sflag:s22], s20  }
0x9f: {  	s4 =	ssub.s32 $0x0, s20;
	[sflag:s22] =	ssyncset.done $0x0  }
0xa0: {  	[sflag:s22] =	ssyncadd.s32 s4;
	_ =	sdelay $0x1  }
0xa1: {  	s23 =	simm.s32 $0x1B8B  }
0xa2: {  	_ =	swait.ge [sflag:s23], $0x1  }
0xa3: {  	[sflag:s23] =	ssyncset.done $0x0  }
0xa4: {  	s25 =	simm.s32 $0x1B8E;
	s24 =	sld [smem:$0x3FFE];
	[sflag:s23] =	ssyncadd.s32 $0xFFFFFFFF  }
0xa5: {  	s26 =	simm.s32 $execute0_lowered;
	[smem:$0x3FD2] =	sst s25  }
0xa6: {  	s5 =	sshll.u32 s26, $0x1;
	_ =	strace $0x80000046;
	[dreg:$0x1] =	wrdreg $0xFFFFFFFF  }
0xa7: {  	s28 =	simm.s32 $_size_execute0_lowered;
	s3 =	sadd.s32 s3, s5;
	[dreg:$0x0] =	wrdreg $0x0  }
0xa8: {  	s5 =	sshll.u32 s28, $0x1;
	[dreg:$0x2] =	wrdreg s3  }
0xa9: {  	[dreg:$0x3] =	wrdreg s5  }
0xaa: {  	[dreg:$0x4] =	wrdreg $0xC0  }
0xab: {  	_ =	task [dreg:s7], $0x5FFFF  }
0xac: {  	[dreg:$0x1] =	wrdreg $0xFFFFFFFF  }
0xad: {  	[dreg:$0x0] =	wrdreg $0x60  }
0xae: {  	[dreg:$0x2] =	wrdreg s2  }
0xaf: {  	[dreg:$0x3] =	wrdreg s24  }
0xb0: {  	[dreg:$0x4] =	wrdreg $0x9  }
0xb1: {  	_ =	task.clear_ibuf [dreg:s7], $0x5FFFF;
	_ =	strace $0x90000046  }
0xb2: {  	s29 =	simm.s32 $0x9;
	_ =	strace $0x80000048  }
0xb3: {  	_ =	swait.ge [sflag:s29], $0x1  }
0xb4: {  	[sflag:s29] =	ssyncadd.s32 $0xFFFFFFFF  }
0xb5: {  	_ =	strace $0x90000048  }
0xb6: {  	_ =	sfence  }
0xb7: {  	s30 =	sld [smem:$0x0];
	_ =	sdelay $0x2  }
0xb8: {  	s31 =	sshll.u32 s1, $0xD;
	s1 =	sshrl.u32 s1, $0x2  }
0xb9: {  	s3 =	sand.u32 $0x4000, s31;
	s1 =	sadd.s32 s1, s30  }
0xba: {  	s0 =	sor.u32 s3, s0;
	s1 =	sshll.u32 s1, $0x11  }
0xbb: {  	s0 =	sor.u32 s1, s0  }
0xbc: {  	s0 =	sadd.s32 $0x8F2B, s0  }
0xbd: {  	[sflag:s0] =	ssyncadd.remote.s32 $0x1  }
0xbe: {  	_ =	sfence.sel $0xFFFF  }
0xbf: {  	[dreg:$0x0] =	wrdreg $0xFFFFFFFF;
	(pc) =	sbr.abs _section_cstart, $3  }
0xc0: {  	[dreg:$0x1] =	wrdreg $0xFFFFFFFF  }
0xc1: {  	_ =	task.clear_ibuf [dreg:s7], $0x2FFFF;
	_ =	strace $0x9FFFFFFF  }
0xc2: {  	(tm) =	ssettm $0x7FFFFFFF  }
0xc3: {  	_ =	shalt  }
tec
execute0_lowered:
.L_overlay_start_1:
0x0: {  	(tag) =	ssettag $0x1  }
0x1: {  	s1 =	srdreg.scid;
	s2 =	rddreg [dreg:$0x0]  }
0x2: {  	s0 =	stileid.u32;
	s5 =	rddreg [dreg:$0x1];
	s6 =	simm.s32 $0x1  }
0x3: {  	s9 =	simm.s32 $0x1;
	s10 =	simm.s32 $0x3;
	s1 =	sshll.u32 s1, $0x6  }
0x4: {  	s13 =	simm.s32 $0x0;
	s3 =	sshll.u32 s0, $0x7;
	s4 =	sand.u32 $0x40, s1  }
0x5: {  	s12 =	simm.s32 $0x0;
	s1 =	rddreg [dreg:$0x2];
	s3 =	sor.u32 s3, s4  }
0x6: {  	_ =	strace $0x80000047;
	s4 =	sadd.s32 $0x1A00, s5;
	s8 =	ssub.s32 $0x1000, s3  }
.Ltmp0:
0x7: {  	s5 =	sadd.s32 $0x1C00, s5;
	s7 =	sand.u32 $0x7C0, s8;
	(pc) =	sbr.rel .LBB2_1-.Ltmp0, $4  }
0x8: {  	[sflag:s6] =	ssyncpa.u1 $0x0;
	s11 =	smov.u32 s3;
	p0 =	sne.s32 s7, $0x0  }
0x9: {  	s8 =	sshrl.u32 s8, $0xB;
	s7 =	simm.s32 $0x2;
	s9 =	simm.s32 @!p0 $0x0  }
0xa: {  	[sflag:s7] =	ssyncpa.u1 $0x0;
	p0 =	por $0x0, $0x0;
	s8 =	sadd.s32 s9, s8  }
0xb: {  	vm0 =	vmmov $0xffff;
	[sflag:s10] =	ssyncpa.u1 $0x0;
	s10 =	simm.s32 $0x0;
	s9 =	sadd.s32 $0x1, s8  }
.LBB2_4:
0xc: {  	v2 =	vnsel vm1, $0x0, v2  }
0xd: {  	vm1 =	vgt.s32 v0, $0x0;
	v2 =	vmin.u32 v2, $0xFFF  }
0xe: {  	v0 =	vnsel vm1, $0x0, v0  }
0xf: {  	v0 =	vmin.u32 v0, $0xFFF  }
0x10: {  	[tilespmem:s15], [sflag:$0x1] =	stream.indirect_vreg.gather [hbm4b:s2+s10], $0x1, v1, vm0, $0x4038;
	[tilespmem:$0x100] =	vst v63  }
0x11: {  	(ifvalue) =	ssetifvalue $0x7FFFFFFF  }
0x12: {  	[tilespmem:s16], [sflag:$0x1] =	stream.indirect_vreg.gather [hbm4b:s2+s10], $0x1, v2, vm0, $0x4038;
	[tilespmem:$0x100] =	vst v63  }
0x13: {  	s29 =	sadd.s32 $0x10, s16;
	(ifvalue) =	ssetifvalue $0x7FFFFFFF  }
0x14: {  	[tilespmem:s29], [sflag:$0x1] =	stream.indirect_vreg.gather [hbm4b:s2+s10], $0x1, v0, vm0, $0x4038;
	[tilespmem:$0x100] =	vst v63  }
0x15: {  	_ =	swait.ge [sflag:s6], $0x40  }
0x16: {  	s30 =	sshrl.u32 s13, $0x3;
	[sflag:s6] =	ssyncset.done $0x0  }
0x17: {  	s31 =	sand.u32 $0x7, s13;
	s15 =	sadd.s32 s5, s30;
	[sflag:s6] =	ssyncadd.s32 $0xFFFFFFC0  }
0x18: {  	[hbm4b:s15+s31] =	stream.linear.scatter [tilespmem:s14], [sflag:$0x3], $0x40, $0x38;
	[tilespmem:$0x100] =	vst v63  }
.LBB2_5:
0x19: {  	s15 =	sadd.s32 $0x800, s11  }
0x1a: {  	p2 =	sgt.s32 s15, $0xFFF  }
0x1b: {  	s15 =	smov.u32 @p2 s3;
	p2 =	sne.s32 s12, s9  }
.Ltmp1:
0x1c: {  	p1 =	slt.u32 s12, $0x2;
	(pc) =	sbr.rel @!p2 .LBB2_6-.Ltmp1, $4  }
0x1d: {  	s14 =	simm.s32 @!p1 $0x3  }
0x1e: {  	s16 =	sadd.s32 $0x1, s12;
	_ =	swait.ge @!p1 [sflag:s14], $0x40  }
0x1f: {  	s13 =	smov.u32 s11;
	p0 =	por !p0, !p0;
	[sflag:s14] =	ssyncset.done @!p1 $0x0  }
0x20: {  	s12 =	smov.u32 s16;
	s11 =	smov.u32 s15;
	[sflag:s14] =	ssyncadd.s32 @!p1 $0xFFFFFFC0  }
.LBB2_1:
0x21: {  	p1 =	sge.u32 s12, s8  }
0x22: {  	s14 =	sxor.u32 @!p1 $0xFFFFFFFF, s12  }
0x23: {  	s31 =	sadd.s32 $0xFFFFFFFF, s12;
	s15 =	sshrl.u32 @!p1 s11, $0x3;
	s14 =	sshll.u32 @!p1 s14, $0x6  }
0x24: {  	s16 =	sand.u32 @!p1 $0x7, s11;
	s15 =	sadd.s32 @!p1 s4, s15;
	s14 =	sand.u32 @!p1 $0x40, s14  }
0x25: {  	[tilespmem:s14], [sflag:$0x2] =	stream.linear.gather @!p1 [hbm4b:s15+s16], $0x40, $0x38;
	[tilespmem:$0x100] =	vst v63  }
0x26: {  	p1 =	sge.u32 s31, s8  }
.Ltmp2:
0x27: {  	_ = 	snop;
	(pc) =	sbr.rel @p1 .LBB2_5-.Ltmp2, $1  }
0x28: {  	_ =	sdelay $0x3  }
0x29: {  	s14 =	simm.s32 $0x1  }
0x2a: {  	_ =	swait.ge [sflag:s7], $0x40;
	s14 =	simm.s32 @!p0 $0x0  }
0x2b: {  	[sflag:s7] =	ssyncset.done $0x0;
	s14 =	sshll.u32 s14, $0x6  }
0x2c: {  	[sflag:s7] =	ssyncadd.s32 $0xFFFFFFC0;
	(ifvalue) =	ssetifvalue $0x7FFFFFFF;
	v0 =	vld.msk [tilespmem:s14+$0x0 ss:$0x1], $0xffff;
	_ =	sdelay $0x4  }
0x2d: {  	s15 =	sadd.s32 $0x10, s14;
	vm1 =	vgt.s32 v0, $0x0  }
0x2e: {  	v2 =	vld.msk [tilespmem:s15+$0x0 ss:$0x1], $0xffff;
	v1 =	vnsel vm1, $0x0, v0  }
0x2f: {  	v1 =	vmin.u32 v1, $0xFFF;
	_ =	sdelay $0x1  }
0x30: {  	s16 =	sshll.u32 s12, $0x6;
	s18 =	simm.s32 $0x20  }
0x31: {  	s16 =	sand.u32 $0x40, s16;
	s17 =	sadd.s32 $0x10, s15;
	s15 =	sor.u32 $0x80, s14  }
0x32: {  	s14 =	sor.u32 $0x80, s16;
	s16 =	sadd.s32 $0x10, s15;
	v0 =	vld.msk [tilespmem:s17+$0x0 ss:$0x1], $0xffff;
	vm1 =	vgt.s32 v2, $0x0;
	(ifvalue) =	ssetifvalue $0x7FFFFFFF  }
.LBB2_3:
0x33: {  	[tilespmem:s15], [sflag:$0x1] =	stream.indirect_vreg.gather [hbm4b:s2+s10], $0x1, v1, vm0, $0x4038;
	[tilespmem:$0x100] =	vst v63  }
0x34: {  	s18 =	sadd.s32 $0x10, s18  }
0x35: {  	v2 =	vnsel vm1, $0x0, v2;
	p1 =	slt.u32 s18, $0x30  }
.Ltmp3:
0x36: {  	s15 =	smov.u32 s16;
	v1 =	vmin.u32 v2, $0xFFF;
	(pc) =	sbr.rel @p1 .LBB2_3-.Ltmp3, $3  }
0x37: {  	_ =	sdelay $0x1  }
0x38: {  	s17 =	sadd.s32 $0x10, s17  }
0x39: {  	vm1 =	vgt.s32 v0, $0x0;
	s16 =	sadd.s32 $0x10, s16;
	v2 =	vmov v0;
	(ifvalue) =	ssetifvalue $0x7FFFFFFF;
	v0 =	vld.msk [tilespmem:s17+$0x0 ss:$0x1], $0xffff  }
.Ltmp4:
0x3a: {  	_ = 	snop;
	(pc) =	sbr.rel .LBB2_4-.Ltmp4, $1  }
0x3b: {  	_ =	sdelay $0x3  }
.LBB2_6:
0x3c: {  	_ =	sfence.sel $0x180000  }
0x3d: {  	s2 =	simm.s32 $0x2;
	[bflag:$0x0] =	sbarrier.arrive $0xFFFF  }
0x3e: {  	s30 =	simm.s32 $0x3;
	[sflag:s2] =	ssyncpa.u1 $0x1  }
0x3f: {  	s31 =	simm.s32 $0x1;
	[sflag:s30] =	ssyncpa.u1 $0x1  }
0x40: {  	[sflag:s31] =	ssyncpa.u1 $0x1  }
0x41: {  	p0 =	sne.s32 s0, $0x0;
	_ =	strace $0x90000047  }
0x42: {  	s0 =	sadd.s32 @!p0 $0x100000, s1;
	[bflag:$0x2] =	sbarrier.arrive $0xFFFF  }
0x43: {  	[sflag:s0] =	ssyncadd.tile.s32 @!p0 $0x1;
	_ =	shalt  }
.Lfunc_end2:
_tile_overlayer_lowered:
.L_overlay_start_2:
0x44: {  	(tag) =	ssettag $0x2  }
0x45: {  	s0 =	rddreg [dreg:$0x0];
	s2 =	stileid.u32  }
0x46: {  	s1 =	rddreg [dreg:$0x1];
	p0 =	sne.s32 s2, $0x0  }
0x47: {  	s3 =	rddreg [dreg:$0x2];
	[bflag:$0x3] =	sbarrier.arrive $0xFFFF;
	s2 =	simm.s32 @!p0 $0x1C01  }
0x48: {  	[timem:s3], [sflag:s2] =	dma.local @!p0 [hbm:s0], s1  }
0x49: {  	s0 =	simm.s32 @!p0 $0x1  }
0x4a: {  	_ =	swait.ge @!p0 [sflag:s0], s1  }
0x4b: {  	s1 =	ssub.s32 @!p0 $0x0, s1;
	[sflag:s0] =	ssyncset.done @!p0 $0x0  }
0x4c: {  	[sflag:s0] =	ssyncadd.s32 @!p0 s1  }
0x4d: {  	[bflag:$0x3] =	sbarrier.arrive $0xFFFF  }
0x4e: {  	_ =	shalt  }

// kernel: gather_offload_async_start.3
scs
__scs_entry_jumppad:
0x0: {  	(pc) =	sbr.rel $0x88, $3  }
0x1: {  	(tag) =	ssettag $0x0;
	lr =	simm.s32 $0x1  }
0x2: {  	[smem:$0x3F98] =	sst lr;
	_ =	strace $0xD0000000  }
0x3: {  	_ = 	snop  }
0x4: {  	_ = 	snop  }
0x5: {  	_ = 	snop  }
0x6: {  	_ = 	snop  }
0x7: {  	_ = 	snop  }
__scs_overlays_trampoline_lowered:
0x8: {  	[smem:$0x3FA7] =	sst s0  }
0x9: {  	[smem:$0x3FA8] =	sst s1  }
0xa: {  	[smem:$0x3FA9] =	sst s2  }
0xb: {  	[smem:$0x3FAA] =	sst s3  }
0xc: {  	[smem:$0x3FAB] =	sst s4  }
0xd: {  	[smem:$0x3FAC] =	sst s5  }
0xe: {  	[smem:$0x3FAD] =	sst s6  }
0xf: {  	[smem:$0x3FAE] =	sst s7  }
0x10: {  	[smem:$0x3FAF] =	sst s8  }
0x11: {  	[smem:$0x3FB0] =	sst s9;
	s0 =	simm.s32 @!p0 $0x0  }
0x12: {  	s1 =	sld [smem:$0x3F96];
	s0 =	simm.s32 @p0 $0x1  }
0x13: {  	[smem:$0x3FB1] =	sst s0;
	s0 =	simm.s32 @!p1 $0x0  }
0x14: {  	s2 =	sld [smem:$0x3F95];
	s0 =	simm.s32 @p1 $0x1  }
0x15: {  	[smem:$0x3FB2] =	sst s0;
	s0 =	simm.s32 @!p2 $0x0  }
0x16: {  	s3 =	sld [smem:$0x3FDB];
	s0 =	simm.s32 @p2 $0x1  }
0x17: {  	s4 =	simm.s32 $0x1BF5;
	[smem:$0x3FB4] =	sst s0  }
0x18: {  	s0 =	sld [smem:$0x3F97];
	_ =	swait.ge [sflag:s4], $0x0  }
0x19: {  	s7 =	sld [smem:$0x3F98]  }
0x1a: {  	s8 =	sadd.s32 $0xFFFFE003, lr  }
0x1b: {  	s9 =	sadd.s32 $0xFFFFFEF7, lr;
	s5 =	simm.s32 $0xFFFFFFFF;
	p2 =	slt.u32 s8, $0xFFFFF086  }
0x1c: {  	p1 =	slt.u32 s9, $0xF7A;
	s5 =	simm.s32 @!p2 $0x0  }
0x1d: {  	s5 =	simm.s32 @p1 $0x1;
	p0 =	seq.s32 s7, s2  }
0x1e: {  	s7 =	smul.u32 @!p0 $0xF7A, s2;
	p2 =	seq.s32 @!p0 s5, $0x0  }
0x1f: {  	s9 =	smul.u32 $0xF7A, s1;
	s8 =	simm.s32 @!p0 $0x1BF5;
	p2 =	por !p2, p0  }
0x20: {  	[sflag:s8] =	ssyncset.s32 @!p0 $0xFFFFF086;
	s6 =	sadd.s32 @!p0 s3, s7;
	s7 =	simm.s32 @!p0 $0x108  }
0x21: {  	s3 =	sadd.s32 s3, s9;
	s6 =	sadd.s32 @!p0 $0x88, s6;
	s7 =	simm.s32 @p2 $0x1082  }
0x22: {  	[simem:s7], [sflag:s8] =	dma.local @!p0 [hbm:s6], $0xF7A  }
0x23: {  	s9 =	sor.u32 $0xD0000000, s2;
	s6 =	simm.s32 $0x108;
	_ =	swait.ge @!p0 [sflag:s8], $0x0  }
0x24: {  	s3 =	sadd.s32 $0x88, s3;
	s6 =	simm.s32 @!p1 $0x1082;
	[sflag:s4] =	ssyncset.s32 $0xFFFFF086  }
0x25: {  	[simem:s6], [sflag:s4] =	dma.local [hbm:s3], $0xF7A  }
0x26: {  	[smem:$0x3F98] =	sst s1;
	(tag) =	ssettag s2;
	_ =	strace s9  }
0x27: {  	s1 =	sld [smem:$0x3FA8]  }
0x28: {  	s2 =	sld [smem:$0x3FA9]  }
0x29: {  	s4 =	sld [smem:$0x3FAB]  }
0x2a: {  	p0 =	seq.s32 s5, $0x0;
	s5 =	sld [smem:$0x3FAC]  }
0x2b: {  	s6 =	sld [smem:$0x3FAD]  }
0x2c: {  	s7 =	sld [smem:$0x3FAE]  }
0x2d: {  	s3 =	simm.s32 $0x108;
	s8 =	sld [smem:$0x3FAF]  }
0x2e: {  	s3 =	simm.s32 @!p0 $0x1082;
	s9 =	sld [smem:$0x3FB0]  }
0x2f: {  	lr =	sadd.s32 s0, s3;
	s0 =	sld [smem:$0x3FA7]  }
0x30: {  	s3 =	sld [smem:$0x3FAA]  }
0x31: {  	[smem:$0x3FB3] =	sst s10  }
0x32: {  	s10 =	sld [smem:$0x3FB1];
	_ =	sdelay $0x3  }
0x33: {  	p0 =	seq.s32 s10, $0x1;
	s10 =	sld [smem:$0x3FB3];
	_ =	sdelay $0x3  }
0x34: {  	[smem:$0x3FB3] =	sst s10  }
0x35: {  	s10 =	sld [smem:$0x3FB2];
	_ =	sdelay $0x3  }
0x36: {  	p1 =	seq.s32 s10, $0x1;
	s10 =	sld [smem:$0x3FB3];
	_ =	sdelay $0x3  }
0x37: {  	[smem:$0x3FB3] =	sst s10  }
0x38: {  	s10 =	sld [smem:$0x3FB4]  }
0x39: {  	_ = 	snop;
	(pc) =	sbr.ind lr, $3  }
0x3a: {  	_ = 	snop  }
0x3b: {  	_ = 	snop  }
0x3c: {  	p2 =	seq.s32 s10, $0x1;
	s10 =	sld [smem:$0x3FB3]  }
0x3d: {  	_ =	shalt  }
0x3e: {  	_ =	shalt  }
0x3f: {  	_ =	shalt  }
0x40: {  	_ =	shalt  }
0x41: {  	_ =	shalt  }
0x42: {  	_ =	shalt  }
0x43: {  	_ =	shalt  }
0x44: {  	_ =	shalt  }
0x45: {  	_ =	shalt  }
0x46: {  	_ =	shalt  }
0x47: {  	_ =	shalt  }
0x48: {  	_ =	shalt  }
0x49: {  	_ =	shalt  }
0x4a: {  	_ =	shalt  }
0x4b: {  	_ =	shalt  }
0x4c: {  	_ =	shalt  }
0x4d: {  	_ =	shalt  }
0x4e: {  	_ =	shalt  }
0x4f: {  	_ =	shalt  }
0x50: {  	_ =	shalt  }
0x51: {  	_ =	shalt  }
0x52: {  	_ =	shalt  }
0x53: {  	_ =	shalt  }
0x54: {  	_ =	shalt  }
0x55: {  	_ =	shalt  }
0x56: {  	_ =	shalt  }
0x57: {  	_ =	shalt  }
0x58: {  	_ =	shalt  }
0x59: {  	_ =	shalt  }
0x5a: {  	_ =	shalt  }
0x5b: {  	_ =	shalt  }
0x5c: {  	_ =	shalt  }
0x5d: {  	_ =	shalt  }
0x5e: {  	_ =	shalt  }
0x5f: {  	_ =	shalt  }
0x60: {  	_ =	shalt  }
0x61: {  	_ =	shalt  }
0x62: {  	_ =	shalt  }
0x63: {  	_ =	shalt  }
0x64: {  	_ =	shalt  }
0x65: {  	_ =	shalt  }
0x66: {  	_ =	shalt  }
0x67: {  	_ =	shalt  }
0x68: {  	_ =	shalt  }
0x69: {  	_ =	shalt  }
0x6a: {  	_ =	shalt  }
0x6b: {  	_ =	shalt  }
0x6c: {  	_ =	shalt  }
0x6d: {  	_ =	shalt  }
0x6e: {  	_ =	shalt  }
0x6f: {  	_ =	shalt  }
0x70: {  	_ =	shalt  }
0x71: {  	_ =	shalt  }
0x72: {  	_ =	shalt  }
0x73: {  	_ =	shalt  }
0x74: {  	_ =	shalt  }
0x75: {  	_ =	shalt  }
0x76: {  	_ =	shalt  }
0x77: {  	_ =	shalt  }
0x78: {  	_ =	shalt  }
0x79: {  	_ =	shalt  }
0x7a: {  	_ =	shalt  }
0x7b: {  	_ =	shalt  }
0x7c: {  	_ =	shalt  }
0x7d: {  	_ =	shalt  }
0x7e: {  	_ =	shalt  }
0x7f: {  	_ =	shalt  }
0x80: {  	_ =	shalt  }
0x81: {  	_ =	shalt  }
0x82: {  	_ =	shalt  }
0x83: {  	_ =	shalt  }
0x84: {  	_ =	shalt  }
0x85: {  	_ =	shalt  }
0x86: {  	_ =	shalt  }
0x87: {  	_ =	shalt  }
.Lfunc_end0:
.L_simem_size_0:
called_computation.3_lowered:
.L_overlay_start_0:
0x88: {  	s2 =	sld [smem:$0x3FD9]  }
0x89: {  	s3 =	sld [smem:$0x3FFE];
	_ =	sdelay $0x1  }
0x8a: {  	s1 =	srdreg.scid  }
0x8b: {  	s0 =	sand.u32 $0x1, s1  }
0x8c: {  	s16 =	sshll.u32 s0, $0xA;
	s2 =	sadd.s32 s3, s2  }
0x8d: {  	s2 =	sadd.s32 s2, s16  }
0x8e: {  	[smem:$0x3FBF] =	sst s2  }
0x8f: {  	_ = 	snop  }
0x90: {  	(tm) =	ssettm $0x1  }
0x91: {  	s17 =	sld [smem:$0x3FFB];
	_ =	sdelay $0x3  }
0x92: {  	_ =	strace s17  }
0x93: {  	s2 =	sld [smem:$0x3FFC];
	_ =	sdelay $0x3  }
0x94: {  	_ =	strace s2  }
0x95: {  	s2 =	sld [smem:$0x3FFD];
	_ =	sdelay $0x3  }
0x96: {  	_ =	strace s2  }
0x97: {  	_ =	strace $0x8FFFFFFF  }
0x98: {  	s18 =	sld [smem:$0x3FDB];
	_ =	sdelay $0x1  }
0x99: {  	s19 =	simm.s32 $_scs_section_size  }
0x9a: {  	s4 =	simm.s32 $_size__tile_overlayer_lowered;
	s5 =	simm.s32 $_tile_overlayer_lowered  }
0x9b: {  	s22 =	simm.s32 $0x1BFF;
	s21 =	sshll.u32 s5, $0x1;
	s2 =	sadd.s32 s19, s18  }
0x9c: {  	s6 =	simm.s32 $0x0;
	s20 =	sshll.u32 s4, $0x1;
	s4 =	sadd.s32 s21, s2  }
0x9d: {  	[timem:s6], [sflag:s22] =	dma.local [hbm:s4], s20  }
0x9e: {  	_ =	swait.ge [sflag:s22], s20  }
0x9f: {  	s3 =	ssub.s32 $0x0, s20;
	[sflag:s22] =	ssyncset.done $0x0  }
0xa0: {  	[sflag:s22] =	ssyncadd.s32 s3;
	_ =	sdelay $0x1  }
0xa1: {  	s23 =	simm.s32 $0x1B8B  }
0xa2: {  	_ =	swait.ge [sflag:s23], $0x1  }
0xa3: {  	[sflag:s23] =	ssyncset.done $0x0  }
0xa4: {  	s25 =	simm.s32 $0x1B8E;
	s24 =	sld [smem:$0x3FFE];
	[sflag:s23] =	ssyncadd.s32 $0xFFFFFFFF  }
0xa5: {  	s26 =	simm.s32 $execute0_lowered;
	[smem:$0x3FD2] =	sst s25  }
0xa6: {  	s4 =	sshll.u32 s26, $0x1;
	_ =	strace $0x8000004F;
	[dreg:$0x1] =	wrdreg $0xFFFFFFFF  }
0xa7: {  	s28 =	simm.s32 $_size_execute0_lowered;
	s2 =	sadd.s32 s2, s4;
	[dreg:$0x0] =	wrdreg $0x0  }
0xa8: {  	s4 =	sshll.u32 s28, $0x1;
	[dreg:$0x2] =	wrdreg s2  }
0xa9: {  	[dreg:$0x3] =	wrdreg s4  }
0xaa: {  	[dreg:$0x4] =	wrdreg $0xC0  }
0xab: {  	_ =	task [dreg:s6], $0x5FFFF  }
0xac: {  	[dreg:$0x1] =	wrdreg $0xFFFFFFFF  }
0xad: {  	[dreg:$0x0] =	wrdreg $0x60  }
0xae: {  	[dreg:$0x2] =	wrdreg s24  }
0xaf: {  	[dreg:$0x3] =	wrdreg $0x9  }
0xb0: {  	_ =	task.clear_ibuf [dreg:s6], $0x4FFFF;
	_ =	strace $0x9000004F  }
0xb1: {  	s29 =	simm.s32 $0x9;
	_ =	strace $0x80000051  }
0xb2: {  	_ =	swait.ge [sflag:s29], $0x1  }
0xb3: {  	[sflag:s29] =	ssyncadd.s32 $0xFFFFFFFF  }
0xb4: {  	_ =	strace $0x90000051  }
0xb5: {  	_ =	sfence  }
0xb6: {  	s30 =	sld [smem:$0x0];
	_ =	sdelay $0x2  }
0xb7: {  	s31 =	sshll.u32 s1, $0xD;
	s1 =	sshrl.u32 s1, $0x2  }
0xb8: {  	s3 =	sand.u32 $0x4000, s31;
	s1 =	sadd.s32 s1, s30  }
0xb9: {  	s0 =	sor.u32 s3, s0;
	s1 =	sshll.u32 s1, $0x11  }
0xba: {  	s0 =	sor.u32 s1, s0  }
0xbb: {  	s0 =	sadd.s32 $0x8F2B, s0  }
0xbc: {  	[sflag:s0] =	ssyncadd.remote.s32 $0x1  }
0xbd: {  	_ =	sfence.sel $0xFFFF  }
0xbe: {  	[dreg:$0x0] =	wrdreg $0xFFFFFFFF;
	(pc) =	sbr.abs _section_cstart, $3  }
0xbf: {  	[dreg:$0x1] =	wrdreg $0xFFFFFFFF  }
0xc0: {  	_ =	task.clear_ibuf [dreg:s6], $0x2FFFF;
	_ =	strace $0x9FFFFFFF  }
0xc1: {  	(tm) =	ssettm $0x7FFFFFFF  }
tec
execute0_lowered:
.L_overlay_start_1:
0x0: {  	(tag) =	ssettag $0x1  }
0x1: {  	s0 =	srdreg.scid;
	s5 =	rddreg [dreg:$0x0]  }
0x2: {  	s1 =	stileid.u32;
	s6 =	simm.s32 $0x1;
	s9 =	simm.s32 $0x1  }
0x3: {  	s10 =	simm.s32 $0x3;
	s13 =	simm.s32 $0x0;
	s2 =	sshll.u32 s0, $0x8  }
0x4: {  	s12 =	simm.s32 $0x0;
	s3 =	sshll.u32 s1, $0x9;
	s2 =	sand.u32 $0x100, s2  }
0x5: {  	s0 =	rddreg [dreg:$0x1];
	_ =	strace $0x80000050;
	s2 =	sor.u32 s3, s2  }
0x6: {  	s4 =	sadd.s32 $0x1000, s5;
	[sflag:s6] =	ssyncpa.u1 $0x0;
	s8 =	ssub.s32 $0x4000, s2  }
.Ltmp0:
0x7: {  	s3 =	sadd.s32 $0x3000, s5;
	s7 =	sand.u32 $0x1F00, s8;
	(pc) =	sbr.rel .LBB2_1-.Ltmp0, $4  }
0x8: {  	s5 =	sadd.s32 $0x4200, s5;
	s11 =	smov.u32 s2;
	p0 =	sne.s32 s7, $0x0  }
0x9: {  	s8 =	sshrl.u32 s8, $0xD;
	s7 =	simm.s32 $0x2;
	s9 =	simm.s32 @!p0 $0x0  }
0xa: {  	[sflag:s7] =	ssyncpa.u1 $0x0;
	p0 =	por $0x0, $0x0;
	s8 =	sadd.s32 s9, s8  }
0xb: {  	vm0 =	vmmov $0xffff;
	[sflag:s10] =	ssyncpa.u1 $0x0;
	s10 =	simm.s32 $0x0;
	s9 =	sadd.s32 $0x1, s8  }
.LBB2_4:
0xc: {  	v2 =	vnsel vm1, $0x0, v2  }
0xd: {  	vm1 =	vgt.s32 v0, $0x0;
	v2 =	vmin.u32 v2, $0x3FFF  }
0xe: {  	v0 =	vnsel vm1, $0x0, v0  }
0xf: {  	v0 =	vmin.u32 v0, $0x3FFF  }
0x10: {  	[tilespmem:s15], [sflag:$0x1] =	stream.indirect_vreg.gather [hbm4b:s3+s10], $0x1, v1, vm0, $0x4038;
	[tilespmem:$0x400] =	vst v63  }
0x11: {  	(ifvalue) =	ssetifvalue $0x7FFFFFFF  }
0x12: {  	[tilespmem:s16], [sflag:$0x1] =	stream.indirect_vreg.gather [hbm4b:s3+s10], $0x1, v2, vm0, $0x4038;
	[tilespmem:$0x400] =	vst v63  }
0x13: {  	s29 =	sadd.s32 $0x10, s16;
	(ifvalue) =	ssetifvalue $0x7FFFFFFF  }
0x14: {  	[tilespmem:s29], [sflag:$0x1] =	stream.indirect_vreg.gather [hbm4b:s3+s10], $0x1, v0, vm0, $0x4038;
	[tilespmem:$0x400] =	vst v63  }
0x15: {  	_ =	swait.ge [sflag:s6], $0x100  }
0x16: {  	s30 =	sshrl.u32 s13, $0x3;
	[sflag:s6] =	ssyncset.done $0x0  }
0x17: {  	s31 =	sand.u32 $0x7, s13;
	s15 =	sadd.s32 s5, s30;
	[sflag:s6] =	ssyncadd.s32 $0xFFFFFF00  }
0x18: {  	[hbm4b:s15+s31] =	stream.linear.scatter [tilespmem:s14], [sflag:$0x3], $0x100, $0x38;
	[tilespmem:$0x400] =	vst v63  }
.LBB2_5:
0x19: {  	s15 =	sadd.s32 $0x2000, s11  }
0x1a: {  	p2 =	sgt.s32 s15, $0x3FFF  }
0x1b: {  	s15 =	smov.u32 @p2 s2;
	p2 =	sne.s32 s12, s9  }
.Ltmp1:
0x1c: {  	p1 =	slt.u32 s12, $0x2;
	(pc) =	sbr.rel @!p2 .LBB2_6-.Ltmp1, $4  }
0x1d: {  	s14 =	simm.s32 @!p1 $0x3  }
0x1e: {  	s16 =	sadd.s32 $0x1, s12;
	_ =	swait.ge @!p1 [sflag:s14], $0x100  }
0x1f: {  	s13 =	smov.u32 s11;
	p0 =	por !p0, !p0;
	[sflag:s14] =	ssyncset.done @!p1 $0x0  }
0x20: {  	s12 =	smov.u32 s16;
	s11 =	smov.u32 s15;
	[sflag:s14] =	ssyncadd.s32 @!p1 $0xFFFFFF00  }
.LBB2_1:
0x21: {  	p1 =	sge.u32 s12, s8  }
0x22: {  	s14 =	sxor.u32 @!p1 $0xFFFFFFFF, s12  }
0x23: {  	s31 =	sadd.s32 $0xFFFFFFFF, s12;
	s15 =	sshrl.u32 @!p1 s11, $0x3;
	s14 =	sshll.u32 @!p1 s14, $0x8  }
0x24: {  	s16 =	sand.u32 @!p1 $0x7, s11;
	s15 =	sadd.s32 @!p1 s4, s15;
	s14 =	sand.u32 @!p1 $0x100, s14  }
0x25: {  	[tilespmem:s14], [sflag:$0x2] =	stream.linear.gather @!p1 [hbm4b:s15+s16], $0x100, $0x38;
	[tilespmem:$0x400] =	vst v63  }
0x26: {  	p1 =	sge.u32 s31, s8  }
.Ltmp2:
0x27: {  	_ = 	snop;
	(pc) =	sbr.rel @p1 .LBB2_5-.Ltmp2, $1  }
0x28: {  	_ =	sdelay $0x3  }
0x29: {  	s14 =	simm.s32 $0x1  }
0x2a: {  	_ =	swait.ge [sflag:s7], $0x100;
	s14 =	simm.s32 @!p0 $0x0  }
0x2b: {  	[sflag:s7] =	ssyncset.done $0x0;
	s14 =	sshll.u32 s14, $0x8  }
0x2c: {  	[sflag:s7] =	ssyncadd.s32 $0xFFFFFF00;
	(ifvalue) =	ssetifvalue $0x7FFFFFFF;
	v0 =	vld.msk [tilespmem:s14+$0x0 ss:$0x1], $0xffff;
	_ =	sdelay $0x4  }
0x2d: {  	s15 =	sadd.s32 $0x10, s14;
	vm1 =	vgt.s32 v0, $0x0  }
0x2e: {  	v2 =	vld.msk [tilespmem:s15+$0x0 ss:$0x1], $0xffff;
	v1 =	vnsel vm1, $0x0, v0  }
0x2f: {  	v1 =	vmin.u32 v1, $0x3FFF;
	_ =	sdelay $0x1  }
0x30: {  	s16 =	sshll.u32 s12, $0x8;
	s18 =	simm.s32 $0x20  }
0x31: {  	s16 =	sand.u32 $0x100, s16;
	s17 =	sadd.s32 $0x10, s15;
	s15 =	sor.u32 $0x200, s14  }
0x32: {  	s14 =	sor.u32 $0x200, s16;
	s16 =	sadd.s32 $0x10, s15;
	v0 =	vld.msk [tilespmem:s17+$0x0 ss:$0x1], $0xffff;
	vm1 =	vgt.s32 v2, $0x0;
	(ifvalue) =	ssetifvalue $0x7FFFFFFF  }
.LBB2_3:
0x33: {  	[tilespmem:s15], [sflag:$0x1] =	stream.indirect_vreg.gather [hbm4b:s3+s10], $0x1, v1, vm0, $0x4038;
	[tilespmem:$0x400] =	vst v63  }
0x34: {  	s18 =	sadd.s32 $0x10, s18  }
0x35: {  	v2 =	vnsel vm1, $0x0, v2;
	p1 =	slt.u32 s18, $0xF0  }
.Ltmp3:
0x36: {  	s15 =	smov.u32 s16;
	v1 =	vmin.u32 v2, $0x3FFF;
	(pc) =	sbr.rel @p1 .LBB2_3-.Ltmp3, $3  }
0x37: {  	_ =	sdelay $0x1  }
0x38: {  	s17 =	sadd.s32 $0x10, s17  }
0x39: {  	vm1 =	vgt.s32 v0, $0x0;
	s16 =	sadd.s32 $0x10, s16;
	v2 =	vmov v0;
	(ifvalue) =	ssetifvalue $0x7FFFFFFF;
	v0 =	vld.msk [tilespmem:s17+$0x0 ss:$0x1], $0xffff  }
.Ltmp4:
0x3a: {  	_ = 	snop;
	(pc) =	sbr.rel .LBB2_4-.Ltmp4, $1  }
0x3b: {  	_ =	sdelay $0x3  }
.LBB2_6:
0x3c: {  	_ =	sfence.sel $0x180000  }
0x3d: {  	s2 =	simm.s32 $0x2;
	[bflag:$0x0] =	sbarrier.arrive $0xFFFF  }
0x3e: {  	s30 =	simm.s32 $0x3;
	[sflag:s2] =	ssyncpa.u1 $0x1  }
0x3f: {  	s31 =	simm.s32 $0x1;
	[sflag:s30] =	ssyncpa.u1 $0x1  }
0x40: {  	[sflag:s31] =	ssyncpa.u1 $0x1  }
0x41: {  	p0 =	sne.s32 s1, $0x0;
	_ =	strace $0x90000050  }
0x42: {  	s0 =	sadd.s32 @!p0 $0x100000, s0;
	[bflag:$0x2] =	sbarrier.arrive $0xFFFF  }
0x43: {  	[sflag:s0] =	ssyncadd.tile.s32 @!p0 $0x1;
	_ =	shalt  }
.Lfunc_end2:
_tile_overlayer_lowered:
.L_overlay_start_2:
0x44: {  	(tag) =	ssettag $0x2  }
0x45: {  	s0 =	rddreg [dreg:$0x0];
	s2 =	stileid.u32  }
0x46: {  	s1 =	rddreg [dreg:$0x1];
	p0 =	sne.s32 s2, $0x0  }
0x47: {  	s3 =	rddreg [dreg:$0x2];
	[bflag:$0x3] =	sbarrier.arrive $0xFFFF;
	s2 =	simm.s32 @!p0 $0x1C01  }
0x48: {  	[timem:s3], [sflag:s2] =	dma.local @!p0 [hbm:s0], s1  }
0x49: {  	s0 =	simm.s32 @!p0 $0x1  }
0x4a: {  	_ =	swait.ge @!p0 [sflag:s0], s1  }
0x4b: {  	s1 =	ssub.s32 @!p0 $0x0, s1;
	[sflag:s0] =	ssyncset.done @!p0 $0x0  }
0x4c: {  	[sflag:s0] =	ssyncadd.s32 @!p0 s1  }
0x4d: {  	[bflag:$0x3] =	sbarrier.arrive $0xFFFF  }
0x4e: {  	_ =	shalt  }

// kernel: gather_offload_async_start.4
scs
__scs_entry_jumppad:
0x0: {  	(pc) =	sbr.rel $0x88, $3  }
0x1: {  	(tag) =	ssettag $0x0;
	lr =	simm.s32 $0x1  }
0x2: {  	[smem:$0x3F98] =	sst lr;
	_ =	strace $0xD0000000  }
0x3: {  	_ = 	snop  }
0x4: {  	_ = 	snop  }
0x5: {  	_ = 	snop  }
0x6: {  	_ = 	snop  }
0x7: {  	_ = 	snop  }
__scs_overlays_trampoline_lowered:
0x8: {  	[smem:$0x3FA7] =	sst s0  }
0x9: {  	[smem:$0x3FA8] =	sst s1  }
0xa: {  	[smem:$0x3FA9] =	sst s2  }
0xb: {  	[smem:$0x3FAA] =	sst s3  }
0xc: {  	[smem:$0x3FAB] =	sst s4  }
0xd: {  	[smem:$0x3FAC] =	sst s5  }
0xe: {  	[smem:$0x3FAD] =	sst s6  }
0xf: {  	[smem:$0x3FAE] =	sst s7  }
0x10: {  	[smem:$0x3FAF] =	sst s8  }
0x11: {  	[smem:$0x3FB0] =	sst s9;
	s0 =	simm.s32 @!p0 $0x0  }
0x12: {  	s1 =	sld [smem:$0x3F96];
	s0 =	simm.s32 @p0 $0x1  }
0x13: {  	[smem:$0x3FB1] =	sst s0;
	s0 =	simm.s32 @!p1 $0x0  }
0x14: {  	s2 =	sld [smem:$0x3F95];
	s0 =	simm.s32 @p1 $0x1  }
0x15: {  	[smem:$0x3FB2] =	sst s0;
	s0 =	simm.s32 @!p2 $0x0  }
0x16: {  	s3 =	sld [smem:$0x3FDB];
	s0 =	simm.s32 @p2 $0x1  }
0x17: {  	s4 =	simm.s32 $0x1BF5;
	[smem:$0x3FB4] =	sst s0  }
0x18: {  	s0 =	sld [smem:$0x3F97];
	_ =	swait.ge [sflag:s4], $0x0  }
0x19: {  	s7 =	sld [smem:$0x3F98]  }
0x1a: {  	s8 =	sadd.s32 $0xFFFFE003, lr  }
0x1b: {  	s9 =	sadd.s32 $0xFFFFFEF7, lr;
	s5 =	simm.s32 $0xFFFFFFFF;
	p2 =	slt.u32 s8, $0xFFFFF086  }
0x1c: {  	p1 =	slt.u32 s9, $0xF7A;
	s5 =	simm.s32 @!p2 $0x0  }
0x1d: {  	s5 =	simm.s32 @p1 $0x1;
	p0 =	seq.s32 s7, s2  }
0x1e: {  	s7 =	smul.u32 @!p0 $0xF7A, s2;
	p2 =	seq.s32 @!p0 s5, $0x0  }
0x1f: {  	s9 =	smul.u32 $0xF7A, s1;
	s8 =	simm.s32 @!p0 $0x1BF5;
	p2 =	por !p2, p0  }
0x20: {  	[sflag:s8] =	ssyncset.s32 @!p0 $0xFFFFF086;
	s6 =	sadd.s32 @!p0 s3, s7;
	s7 =	simm.s32 @!p0 $0x108  }
0x21: {  	s3 =	sadd.s32 s3, s9;
	s6 =	sadd.s32 @!p0 $0x88, s6;
	s7 =	simm.s32 @p2 $0x1082  }
0x22: {  	[simem:s7], [sflag:s8] =	dma.local @!p0 [hbm:s6], $0xF7A  }
0x23: {  	s9 =	sor.u32 $0xD0000000, s2;
	s6 =	simm.s32 $0x108;
	_ =	swait.ge @!p0 [sflag:s8], $0x0  }
0x24: {  	s3 =	sadd.s32 $0x88, s3;
	s6 =	simm.s32 @!p1 $0x1082;
	[sflag:s4] =	ssyncset.s32 $0xFFFFF086  }
0x25: {  	[simem:s6], [sflag:s4] =	dma.local [hbm:s3], $0xF7A  }
0x26: {  	[smem:$0x3F98] =	sst s1;
	(tag) =	ssettag s2;
	_ =	strace s9  }
0x27: {  	s1 =	sld [smem:$0x3FA8]  }
0x28: {  	s2 =	sld [smem:$0x3FA9]  }
0x29: {  	s4 =	sld [smem:$0x3FAB]  }
0x2a: {  	p0 =	seq.s32 s5, $0x0;
	s5 =	sld [smem:$0x3FAC]  }
0x2b: {  	s6 =	sld [smem:$0x3FAD]  }
0x2c: {  	s7 =	sld [smem:$0x3FAE]  }
0x2d: {  	s3 =	simm.s32 $0x108;
	s8 =	sld [smem:$0x3FAF]  }
0x2e: {  	s3 =	simm.s32 @!p0 $0x1082;
	s9 =	sld [smem:$0x3FB0]  }
0x2f: {  	lr =	sadd.s32 s0, s3;
	s0 =	sld [smem:$0x3FA7]  }
0x30: {  	s3 =	sld [smem:$0x3FAA]  }
0x31: {  	[smem:$0x3FB3] =	sst s10  }
0x32: {  	s10 =	sld [smem:$0x3FB1];
	_ =	sdelay $0x3  }
0x33: {  	p0 =	seq.s32 s10, $0x1;
	s10 =	sld [smem:$0x3FB3];
	_ =	sdelay $0x3  }
0x34: {  	[smem:$0x3FB3] =	sst s10  }
0x35: {  	s10 =	sld [smem:$0x3FB2];
	_ =	sdelay $0x3  }
0x36: {  	p1 =	seq.s32 s10, $0x1;
	s10 =	sld [smem:$0x3FB3];
	_ =	sdelay $0x3  }
0x37: {  	[smem:$0x3FB3] =	sst s10  }
0x38: {  	s10 =	sld [smem:$0x3FB4]  }
0x39: {  	_ = 	snop;
	(pc) =	sbr.ind lr, $3  }
0x3a: {  	_ = 	snop  }
0x3b: {  	_ = 	snop  }
0x3c: {  	p2 =	seq.s32 s10, $0x1;
	s10 =	sld [smem:$0x3FB3]  }
0x3d: {  	_ =	shalt  }
0x3e: {  	_ =	shalt  }
0x3f: {  	_ =	shalt  }
0x40: {  	_ =	shalt  }
0x41: {  	_ =	shalt  }
0x42: {  	_ =	shalt  }
0x43: {  	_ =	shalt  }
0x44: {  	_ =	shalt  }
0x45: {  	_ =	shalt  }
0x46: {  	_ =	shalt  }
0x47: {  	_ =	shalt  }
0x48: {  	_ =	shalt  }
0x49: {  	_ =	shalt  }
0x4a: {  	_ =	shalt  }
0x4b: {  	_ =	shalt  }
0x4c: {  	_ =	shalt  }
0x4d: {  	_ =	shalt  }
0x4e: {  	_ =	shalt  }
0x4f: {  	_ =	shalt  }
0x50: {  	_ =	shalt  }
0x51: {  	_ =	shalt  }
0x52: {  	_ =	shalt  }
0x53: {  	_ =	shalt  }
0x54: {  	_ =	shalt  }
0x55: {  	_ =	shalt  }
0x56: {  	_ =	shalt  }
0x57: {  	_ =	shalt  }
0x58: {  	_ =	shalt  }
0x59: {  	_ =	shalt  }
0x5a: {  	_ =	shalt  }
0x5b: {  	_ =	shalt  }
0x5c: {  	_ =	shalt  }
0x5d: {  	_ =	shalt  }
0x5e: {  	_ =	shalt  }
0x5f: {  	_ =	shalt  }
0x60: {  	_ =	shalt  }
0x61: {  	_ =	shalt  }
0x62: {  	_ =	shalt  }
0x63: {  	_ =	shalt  }
0x64: {  	_ =	shalt  }
0x65: {  	_ =	shalt  }
0x66: {  	_ =	shalt  }
0x67: {  	_ =	shalt  }
0x68: {  	_ =	shalt  }
0x69: {  	_ =	shalt  }
0x6a: {  	_ =	shalt  }
0x6b: {  	_ =	shalt  }
0x6c: {  	_ =	shalt  }
0x6d: {  	_ =	shalt  }
0x6e: {  	_ =	shalt  }
0x6f: {  	_ =	shalt  }
0x70: {  	_ =	shalt  }
0x71: {  	_ =	shalt  }
0x72: {  	_ =	shalt  }
0x73: {  	_ =	shalt  }
0x74: {  	_ =	shalt  }
0x75: {  	_ =	shalt  }
0x76: {  	_ =	shalt  }
0x77: {  	_ =	shalt  }
0x78: {  	_ =	shalt  }
0x79: {  	_ =	shalt  }
0x7a: {  	_ =	shalt  }
0x7b: {  	_ =	shalt  }
0x7c: {  	_ =	shalt  }
0x7d: {  	_ =	shalt  }
0x7e: {  	_ =	shalt  }
0x7f: {  	_ =	shalt  }
0x80: {  	_ =	shalt  }
0x81: {  	_ =	shalt  }
0x82: {  	_ =	shalt  }
0x83: {  	_ =	shalt  }
0x84: {  	_ =	shalt  }
0x85: {  	_ =	shalt  }
0x86: {  	_ =	shalt  }
0x87: {  	_ =	shalt  }
.Lfunc_end0:
.L_simem_size_0:
called_computation.4_lowered:
.L_overlay_start_0:
0x88: {  	s2 =	sld [smem:$0x3FD9]  }
0x89: {  	s3 =	sld [smem:$0x3FFE];
	_ =	sdelay $0x1  }
0x8a: {  	s1 =	srdreg.scid  }
0x8b: {  	s0 =	sand.u32 $0x1, s1  }
0x8c: {  	s16 =	sshll.u32 s0, $0xA;
	s2 =	sadd.s32 s3, s2  }
0x8d: {  	s2 =	sadd.s32 s2, s16  }
0x8e: {  	[smem:$0x3FBF] =	sst s2  }
0x8f: {  	_ = 	snop  }
0x90: {  	(tm) =	ssettm $0x1  }
0x91: {  	s17 =	sld [smem:$0x3FFB];
	_ =	sdelay $0x3  }
0x92: {  	_ =	strace s17  }
0x93: {  	s2 =	sld [smem:$0x3FFC];
	_ =	sdelay $0x3  }
0x94: {  	_ =	strace s2  }
0x95: {  	s2 =	sld [smem:$0x3FFD];
	_ =	sdelay $0x3  }
0x96: {  	_ =	strace s2  }
0x97: {  	_ =	strace $0x8FFFFFFF  }
0x98: {  	s18 =	sld [smem:$0x3FDB];
	_ =	sdelay $0x1  }
0x99: {  	s19 =	simm.s32 $_scs_section_size  }
0x9a: {  	s4 =	simm.s32 $_size__tile_overlayer_lowered;
	s5 =	simm.s32 $_tile_overlayer_lowered  }
0x9b: {  	s22 =	simm.s32 $0x1BFF;
	s21 =	sshll.u32 s5, $0x1;
	s2 =	sadd.s32 s19, s18  }
0x9c: {  	s6 =	simm.s32 $0x0;
	s20 =	sshll.u32 s4, $0x1;
	s4 =	sadd.s32 s21, s2  }
0x9d: {  	[timem:s6], [sflag:s22] =	dma.local [hbm:s4], s20  }
0x9e: {  	_ =	swait.ge [sflag:s22], s20  }
0x9f: {  	s3 =	ssub.s32 $0x0, s20;
	[sflag:s22] =	ssyncset.done $0x0  }
0xa0: {  	[sflag:s22] =	ssyncadd.s32 s3;
	_ =	sdelay $0x1  }
0xa1: {  	s23 =	simm.s32 $0x1B8B  }
0xa2: {  	_ =	swait.ge [sflag:s23], $0x1  }
0xa3: {  	[sflag:s23] =	ssyncset.done $0x0  }
0xa4: {  	s25 =	simm.s32 $0x1B8E;
	s24 =	sld [smem:$0x3FFE];
	[sflag:s23] =	ssyncadd.s32 $0xFFFFFFFF  }
0xa5: {  	s26 =	simm.s32 $execute0_lowered;
	[smem:$0x3FD2] =	sst s25  }
0xa6: {  	s4 =	sshll.u32 s26, $0x1;
	_ =	strace $0x8000004C;
	[dreg:$0x1] =	wrdreg $0xFFFFFFFF  }
0xa7: {  	s28 =	simm.s32 $_size_execute0_lowered;
	s2 =	sadd.s32 s2, s4;
	[dreg:$0x0] =	wrdreg $0x0  }
0xa8: {  	s4 =	sshll.u32 s28, $0x1;
	[dreg:$0x2] =	wrdreg s2  }
0xa9: {  	[dreg:$0x3] =	wrdreg s4  }
0xaa: {  	[dreg:$0x4] =	wrdreg $0xC0  }
0xab: {  	_ =	task [dreg:s6], $0x5FFFF  }
0xac: {  	[dreg:$0x1] =	wrdreg $0xFFFFFFFF  }
0xad: {  	[dreg:$0x0] =	wrdreg $0x60  }
0xae: {  	[dreg:$0x2] =	wrdreg s24  }
0xaf: {  	[dreg:$0x3] =	wrdreg $0x9  }
0xb0: {  	_ =	task.clear_ibuf [dreg:s6], $0x4FFFF;
	_ =	strace $0x9000004C  }
0xb1: {  	s29 =	simm.s32 $0x9;
	_ =	strace $0x8000004E  }
0xb2: {  	_ =	swait.ge [sflag:s29], $0x1  }
0xb3: {  	[sflag:s29] =	ssyncadd.s32 $0xFFFFFFFF  }
0xb4: {  	_ =	strace $0x9000004E  }
0xb5: {  	_ =	sfence  }
0xb6: {  	s30 =	sld [smem:$0x0];
	_ =	sdelay $0x2  }
0xb7: {  	s31 =	sshll.u32 s1, $0xD;
	s1 =	sshrl.u32 s1, $0x2  }
0xb8: {  	s3 =	sand.u32 $0x4000, s31;
	s1 =	sadd.s32 s1, s30  }
0xb9: {  	s0 =	sor.u32 s3, s0;
	s1 =	sshll.u32 s1, $0x11  }
0xba: {  	s0 =	sor.u32 s1, s0  }
0xbb: {  	s0 =	sadd.s32 $0x8F2B, s0  }
0xbc: {  	[sflag:s0] =	ssyncadd.remote.s32 $0x1  }
0xbd: {  	_ =	sfence.sel $0xFFFF  }
0xbe: {  	[dreg:$0x0] =	wrdreg $0xFFFFFFFF;
	(pc) =	sbr.abs _section_cstart, $3  }
0xbf: {  	[dreg:$0x1] =	wrdreg $0xFFFFFFFF  }
0xc0: {  	_ =	task.clear_ibuf [dreg:s6], $0x2FFFF;
	_ =	strace $0x9FFFFFFF  }
0xc1: {  	(tm) =	ssettm $0x7FFFFFFF  }
tec
execute0_lowered:
.L_overlay_start_1:
0x0: {  	(tag) =	ssettag $0x1  }
0x1: {  	s0 =	srdreg.scid;
	s5 =	rddreg [dreg:$0x0]  }
0x2: {  	s1 =	stileid.u32;
	s6 =	simm.s32 $0x1;
	s9 =	simm.s32 $0x1  }
0x3: {  	s10 =	simm.s32 $0x3;
	s13 =	simm.s32 $0x0;
	s2 =	sshll.u32 s0, $0x6  }
0x4: {  	s12 =	simm.s32 $0x0;
	s3 =	sshll.u32 s1, $0x7;
	s2 =	sand.u32 $0x40, s2  }
0x5: {  	s0 =	rddreg [dreg:$0x1];
	_ =	strace $0x8000004D;
	s2 =	sor.u32 s3, s2  }
0x6: {  	s4 =	sadd.s32 $0x1E00, s5;
	[sflag:s6] =	ssyncpa.u1 $0x0;
	s8 =	ssub.s32 $0x1000, s2  }
.Ltmp0:
0x7: {  	s3 =	sadd.s32 $0x1A00, s5;
	s7 =	sand.u32 $0x7C0, s8;
	(pc) =	sbr.rel .LBB2_1-.Ltmp0, $4  }
0x8: {  	s5 =	sadd.s32 $0x1C00, s5;
	s11 =	smov.u32 s2;
	p0 =	sne.s32 s7, $0x0  }
0x9: {  	s8 =	sshrl.u32 s8, $0xB;
	s7 =	simm.s32 $0x2;
	s9 =	simm.s32 @!p0 $0x0  }
0xa: {  	[sflag:s7] =	ssyncpa.u1 $0x0;
	p0 =	por $0x0, $0x0;
	s8 =	sadd.s32 s9, s8  }
0xb: {  	vm0 =	vmmov $0xffff;
	[sflag:s10] =	ssyncpa.u1 $0x0;
	s10 =	simm.s32 $0x0;
	s9 =	sadd.s32 $0x1, s8  }
.LBB2_4:
0xc: {  	v2 =	vnsel vm1, $0x0, v2  }
0xd: {  	vm1 =	vgt.s32 v0, $0x0;
	v2 =	vmin.u32 v2, $0xFFF  }
0xe: {  	v0 =	vnsel vm1, $0x0, v0  }
0xf: {  	v0 =	vmin.u32 v0, $0xFFF  }
0x10: {  	[tilespmem:s15], [sflag:$0x1] =	stream.indirect_vreg.gather [hbm4b:s3+s10], $0x1, v1, vm0, $0x4038;
	[tilespmem:$0x100] =	vst v63  }
0x11: {  	(ifvalue) =	ssetifvalue $0x7FFFFFFF  }
0x12: {  	[tilespmem:s16], [sflag:$0x1] =	stream.indirect_vreg.gather [hbm4b:s3+s10], $0x1, v2, vm0, $0x4038;
	[tilespmem:$0x100] =	vst v63  }
0x13: {  	s29 =	sadd.s32 $0x10, s16;
	(ifvalue) =	ssetifvalue $0x7FFFFFFF  }
0x14: {  	[tilespmem:s29], [sflag:$0x1] =	stream.indirect_vreg.gather [hbm4b:s3+s10], $0x1, v0, vm0, $0x4038;
	[tilespmem:$0x100] =	vst v63  }
0x15: {  	_ =	swait.ge [sflag:s6], $0x40  }
0x16: {  	s30 =	sshrl.u32 s13, $0x3;
	[sflag:s6] =	ssyncset.done $0x0  }
0x17: {  	s31 =	sand.u32 $0x7, s13;
	s15 =	sadd.s32 s5, s30;
	[sflag:s6] =	ssyncadd.s32 $0xFFFFFFC0  }
0x18: {  	[hbm4b:s15+s31] =	stream.linear.scatter [tilespmem:s14], [sflag:$0x3], $0x40, $0x38;
	[tilespmem:$0x100] =	vst v63  }
.LBB2_5:
0x19: {  	s15 =	sadd.s32 $0x800, s11  }
0x1a: {  	p2 =	sgt.s32 s15, $0xFFF  }
0x1b: {  	s15 =	smov.u32 @p2 s2;
	p2 =	sne.s32 s12, s9  }
.Ltmp1:
0x1c: {  	p1 =	slt.u32 s12, $0x2;
	(pc) =	sbr.rel @!p2 .LBB2_6-.Ltmp1, $4  }
0x1d: {  	s14 =	simm.s32 @!p1 $0x3  }
0x1e: {  	s16 =	sadd.s32 $0x1, s12;
	_ =	swait.ge @!p1 [sflag:s14], $0x40  }
0x1f: {  	s13 =	smov.u32 s11;
	p0 =	por !p0, !p0;
	[sflag:s14] =	ssyncset.done @!p1 $0x0  }
0x20: {  	s12 =	smov.u32 s16;
	s11 =	smov.u32 s15;
	[sflag:s14] =	ssyncadd.s32 @!p1 $0xFFFFFFC0  }
.LBB2_1:
0x21: {  	p1 =	sge.u32 s12, s8  }
0x22: {  	s14 =	sxor.u32 @!p1 $0xFFFFFFFF, s12  }
0x23: {  	s31 =	sadd.s32 $0xFFFFFFFF, s12;
	s15 =	sshrl.u32 @!p1 s11, $0x3;
	s14 =	sshll.u32 @!p1 s14, $0x6  }
0x24: {  	s16 =	sand.u32 @!p1 $0x7, s11;
	s15 =	sadd.s32 @!p1 s4, s15;
	s14 =	sand.u32 @!p1 $0x40, s14  }
0x25: {  	[tilespmem:s14], [sflag:$0x2] =	stream.linear.gather @!p1 [hbm4b:s15+s16], $0x40, $0x38;
	[tilespmem:$0x100] =	vst v63  }
0x26: {  	p1 =	sge.u32 s31, s8  }
.Ltmp2:
0x27: {  	_ = 	snop;
	(pc) =	sbr.rel @p1 .LBB2_5-.Ltmp2, $1  }
0x28: {  	_ =	sdelay $0x3  }
0x29: {  	s14 =	simm.s32 $0x1  }
0x2a: {  	_ =	swait.ge [sflag:s7], $0x40;
	s14 =	simm.s32 @!p0 $0x0  }
0x2b: {  	[sflag:s7] =	ssyncset.done $0x0;
	s14 =	sshll.u32 s14, $0x6  }
0x2c: {  	[sflag:s7] =	ssyncadd.s32 $0xFFFFFFC0;
	(ifvalue) =	ssetifvalue $0x7FFFFFFF;
	v0 =	vld.msk [tilespmem:s14+$0x0 ss:$0x1], $0xffff;
	_ =	sdelay $0x4  }
0x2d: {  	s15 =	sadd.s32 $0x10, s14;
	vm1 =	vgt.s32 v0, $0x0  }
0x2e: {  	v2 =	vld.msk [tilespmem:s15+$0x0 ss:$0x1], $0xffff;
	v1 =	vnsel vm1, $0x0, v0  }
0x2f: {  	v1 =	vmin.u32 v1, $0xFFF;
	_ =	sdelay $0x1  }
0x30: {  	s16 =	sshll.u32 s12, $0x6;
	s18 =	simm.s32 $0x20  }
0x31: {  	s16 =	sand.u32 $0x40, s16;
	s17 =	sadd.s32 $0x10, s15;
	s15 =	sor.u32 $0x80, s14  }
0x32: {  	s14 =	sor.u32 $0x80, s16;
	s16 =	sadd.s32 $0x10, s15;
	v0 =	vld.msk [tilespmem:s17+$0x0 ss:$0x1], $0xffff;
	vm1 =	vgt.s32 v2, $0x0;
	(ifvalue) =	ssetifvalue $0x7FFFFFFF  }
.LBB2_3:
0x33: {  	[tilespmem:s15], [sflag:$0x1] =	stream.indirect_vreg.gather [hbm4b:s3+s10], $0x1, v1, vm0, $0x4038;
	[tilespmem:$0x100] =	vst v63  }
0x34: {  	s18 =	sadd.s32 $0x10, s18  }
0x35: {  	v2 =	vnsel vm1, $0x0, v2;
	p1 =	slt.u32 s18, $0x30  }
.Ltmp3:
0x36: {  	s15 =	smov.u32 s16;
	v1 =	vmin.u32 v2, $0xFFF;
	(pc) =	sbr.rel @p1 .LBB2_3-.Ltmp3, $3  }
0x37: {  	_ =	sdelay $0x1  }
0x38: {  	s17 =	sadd.s32 $0x10, s17  }
0x39: {  	vm1 =	vgt.s32 v0, $0x0;
	s16 =	sadd.s32 $0x10, s16;
	v2 =	vmov v0;
	(ifvalue) =	ssetifvalue $0x7FFFFFFF;
	v0 =	vld.msk [tilespmem:s17+$0x0 ss:$0x1], $0xffff  }
.Ltmp4:
0x3a: {  	_ = 	snop;
	(pc) =	sbr.rel .LBB2_4-.Ltmp4, $1  }
0x3b: {  	_ =	sdelay $0x3  }
.LBB2_6:
0x3c: {  	_ =	sfence.sel $0x180000  }
0x3d: {  	s2 =	simm.s32 $0x2;
	[bflag:$0x0] =	sbarrier.arrive $0xFFFF  }
0x3e: {  	s30 =	simm.s32 $0x3;
	[sflag:s2] =	ssyncpa.u1 $0x1  }
0x3f: {  	s31 =	simm.s32 $0x1;
	[sflag:s30] =	ssyncpa.u1 $0x1  }
0x40: {  	[sflag:s31] =	ssyncpa.u1 $0x1  }
0x41: {  	p0 =	sne.s32 s1, $0x0;
	_ =	strace $0x9000004D  }
0x42: {  	s0 =	sadd.s32 @!p0 $0x100000, s0;
	[bflag:$0x2] =	sbarrier.arrive $0xFFFF  }
0x43: {  	[sflag:s0] =	ssyncadd.tile.s32 @!p0 $0x1;
	_ =	shalt  }
.Lfunc_end2:
_tile_overlayer_lowered:
.L_overlay_start_2:
0x44: {  	(tag) =	ssettag $0x2  }
0x45: {  	s0 =	rddreg [dreg:$0x0];
	s2 =	stileid.u32  }
0x46: {  	s1 =	rddreg [dreg:$0x1];
	p0 =	sne.s32 s2, $0x0  }
0x47: {  	s3 =	rddreg [dreg:$0x2];
	[bflag:$0x3] =	sbarrier.arrive $0xFFFF;
	s2 =	simm.s32 @!p0 $0x1C01  }
0x48: {  	[timem:s3], [sflag:s2] =	dma.local @!p0 [hbm:s0], s1  }
0x49: {  	s0 =	simm.s32 @!p0 $0x1  }
0x4a: {  	_ =	swait.ge @!p0 [sflag:s0], s1  }
0x4b: {  	s1 =	ssub.s32 @!p0 $0x0, s1;
	[sflag:s0] =	ssyncset.done @!p0 $0x0  }
0x4c: {  	[sflag:s0] =	ssyncadd.s32 @!p0 s1  }
0x4d: {  	[bflag:$0x3] =	sbarrier.arrive $0xFFFF  }
0x4e: {  	_ =	shalt  }

// kernel: gather_offload_async_start.5
scs
__scs_entry_jumppad:
0x0: {  	(pc) =	sbr.rel $0x88, $3  }
0x1: {  	(tag) =	ssettag $0x0;
	lr =	simm.s32 $0x1  }
0x2: {  	[smem:$0x3F98] =	sst lr;
	_ =	strace $0xD0000000  }
0x3: {  	_ = 	snop  }
0x4: {  	_ = 	snop  }
0x5: {  	_ = 	snop  }
0x6: {  	_ = 	snop  }
0x7: {  	_ = 	snop  }
__scs_overlays_trampoline_lowered:
0x8: {  	[smem:$0x3FA7] =	sst s0  }
0x9: {  	[smem:$0x3FA8] =	sst s1  }
0xa: {  	[smem:$0x3FA9] =	sst s2  }
0xb: {  	[smem:$0x3FAA] =	sst s3  }
0xc: {  	[smem:$0x3FAB] =	sst s4  }
0xd: {  	[smem:$0x3FAC] =	sst s5  }
0xe: {  	[smem:$0x3FAD] =	sst s6  }
0xf: {  	[smem:$0x3FAE] =	sst s7  }
0x10: {  	[smem:$0x3FAF] =	sst s8  }
0x11: {  	[smem:$0x3FB0] =	sst s9;
	s0 =	simm.s32 @!p0 $0x0  }
0x12: {  	s1 =	sld [smem:$0x3F96];
	s0 =	simm.s32 @p0 $0x1  }
0x13: {  	[smem:$0x3FB1] =	sst s0;
	s0 =	simm.s32 @!p1 $0x0  }
0x14: {  	s2 =	sld [smem:$0x3F95];
	s0 =	simm.s32 @p1 $0x1  }
0x15: {  	[smem:$0x3FB2] =	sst s0;
	s0 =	simm.s32 @!p2 $0x0  }
0x16: {  	s3 =	sld [smem:$0x3FDB];
	s0 =	simm.s32 @p2 $0x1  }
0x17: {  	s4 =	simm.s32 $0x1BF5;
	[smem:$0x3FB4] =	sst s0  }
0x18: {  	s0 =	sld [smem:$0x3F97];
	_ =	swait.ge [sflag:s4], $0x0  }
0x19: {  	s7 =	sld [smem:$0x3F98]  }
0x1a: {  	s8 =	sadd.s32 $0xFFFFE003, lr  }
0x1b: {  	s9 =	sadd.s32 $0xFFFFFEF7, lr;
	s5 =	simm.s32 $0xFFFFFFFF;
	p2 =	slt.u32 s8, $0xFFFFF086  }
0x1c: {  	p1 =	slt.u32 s9, $0xF7A;
	s5 =	simm.s32 @!p2 $0x0  }
0x1d: {  	s5 =	simm.s32 @p1 $0x1;
	p0 =	seq.s32 s7, s2  }
0x1e: {  	s7 =	smul.u32 @!p0 $0xF7A, s2;
	p2 =	seq.s32 @!p0 s5, $0x0  }
0x1f: {  	s9 =	smul.u32 $0xF7A, s1;
	s8 =	simm.s32 @!p0 $0x1BF5;
	p2 =	por !p2, p0  }
0x20: {  	[sflag:s8] =	ssyncset.s32 @!p0 $0xFFFFF086;
	s6 =	sadd.s32 @!p0 s3, s7;
	s7 =	simm.s32 @!p0 $0x108  }
0x21: {  	s3 =	sadd.s32 s3, s9;
	s6 =	sadd.s32 @!p0 $0x88, s6;
	s7 =	simm.s32 @p2 $0x1082  }
0x22: {  	[simem:s7], [sflag:s8] =	dma.local @!p0 [hbm:s6], $0xF7A  }
0x23: {  	s9 =	sor.u32 $0xD0000000, s2;
	s6 =	simm.s32 $0x108;
	_ =	swait.ge @!p0 [sflag:s8], $0x0  }
0x24: {  	s3 =	sadd.s32 $0x88, s3;
	s6 =	simm.s32 @!p1 $0x1082;
	[sflag:s4] =	ssyncset.s32 $0xFFFFF086  }
0x25: {  	[simem:s6], [sflag:s4] =	dma.local [hbm:s3], $0xF7A  }
0x26: {  	[smem:$0x3F98] =	sst s1;
	(tag) =	ssettag s2;
	_ =	strace s9  }
0x27: {  	s1 =	sld [smem:$0x3FA8]  }
0x28: {  	s2 =	sld [smem:$0x3FA9]  }
0x29: {  	s4 =	sld [smem:$0x3FAB]  }
0x2a: {  	p0 =	seq.s32 s5, $0x0;
	s5 =	sld [smem:$0x3FAC]  }
0x2b: {  	s6 =	sld [smem:$0x3FAD]  }
0x2c: {  	s7 =	sld [smem:$0x3FAE]  }
0x2d: {  	s3 =	simm.s32 $0x108;
	s8 =	sld [smem:$0x3FAF]  }
0x2e: {  	s3 =	simm.s32 @!p0 $0x1082;
	s9 =	sld [smem:$0x3FB0]  }
0x2f: {  	lr =	sadd.s32 s0, s3;
	s0 =	sld [smem:$0x3FA7]  }
0x30: {  	s3 =	sld [smem:$0x3FAA]  }
0x31: {  	[smem:$0x3FB3] =	sst s10  }
0x32: {  	s10 =	sld [smem:$0x3FB1];
	_ =	sdelay $0x3  }
0x33: {  	p0 =	seq.s32 s10, $0x1;
	s10 =	sld [smem:$0x3FB3];
	_ =	sdelay $0x3  }
0x34: {  	[smem:$0x3FB3] =	sst s10  }
0x35: {  	s10 =	sld [smem:$0x3FB2];
	_ =	sdelay $0x3  }
0x36: {  	p1 =	seq.s32 s10, $0x1;
	s10 =	sld [smem:$0x3FB3];
	_ =	sdelay $0x3  }
0x37: {  	[smem:$0x3FB3] =	sst s10  }
0x38: {  	s10 =	sld [smem:$0x3FB4]  }
0x39: {  	_ = 	snop;
	(pc) =	sbr.ind lr, $3  }
0x3a: {  	_ = 	snop  }
0x3b: {  	_ = 	snop  }
0x3c: {  	p2 =	seq.s32 s10, $0x1;
	s10 =	sld [smem:$0x3FB3]  }
0x3d: {  	_ =	shalt  }
0x3e: {  	_ =	shalt  }
0x3f: {  	_ =	shalt  }
0x40: {  	_ =	shalt  }
0x41: {  	_ =	shalt  }
0x42: {  	_ =	shalt  }
0x43: {  	_ =	shalt  }
0x44: {  	_ =	shalt  }
0x45: {  	_ =	shalt  }
0x46: {  	_ =	shalt  }
0x47: {  	_ =	shalt  }
0x48: {  	_ =	shalt  }
0x49: {  	_ =	shalt  }
0x4a: {  	_ =	shalt  }
0x4b: {  	_ =	shalt  }
0x4c: {  	_ =	shalt  }
0x4d: {  	_ =	shalt  }
0x4e: {  	_ =	shalt  }
0x4f: {  	_ =	shalt  }
0x50: {  	_ =	shalt  }
0x51: {  	_ =	shalt  }
0x52: {  	_ =	shalt  }
0x53: {  	_ =	shalt  }
0x54: {  	_ =	shalt  }
0x55: {  	_ =	shalt  }
0x56: {  	_ =	shalt  }
0x57: {  	_ =	shalt  }
0x58: {  	_ =	shalt  }
0x59: {  	_ =	shalt  }
0x5a: {  	_ =	shalt  }
0x5b: {  	_ =	shalt  }
0x5c: {  	_ =	shalt  }
0x5d: {  	_ =	shalt  }
0x5e: {  	_ =	shalt  }
0x5f: {  	_ =	shalt  }
0x60: {  	_ =	shalt  }
0x61: {  	_ =	shalt  }
0x62: {  	_ =	shalt  }
0x63: {  	_ =	shalt  }
0x64: {  	_ =	shalt  }
0x65: {  	_ =	shalt  }
0x66: {  	_ =	shalt  }
0x67: {  	_ =	shalt  }
0x68: {  	_ =	shalt  }
0x69: {  	_ =	shalt  }
0x6a: {  	_ =	shalt  }
0x6b: {  	_ =	shalt  }
0x6c: {  	_ =	shalt  }
0x6d: {  	_ =	shalt  }
0x6e: {  	_ =	shalt  }
0x6f: {  	_ =	shalt  }
0x70: {  	_ =	shalt  }
0x71: {  	_ =	shalt  }
0x72: {  	_ =	shalt  }
0x73: {  	_ =	shalt  }
0x74: {  	_ =	shalt  }
0x75: {  	_ =	shalt  }
0x76: {  	_ =	shalt  }
0x77: {  	_ =	shalt  }
0x78: {  	_ =	shalt  }
0x79: {  	_ =	shalt  }
0x7a: {  	_ =	shalt  }
0x7b: {  	_ =	shalt  }
0x7c: {  	_ =	shalt  }
0x7d: {  	_ =	shalt  }
0x7e: {  	_ =	shalt  }
0x7f: {  	_ =	shalt  }
0x80: {  	_ =	shalt  }
0x81: {  	_ =	shalt  }
0x82: {  	_ =	shalt  }
0x83: {  	_ =	shalt  }
0x84: {  	_ =	shalt  }
0x85: {  	_ =	shalt  }
0x86: {  	_ =	shalt  }
0x87: {  	_ =	shalt  }
.Lfunc_end0:
.L_simem_size_0:
called_computation.5_lowered:
.L_overlay_start_0:
0x88: {  	s2 =	sld [smem:$0x3FD9]  }
0x89: {  	s3 =	sld [smem:$0x3FFE];
	_ =	sdelay $0x1  }
0x8a: {  	s1 =	srdreg.scid  }
0x8b: {  	s0 =	sand.u32 $0x1, s1  }
0x8c: {  	s17 =	sshll.u32 s0, $0xA;
	s2 =	sadd.s32 s3, s2  }
0x8d: {  	s2 =	sadd.s32 s2, s17  }
0x8e: {  	[smem:$0x3FBF] =	sst s2  }
0x8f: {  	_ = 	snop  }
0x90: {  	(tm) =	ssettm $0x1  }
0x91: {  	s18 =	sld [smem:$0x3FFB];
	_ =	sdelay $0x3  }
0x92: {  	_ =	strace s18  }
0x93: {  	s2 =	sld [smem:$0x3FFC];
	_ =	sdelay $0x3  }
0x94: {  	_ =	strace s2  }
0x95: {  	s2 =	sld [smem:$0x3FFD];
	_ =	sdelay $0x3  }
0x96: {  	_ =	strace s2  }
0x97: {  	_ =	strace $0x8FFFFFFF  }
0x98: {  	s19 =	sld [smem:$0x3FDB];
	_ =	sdelay $0x1  }
0x99: {  	s20 =	simm.s32 $_scs_section_size  }
0x9a: {  	s4 =	simm.s32 $_size__tile_overlayer_lowered;
	s5 =	simm.s32 $_tile_overlayer_lowered  }
0x9b: {  	s6 =	simm.s32 $0x1BFF;
	s21 =	sshll.u32 s5, $0x1;
	s3 =	sadd.s32 s20, s19  }
0x9c: {  	s22 =	simm.s32 $0x0;
	s4 =	sshll.u32 s4, $0x1;
	s5 =	sadd.s32 s21, s3  }
0x9d: {  	[timem:s22], [sflag:s6] =	dma.local [hbm:s5], s4  }
0x9e: {  	_ =	swait.ge [sflag:s6], s4  }
0x9f: {  	s4 =	ssub.s32 $0x0, s4;
	[sflag:s6] =	ssyncset.done $0x0  }
0xa0: {  	[sflag:s6] =	ssyncadd.s32 s4;
	_ =	sdelay $0x1  }
0xa1: {  	s23 =	simm.s32 $0x1B8B  }
0xa2: {  	_ =	swait.ge [sflag:s23], $0x1  }
0xa3: {  	[sflag:s23] =	ssyncset.done $0x0  }
0xa4: {  	[sflag:s23] =	ssyncadd.s32 $0xFFFFFFFF  }
0xa5: {  	s4 =	sld [smem:$0x0]  }
0xa6: {  	s5 =	sand.u32 $0xFFFFFFFE, s1  }
0xa7: {  	p0 =	sne.s32 s1, s5  }
0xa8: {  	s5 =	sshll.u32 @p0 s5, $0xE  }
0xa9: {  	s5 =	sadd.s32 @p0 $0x11B8D, s5;
	s6 =	sshll.u32 @p0 s4, $0x11  }
0xaa: {  	s5 =	sor.u32 @p0 s6, s5  }
0xab: {  	[sflag:s5] =	ssyncadd.remote.s32 @p0 $0x1;
	_ =	sdelay $0x1  }
0xac: {  	s5 =	simm.s32 @p0 $0x1B8D  }
0xad: {  	_ =	swait.eq @p0 [sflag:s5], $0x1  }
0xae: {  	[sflag:s5] =	ssyncadd.s32 @p0 $0xFFFFFFFF  }
0xaf: {  	s6 =	sshll.u32 @!p0 s1, $0xE  }
0xb0: {  	s6 =	sor.u32 @!p0 $0x4000, s6;
	s5 =	simm.s32 @!p0 $0x1B8D  }
0xb1: {  	s4 =	sshll.u32 @!p0 s4, $0x11;
	s6 =	sadd.s32 @!p0 $0x11B8D, s6;
	_ =	swait.eq @!p0 [sflag:s5], $0x1  }
0xb2: {  	s4 =	sor.u32 @!p0 s4, s6;
	[sflag:s5] =	ssyncadd.s32 @!p0 $0xFFFFFFFF  }
0xb3: {  	s25 =	simm.s32 $0x1B8E;
	s24 =	sld [smem:$0x3FFE];
	[sflag:s4] =	ssyncadd.remote.s32 @!p0 $0x1  }
0xb4: {  	s26 =	simm.s32 $execute0_lowered;
	[smem:$0x3FD2] =	sst s25  }
0xb5: {  	s5 =	sshll.u32 s26, $0x1;
	_ =	strace $0x8000005B;
	[dreg:$0x1] =	wrdreg $0xFFFFFFFF  }
0xb6: {  	s28 =	simm.s32 $_size_execute0_lowered;
	s3 =	sadd.s32 s3, s5;
	[dreg:$0x0] =	wrdreg $0x0  }
0xb7: {  	s5 =	sshll.u32 s28, $0x1;
	[dreg:$0x2] =	wrdreg s3  }
0xb8: {  	[dreg:$0x3] =	wrdreg s5  }
0xb9: {  	[dreg:$0x4] =	wrdreg $0xC0  }
0xba: {  	_ =	task [dreg:s22], $0x5FFFF  }
0xbb: {  	[dreg:$0x1] =	wrdreg $0xFFFFFFFF  }
0xbc: {  	[dreg:$0x0] =	wrdreg $0x60  }
0xbd: {  	[dreg:$0x2] =	wrdreg s24  }
0xbe: {  	[dreg:$0x3] =	wrdreg $0xA  }
0xbf: {  	_ =	task.clear_ibuf [dreg:s22], $0x4FFFF;
	_ =	strace $0x9000005B  }
0xc0: {  	s29 =	simm.s32 $0xA;
	_ =	strace $0x8000005D  }
0xc1: {  	_ =	swait.ge [sflag:s29], $0x1  }
0xc2: {  	[sflag:s29] =	ssyncadd.s32 $0xFFFFFFFF  }
0xc3: {  	_ =	strace $0x9000005D  }
0xc4: {  	_ =	sfence  }
0xc5: {  	s30 =	sld [smem:$0x0];
	_ =	sdelay $0x2  }
0xc6: {  	s31 =	sshll.u32 s1, $0xD;
	s1 =	sshrl.u32 s1, $0x2  }
0xc7: {  	s4 =	sand.u32 $0x4000, s31;
	s1 =	sadd.s32 s1, s30  }
0xc8: {  	s0 =	sor.u32 s4, s0;
	s1 =	sshll.u32 s1, $0x11  }
0xc9: {  	s0 =	sor.u32 s1, s0  }
0xca: {  	s0 =	sadd.s32 $0x8F2B, s0  }
0xcb: {  	[sflag:s0] =	ssyncadd.remote.s32 $0x1  }
0xcc: {  	_ =	sfence.sel $0xFFFF  }
0xcd: {  	[dreg:$0x0] =	wrdreg $0xFFFFFFFF;
	(pc) =	sbr.abs _section_cstart, $3  }
0xce: {  	[dreg:$0x1] =	wrdreg $0xFFFFFFFF  }
0xcf: {  	_ =	task.clear_ibuf [dreg:s22], $0x2FFFF;
	_ =	strace $0x9FFFFFFF  }
0xd0: {  	(tm) =	ssettm $0x7FFFFFFF  }
0xd1: {  	_ =	shalt  }
tec
execute0_lowered:
.L_overlay_start_1:
0x0: {  	(tag) =	ssettag $0x1  }
0x1: {  	s2 =	rddreg [dreg:$0x0]  }
0x2: {  	s0 =	rddreg [dreg:$0x1]  }
0x3: {  	s1 =	srdreg.scid;
	_ =	strace $0x8000005C;
	s4 =	simm.s32 $0x1  }
0x4: {  	s9 =	simm.s32 $0x3;
	s12 =	simm.s32 $0x0;
	s5 =	sshll.u32 s1, $0x4  }
.Ltmp0:
0x5: {  	s1 =	stileid.u32;
	s5 =	sand.u32 $0x10, s5;
	(pc) =	sbr.rel .LBB2_1-.Ltmp0, $4  }
0x6: {  	s10 =	simm.s32 $0x0;
	s3 =	sadd.s32 $0x4A00, s2;
	s6 =	sor.u32 s1, s5  }
0x7: {  	[sflag:s4] =	ssyncpa.u1 $0x0;
	s5 =	simm.s32 $0x2;
	s6 =	sshll.u32 s6, $0x7  }
0x8: {  	s7 =	sadd.s32 $0x56C00, s2;
	[sflag:s5] =	ssyncpa.u1 $0x0;
	s8 =	sadd.s32 $0x80, s6  }
0x9: {  	vm0 =	vmmov $0xff;
	vm1 =	vcmask $0x3F20;
	[sflag:s9] =	ssyncpa.u1 $0x0;
	s9 =	simm.s32 $0x80;
	s11 =	smov.u32 s6  }
.LBB2_9:
0xa: {  	p0 =	seq.s32 s10, $0x2  }
.Ltmp1:
0xb: {  	_ = 	snop;
	(pc) =	sbr.rel @p0 .LBB2_11-.Ltmp1, $1  }
0xc: {  	_ =	sdelay $0x3  }
.LBB2_10:
0xd: {  	s12 =	sadd.s32 $0x80, s11  }
0xe: {  	s13 =	smov.u32 s6;
	p0 =	slt.s32 s12, s8  }
0xf: {  	s13 =	smov.u32 @p0 s12  }
0x10: {  	s10 =	sadd.s32 $0x1, s10;
	s12 =	smov.u32 s11;
	s11 =	smov.u32 s13  }
.LBB2_1:
0x11: {  	p0 =	sne.s32 s10, $0x0  }
.Ltmp2:
0x12: {  	_ = 	snop;
	(pc) =	sbr.rel @!p0 .LBB2_2-.Ltmp2, $1  }
0x13: {  	_ =	sdelay $0x3  }
0x14: {  	s13 =	sand.u32 $0x1, s10  }
0x15: {  	p0 =	seq.s32 s13, $0x0  }
.Ltmp3:
0x16: {  	_ = 	snop;
	(pc) =	sbr.rel @p0 .LBB2_9-.Ltmp3, $1  }
0x17: {  	_ =	sdelay $0x3  }
0x18: {  	_ =	swait.ge [sflag:s5], $0x80  }
0x19: {  	[sflag:s5] =	ssyncset.done $0x0  }
0x1a: {  	s13 =	simm.s32 $0x0;
	[sflag:s5] =	ssyncadd.s32 $0xFFFFFF80  }
0x1b: {  	v0 =	vld.msk [tilespmem:s13+$0x80 ss:$0x1], $0xffff;
	_ =	sdelay $0x4  }
0x1c: {  	vm2 =	vgt.s32 v0, $0x0  }
0x1d: {  	v0 =	vnsel vm2, $0x0, v0  }
0x1e: {  	v0 =	vmin.u32 v0, $0xFFF  }
0x1f: {  	v0 =	vshll.u32 v0, $0x4;
	_ =	sdelay $0x3  }
0x20: {  	s13 =	simm.s32 $0x4100  }
0x21: {  	[tilespmem:s13], [sflag:$0x1] =	stream.indirect_vreg.gather [hbm:s3], $0x80, v0, vm0, $0x38;
	[tilespmem:$0x8100] =	vst v63  }
0x22: {  	s14 =	simm.s32 $0x4500;
	s31 =	simm.s32 $0x10  }
0x23: {  	[tilespmem:s14], [sflag:$0x1] =	stream.indirect_vreg.gather [hbm:s3], $0x80, v0, vm1, $0x38;
	[tilespmem:$0x8100] =	vst v63  }
0x24: {  	s14 =	simm.s32 $0x80;
	v0 =	vld.msk [tilespmem:s31+$0x80 ss:$0x1], $0xffff  }
.LBB2_5:
0x25: {  	p0 =	sne.s32 s14, $0x1C0;
	_ =	sdelay $0x4  }
0x26: {  	vm2 =	vgt.s32 v0, $0x0  }
0x27: {  	v0 =	vnsel vm2, $0x0, v0  }
0x28: {  	v0 =	vmin.u32 v0, $0xFFF  }
0x29: {  	v0 =	vshll.u32 v0, $0x4;
	_ =	sdelay $0x3  }
.Ltmp4:
0x2a: {  	s13 =	sadd.s32 $0x800, s13;
	(pc) =	sbr.rel @p0 .LBB2_5-.Ltmp4, $4  }
0x2b: {  	[tilespmem:s13], [sflag:$0x1] =	stream.indirect_vreg.gather [hbm:s3], $0x80, v0, vm0, $0x38;
	[tilespmem:$0x8100] =	vst v63  }
0x2c: {  	s15 =	sshra.s32 s14, $0x2;
	s16 =	sadd.s32 $0x400, s13  }
0x2d: {  	[tilespmem:s16], [sflag:$0x1] =	stream.indirect_vreg.gather [hbm:s3], $0x80, v0, vm1, $0x38;
	[tilespmem:$0x8100] =	vst v63  }
0x2e: {  	s14 =	sadd.s32 $0x40, s14;
	v0 =	vld.msk [tilespmem:s15+$0x80 ss:$0x1], $0xffff  }
0x2f: {  	_ =	sdelay $0x3  }
0x30: {  	vm2 =	vgt.s32 v0, $0x0  }
0x31: {  	v0 =	vnsel vm2, $0x0, v0  }
0x32: {  	v0 =	vmin.u32 v0, $0xFFF  }
0x33: {  	v0 =	vshll.u32 v0, $0x4;
	_ =	sdelay $0x3  }
0x34: {  	s13 =	sadd.s32 $0x800, s13  }
0x35: {  	[tilespmem:s13], [sflag:$0x1] =	stream.indirect_vreg.gather [hbm:s3], $0x80, v0, vm0, $0x38;
	[tilespmem:$0x8100] =	vst v63  }
0x36: {  	s13 =	sadd.s32 $0x400, s13  }
0x37: {  	[tilespmem:s13], [sflag:$0x1] =	stream.indirect_vreg.gather [hbm:s3], $0x80, v0, vm1, $0x38;
	[tilespmem:$0x8100] =	vst v63  }
0x38: {  	s12 =	sshll.u32 s12, $0x4;
	s14 =	simm.s32 $0x80;
	_ =	swait.ge [sflag:s4], $0x4000  }
0x39: {  	s15 =	simm.s32 $0x4500;
	s12 =	sadd.s32 s12, s7;
	[sflag:s4] =	ssyncset.done $0x0  }
0x3a: {  	s16 =	sadd.s32 $0x0, s12;
	s13 =	simm.s32 $0x4100;
	[sflag:s4] =	ssyncadd.s32 $0xFFFFC000  }
.LBB2_7:
0x3b: {  	[hbm:s16] =	stream.linear.scatter [tilespmem:s13], [sflag:$0x3], $0x400, $0x38;
	[tilespmem:$0x8100] =	vst v63  }
0x3c: {  	s16 =	smov.u32 s14;
	s13 =	smov.u32 s15;
	p0 =	sne.s32 s14, $0x780  }
.Ltmp5:
0x3d: {  	s14 =	sadd.s32 $0x80, s14;
	(pc) =	sbr.rel @p0 .LBB2_7-.Ltmp5, $2  }
0x3e: {  	_ =	sdelay $0x2  }
0x3f: {  	s15 =	sadd.s32 $0x400, s15;
	s16 =	sadd.s32 s16, s12  }
.Ltmp6:
0x40: {  	(pc) =	sbr.rel .LBB2_9-.Ltmp6, $2  }
0x41: {  	_ =	sdelay $0x2  }
0x42: {  	[hbm:s16] =	stream.linear.scatter [tilespmem:s13], [sflag:$0x3], $0x400, $0x38;
	[tilespmem:$0x8100] =	vst v63  }
.LBB2_2:
.Ltmp7:
0x43: {  	(pc) =	sbr.rel .LBB2_10-.Ltmp7, $4  }
0x44: {  	_ = 	snop  }
0x45: {  	s12 =	sshrl.u32 s11, $0x3  }
0x46: {  	s13 =	sand.u32 $0x7, s11;
	s12 =	sadd.s32 s2, s12  }
0x47: {  	[tilespmem:s9], [sflag:$0x2] =	stream.linear.gather [hbm4b:s12+s13], $0x80, $0x38;
	[tilespmem:$0x8100] =	vst v63  }
.LBB2_11:
0x48: {  	s2 =	simm.s32 $0x3  }
0x49: {  	_ =	swait.ge [sflag:s2], $0x4000  }
0x4a: {  	[sflag:s2] =	ssyncset.done $0x0  }
0x4b: {  	[sflag:s2] =	ssyncadd.s32 $0xFFFFC000  }
0x4c: {  	_ =	sfence.sel $0x180000  }
0x4d: {  	s3 =	simm.s32 $0x2;
	[bflag:$0x0] =	sbarrier.arrive $0xFFFF  }
0x4e: {  	[sflag:s3] =	ssyncpa.u1 $0x1  }
0x4f: {  	s31 =	simm.s32 $0x1;
	[sflag:s2] =	ssyncpa.u1 $0x1  }
0x50: {  	[sflag:s31] =	ssyncpa.u1 $0x1  }
0x51: {  	p0 =	sne.s32 s1, $0x0;
	_ =	strace $0x9000005C  }
0x52: {  	s0 =	sadd.s32 @!p0 $0x100000, s0;
	[bflag:$0x2] =	sbarrier.arrive $0xFFFF  }
0x53: {  	[sflag:s0] =	ssyncadd.tile.s32 @!p0 $0x1;
	_ =	shalt  }
.Lfunc_end2:
_tile_overlayer_lowered:
.L_overlay_start_2:
0x54: {  	(tag) =	ssettag $0x2  }
0x55: {  	s0 =	rddreg [dreg:$0x0];
	s2 =	stileid.u32  }
0x56: {  	s1 =	rddreg [dreg:$0x1];
	p0 =	sne.s32 s2, $0x0  }
0x57: {  	s3 =	rddreg [dreg:$0x2];
	[bflag:$0x3] =	sbarrier.arrive $0xFFFF;
	s2 =	simm.s32 @!p0 $0x1C01  }
0x58: {  	[timem:s3], [sflag:s2] =	dma.local @!p0 [hbm:s0], s1  }
0x59: {  	s0 =	simm.s32 @!p0 $0x1  }
0x5a: {  	_ =	swait.ge @!p0 [sflag:s0], s1  }
0x5b: {  	s1 =	ssub.s32 @!p0 $0x0, s1;
	[sflag:s0] =	ssyncset.done @!p0 $0x0  }
0x5c: {  	[sflag:s0] =	ssyncadd.s32 @!p0 s1  }
0x5d: {  	[bflag:$0x3] =	sbarrier.arrive $0xFFFF  }
0x5e: {  	_ =	shalt  }

// kernel: gather_offload_async_start
scs
__scs_entry_jumppad:
0x0: {  	(pc) =	sbr.rel $0x88, $3  }
0x1: {  	(tag) =	ssettag $0x0;
	lr =	simm.s32 $0x1  }
0x2: {  	[smem:$0x3F98] =	sst lr;
	_ =	strace $0xD0000000  }
0x3: {  	_ = 	snop  }
0x4: {  	_ = 	snop  }
0x5: {  	_ = 	snop  }
0x6: {  	_ = 	snop  }
0x7: {  	_ = 	snop  }
__scs_overlays_trampoline_lowered:
0x8: {  	[smem:$0x3FA7] =	sst s0  }
0x9: {  	[smem:$0x3FA8] =	sst s1  }
0xa: {  	[smem:$0x3FA9] =	sst s2  }
0xb: {  	[smem:$0x3FAA] =	sst s3  }
0xc: {  	[smem:$0x3FAB] =	sst s4  }
0xd: {  	[smem:$0x3FAC] =	sst s5  }
0xe: {  	[smem:$0x3FAD] =	sst s6  }
0xf: {  	[smem:$0x3FAE] =	sst s7  }
0x10: {  	[smem:$0x3FAF] =	sst s8  }
0x11: {  	[smem:$0x3FB0] =	sst s9;
	s0 =	simm.s32 @!p0 $0x0  }
0x12: {  	s1 =	sld [smem:$0x3F96];
	s0 =	simm.s32 @p0 $0x1  }
0x13: {  	[smem:$0x3FB1] =	sst s0;
	s0 =	simm.s32 @!p1 $0x0  }
0x14: {  	s2 =	sld [smem:$0x3F95];
	s0 =	simm.s32 @p1 $0x1  }
0x15: {  	[smem:$0x3FB2] =	sst s0;
	s0 =	simm.s32 @!p2 $0x0  }
0x16: {  	s3 =	sld [smem:$0x3FDB];
	s0 =	simm.s32 @p2 $0x1  }
0x17: {  	s4 =	simm.s32 $0x1BF5;
	[smem:$0x3FB4] =	sst s0  }
0x18: {  	s0 =	sld [smem:$0x3F97];
	_ =	swait.ge [sflag:s4], $0x0  }
0x19: {  	s7 =	sld [smem:$0x3F98]  }
0x1a: {  	s8 =	sadd.s32 $0xFFFFE003, lr  }
0x1b: {  	s9 =	sadd.s32 $0xFFFFFEF7, lr;
	s5 =	simm.s32 $0xFFFFFFFF;
	p2 =	slt.u32 s8, $0xFFFFF086  }
0x1c: {  	p1 =	slt.u32 s9, $0xF7A;
	s5 =	simm.s32 @!p2 $0x0  }
0x1d: {  	s5 =	simm.s32 @p1 $0x1;
	p0 =	seq.s32 s7, s2  }
0x1e: {  	s7 =	smul.u32 @!p0 $0xF7A, s2;
	p2 =	seq.s32 @!p0 s5, $0x0  }
0x1f: {  	s9 =	smul.u32 $0xF7A, s1;
	s8 =	simm.s32 @!p0 $0x1BF5;
	p2 =	por !p2, p0  }
0x20: {  	[sflag:s8] =	ssyncset.s32 @!p0 $0xFFFFF086;
	s6 =	sadd.s32 @!p0 s3, s7;
	s7 =	simm.s32 @!p0 $0x108  }
0x21: {  	s3 =	sadd.s32 s3, s9;
	s6 =	sadd.s32 @!p0 $0x88, s6;
	s7 =	simm.s32 @p2 $0x1082  }
0x22: {  	[simem:s7], [sflag:s8] =	dma.local @!p0 [hbm:s6], $0xF7A  }
0x23: {  	s9 =	sor.u32 $0xD0000000, s2;
	s6 =	simm.s32 $0x108;
	_ =	swait.ge @!p0 [sflag:s8], $0x0  }
0x24: {  	s3 =	sadd.s32 $0x88, s3;
	s6 =	simm.s32 @!p1 $0x1082;
	[sflag:s4] =	ssyncset.s32 $0xFFFFF086  }
0x25: {  	[simem:s6], [sflag:s4] =	dma.local [hbm:s3], $0xF7A  }
0x26: {  	[smem:$0x3F98] =	sst s1;
	(tag) =	ssettag s2;
	_ =	strace s9  }
0x27: {  	s1 =	sld [smem:$0x3FA8]  }
0x28: {  	s2 =	sld [smem:$0x3FA9]  }
0x29: {  	s4 =	sld [smem:$0x3FAB]  }
0x2a: {  	p0 =	seq.s32 s5, $0x0;
	s5 =	sld [smem:$0x3FAC]  }
0x2b: {  	s6 =	sld [smem:$0x3FAD]  }
0x2c: {  	s7 =	sld [smem:$0x3FAE]  }
0x2d: {  	s3 =	simm.s32 $0x108;
	s8 =	sld [smem:$0x3FAF]  }
0x2e: {  	s3 =	simm.s32 @!p0 $0x1082;
	s9 =	sld [smem:$0x3FB0]  }
0x2f: {  	lr =	sadd.s32 s0, s3;
	s0 =	sld [smem:$0x3FA7]  }
0x30: {  	s3 =	sld [smem:$0x3FAA]  }
0x31: {  	[smem:$0x3FB3] =	sst s10  }
0x32: {  	s10 =	sld [smem:$0x3FB1];
	_ =	sdelay $0x3  }
0x33: {  	p0 =	seq.s32 s10, $0x1;
	s10 =	sld [smem:$0x3FB3];
	_ =	sdelay $0x3  }
0x34: {  	[smem:$0x3FB3] =	sst s10  }
0x35: {  	s10 =	sld [smem:$0x3FB2];
	_ =	sdelay $0x3  }
0x36: {  	p1 =	seq.s32 s10, $0x1;
	s10 =	sld [smem:$0x3FB3];
	_ =	sdelay $0x3  }
0x37: {  	[smem:$0x3FB3] =	sst s10  }
0x38: {  	s10 =	sld [smem:$0x3FB4]  }
0x39: {  	_ = 	snop;
	(pc) =	sbr.ind lr, $3  }
0x3a: {  	_ = 	snop  }
0x3b: {  	_ = 	snop  }
0x3c: {  	p2 =	seq.s32 s10, $0x1;
	s10 =	sld [smem:$0x3FB3]  }
0x3d: {  	_ =	shalt  }
0x3e: {  	_ =	shalt  }
0x3f: {  	_ =	shalt  }
0x40: {  	_ =	shalt  }
0x41: {  	_ =	shalt  }
0x42: {  	_ =	shalt  }
0x43: {  	_ =	shalt  }
0x44: {  	_ =	shalt  }
0x45: {  	_ =	shalt  }
0x46: {  	_ =	shalt  }
0x47: {  	_ =	shalt  }
0x48: {  	_ =	shalt  }
0x49: {  	_ =	shalt  }
0x4a: {  	_ =	shalt  }
0x4b: {  	_ =	shalt  }
0x4c: {  	_ =	shalt  }
0x4d: {  	_ =	shalt  }
0x4e: {  	_ =	shalt  }
0x4f: {  	_ =	shalt  }
0x50: {  	_ =	shalt  }
0x51: {  	_ =	shalt  }
0x52: {  	_ =	shalt  }
0x53: {  	_ =	shalt  }
0x54: {  	_ =	shalt  }
0x55: {  	_ =	shalt  }
0x56: {  	_ =	shalt  }
0x57: {  	_ =	shalt  }
0x58: {  	_ =	shalt  }
0x59: {  	_ =	shalt  }
0x5a: {  	_ =	shalt  }
0x5b: {  	_ =	shalt  }
0x5c: {  	_ =	shalt  }
0x5d: {  	_ =	shalt  }
0x5e: {  	_ =	shalt  }
0x5f: {  	_ =	shalt  }
0x60: {  	_ =	shalt  }
0x61: {  	_ =	shalt  }
0x62: {  	_ =	shalt  }
0x63: {  	_ =	shalt  }
0x64: {  	_ =	shalt  }
0x65: {  	_ =	shalt  }
0x66: {  	_ =	shalt  }
0x67: {  	_ =	shalt  }
0x68: {  	_ =	shalt  }
0x69: {  	_ =	shalt  }
0x6a: {  	_ =	shalt  }
0x6b: {  	_ =	shalt  }
0x6c: {  	_ =	shalt  }
0x6d: {  	_ =	shalt  }
0x6e: {  	_ =	shalt  }
0x6f: {  	_ =	shalt  }
0x70: {  	_ =	shalt  }
0x71: {  	_ =	shalt  }
0x72: {  	_ =	shalt  }
0x73: {  	_ =	shalt  }
0x74: {  	_ =	shalt  }
0x75: {  	_ =	shalt  }
0x76: {  	_ =	shalt  }
0x77: {  	_ =	shalt  }
0x78: {  	_ =	shalt  }
0x79: {  	_ =	shalt  }
0x7a: {  	_ =	shalt  }
0x7b: {  	_ =	shalt  }
0x7c: {  	_ =	shalt  }
0x7d: {  	_ =	shalt  }
0x7e: {  	_ =	shalt  }
0x7f: {  	_ =	shalt  }
0x80: {  	_ =	shalt  }
0x81: {  	_ =	shalt  }
0x82: {  	_ =	shalt  }
0x83: {  	_ =	shalt  }
0x84: {  	_ =	shalt  }
0x85: {  	_ =	shalt  }
0x86: {  	_ =	shalt  }
0x87: {  	_ =	shalt  }
.Lfunc_end0:
.L_simem_size_0:
called_computation_lowered:
.L_overlay_start_0:
0x88: {  	s2 =	sld [smem:$0x3FD9]  }
0x89: {  	s3 =	sld [smem:$0x3FFE];
	_ =	sdelay $0x1  }
0x8a: {  	s1 =	srdreg.scid  }
0x8b: {  	s0 =	sand.u32 $0x1, s1  }
0x8c: {  	s16 =	sshll.u32 s0, $0xA;
	s2 =	sadd.s32 s3, s2  }
0x8d: {  	s2 =	sadd.s32 s2, s16  }
0x8e: {  	[smem:$0x3FBF] =	sst s2  }
0x8f: {  	_ = 	snop  }
0x90: {  	(tm) =	ssettm $0x1  }
0x91: {  	s17 =	sld [smem:$0x3FFB];
	_ =	sdelay $0x3  }
0x92: {  	_ =	strace s17  }
0x93: {  	s2 =	sld [smem:$0x3FFC];
	_ =	sdelay $0x3  }
0x94: {  	_ =	strace s2  }
0x95: {  	s2 =	sld [smem:$0x3FFD];
	_ =	sdelay $0x3  }
0x96: {  	_ =	strace s2  }
0x97: {  	_ =	strace $0x8FFFFFFF  }
0x98: {  	s18 =	sld [smem:$0x3FDB];
	_ =	sdelay $0x1  }
0x99: {  	s19 =	simm.s32 $_scs_section_size  }
0x9a: {  	s4 =	simm.s32 $_size__tile_overlayer_lowered;
	s5 =	simm.s32 $_tile_overlayer_lowered  }
0x9b: {  	s22 =	simm.s32 $0x1BFF;
	s21 =	sshll.u32 s5, $0x1;
	s2 =	sadd.s32 s19, s18  }
0x9c: {  	s6 =	simm.s32 $0x0;
	s20 =	sshll.u32 s4, $0x1;
	s4 =	sadd.s32 s21, s2  }
0x9d: {  	[timem:s6], [sflag:s22] =	dma.local [hbm:s4], s20  }
0x9e: {  	_ =	swait.ge [sflag:s22], s20  }
0x9f: {  	s3 =	ssub.s32 $0x0, s20;
	[sflag:s22] =	ssyncset.done $0x0  }
0xa0: {  	[sflag:s22] =	ssyncadd.s32 s3;
	_ =	sdelay $0x1  }
0xa1: {  	s23 =	simm.s32 $0x1B8B  }
0xa2: {  	_ =	swait.ge [sflag:s23], $0x1  }
0xa3: {  	[sflag:s23] =	ssyncset.done $0x0  }
0xa4: {  	s25 =	simm.s32 $0x1B8E;
	s24 =	sld [smem:$0x3FFE];
	[sflag:s23] =	ssyncadd.s32 $0xFFFFFFFF  }
0xa5: {  	s26 =	simm.s32 $execute0_lowered;
	[smem:$0x3FD2] =	sst s25  }
0xa6: {  	s4 =	sshll.u32 s26, $0x1;
	_ =	strace $0x80000049;
	[dreg:$0x1] =	wrdreg $0xFFFFFFFF  }
0xa7: {  	s28 =	simm.s32 $_size_execute0_lowered;
	s2 =	sadd.s32 s2, s4;
	[dreg:$0x0] =	wrdreg $0x0  }
0xa8: {  	s4 =	sshll.u32 s28, $0x1;
	[dreg:$0x2] =	wrdreg s2  }
0xa9: {  	[dreg:$0x3] =	wrdreg s4  }
0xaa: {  	[dreg:$0x4] =	wrdreg $0xC0  }
0xab: {  	_ =	task [dreg:s6], $0x5FFFF  }
0xac: {  	[dreg:$0x1] =	wrdreg $0xFFFFFFFF  }
0xad: {  	[dreg:$0x0] =	wrdreg $0x60  }
0xae: {  	[dreg:$0x2] =	wrdreg s24  }
0xaf: {  	[dreg:$0x3] =	wrdreg $0x9  }
0xb0: {  	_ =	task.clear_ibuf [dreg:s6], $0x4FFFF;
	_ =	strace $0x90000049  }
0xb1: {  	s29 =	simm.s32 $0x9;
	_ =	strace $0x8000004B  }
0xb2: {  	_ =	swait.ge [sflag:s29], $0x1  }
0xb3: {  	[sflag:s29] =	ssyncadd.s32 $0xFFFFFFFF  }
0xb4: {  	_ =	strace $0x9000004B  }
0xb5: {  	_ =	sfence  }
0xb6: {  	s30 =	sld [smem:$0x0];
	_ =	sdelay $0x2  }
0xb7: {  	s31 =	sshll.u32 s1, $0xD;
	s1 =	sshrl.u32 s1, $0x2  }
0xb8: {  	s3 =	sand.u32 $0x4000, s31;
	s1 =	sadd.s32 s1, s30  }
0xb9: {  	s0 =	sor.u32 s3, s0;
	s1 =	sshll.u32 s1, $0x11  }
0xba: {  	s0 =	sor.u32 s1, s0  }
0xbb: {  	s0 =	sadd.s32 $0x8F2B, s0  }
0xbc: {  	[sflag:s0] =	ssyncadd.remote.s32 $0x1  }
0xbd: {  	_ =	sfence.sel $0xFFFF  }
0xbe: {  	[dreg:$0x0] =	wrdreg $0xFFFFFFFF;
	(pc) =	sbr.abs _section_cstart, $3  }
0xbf: {  	[dreg:$0x1] =	wrdreg $0xFFFFFFFF  }
0xc0: {  	_ =	task.clear_ibuf [dreg:s6], $0x2FFFF;
	_ =	strace $0x9FFFFFFF  }
0xc1: {  	(tm) =	ssettm $0x7FFFFFFF  }
tec
execute0_lowered:
.L_overlay_start_1:
0x0: {  	(tag) =	ssettag $0x1  }
0x1: {  	s1 =	srdreg.scid  }
0x2: {  	s0 =	stileid.u32;
	s2 =	rddreg [dreg:$0x0];
	s6 =	simm.s32 $0x1  }
0x3: {  	s9 =	simm.s32 $0x1;
	s10 =	simm.s32 $0x3;
	s1 =	sshll.u32 s1, $0x8  }
0x4: {  	s13 =	simm.s32 $0x0;
	s3 =	sshll.u32 s0, $0x9;
	s4 =	sand.u32 $0x100, s1  }
0x5: {  	s12 =	simm.s32 $0x0;
	s5 =	sadd.s32 $0x2000, s2;
	s3 =	sor.u32 s3, s4  }
0x6: {  	s1 =	rddreg [dreg:$0x1];
	_ =	strace $0x8000004A;
	s8 =	ssub.s32 $0x4000, s3  }
.Ltmp0:
0x7: {  	s4 =	sadd.s32 $0x800, s2;
	s7 =	sand.u32 $0x1F00, s8;
	(pc) =	sbr.rel .LBB2_1-.Ltmp0, $4  }
0x8: {  	[sflag:s6] =	ssyncpa.u1 $0x0;
	s11 =	smov.u32 s3;
	p0 =	sne.s32 s7, $0x0  }
0x9: {  	s8 =	sshrl.u32 s8, $0xD;
	s7 =	simm.s32 $0x2;
	s9 =	simm.s32 @!p0 $0x0  }
0xa: {  	[sflag:s7] =	ssyncpa.u1 $0x0;
	p0 =	por $0x0, $0x0;
	s8 =	sadd.s32 s9, s8  }
0xb: {  	vm0 =	vmmov $0xffff;
	[sflag:s10] =	ssyncpa.u1 $0x0;
	s10 =	simm.s32 $0x0;
	s9 =	sadd.s32 $0x1, s8  }
.LBB2_4:
0xc: {  	v2 =	vnsel vm1, $0x0, v2  }
0xd: {  	vm1 =	vgt.s32 v0, $0x0;
	v2 =	vmin.u32 v2, $0x3FFF  }
0xe: {  	v0 =	vnsel vm1, $0x0, v0  }
0xf: {  	v0 =	vmin.u32 v0, $0x3FFF  }
0x10: {  	[tilespmem:s15], [sflag:$0x1] =	stream.indirect_vreg.gather [hbm4b:s2+s10], $0x1, v1, vm0, $0x4038;
	[tilespmem:$0x400] =	vst v63  }
0x11: {  	(ifvalue) =	ssetifvalue $0x7FFFFFFF  }
0x12: {  	[tilespmem:s16], [sflag:$0x1] =	stream.indirect_vreg.gather [hbm4b:s2+s10], $0x1, v2, vm0, $0x4038;
	[tilespmem:$0x400] =	vst v63  }
0x13: {  	s29 =	sadd.s32 $0x10, s16;
	(ifvalue) =	ssetifvalue $0x7FFFFFFF  }
0x14: {  	[tilespmem:s29], [sflag:$0x1] =	stream.indirect_vreg.gather [hbm4b:s2+s10], $0x1, v0, vm0, $0x4038;
	[tilespmem:$0x400] =	vst v63  }
0x15: {  	_ =	swait.ge [sflag:s6], $0x100  }
0x16: {  	s30 =	sshrl.u32 s13, $0x3;
	[sflag:s6] =	ssyncset.done $0x0  }
0x17: {  	s31 =	sand.u32 $0x7, s13;
	s15 =	sadd.s32 s5, s30;
	[sflag:s6] =	ssyncadd.s32 $0xFFFFFF00  }
0x18: {  	[hbm4b:s15+s31] =	stream.linear.scatter [tilespmem:s14], [sflag:$0x3], $0x100, $0x38;
	[tilespmem:$0x400] =	vst v63  }
.LBB2_5:
0x19: {  	s15 =	sadd.s32 $0x2000, s11  }
0x1a: {  	p2 =	sgt.s32 s15, $0x3FFF  }
0x1b: {  	s15 =	smov.u32 @p2 s3;
	p2 =	sne.s32 s12, s9  }
.Ltmp1:
0x1c: {  	p1 =	slt.u32 s12, $0x2;
	(pc) =	sbr.rel @!p2 .LBB2_6-.Ltmp1, $4  }
0x1d: {  	s14 =	simm.s32 @!p1 $0x3  }
0x1e: {  	s16 =	sadd.s32 $0x1, s12;
	_ =	swait.ge @!p1 [sflag:s14], $0x100  }
0x1f: {  	s13 =	smov.u32 s11;
	p0 =	por !p0, !p0;
	[sflag:s14] =	ssyncset.done @!p1 $0x0  }
0x20: {  	s12 =	smov.u32 s16;
	s11 =	smov.u32 s15;
	[sflag:s14] =	ssyncadd.s32 @!p1 $0xFFFFFF00  }
.LBB2_1:
0x21: {  	p1 =	sge.u32 s12, s8  }
0x22: {  	s14 =	sxor.u32 @!p1 $0xFFFFFFFF, s12  }
0x23: {  	s31 =	sadd.s32 $0xFFFFFFFF, s12;
	s15 =	sshrl.u32 @!p1 s11, $0x3;
	s14 =	sshll.u32 @!p1 s14, $0x8  }
0x24: {  	s16 =	sand.u32 @!p1 $0x7, s11;
	s15 =	sadd.s32 @!p1 s4, s15;
	s14 =	sand.u32 @!p1 $0x100, s14  }
0x25: {  	[tilespmem:s14], [sflag:$0x2] =	stream.linear.gather @!p1 [hbm4b:s15+s16], $0x100, $0x38;
	[tilespmem:$0x400] =	vst v63  }
0x26: {  	p1 =	sge.u32 s31, s8  }
.Ltmp2:
0x27: {  	_ = 	snop;
	(pc) =	sbr.rel @p1 .LBB2_5-.Ltmp2, $1  }
0x28: {  	_ =	sdelay $0x3  }
0x29: {  	s14 =	simm.s32 $0x1  }
0x2a: {  	_ =	swait.ge [sflag:s7], $0x100;
	s14 =	simm.s32 @!p0 $0x0  }
0x2b: {  	[sflag:s7] =	ssyncset.done $0x0;
	s14 =	sshll.u32 s14, $0x8  }
0x2c: {  	[sflag:s7] =	ssyncadd.s32 $0xFFFFFF00;
	(ifvalue) =	ssetifvalue $0x7FFFFFFF;
	v0 =	vld.msk [tilespmem:s14+$0x0 ss:$0x1], $0xffff;
	_ =	sdelay $0x4  }
0x2d: {  	s15 =	sadd.s32 $0x10, s14;
	vm1 =	vgt.s32 v0, $0x0  }
0x2e: {  	v2 =	vld.msk [tilespmem:s15+$0x0 ss:$0x1], $0xffff;
	v1 =	vnsel vm1, $0x0, v0  }
0x2f: {  	v1 =	vmin.u32 v1, $0x3FFF;
	_ =	sdelay $0x1  }
0x30: {  	s16 =	sshll.u32 s12, $0x8;
	s18 =	simm.s32 $0x20  }
0x31: {  	s16 =	sand.u32 $0x100, s16;
	s17 =	sadd.s32 $0x10, s15;
	s15 =	sor.u32 $0x200, s14  }
0x32: {  	s14 =	sor.u32 $0x200, s16;
	s16 =	sadd.s32 $0x10, s15;
	v0 =	vld.msk [tilespmem:s17+$0x0 ss:$0x1], $0xffff;
	vm1 =	vgt.s32 v2, $0x0;
	(ifvalue) =	ssetifvalue $0x7FFFFFFF  }
.LBB2_3:
0x33: {  	[tilespmem:s15], [sflag:$0x1] =	stream.indirect_vreg.gather [hbm4b:s2+s10], $0x1, v1, vm0, $0x4038;
	[tilespmem:$0x400] =	vst v63  }
0x34: {  	s18 =	sadd.s32 $0x10, s18  }
0x35: {  	v2 =	vnsel vm1, $0x0, v2;
	p1 =	slt.u32 s18, $0xF0  }
.Ltmp3:
0x36: {  	s15 =	smov.u32 s16;
	v1 =	vmin.u32 v2, $0x3FFF;
	(pc) =	sbr.rel @p1 .LBB2_3-.Ltmp3, $3  }
0x37: {  	_ =	sdelay $0x1  }
0x38: {  	s17 =	sadd.s32 $0x10, s17  }
0x39: {  	vm1 =	vgt.s32 v0, $0x0;
	s16 =	sadd.s32 $0x10, s16;
	v2 =	vmov v0;
	(ifvalue) =	ssetifvalue $0x7FFFFFFF;
	v0 =	vld.msk [tilespmem:s17+$0x0 ss:$0x1], $0xffff  }
.Ltmp4:
0x3a: {  	_ = 	snop;
	(pc) =	sbr.rel .LBB2_4-.Ltmp4, $1  }
0x3b: {  	_ =	sdelay $0x3  }
.LBB2_6:
0x3c: {  	_ =	sfence.sel $0x180000  }
0x3d: {  	s2 =	simm.s32 $0x2;
	[bflag:$0x0] =	sbarrier.arrive $0xFFFF  }
0x3e: {  	s30 =	simm.s32 $0x3;
	[sflag:s2] =	ssyncpa.u1 $0x1  }
0x3f: {  	s31 =	simm.s32 $0x1;
	[sflag:s30] =	ssyncpa.u1 $0x1  }
0x40: {  	[sflag:s31] =	ssyncpa.u1 $0x1  }
0x41: {  	p0 =	sne.s32 s0, $0x0;
	_ =	strace $0x9000004A  }
0x42: {  	s0 =	sadd.s32 @!p0 $0x100000, s1;
	[bflag:$0x2] =	sbarrier.arrive $0xFFFF  }
0x43: {  	[sflag:s0] =	ssyncadd.tile.s32 @!p0 $0x1;
	_ =	shalt  }
.Lfunc_end2:
_tile_overlayer_lowered:
.L_overlay_start_2:
0x44: {  	(tag) =	ssettag $0x2  }
0x45: {  	s0 =	rddreg [dreg:$0x0];
	s2 =	stileid.u32  }
0x46: {  	s1 =	rddreg [dreg:$0x1];
	p0 =	sne.s32 s2, $0x0  }
0x47: {  	s3 =	rddreg [dreg:$0x2];
	[bflag:$0x3] =	sbarrier.arrive $0xFFFF;
	s2 =	simm.s32 @!p0 $0x1C01  }
0x48: {  	[timem:s3], [sflag:s2] =	dma.local @!p0 [hbm:s0], s1  }
0x49: {  	s0 =	simm.s32 @!p0 $0x1  }
0x4a: {  	_ =	swait.ge @!p0 [sflag:s0], s1  }
0x4b: {  	s1 =	ssub.s32 @!p0 $0x0, s1;
	[sflag:s0] =	ssyncset.done @!p0 $0x0  }
0x4c: {  	[sflag:s0] =	ssyncadd.s32 @!p0 s1  }
0x4d: {  	[bflag:$0x3] =	sbarrier.arrive $0xFFFF  }
0x4e: {  	_ =	shalt  }

// kernel: kernel.12.cloned.1.call-start
scs
__scs_entry_jumppad:
0x0: {  	(pc) =	sbr.rel $0x88, $3  }
0x1: {  	(tag) =	ssettag $0x0;
	lr =	simm.s32 $0x1  }
0x2: {  	[smem:$0x3F98] =	sst lr;
	_ =	strace $0xD0000000  }
0x3: {  	_ = 	snop  }
0x4: {  	_ = 	snop  }
0x5: {  	_ = 	snop  }
0x6: {  	_ = 	snop  }
0x7: {  	_ = 	snop  }
__scs_overlays_trampoline_lowered:
0x8: {  	[smem:$0x3FA7] =	sst s0  }
0x9: {  	[smem:$0x3FA8] =	sst s1  }
0xa: {  	[smem:$0x3FA9] =	sst s2  }
0xb: {  	[smem:$0x3FAA] =	sst s3  }
0xc: {  	[smem:$0x3FAB] =	sst s4  }
0xd: {  	[smem:$0x3FAC] =	sst s5  }
0xe: {  	[smem:$0x3FAD] =	sst s6  }
0xf: {  	[smem:$0x3FAE] =	sst s7  }
0x10: {  	[smem:$0x3FAF] =	sst s8  }
0x11: {  	[smem:$0x3FB0] =	sst s9;
	s0 =	simm.s32 @!p0 $0x0  }
0x12: {  	s1 =	sld [smem:$0x3F96];
	s0 =	simm.s32 @p0 $0x1  }
0x13: {  	[smem:$0x3FB1] =	sst s0;
	s0 =	simm.s32 @!p1 $0x0  }
0x14: {  	s2 =	sld [smem:$0x3F95];
	s0 =	simm.s32 @p1 $0x1  }
0x15: {  	[smem:$0x3FB2] =	sst s0;
	s0 =	simm.s32 @!p2 $0x0  }
0x16: {  	s3 =	sld [smem:$0x3FDB];
	s0 =	simm.s32 @p2 $0x1  }
0x17: {  	s4 =	simm.s32 $0x1BF5;
	[smem:$0x3FB4] =	sst s0  }
0x18: {  	s0 =	sld [smem:$0x3F97];
	_ =	swait.ge [sflag:s4], $0x0  }
0x19: {  	s7 =	sld [smem:$0x3F98]  }
0x1a: {  	s8 =	sadd.s32 $0xFFFFE003, lr  }
0x1b: {  	s9 =	sadd.s32 $0xFFFFFEF7, lr;
	s5 =	simm.s32 $0xFFFFFFFF;
	p2 =	slt.u32 s8, $0xFFFFF086  }
0x1c: {  	p1 =	slt.u32 s9, $0xF7A;
	s5 =	simm.s32 @!p2 $0x0  }
0x1d: {  	s5 =	simm.s32 @p1 $0x1;
	p0 =	seq.s32 s7, s2  }
0x1e: {  	s7 =	smul.u32 @!p0 $0xF7A, s2;
	p2 =	seq.s32 @!p0 s5, $0x0  }
0x1f: {  	s9 =	smul.u32 $0xF7A, s1;
	s8 =	simm.s32 @!p0 $0x1BF5;
	p2 =	por !p2, p0  }
0x20: {  	[sflag:s8] =	ssyncset.s32 @!p0 $0xFFFFF086;
	s6 =	sadd.s32 @!p0 s3, s7;
	s7 =	simm.s32 @!p0 $0x108  }
0x21: {  	s3 =	sadd.s32 s3, s9;
	s6 =	sadd.s32 @!p0 $0x88, s6;
	s7 =	simm.s32 @p2 $0x1082  }
0x22: {  	[simem:s7], [sflag:s8] =	dma.local @!p0 [hbm:s6], $0xF7A  }
0x23: {  	s9 =	sor.u32 $0xD0000000, s2;
	s6 =	simm.s32 $0x108;
	_ =	swait.ge @!p0 [sflag:s8], $0x0  }
0x24: {  	s3 =	sadd.s32 $0x88, s3;
	s6 =	simm.s32 @!p1 $0x1082;
	[sflag:s4] =	ssyncset.s32 $0xFFFFF086  }
0x25: {  	[simem:s6], [sflag:s4] =	dma.local [hbm:s3], $0xF7A  }
0x26: {  	[smem:$0x3F98] =	sst s1;
	(tag) =	ssettag s2;
	_ =	strace s9  }
0x27: {  	s1 =	sld [smem:$0x3FA8]  }
0x28: {  	s2 =	sld [smem:$0x3FA9]  }
0x29: {  	s4 =	sld [smem:$0x3FAB]  }
0x2a: {  	p0 =	seq.s32 s5, $0x0;
	s5 =	sld [smem:$0x3FAC]  }
0x2b: {  	s6 =	sld [smem:$0x3FAD]  }
0x2c: {  	s7 =	sld [smem:$0x3FAE]  }
0x2d: {  	s3 =	simm.s32 $0x108;
	s8 =	sld [smem:$0x3FAF]  }
0x2e: {  	s3 =	simm.s32 @!p0 $0x1082;
	s9 =	sld [smem:$0x3FB0]  }
0x2f: {  	lr =	sadd.s32 s0, s3;
	s0 =	sld [smem:$0x3FA7]  }
0x30: {  	s3 =	sld [smem:$0x3FAA]  }
0x31: {  	[smem:$0x3FB3] =	sst s10  }
0x32: {  	s10 =	sld [smem:$0x3FB1];
	_ =	sdelay $0x3  }
0x33: {  	p0 =	seq.s32 s10, $0x1;
	s10 =	sld [smem:$0x3FB3];
	_ =	sdelay $0x3  }
0x34: {  	[smem:$0x3FB3] =	sst s10  }
0x35: {  	s10 =	sld [smem:$0x3FB2];
	_ =	sdelay $0x3  }
0x36: {  	p1 =	seq.s32 s10, $0x1;
	s10 =	sld [smem:$0x3FB3];
	_ =	sdelay $0x3  }
0x37: {  	[smem:$0x3FB3] =	sst s10  }
0x38: {  	s10 =	sld [smem:$0x3FB4]  }
0x39: {  	_ = 	snop;
	(pc) =	sbr.ind lr, $3  }
0x3a: {  	_ = 	snop  }
0x3b: {  	_ = 	snop  }
0x3c: {  	p2 =	seq.s32 s10, $0x1;
	s10 =	sld [smem:$0x3FB3]  }
0x3d: {  	_ =	shalt  }
0x3e: {  	_ =	shalt  }
0x3f: {  	_ =	shalt  }
0x40: {  	_ =	shalt  }
0x41: {  	_ =	shalt  }
0x42: {  	_ =	shalt  }
0x43: {  	_ =	shalt  }
0x44: {  	_ =	shalt  }
0x45: {  	_ =	shalt  }
0x46: {  	_ =	shalt  }
0x47: {  	_ =	shalt  }
0x48: {  	_ =	shalt  }
0x49: {  	_ =	shalt  }
0x4a: {  	_ =	shalt  }
0x4b: {  	_ =	shalt  }
0x4c: {  	_ =	shalt  }
0x4d: {  	_ =	shalt  }
0x4e: {  	_ =	shalt  }
0x4f: {  	_ =	shalt  }
0x50: {  	_ =	shalt  }
0x51: {  	_ =	shalt  }
0x52: {  	_ =	shalt  }
0x53: {  	_ =	shalt  }
0x54: {  	_ =	shalt  }
0x55: {  	_ =	shalt  }
0x56: {  	_ =	shalt  }
0x57: {  	_ =	shalt  }
0x58: {  	_ =	shalt  }
0x59: {  	_ =	shalt  }
0x5a: {  	_ =	shalt  }
0x5b: {  	_ =	shalt  }
0x5c: {  	_ =	shalt  }
0x5d: {  	_ =	shalt  }
0x5e: {  	_ =	shalt  }
0x5f: {  	_ =	shalt  }
0x60: {  	_ =	shalt  }
0x61: {  	_ =	shalt  }
0x62: {  	_ =	shalt  }
0x63: {  	_ =	shalt  }
0x64: {  	_ =	shalt  }
0x65: {  	_ =	shalt  }
0x66: {  	_ =	shalt  }
0x67: {  	_ =	shalt  }
0x68: {  	_ =	shalt  }
0x69: {  	_ =	shalt  }
0x6a: {  	_ =	shalt  }
0x6b: {  	_ =	shalt  }
0x6c: {  	_ =	shalt  }
0x6d: {  	_ =	shalt  }
0x6e: {  	_ =	shalt  }
0x6f: {  	_ =	shalt  }
0x70: {  	_ =	shalt  }
0x71: {  	_ =	shalt  }
0x72: {  	_ =	shalt  }
0x73: {  	_ =	shalt  }
0x74: {  	_ =	shalt  }
0x75: {  	_ =	shalt  }
0x76: {  	_ =	shalt  }
0x77: {  	_ =	shalt  }
0x78: {  	_ =	shalt  }
0x79: {  	_ =	shalt  }
0x7a: {  	_ =	shalt  }
0x7b: {  	_ =	shalt  }
0x7c: {  	_ =	shalt  }
0x7d: {  	_ =	shalt  }
0x7e: {  	_ =	shalt  }
0x7f: {  	_ =	shalt  }
0x80: {  	_ =	shalt  }
0x81: {  	_ =	shalt  }
0x82: {  	_ =	shalt  }
0x83: {  	_ =	shalt  }
0x84: {  	_ =	shalt  }
0x85: {  	_ =	shalt  }
0x86: {  	_ =	shalt  }
0x87: {  	_ =	shalt  }
.Lfunc_end0:
.L_simem_size_0:
called_computation.8_lowered:
.L_overlay_start_0:
0x88: {  	s2 =	sld [smem:$0x3FD9]  }
0x89: {  	s3 =	sld [smem:$0x3FFE];
	_ =	sdelay $0x1  }
0x8a: {  	s1 =	srdreg.scid  }
0x8b: {  	s0 =	sand.u32 $0x1, s1  }
0x8c: {  	s17 =	sshll.u32 s0, $0xA;
	s2 =	sadd.s32 s3, s2  }
0x8d: {  	s2 =	sadd.s32 s2, s17  }
0x8e: {  	[smem:$0x3FBF] =	sst s2  }
0x8f: {  	_ = 	snop  }
0x90: {  	s18 =	sld [smem:$0x3FC5];
	(tm) =	ssettm $0x1  }
0x91: {  	s19 =	sld [smem:$0x3FFB];
	_ =	sdelay $0x3  }
0x92: {  	_ =	strace s19  }
0x93: {  	s2 =	sld [smem:$0x3FFC];
	_ =	sdelay $0x3  }
0x94: {  	_ =	strace s2  }
0x95: {  	s2 =	sld [smem:$0x3FFD];
	_ =	sdelay $0x3  }
0x96: {  	_ =	strace s2  }
0x97: {  	_ =	strace $0x8FFFFFFF  }
0x98: {  	s20 =	sld [smem:$0x3FDB];
	_ =	sdelay $0x1  }
0x99: {  	s4 =	simm.s32 $_scs_section_size  }
0x9a: {  	s5 =	simm.s32 $_size__tile_overlayer_lowered;
	s6 =	simm.s32 $_tile_overlayer_lowered  }
0x9b: {  	s7 =	simm.s32 $0x1BFF;
	s21 =	sshll.u32 s6, $0x1;
	s4 =	sadd.s32 s4, s20  }
0x9c: {  	s22 =	simm.s32 $0x0;
	s5 =	sshll.u32 s5, $0x1;
	s6 =	sadd.s32 s21, s4  }
0x9d: {  	[timem:s22], [sflag:s7] =	dma.local [hbm:s6], s5  }
0x9e: {  	_ =	swait.ge [sflag:s7], s5  }
0x9f: {  	s5 =	ssub.s32 $0x0, s5;
	[sflag:s7] =	ssyncset.done $0x0  }
0xa0: {  	[sflag:s7] =	ssyncadd.s32 s5;
	_ =	sdelay $0x1  }
0xa1: {  	s23 =	simm.s32 $0x1B8B  }
0xa2: {  	_ =	swait.ge [sflag:s23], $0x1  }
0xa3: {  	[sflag:s23] =	ssyncset.done $0x0  }
0xa4: {  	[sflag:s23] =	ssyncadd.s32 $0xFFFFFFFF  }
0xa5: {  	s5 =	sld [smem:$0x0]  }
0xa6: {  	s6 =	sand.u32 $0xFFFFFFFE, s1  }
0xa7: {  	p0 =	sne.s32 s1, s6  }
0xa8: {  	s6 =	sshll.u32 @p0 s6, $0xE  }
0xa9: {  	s6 =	sadd.s32 @p0 $0x11B8D, s6;
	s7 =	sshll.u32 @p0 s5, $0x11  }
0xaa: {  	s6 =	sor.u32 @p0 s7, s6  }
0xab: {  	[sflag:s6] =	ssyncadd.remote.s32 @p0 $0x1;
	_ =	sdelay $0x1  }
0xac: {  	s6 =	simm.s32 @p0 $0x1B8D  }
0xad: {  	_ =	swait.eq @p0 [sflag:s6], $0x1  }
0xae: {  	[sflag:s6] =	ssyncadd.s32 @p0 $0xFFFFFFFF  }
0xaf: {  	s7 =	sshll.u32 @!p0 s1, $0xE  }
0xb0: {  	s7 =	sor.u32 @!p0 $0x4000, s7;
	s6 =	simm.s32 @!p0 $0x1B8D  }
0xb1: {  	s5 =	sshll.u32 @!p0 s5, $0x11;
	s7 =	sadd.s32 @!p0 $0x11B8D, s7;
	_ =	swait.eq @!p0 [sflag:s6], $0x1  }
0xb2: {  	s5 =	sor.u32 @!p0 s5, s7;
	[sflag:s6] =	ssyncadd.s32 @!p0 $0xFFFFFFFF  }
0xb3: {  	s25 =	simm.s32 $0x1B8E;
	s24 =	sld [smem:$0x3FFE];
	[sflag:s5] =	ssyncadd.remote.s32 @!p0 $0x1  }
0xb4: {  	s26 =	simm.s32 $execute0_lowered;
	[smem:$0x3FD2] =	sst s25  }
0xb5: {  	s6 =	sshll.u32 s26, $0x1;
	_ =	strace $0x80000052;
	[dreg:$0x1] =	wrdreg $0xFFFFFFFF  }
0xb6: {  	s28 =	simm.s32 $_size_execute0_lowered;
	s4 =	sadd.s32 s4, s6;
	[dreg:$0x0] =	wrdreg $0x0  }
0xb7: {  	s6 =	sshll.u32 s28, $0x1;
	[dreg:$0x2] =	wrdreg s4  }
0xb8: {  	[dreg:$0x3] =	wrdreg s6  }
0xb9: {  	[dreg:$0x4] =	wrdreg $0xC0  }
0xba: {  	_ =	task [dreg:s22], $0x5FFFF  }
0xbb: {  	[dreg:$0x1] =	wrdreg $0xFFFFFFFF  }
0xbc: {  	[dreg:$0x0] =	wrdreg $0x60  }
0xbd: {  	[dreg:$0x2] =	wrdreg s24  }
0xbe: {  	[dreg:$0x3] =	wrdreg s18  }
0xbf: {  	[dreg:$0x4] =	wrdreg $0xA  }
0xc0: {  	_ =	task.clear_ibuf [dreg:s22], $0x5FFFF;
	_ =	strace $0x90000052  }
0xc1: {  	s29 =	simm.s32 $0xA;
	_ =	strace $0x80000054  }
0xc2: {  	_ =	swait.ge [sflag:s29], $0x1  }
0xc3: {  	[sflag:s29] =	ssyncadd.s32 $0xFFFFFFFF  }
0xc4: {  	_ =	strace $0x90000054  }
0xc5: {  	_ =	sfence  }
0xc6: {  	s30 =	sld [smem:$0x0];
	_ =	sdelay $0x2  }
0xc7: {  	s31 =	sshll.u32 s1, $0xD;
	s1 =	sshrl.u32 s1, $0x2  }
0xc8: {  	s4 =	sand.u32 $0x4000, s31;
	s1 =	sadd.s32 s1, s30  }
0xc9: {  	s0 =	sor.u32 s4, s0;
	s1 =	sshll.u32 s1, $0x11  }
0xca: {  	s0 =	sor.u32 s1, s0  }
0xcb: {  	s0 =	sadd.s32 $0x8F2B, s0  }
0xcc: {  	[sflag:s0] =	ssyncadd.remote.s32 $0x1  }
0xcd: {  	_ =	sfence.sel $0xFFFF  }
0xce: {  	[dreg:$0x0] =	wrdreg $0xFFFFFFFF;
	(pc) =	sbr.abs _section_cstart, $3  }
0xcf: {  	[dreg:$0x1] =	wrdreg $0xFFFFFFFF  }
0xd0: {  	_ =	task.clear_ibuf [dreg:s22], $0x2FFFF;
	_ =	strace $0x9FFFFFFF  }
0xd1: {  	(tm) =	ssettm $0x7FFFFFFF  }
tec
execute0_lowered:
.L_overlay_start_1:
0x0: {  	(tag) =	ssettag $0x1  }
0x1: {  	s1 =	srdreg.scid  }
0x2: {  	s0 =	stileid.u32;
	s6 =	rddreg [dreg:$0x0]  }
0x3: {  	s3 =	rddreg [dreg:$0x1];
	s4 =	simm.s32 $0x0;
	s10 =	simm.s32 $0x400  }
0x4: {  	s11 =	simm.s32 $0x3;
	s12 =	simm.s32 $0x280;
	s13 =	simm.s32 $0x7A1400  }
0x5: {  	s14 =	simm.s32 $0x300;
	s15 =	simm.s32 $0x2300;
	s16 =	simm.s32 $0x1  }
0x6: {  	s17 =	simm.s32 $0x2;
	s5 =	sand.u32 $0x1, s1;
	s28 =	sshll.u32 s0, $0x1  }
0x7: {  	s18 =	simm.s32 $0x4300;
	s29 =	sshrl.u32 s0, $0x2;
	s2 =	sor.u32 s5, s28  }
0x8: {  	s1 =	rddreg [dreg:$0x2];
	s7 =	smul.u32 $0x1400, s29;
	s8 =	sshll.u32 s2, $0x7  }
0x9: {  	s19 =	simm.s32 $0x0;
	[smem:$0x7FF] =	sst s4;
	s8 =	sand.u32 $0x380, s8  }
.Ltmp0:
0xa: {  	_ =	strace $0x80000053;
	s7 =	sor.u32 s7, s8;
	(pc) =	sbr.rel .LBB2_1-.Ltmp0, $4  }
0xb: {  	v0 =	vlaneseq.u32;
	s9 =	ssub.s32 $0x2, s5;
	s5 =	sadd.s32 $0x1A00, s6;
	s7 =	sshrl.u32 s7, $0x3  }
0xc: {  	v0 =	vmul.u32 $0x80, v0;
	s30 =	sshll.u32 s2, $0xB;
	s31 =	sshrl.u32 s9, $0x1;
	s7 =	sadd.s32 s7, s6  }
0xd: {  	s9 =	ssub.s32 s9, s31;
	s8 =	sadd.s32 s30, s6;
	s6 =	sadd.s32 $0x3800, s7  }
0xe: {  	v1 =	vor.u32 $0x800, v0;
	v2 =	vor.u32 $0x1000, v0;
	v3 =	vor.u32 $0x1800, v0;
	s7 =	sadd.s32 $0x4A00, s8;
	s8 =	smax.u32 s9, $0x1;
	s9 =	simm.s32 $0x80  }
.LBB2_3:
0xf: {  	_ =	swait.ge [sflag:s16], $0x2000  }
0x10: {  	[sflag:s16] =	ssyncset.done $0x0  }
0x11: {  	[sflag:s16] =	ssyncadd.s32 $0xFFFFE000  }
0x12: {  	s19 =	sadd.s32 $0x1, s19;
	_ =	swait.ge [sflag:s17], $0x2000  }
0x13: {  	p0 =	sne.s32 s19, s8;
	[sflag:s17] =	ssyncset.done $0x0  }
.Ltmp1:
0x14: {  	[sflag:s17] =	ssyncadd.s32 $0xFFFFE000;
	(pc) =	sbr.rel @!p0 .LBB2_4-.Ltmp1, $4  }
0x15: {  	[hbm4b:s7+s4] =	stream.linear.scatter [tilespmem:s18], [sflag:$0x3], $0x4000, $0x38;
	[tilespmem:$0x8700] =	vst v63  }
0x16: {  	_ =	swait.ge [sflag:s11], $0x4000  }
0x17: {  	[sflag:s11] =	ssyncset.done $0x0  }
0x18: {  	[sflag:s11] =	ssyncadd.s32 $0xFFFFC000  }
.LBB2_1:
0x19: {  	[tilespmem:s4], [sflag:$0x3] =	stream.strided.gather [hbm4b:s6+s9], $0x280, s10, s9, $0x38;
	[tilespmem:$0x8700] =	vst v63  }
0x1a: {  	_ =	swait.ge [sflag:s11], $0x280  }
0x1b: {  	[sflag:s11] =	ssyncset.done $0x0  }
0x1c: {  	[sflag:s11] =	ssyncadd.s32 $0xFFFFFD80  }
0x1d: {  	[tilespmem:s12], [sflag:$0x3] =	stream.linear.gather [hbm4b:s5+s4], $0x80, $0x38;
	[tilespmem:$0x8700] =	vst v63  }
0x1e: {  	_ =	swait.ge [sflag:s11], $0x80  }
0x1f: {  	[sflag:s11] =	ssyncset.done $0x0  }
0x20: {  	[sflag:s11] =	ssyncadd.s32 $0xFFFFFF80  }
0x21: {  	v4 =	vld [tilespmem:s2+$0x280]  }
0x22: {  	v5 =	vld [tilespmem:$0x0];
	_ =	sdelay $0x3  }
0x23: {  	(v2sf) =	vpush v4, $0x0  }
0x24: {  	(v2sf) =	vpush v5, $0x0;
	_ =	sdelay $0xd  }
0x25: {  	s20 =	spop (v2sf)  }
0x26: {  	s21 =	spop (v2sf)  }
0x27: {  	s21 =	sshra.s32 s21, $0xA  }
0x28: {  	p0 =	slt.s32 s21, $0xF41C0  }
0x29: {  	s21 =	simm.s32 @!p0 $0xF41C0  }
0x2a: {  	s21 =	sand.u32 $0xFFFFF80, s21  }
0x2b: {  	s21 =	sadd.s32 s3, s21  }
0x2c: {  	[tilespmem:s14], [sflag:$0x1] =	stream.strided.gather [hbm4b:s21+s10], $0x2000, s13, s10, $0x38;
	[tilespmem:$0x8700] =	vst v63  }
0x2d: {  	v4 =	vld [tilespmem:$0x4];
	_ =	sdelay $0x4  }
0x2e: {  	(v2sf) =	vpush v4, $0x0;
	_ =	sdelay $0xe  }
0x2f: {  	s31 =	spop (v2sf)  }
0x30: {  	s21 =	sshra.s32 s31, $0xA  }
0x31: {  	p0 =	slt.s32 s21, $0xF41C0  }
0x32: {  	s21 =	simm.s32 @!p0 $0xF41C0;
	p0 =	slt.s32 s20, $0x1  }
.Ltmp2:
0x33: {  	_ = 	snop;
	(pc) =	sbr.rel @p0 .LBB2_3-.Ltmp2, $4  }
0x34: {  	s21 =	sand.u32 $0xFFFFF80, s21  }
0x35: {  	s21 =	sadd.s32 s3, s21  }
0x36: {  	[tilespmem:s15], [sflag:$0x2] =	stream.strided.gather [hbm4b:s21+s10], $0x2000, s13, s10, $0x38;
	[tilespmem:$0x8700] =	vst v63  }
0x37: {  	s21 =	simm.s32 $0x6  }
.LBB2_2:
0x38: {  	_ =	swait.ge [sflag:s16], $0x2000  }
0x39: {  	[sflag:s16] =	ssyncset.done $0x0  }
0x3a: {  	[sflag:s16] =	ssyncadd.s32 $0xFFFFE000  }
0x3b: {  	v4 =	vld [tilespmem:s21+$0xFFFFFFFA];
	_ =	sdelay $0x4  }
0x3c: {  	(v2sf) =	vpush v4, $0x0;
	_ =	sdelay $0xe  }
0x3d: {  	s23 =	spop (v2sf)  }
0x3e: {  	s24 =	sshra.s32 s23, $0xA  }
0x3f: {  	s22 =	sand.u32 $0xFFFFFF80, s24  }
0x40: {  	p0 =	slt.s32 s22, $0xF41C0  }
0x41: {  	s22 =	simm.s32 @!p0 $0xF41C0  }
0x42: {  	s24 =	ssub.s32 s24, s22  }
0x43: {  	p0 =	sgt.s32 s24, $0x0  }
0x44: {  	s24 =	simm.s32 @!p0 $0x0  }
0x45: {  	s24 =	smin.u32 s24, $0x7F  }
0x46: {  	v4 =	vor.u32 s24, v0;
	_ =	sdelay $0x4  }
0x47: {  	v4 =	vld.idx.msk [tilespmem:v4+s14+$0x0], $0xffff  }
0x48: {  	v5 =	vor.u32 s24, v1;
	_ =	sdelay $0x1  }
0x49: {  	s23 =	sshll.u32 s23, $0x7  }
0x4a: {  	s23 =	sand.u32 $0x1FF80, s23  }
0x4b: {  	[tilespmem:s23+$0x4300] =	vst v4  }
0x4c: {  	v4 =	vld.idx.msk [tilespmem:v5+s14+$0x0], $0xffff  }
0x4d: {  	v5 =	vor.u32 s24, v2;
	_ =	sdelay $0x3  }
0x4e: {  	[tilespmem:s23+$0x4310] =	vst v4  }
0x4f: {  	v4 =	vld.idx.msk [tilespmem:v5+s14+$0x0], $0xffff  }
0x50: {  	v5 =	vor.u32 s24, v3;
	_ =	sdelay $0x3  }
0x51: {  	[tilespmem:s23+$0x4320] =	vst v4  }
0x52: {  	v4 =	vld.idx.msk [tilespmem:v5+s14+$0x0], $0xffff;
	_ =	sdelay $0x4  }
0x53: {  	[tilespmem:s23+$0x4330] =	vst v4  }
0x54: {  	v4 =	vld [tilespmem:s21+$0xFFFFFFFB];
	_ =	sdelay $0x4  }
0x55: {  	(v2sf) =	vpush v4, $0x0;
	_ =	sdelay $0xe  }
0x56: {  	s28 =	spop (v2sf)  }
0x57: {  	s29 =	sshra.s32 s28, $0xA  }
0x58: {  	s24 =	ssub.s32 s29, s22  }
0x59: {  	p0 =	sgt.s32 s24, $0x0  }
0x5a: {  	s24 =	simm.s32 @!p0 $0x0  }
0x5b: {  	s24 =	smin.u32 s24, $0x7F  }
0x5c: {  	v4 =	vor.u32 s24, v0;
	_ =	sdelay $0x4  }
0x5d: {  	v4 =	vld.idx.msk [tilespmem:v4+s14+$0x0], $0xffff  }
0x5e: {  	v5 =	vor.u32 s24, v1;
	_ =	sdelay $0x1  }
0x5f: {  	s23 =	sshll.u32 s28, $0x7  }
0x60: {  	s23 =	sand.u32 $0x1FF80, s23  }
0x61: {  	[tilespmem:s23+$0x4300] =	vst v4  }
0x62: {  	v4 =	vld.idx.msk [tilespmem:v5+s14+$0x0], $0xffff  }
0x63: {  	v5 =	vor.u32 s24, v2;
	_ =	sdelay $0x3  }
0x64: {  	[tilespmem:s23+$0x4310] =	vst v4  }
0x65: {  	v4 =	vld.idx.msk [tilespmem:v5+s14+$0x0], $0xffff  }
0x66: {  	v5 =	vor.u32 s24, v3;
	_ =	sdelay $0x3  }
0x67: {  	[tilespmem:s23+$0x4320] =	vst v4  }
0x68: {  	v4 =	vld.idx.msk [tilespmem:v5+s14+$0x0], $0xffff;
	_ =	sdelay $0x4  }
0x69: {  	[tilespmem:s23+$0x4330] =	vst v4  }
0x6a: {  	v4 =	vld [tilespmem:s21+$0xFFFFFFFC];
	_ =	sdelay $0x4  }
0x6b: {  	(v2sf) =	vpush v4, $0x0;
	_ =	sdelay $0xe  }
0x6c: {  	s30 =	spop (v2sf)  }
0x6d: {  	s31 =	sshra.s32 s30, $0xA  }
0x6e: {  	s24 =	ssub.s32 s31, s22  }
0x6f: {  	p0 =	sgt.s32 s24, $0x0  }
0x70: {  	s24 =	simm.s32 @!p0 $0x0  }
0x71: {  	s24 =	smin.u32 s24, $0x7F  }
0x72: {  	v4 =	vor.u32 s24, v0;
	_ =	sdelay $0x4  }
0x73: {  	v4 =	vld.idx.msk [tilespmem:v4+s14+$0x0], $0xffff  }
0x74: {  	v5 =	vor.u32 s24, v1;
	_ =	sdelay $0x1  }
0x75: {  	s23 =	sshll.u32 s30, $0x7  }
0x76: {  	s23 =	sand.u32 $0x1FF80, s23  }
0x77: {  	[tilespmem:s23+$0x4300] =	vst v4  }
0x78: {  	v4 =	vld.idx.msk [tilespmem:v5+s14+$0x0], $0xffff  }
0x79: {  	v5 =	vor.u32 s24, v2;
	_ =	sdelay $0x3  }
0x7a: {  	[tilespmem:s23+$0x4310] =	vst v4  }
0x7b: {  	v4 =	vld.idx.msk [tilespmem:v5+s14+$0x0], $0xffff  }
0x7c: {  	v5 =	vor.u32 s24, v3;
	_ =	sdelay $0x3  }
0x7d: {  	[tilespmem:s23+$0x4320] =	vst v4  }
0x7e: {  	v4 =	vld.idx.msk [tilespmem:v5+s14+$0x0], $0xffff;
	_ =	sdelay $0x4  }
0x7f: {  	[tilespmem:s23+$0x4330] =	vst v4  }
0x80: {  	v4 =	vld [tilespmem:s21+$0xFFFFFFFD];
	_ =	sdelay $0x4  }
0x81: {  	(v2sf) =	vpush v4, $0x0;
	_ =	sdelay $0xe  }
0x82: {  	s25 =	spop (v2sf)  }
0x83: {  	s26 =	sshra.s32 s25, $0xA  }
0x84: {  	s22 =	ssub.s32 s26, s22  }
0x85: {  	p0 =	sgt.s32 s22, $0x0  }
0x86: {  	s22 =	simm.s32 @!p0 $0x0  }
0x87: {  	s22 =	smin.u32 s22, $0x7F  }
0x88: {  	v4 =	vor.u32 s22, v0;
	_ =	sdelay $0x4  }
0x89: {  	v4 =	vld.idx.msk [tilespmem:v4+s14+$0x0], $0xffff  }
0x8a: {  	v5 =	vor.u32 s22, v1;
	_ =	sdelay $0x1  }
0x8b: {  	s23 =	sshll.u32 s25, $0x7  }
0x8c: {  	s23 =	sand.u32 $0x1FF80, s23  }
0x8d: {  	[tilespmem:s23+$0x4300] =	vst v4  }
0x8e: {  	v4 =	vld.idx.msk [tilespmem:v5+s14+$0x0], $0xffff  }
0x8f: {  	v5 =	vor.u32 s22, v2;
	_ =	sdelay $0x3  }
0x90: {  	[tilespmem:s23+$0x4310] =	vst v4  }
0x91: {  	v4 =	vld.idx.msk [tilespmem:v5+s14+$0x0], $0xffff  }
0x92: {  	v5 =	vor.u32 s22, v3;
	_ =	sdelay $0x3  }
0x93: {  	[tilespmem:s23+$0x4320] =	vst v4  }
0x94: {  	v4 =	vld.idx.msk [tilespmem:v5+s14+$0x0], $0xffff;
	_ =	sdelay $0x4  }
0x95: {  	[tilespmem:s23+$0x4330] =	vst v4  }
0x96: {  	v4 =	vld [tilespmem:s21+$0x2];
	_ =	sdelay $0x4  }
0x97: {  	(v2sf) =	vpush v4, $0x0;
	_ =	sdelay $0xe  }
0x98: {  	s28 =	spop (v2sf)  }
0x99: {  	s22 =	sshra.s32 s28, $0xA  }
0x9a: {  	p0 =	slt.s32 s22, $0xF41C0  }
0x9b: {  	s22 =	simm.s32 @!p0 $0xF41C0  }
0x9c: {  	s22 =	sand.u32 $0xFFFFF80, s22  }
0x9d: {  	s22 =	sadd.s32 s3, s22  }
0x9e: {  	[tilespmem:s14], [sflag:$0x1] =	stream.strided.gather [hbm4b:s22+s10], $0x2000, s13, s10, $0x38;
	[tilespmem:$0x8700] =	vst v63  }
0x9f: {  	_ =	swait.ge [sflag:s17], $0x2000  }
0xa0: {  	[sflag:s17] =	ssyncset.done $0x0  }
0xa1: {  	[sflag:s17] =	ssyncadd.s32 $0xFFFFE000  }
0xa2: {  	v4 =	vld [tilespmem:s21+$0xFFFFFFFE];
	_ =	sdelay $0x4  }
0xa3: {  	(v2sf) =	vpush v4, $0x0;
	_ =	sdelay $0xe  }
0xa4: {  	s29 =	spop (v2sf)  }
0xa5: {  	s30 =	sshra.s32 s29, $0xA  }
0xa6: {  	s22 =	sand.u32 $0xFFFFFF80, s30  }
0xa7: {  	p0 =	slt.s32 s22, $0xF41C0  }
0xa8: {  	s22 =	simm.s32 @!p0 $0xF41C0  }
0xa9: {  	s24 =	ssub.s32 s30, s22  }
0xaa: {  	p0 =	sgt.s32 s24, $0x0  }
0xab: {  	s24 =	simm.s32 @!p0 $0x0  }
0xac: {  	s24 =	smin.u32 s24, $0x7F  }
0xad: {  	v4 =	vor.u32 s24, v0;
	_ =	sdelay $0x4  }
0xae: {  	v4 =	vld.idx.msk [tilespmem:v4+s15+$0x0], $0xffff  }
0xaf: {  	v5 =	vor.u32 s24, v1;
	_ =	sdelay $0x1  }
0xb0: {  	s23 =	sshll.u32 s29, $0x7  }
0xb1: {  	s23 =	sand.u32 $0x1FF80, s23  }
0xb2: {  	[tilespmem:s23+$0x4300] =	vst v4  }
0xb3: {  	v4 =	vld.idx.msk [tilespmem:v5+s15+$0x0], $0xffff  }
0xb4: {  	v5 =	vor.u32 s24, v2;
	_ =	sdelay $0x3  }
0xb5: {  	[tilespmem:s23+$0x4310] =	vst v4  }
0xb6: {  	v4 =	vld.idx.msk [tilespmem:v5+s15+$0x0], $0xffff  }
0xb7: {  	v5 =	vor.u32 s24, v3;
	_ =	sdelay $0x3  }
0xb8: {  	[tilespmem:s23+$0x4320] =	vst v4  }
0xb9: {  	v4 =	vld.idx.msk [tilespmem:v5+s15+$0x0], $0xffff;
	_ =	sdelay $0x4  }
0xba: {  	[tilespmem:s23+$0x4330] =	vst v4  }
0xbb: {  	v4 =	vld [tilespmem:s21+$0xFFFFFFFF];
	_ =	sdelay $0x4  }
0xbc: {  	(v2sf) =	vpush v4, $0x0;
	_ =	sdelay $0xe  }
0xbd: {  	s31 =	spop (v2sf)  }
0xbe: {  	s25 =	sshra.s32 s31, $0xA  }
0xbf: {  	s24 =	ssub.s32 s25, s22  }
0xc0: {  	p0 =	sgt.s32 s24, $0x0  }
0xc1: {  	s24 =	simm.s32 @!p0 $0x0  }
0xc2: {  	s24 =	smin.u32 s24, $0x7F  }
0xc3: {  	v4 =	vor.u32 s24, v0;
	_ =	sdelay $0x4  }
0xc4: {  	v4 =	vld.idx.msk [tilespmem:v4+s15+$0x0], $0xffff  }
0xc5: {  	v5 =	vor.u32 s24, v1;
	_ =	sdelay $0x1  }
0xc6: {  	s23 =	sshll.u32 s31, $0x7  }
0xc7: {  	s23 =	sand.u32 $0x1FF80, s23  }
0xc8: {  	[tilespmem:s23+$0x4300] =	vst v4  }
0xc9: {  	v4 =	vld.idx.msk [tilespmem:v5+s15+$0x0], $0xffff  }
0xca: {  	v5 =	vor.u32 s24, v2;
	_ =	sdelay $0x3  }
0xcb: {  	[tilespmem:s23+$0x4310] =	vst v4  }
0xcc: {  	v4 =	vld.idx.msk [tilespmem:v5+s15+$0x0], $0xffff  }
0xcd: {  	v5 =	vor.u32 s24, v3;
	_ =	sdelay $0x3  }
0xce: {  	[tilespmem:s23+$0x4320] =	vst v4  }
0xcf: {  	v4 =	vld.idx.msk [tilespmem:v5+s15+$0x0], $0xffff;
	_ =	sdelay $0x4  }
0xd0: {  	[tilespmem:s23+$0x4330] =	vst v4  }
0xd1: {  	v4 =	vld [tilespmem:s21+$0x0];
	_ =	sdelay $0x4  }
0xd2: {  	(v2sf) =	vpush v4, $0x0;
	_ =	sdelay $0xe  }
0xd3: {  	s26 =	spop (v2sf)  }
0xd4: {  	s28 =	sshra.s32 s26, $0xA  }
0xd5: {  	s24 =	ssub.s32 s28, s22  }
0xd6: {  	p0 =	sgt.s32 s24, $0x0  }
0xd7: {  	s24 =	simm.s32 @!p0 $0x0  }
0xd8: {  	s24 =	smin.u32 s24, $0x7F  }
0xd9: {  	v4 =	vor.u32 s24, v0;
	_ =	sdelay $0x4  }
0xda: {  	v4 =	vld.idx.msk [tilespmem:v4+s15+$0x0], $0xffff  }
0xdb: {  	v5 =	vor.u32 s24, v1;
	_ =	sdelay $0x1  }
0xdc: {  	s23 =	sshll.u32 s26, $0x7  }
0xdd: {  	s23 =	sand.u32 $0x1FF80, s23  }
0xde: {  	[tilespmem:s23+$0x4300] =	vst v4  }
0xdf: {  	v4 =	vld.idx.msk [tilespmem:v5+s15+$0x0], $0xffff  }
0xe0: {  	v5 =	vor.u32 s24, v2;
	_ =	sdelay $0x3  }
0xe1: {  	[tilespmem:s23+$0x4310] =	vst v4  }
0xe2: {  	v4 =	vld.idx.msk [tilespmem:v5+s15+$0x0], $0xffff  }
0xe3: {  	v5 =	vor.u32 s24, v3;
	_ =	sdelay $0x3  }
0xe4: {  	[tilespmem:s23+$0x4320] =	vst v4  }
0xe5: {  	v4 =	vld.idx.msk [tilespmem:v5+s15+$0x0], $0xffff;
	_ =	sdelay $0x4  }
0xe6: {  	[tilespmem:s23+$0x4330] =	vst v4  }
0xe7: {  	v4 =	vld [tilespmem:s21+$0x1];
	_ =	sdelay $0x4  }
0xe8: {  	(v2sf) =	vpush v4, $0x0;
	_ =	sdelay $0xe  }
0xe9: {  	s29 =	spop (v2sf)  }
0xea: {  	s30 =	sshra.s32 s29, $0xA  }
0xeb: {  	s22 =	ssub.s32 s30, s22  }
0xec: {  	p0 =	sgt.s32 s22, $0x0  }
0xed: {  	s22 =	simm.s32 @!p0 $0x0  }
0xee: {  	s22 =	smin.u32 s22, $0x7F  }
0xef: {  	v4 =	vor.u32 s22, v0;
	_ =	sdelay $0x4  }
0xf0: {  	v4 =	vld.idx.msk [tilespmem:v4+s15+$0x0], $0xffff  }
0xf1: {  	v5 =	vor.u32 s22, v1;
	_ =	sdelay $0x1  }
0xf2: {  	s23 =	sshll.u32 s29, $0x7  }
0xf3: {  	s23 =	sand.u32 $0x1FF80, s23  }
0xf4: {  	[tilespmem:s23+$0x4300] =	vst v4  }
0xf5: {  	v4 =	vld.idx.msk [tilespmem:v5+s15+$0x0], $0xffff  }
0xf6: {  	v5 =	vor.u32 s22, v2;
	_ =	sdelay $0x3  }
0xf7: {  	[tilespmem:s23+$0x4310] =	vst v4  }
0xf8: {  	v4 =	vld.idx.msk [tilespmem:v5+s15+$0x0], $0xffff  }
0xf9: {  	v5 =	vor.u32 s22, v3;
	_ =	sdelay $0x3  }
0xfa: {  	[tilespmem:s23+$0x4320] =	vst v4  }
0xfb: {  	v4 =	vld.idx.msk [tilespmem:v5+s15+$0x0], $0xffff;
	_ =	sdelay $0x4  }
0xfc: {  	[tilespmem:s23+$0x4330] =	vst v4  }
0xfd: {  	v4 =	vld [tilespmem:s21+$0x6];
	_ =	sdelay $0x4  }
0xfe: {  	(v2sf) =	vpush v4, $0x0;
	_ =	sdelay $0xe  }
0xff: {  	s31 =	spop (v2sf)  }
0x100: {  	s22 =	sshra.s32 s31, $0xA  }
0x101: {  	p0 =	slt.s32 s22, $0xF41C0  }
0x102: {  	s22 =	simm.s32 @!p0 $0xF41C0;
	p0 =	sne.s32 s20, $0x1  }
.Ltmp3:
0x103: {  	_ = 	snop;
	(pc) =	sbr.rel @p0 .LBB2_2-.Ltmp3, $4  }
0x104: {  	_ = 	snop  }
0x105: {  	s22 =	sand.u32 $0xFFFFF80, s22  }
0x106: {  	s21 =	sadd.s32 $0x8, s21;
	s20 =	sadd.s32 $0xFFFFFFFF, s20;
	s22 =	sadd.s32 s3, s22  }
0x107: {  	[tilespmem:s15], [sflag:$0x2] =	stream.strided.gather [hbm4b:s22+s10], $0x2000, s13, s10, $0x38;
	[tilespmem:$0x8700] =	vst v63  }
.Ltmp4:
0x108: {  	_ = 	snop;
	(pc) =	sbr.rel .LBB2_3-.Ltmp4, $1  }
0x109: {  	_ =	sdelay $0x3  }
.LBB2_4:
0x10a: {  	_ =	sfence.sel $0x180000  }
0x10b: {  	[bflag:$0x0] =	sbarrier.arrive $0xFFFF  }
0x10c: {  	p0 =	sne.s32 s0, $0x0;
	_ =	strace $0x90000053  }
0x10d: {  	s0 =	sadd.s32 @!p0 $0x100000, s1;
	[bflag:$0x2] =	sbarrier.arrive $0xFFFF  }
0x10e: {  	[sflag:s0] =	ssyncadd.tile.s32 @!p0 $0x1;
	_ =	shalt  }
.Lfunc_end2:
_tile_overlayer_lowered:
.L_overlay_start_2:
0x10f: {  	(tag) =	ssettag $0x2  }
0x110: {  	s0 =	rddreg [dreg:$0x0];
	s2 =	stileid.u32  }
0x111: {  	s1 =	rddreg [dreg:$0x1];
	p0 =	sne.s32 s2, $0x0  }
0x112: {  	s3 =	rddreg [dreg:$0x2];
	[bflag:$0x3] =	sbarrier.arrive $0xFFFF;
	s2 =	simm.s32 @!p0 $0x1C03  }
0x113: {  	[timem:s3], [sflag:s2] =	dma.local @!p0 [hbm:s0], s1  }
0x114: {  	s0 =	simm.s32 @!p0 $0x3  }
0x115: {  	_ =	swait.ge @!p0 [sflag:s0], s1  }
0x116: {  	s1 =	ssub.s32 @!p0 $0x0, s1;
	[sflag:s0] =	ssyncset.done @!p0 $0x0  }
0x117: {  	[sflag:s0] =	ssyncadd.s32 @!p0 s1  }
0x118: {  	[bflag:$0x3] =	sbarrier.arrive $0xFFFF  }
0x119: {  	_ =	shalt  }

// kernel: kernel.6.cloned.1.call-start
scs
__scs_entry_jumppad:
0x0: {  	(pc) =	sbr.rel $0x88, $3  }
0x1: {  	(tag) =	ssettag $0x0;
	lr =	simm.s32 $0x1  }
0x2: {  	[smem:$0x3F98] =	sst lr;
	_ =	strace $0xD0000000  }
0x3: {  	_ = 	snop  }
0x4: {  	_ = 	snop  }
0x5: {  	_ = 	snop  }
0x6: {  	_ = 	snop  }
0x7: {  	_ = 	snop  }
__scs_overlays_trampoline_lowered:
0x8: {  	[smem:$0x3FA7] =	sst s0  }
0x9: {  	[smem:$0x3FA8] =	sst s1  }
0xa: {  	[smem:$0x3FA9] =	sst s2  }
0xb: {  	[smem:$0x3FAA] =	sst s3  }
0xc: {  	[smem:$0x3FAB] =	sst s4  }
0xd: {  	[smem:$0x3FAC] =	sst s5  }
0xe: {  	[smem:$0x3FAD] =	sst s6  }
0xf: {  	[smem:$0x3FAE] =	sst s7  }
0x10: {  	[smem:$0x3FAF] =	sst s8  }
0x11: {  	[smem:$0x3FB0] =	sst s9;
	s0 =	simm.s32 @!p0 $0x0  }
0x12: {  	s1 =	sld [smem:$0x3F96];
	s0 =	simm.s32 @p0 $0x1  }
0x13: {  	[smem:$0x3FB1] =	sst s0;
	s0 =	simm.s32 @!p1 $0x0  }
0x14: {  	s2 =	sld [smem:$0x3F95];
	s0 =	simm.s32 @p1 $0x1  }
0x15: {  	[smem:$0x3FB2] =	sst s0;
	s0 =	simm.s32 @!p2 $0x0  }
0x16: {  	s3 =	sld [smem:$0x3FDB];
	s0 =	simm.s32 @p2 $0x1  }
0x17: {  	s4 =	simm.s32 $0x1BF5;
	[smem:$0x3FB4] =	sst s0  }
0x18: {  	s0 =	sld [smem:$0x3F97];
	_ =	swait.ge [sflag:s4], $0x0  }
0x19: {  	s7 =	sld [smem:$0x3F98]  }
0x1a: {  	s8 =	sadd.s32 $0xFFFFE003, lr  }
0x1b: {  	s9 =	sadd.s32 $0xFFFFFEF7, lr;
	s5 =	simm.s32 $0xFFFFFFFF;
	p2 =	slt.u32 s8, $0xFFFFF086  }
0x1c: {  	p1 =	slt.u32 s9, $0xF7A;
	s5 =	simm.s32 @!p2 $0x0  }
0x1d: {  	s5 =	simm.s32 @p1 $0x1;
	p0 =	seq.s32 s7, s2  }
0x1e: {  	s7 =	smul.u32 @!p0 $0xF7A, s2;
	p2 =	seq.s32 @!p0 s5, $0x0  }
0x1f: {  	s9 =	smul.u32 $0xF7A, s1;
	s8 =	simm.s32 @!p0 $0x1BF5;
	p2 =	por !p2, p0  }
0x20: {  	[sflag:s8] =	ssyncset.s32 @!p0 $0xFFFFF086;
	s6 =	sadd.s32 @!p0 s3, s7;
	s7 =	simm.s32 @!p0 $0x108  }
0x21: {  	s3 =	sadd.s32 s3, s9;
	s6 =	sadd.s32 @!p0 $0x88, s6;
	s7 =	simm.s32 @p2 $0x1082  }
0x22: {  	[simem:s7], [sflag:s8] =	dma.local @!p0 [hbm:s6], $0xF7A  }
0x23: {  	s9 =	sor.u32 $0xD0000000, s2;
	s6 =	simm.s32 $0x108;
	_ =	swait.ge @!p0 [sflag:s8], $0x0  }
0x24: {  	s3 =	sadd.s32 $0x88, s3;
	s6 =	simm.s32 @!p1 $0x1082;
	[sflag:s4] =	ssyncset.s32 $0xFFFFF086  }
0x25: {  	[simem:s6], [sflag:s4] =	dma.local [hbm:s3], $0xF7A  }
0x26: {  	[smem:$0x3F98] =	sst s1;
	(tag) =	ssettag s2;
	_ =	strace s9  }
0x27: {  	s1 =	sld [smem:$0x3FA8]  }
0x28: {  	s2 =	sld [smem:$0x3FA9]  }
0x29: {  	s4 =	sld [smem:$0x3FAB]  }
0x2a: {  	p0 =	seq.s32 s5, $0x0;
	s5 =	sld [smem:$0x3FAC]  }
0x2b: {  	s6 =	sld [smem:$0x3FAD]  }
0x2c: {  	s7 =	sld [smem:$0x3FAE]  }
0x2d: {  	s3 =	simm.s32 $0x108;
	s8 =	sld [smem:$0x3FAF]  }
0x2e: {  	s3 =	simm.s32 @!p0 $0x1082;
	s9 =	sld [smem:$0x3FB0]  }
0x2f: {  	lr =	sadd.s32 s0, s3;
	s0 =	sld [smem:$0x3FA7]  }
0x30: {  	s3 =	sld [smem:$0x3FAA]  }
0x31: {  	[smem:$0x3FB3] =	sst s10  }
0x32: {  	s10 =	sld [smem:$0x3FB1];
	_ =	sdelay $0x3  }
0x33: {  	p0 =	seq.s32 s10, $0x1;
	s10 =	sld [smem:$0x3FB3];
	_ =	sdelay $0x3  }
0x34: {  	[smem:$0x3FB3] =	sst s10  }
0x35: {  	s10 =	sld [smem:$0x3FB2];
	_ =	sdelay $0x3  }
0x36: {  	p1 =	seq.s32 s10, $0x1;
	s10 =	sld [smem:$0x3FB3];
	_ =	sdelay $0x3  }
0x37: {  	[smem:$0x3FB3] =	sst s10  }
0x38: {  	s10 =	sld [smem:$0x3FB4]  }
0x39: {  	_ = 	snop;
	(pc) =	sbr.ind lr, $3  }
0x3a: {  	_ = 	snop  }
0x3b: {  	_ = 	snop  }
0x3c: {  	p2 =	seq.s32 s10, $0x1;
	s10 =	sld [smem:$0x3FB3]  }
0x3d: {  	_ =	shalt  }
0x3e: {  	_ =	shalt  }
0x3f: {  	_ =	shalt  }
0x40: {  	_ =	shalt  }
0x41: {  	_ =	shalt  }
0x42: {  	_ =	shalt  }
0x43: {  	_ =	shalt  }
0x44: {  	_ =	shalt  }
0x45: {  	_ =	shalt  }
0x46: {  	_ =	shalt  }
0x47: {  	_ =	shalt  }
0x48: {  	_ =	shalt  }
0x49: {  	_ =	shalt  }
0x4a: {  	_ =	shalt  }
0x4b: {  	_ =	shalt  }
0x4c: {  	_ =	shalt  }
0x4d: {  	_ =	shalt  }
0x4e: {  	_ =	shalt  }
0x4f: {  	_ =	shalt  }
0x50: {  	_ =	shalt  }
0x51: {  	_ =	shalt  }
0x52: {  	_ =	shalt  }
0x53: {  	_ =	shalt  }
0x54: {  	_ =	shalt  }
0x55: {  	_ =	shalt  }
0x56: {  	_ =	shalt  }
0x57: {  	_ =	shalt  }
0x58: {  	_ =	shalt  }
0x59: {  	_ =	shalt  }
0x5a: {  	_ =	shalt  }
0x5b: {  	_ =	shalt  }
0x5c: {  	_ =	shalt  }
0x5d: {  	_ =	shalt  }
0x5e: {  	_ =	shalt  }
0x5f: {  	_ =	shalt  }
0x60: {  	_ =	shalt  }
0x61: {  	_ =	shalt  }
0x62: {  	_ =	shalt  }
0x63: {  	_ =	shalt  }
0x64: {  	_ =	shalt  }
0x65: {  	_ =	shalt  }
0x66: {  	_ =	shalt  }
0x67: {  	_ =	shalt  }
0x68: {  	_ =	shalt  }
0x69: {  	_ =	shalt  }
0x6a: {  	_ =	shalt  }
0x6b: {  	_ =	shalt  }
0x6c: {  	_ =	shalt  }
0x6d: {  	_ =	shalt  }
0x6e: {  	_ =	shalt  }
0x6f: {  	_ =	shalt  }
0x70: {  	_ =	shalt  }
0x71: {  	_ =	shalt  }
0x72: {  	_ =	shalt  }
0x73: {  	_ =	shalt  }
0x74: {  	_ =	shalt  }
0x75: {  	_ =	shalt  }
0x76: {  	_ =	shalt  }
0x77: {  	_ =	shalt  }
0x78: {  	_ =	shalt  }
0x79: {  	_ =	shalt  }
0x7a: {  	_ =	shalt  }
0x7b: {  	_ =	shalt  }
0x7c: {  	_ =	shalt  }
0x7d: {  	_ =	shalt  }
0x7e: {  	_ =	shalt  }
0x7f: {  	_ =	shalt  }
0x80: {  	_ =	shalt  }
0x81: {  	_ =	shalt  }
0x82: {  	_ =	shalt  }
0x83: {  	_ =	shalt  }
0x84: {  	_ =	shalt  }
0x85: {  	_ =	shalt  }
0x86: {  	_ =	shalt  }
0x87: {  	_ =	shalt  }
.Lfunc_end0:
.L_simem_size_0:
called_computation.6_lowered:
.L_overlay_start_0:
0x88: {  	s2 =	sld [smem:$0x3FD9]  }
0x89: {  	s3 =	sld [smem:$0x3FFE];
	_ =	sdelay $0x1  }
0x8a: {  	s1 =	srdreg.scid  }
0x8b: {  	s0 =	sand.u32 $0x1, s1  }
0x8c: {  	s17 =	sshll.u32 s0, $0xA;
	s2 =	sadd.s32 s3, s2  }
0x8d: {  	s2 =	sadd.s32 s2, s17  }
0x8e: {  	[smem:$0x3FBF] =	sst s2  }
0x8f: {  	_ = 	snop  }
0x90: {  	s18 =	sld [smem:$0x3FC5]  }
0x91: {  	s4 =	sld [smem:$0x3FD0];
	(tm) =	ssettm $0x1  }
0x92: {  	s19 =	sld [smem:$0x3FFB];
	_ =	sdelay $0x3  }
0x93: {  	_ =	strace s19  }
0x94: {  	s2 =	sld [smem:$0x3FFC];
	_ =	sdelay $0x3  }
0x95: {  	_ =	strace s2  }
0x96: {  	s2 =	sld [smem:$0x3FFD];
	_ =	sdelay $0x3  }
0x97: {  	_ =	strace s2  }
0x98: {  	_ =	strace $0x8FFFFFFF  }
0x99: {  	s20 =	sld [smem:$0x3FDB];
	_ =	sdelay $0x1  }
0x9a: {  	s5 =	simm.s32 $_scs_section_size  }
0x9b: {  	s6 =	simm.s32 $_size__tile_overlayer_lowered;
	s7 =	simm.s32 $_tile_overlayer_lowered  }
0x9c: {  	s8 =	simm.s32 $0x1BFF;
	s21 =	sshll.u32 s7, $0x1;
	s5 =	sadd.s32 s5, s20  }
0x9d: {  	s22 =	simm.s32 $0x0;
	s6 =	sshll.u32 s6, $0x1;
	s7 =	sadd.s32 s21, s5  }
0x9e: {  	[timem:s22], [sflag:s8] =	dma.local [hbm:s7], s6  }
0x9f: {  	_ =	swait.ge [sflag:s8], s6  }
0xa0: {  	s6 =	ssub.s32 $0x0, s6;
	[sflag:s8] =	ssyncset.done $0x0  }
0xa1: {  	[sflag:s8] =	ssyncadd.s32 s6;
	_ =	sdelay $0x1  }
0xa2: {  	s23 =	simm.s32 $0x1B8B  }
0xa3: {  	_ =	swait.ge [sflag:s23], $0x1  }
0xa4: {  	[sflag:s23] =	ssyncset.done $0x0  }
0xa5: {  	[sflag:s23] =	ssyncadd.s32 $0xFFFFFFFF  }
0xa6: {  	s6 =	sld [smem:$0x0]  }
0xa7: {  	s7 =	sand.u32 $0xFFFFFFFE, s1  }
0xa8: {  	p0 =	sne.s32 s1, s7  }
0xa9: {  	s7 =	sshll.u32 @p0 s7, $0xE  }
0xaa: {  	s7 =	sadd.s32 @p0 $0x11B8D, s7;
	s8 =	sshll.u32 @p0 s6, $0x11  }
0xab: {  	s7 =	sor.u32 @p0 s8, s7  }
0xac: {  	[sflag:s7] =	ssyncadd.remote.s32 @p0 $0x1;
	_ =	sdelay $0x1  }
0xad: {  	s7 =	simm.s32 @p0 $0x1B8D  }
0xae: {  	_ =	swait.eq @p0 [sflag:s7], $0x1  }
0xaf: {  	[sflag:s7] =	ssyncadd.s32 @p0 $0xFFFFFFFF  }
0xb0: {  	s8 =	sshll.u32 @!p0 s1, $0xE  }
0xb1: {  	s8 =	sor.u32 @!p0 $0x4000, s8;
	s7 =	simm.s32 @!p0 $0x1B8D  }
0xb2: {  	s6 =	sshll.u32 @!p0 s6, $0x11;
	s8 =	sadd.s32 @!p0 $0x11B8D, s8;
	_ =	swait.eq @!p0 [sflag:s7], $0x1  }
0xb3: {  	s6 =	sor.u32 @!p0 s6, s8;
	[sflag:s7] =	ssyncadd.s32 @!p0 $0xFFFFFFFF  }
0xb4: {  	s25 =	simm.s32 $0x1B8E;
	s24 =	sld [smem:$0x3FFE];
	[sflag:s6] =	ssyncadd.remote.s32 @!p0 $0x1  }
0xb5: {  	s26 =	simm.s32 $execute0_lowered;
	[smem:$0x3FD2] =	sst s25  }
0xb6: {  	s7 =	sshll.u32 s26, $0x1;
	_ =	strace $0x80000055;
	[dreg:$0x1] =	wrdreg $0xFFFFFFFF  }
0xb7: {  	s28 =	simm.s32 $_size_execute0_lowered;
	s5 =	sadd.s32 s5, s7;
	[dreg:$0x0] =	wrdreg $0x0  }
0xb8: {  	s7 =	sshll.u32 s28, $0x1;
	[dreg:$0x2] =	wrdreg s5  }
0xb9: {  	[dreg:$0x3] =	wrdreg s7  }
0xba: {  	[dreg:$0x4] =	wrdreg $0xC0  }
0xbb: {  	_ =	task [dreg:s22], $0x5FFFF  }
0xbc: {  	[dreg:$0x1] =	wrdreg $0xFFFFFFFF  }
0xbd: {  	[dreg:$0x0] =	wrdreg $0x60  }
0xbe: {  	[dreg:$0x2] =	wrdreg s24  }
0xbf: {  	[dreg:$0x3] =	wrdreg s4  }
0xc0: {  	[dreg:$0x4] =	wrdreg s18  }
0xc1: {  	[dreg:$0x5] =	wrdreg $0xB  }
0xc2: {  	_ =	task.clear_ibuf [dreg:s22], $0x6FFFF;
	_ =	strace $0x90000055  }
0xc3: {  	s29 =	simm.s32 $0xB;
	_ =	strace $0x80000057  }
0xc4: {  	_ =	swait.ge [sflag:s29], $0x1  }
0xc5: {  	[sflag:s29] =	ssyncadd.s32 $0xFFFFFFFF  }
0xc6: {  	_ =	strace $0x90000057  }
0xc7: {  	_ =	sfence  }
0xc8: {  	s30 =	sld [smem:$0x0];
	_ =	sdelay $0x2  }
0xc9: {  	s31 =	sshll.u32 s1, $0xD;
	s1 =	sshrl.u32 s1, $0x2  }
0xca: {  	s4 =	sand.u32 $0x4000, s31;
	s1 =	sadd.s32 s1, s30  }
0xcb: {  	s0 =	sor.u32 s4, s0;
	s1 =	sshll.u32 s1, $0x11  }
0xcc: {  	s0 =	sor.u32 s1, s0  }
0xcd: {  	s0 =	sadd.s32 $0x8F2B, s0  }
0xce: {  	[sflag:s0] =	ssyncadd.remote.s32 $0x1  }
0xcf: {  	_ =	sfence.sel $0xFFFF  }
0xd0: {  	[dreg:$0x0] =	wrdreg $0xFFFFFFFF;
	(pc) =	sbr.abs _section_cstart, $3  }
0xd1: {  	[dreg:$0x1] =	wrdreg $0xFFFFFFFF  }
0xd2: {  	_ =	task.clear_ibuf [dreg:s22], $0x2FFFF;
	_ =	strace $0x9FFFFFFF  }
0xd3: {  	(tm) =	ssettm $0x7FFFFFFF  }
tec
execute0_lowered:
.L_overlay_start_1:
0x0: {  	(tag) =	ssettag $0x1  }
0x1: {  	s6 =	rddreg [dreg:$0x0]  }
0x2: {  	s2 =	rddreg [dreg:$0x1];
	s1 =	srdreg.scid  }
0x3: {  	s0 =	stileid.u32;
	s3 =	rddreg [dreg:$0x2];
	s5 =	simm.s32 $0x0  }
0x4: {  	s11 =	simm.s32 $0x3;
	s12 =	simm.s32 $0x880;
	s13 =	simm.s32 $0x7A1400  }
0x5: {  	s14 =	simm.s32 $0x900;
	s15 =	simm.s32 $0x2900;
	s16 =	simm.s32 $0x1  }
0x6: {  	s17 =	simm.s32 $0x2;
	s18 =	simm.s32 $0x4900;
	s19 =	simm.s32 $0x0  }
0x7: {  	s7 =	sand.u32 $0x1, s1;
	s4 =	sshll.u32 s0, $0x1;
	s1 =	rddreg [dreg:$0x3]  }
0x8: {  	s8 =	sshrl.u32 s0, $0x2;
	[smem:$0x7FF] =	sst s5;
	s4 =	sor.u32 s7, s4  }
0x9: {  	s8 =	smul.u32 $0x4400, s8;
	_ =	strace $0x80000056;
	s9 =	sshll.u32 s4, $0x7  }
.Ltmp0:
0xa: {  	s7 =	ssub.s32 $0x2, s7;
	s9 =	sand.u32 $0x380, s9;
	(pc) =	sbr.rel .LBB2_1-.Ltmp0, $4  }
0xb: {  	v0 =	vlaneseq.u32;
	s30 =	sshll.u32 s4, $0xD;
	s31 =	sshrl.u32 s7, $0x1;
	s8 =	sor.u32 s8, s9  }
0xc: {  	v0 =	vmul.u32 $0x80, v0;
	s10 =	ssub.s32 s7, s31;
	s9 =	sadd.s32 s30, s6;
	s8 =	sshrl.u32 s8, $0x3  }
0xd: {  	s7 =	sadd.s32 $0x16C00, s9;
	s9 =	simm.s32 $0x80;
	s8 =	sadd.s32 s8, s6  }
0xe: {  	v1 =	vor.u32 $0x800, v0;
	v2 =	vor.u32 $0x1000, v0;
	v3 =	vor.u32 $0x1800, v0;
	s6 =	sadd.s32 $0x14A00, s8;
	s8 =	smax.u32 s10, $0x1;
	s10 =	simm.s32 $0x400  }
.LBB2_3:
0xf: {  	_ =	swait.ge [sflag:s16], $0x2000  }
0x10: {  	[sflag:s16] =	ssyncset.done $0x0  }
0x11: {  	[sflag:s16] =	ssyncadd.s32 $0xFFFFE000  }
0x12: {  	s19 =	sadd.s32 $0x1, s19;
	_ =	swait.ge [sflag:s17], $0x2000  }
0x13: {  	p0 =	sne.s32 s19, s8;
	[sflag:s17] =	ssyncset.done $0x0  }
.Ltmp1:
0x14: {  	[sflag:s17] =	ssyncadd.s32 $0xFFFFE000;
	(pc) =	sbr.rel @!p0 .LBB2_4-.Ltmp1, $4  }
0x15: {  	[hbm4b:s7+s5] =	stream.linear.scatter [tilespmem:s18], [sflag:$0x3], $0x10000, $0x38;
	[tilespmem:$0x14D00] =	vst v63  }
0x16: {  	_ =	swait.ge [sflag:s11], $0x10000  }
0x17: {  	[sflag:s11] =	ssyncset.done $0x0  }
0x18: {  	[sflag:s11] =	ssyncadd.s32 $0xFFFF0000  }
.LBB2_1:
0x19: {  	[tilespmem:s5], [sflag:$0x3] =	stream.strided.gather [hbm4b:s6+s9], $0x880, s10, s9, $0x38;
	[tilespmem:$0x14D00] =	vst v63  }
0x1a: {  	_ =	swait.ge [sflag:s11], $0x880  }
0x1b: {  	[sflag:s11] =	ssyncset.done $0x0  }
0x1c: {  	[sflag:s11] =	ssyncadd.s32 $0xFFFFF780  }
0x1d: {  	[tilespmem:s12], [sflag:$0x3] =	stream.linear.gather [hbm4b:s2+s5], $0x80, $0x38;
	[tilespmem:$0x14D00] =	vst v63  }
0x1e: {  	_ =	swait.ge [sflag:s11], $0x80  }
0x1f: {  	[sflag:s11] =	ssyncset.done $0x0  }
0x20: {  	[sflag:s11] =	ssyncadd.s32 $0xFFFFFF80  }
0x21: {  	v4 =	vld [tilespmem:s4+$0x880]  }
0x22: {  	v5 =	vld [tilespmem:$0x0];
	_ =	sdelay $0x3  }
0x23: {  	(v2sf) =	vpush v4, $0x0  }
0x24: {  	(v2sf) =	vpush v5, $0x0;
	_ =	sdelay $0xd  }
0x25: {  	s20 =	spop (v2sf)  }
0x26: {  	s21 =	spop (v2sf)  }
0x27: {  	s21 =	sshra.s32 s21, $0xA  }
0x28: {  	p0 =	slt.s32 s21, $0xF41C0  }
0x29: {  	s21 =	simm.s32 @!p0 $0xF41C0  }
0x2a: {  	s21 =	sand.u32 $0xFFFFF80, s21  }
0x2b: {  	s21 =	sadd.s32 s3, s21  }
0x2c: {  	[tilespmem:s14], [sflag:$0x1] =	stream.strided.gather [hbm4b:s21+s10], $0x2000, s13, s10, $0x38;
	[tilespmem:$0x14D00] =	vst v63  }
0x2d: {  	v4 =	vld [tilespmem:$0x4];
	_ =	sdelay $0x4  }
0x2e: {  	(v2sf) =	vpush v4, $0x0;
	_ =	sdelay $0xe  }
0x2f: {  	s31 =	spop (v2sf)  }
0x30: {  	s21 =	sshra.s32 s31, $0xA  }
0x31: {  	p0 =	slt.s32 s21, $0xF41C0  }
0x32: {  	s21 =	simm.s32 @!p0 $0xF41C0;
	p0 =	slt.s32 s20, $0x1  }
.Ltmp2:
0x33: {  	_ = 	snop;
	(pc) =	sbr.rel @p0 .LBB2_3-.Ltmp2, $4  }
0x34: {  	s21 =	sand.u32 $0xFFFFF80, s21  }
0x35: {  	s21 =	sadd.s32 s3, s21  }
0x36: {  	[tilespmem:s15], [sflag:$0x2] =	stream.strided.gather [hbm4b:s21+s10], $0x2000, s13, s10, $0x38;
	[tilespmem:$0x14D00] =	vst v63  }
0x37: {  	s21 =	simm.s32 $0x6  }
.LBB2_2:
0x38: {  	_ =	swait.ge [sflag:s16], $0x2000  }
0x39: {  	[sflag:s16] =	ssyncset.done $0x0  }
0x3a: {  	[sflag:s16] =	ssyncadd.s32 $0xFFFFE000  }
0x3b: {  	v4 =	vld [tilespmem:s21+$0xFFFFFFFA];
	_ =	sdelay $0x4  }
0x3c: {  	(v2sf) =	vpush v4, $0x0;
	_ =	sdelay $0xe  }
0x3d: {  	s23 =	spop (v2sf)  }
0x3e: {  	s24 =	sshra.s32 s23, $0xA  }
0x3f: {  	s22 =	sand.u32 $0xFFFFFF80, s24  }
0x40: {  	p0 =	slt.s32 s22, $0xF41C0  }
0x41: {  	s22 =	simm.s32 @!p0 $0xF41C0  }
0x42: {  	s24 =	ssub.s32 s24, s22  }
0x43: {  	p0 =	sgt.s32 s24, $0x0  }
0x44: {  	s24 =	simm.s32 @!p0 $0x0  }
0x45: {  	s24 =	smin.u32 s24, $0x7F  }
0x46: {  	v4 =	vor.u32 s24, v0;
	_ =	sdelay $0x4  }
0x47: {  	v4 =	vld.idx.msk [tilespmem:v4+s14+$0x0], $0xffff  }
0x48: {  	v5 =	vor.u32 s24, v1;
	_ =	sdelay $0x1  }
0x49: {  	s23 =	sshll.u32 s23, $0x7  }
0x4a: {  	s23 =	sand.u32 $0x1FF80, s23  }
0x4b: {  	[tilespmem:s23+$0x4900] =	vst v4  }
0x4c: {  	v4 =	vld.idx.msk [tilespmem:v5+s14+$0x0], $0xffff  }
0x4d: {  	v5 =	vor.u32 s24, v2;
	_ =	sdelay $0x3  }
0x4e: {  	[tilespmem:s23+$0x4910] =	vst v4  }
0x4f: {  	v4 =	vld.idx.msk [tilespmem:v5+s14+$0x0], $0xffff  }
0x50: {  	v5 =	vor.u32 s24, v3;
	_ =	sdelay $0x3  }
0x51: {  	[tilespmem:s23+$0x4920] =	vst v4  }
0x52: {  	v4 =	vld.idx.msk [tilespmem:v5+s14+$0x0], $0xffff;
	_ =	sdelay $0x4  }
0x53: {  	[tilespmem:s23+$0x4930] =	vst v4  }
0x54: {  	v4 =	vld [tilespmem:s21+$0xFFFFFFFB];
	_ =	sdelay $0x4  }
0x55: {  	(v2sf) =	vpush v4, $0x0;
	_ =	sdelay $0xe  }
0x56: {  	s28 =	spop (v2sf)  }
0x57: {  	s29 =	sshra.s32 s28, $0xA  }
0x58: {  	s24 =	ssub.s32 s29, s22  }
0x59: {  	p0 =	sgt.s32 s24, $0x0  }
0x5a: {  	s24 =	simm.s32 @!p0 $0x0  }
0x5b: {  	s24 =	smin.u32 s24, $0x7F  }
0x5c: {  	v4 =	vor.u32 s24, v0;
	_ =	sdelay $0x4  }
0x5d: {  	v4 =	vld.idx.msk [tilespmem:v4+s14+$0x0], $0xffff  }
0x5e: {  	v5 =	vor.u32 s24, v1;
	_ =	sdelay $0x1  }
0x5f: {  	s23 =	sshll.u32 s28, $0x7  }
0x60: {  	s23 =	sand.u32 $0x1FF80, s23  }
0x61: {  	[tilespmem:s23+$0x4900] =	vst v4  }
0x62: {  	v4 =	vld.idx.msk [tilespmem:v5+s14+$0x0], $0xffff  }
0x63: {  	v5 =	vor.u32 s24, v2;
	_ =	sdelay $0x3  }
0x64: {  	[tilespmem:s23+$0x4910] =	vst v4  }
0x65: {  	v4 =	vld.idx.msk [tilespmem:v5+s14+$0x0], $0xffff  }
0x66: {  	v5 =	vor.u32 s24, v3;
	_ =	sdelay $0x3  }
0x67: {  	[tilespmem:s23+$0x4920] =	vst v4  }
0x68: {  	v4 =	vld.idx.msk [tilespmem:v5+s14+$0x0], $0xffff;
	_ =	sdelay $0x4  }
0x69: {  	[tilespmem:s23+$0x4930] =	vst v4  }
0x6a: {  	v4 =	vld [tilespmem:s21+$0xFFFFFFFC];
	_ =	sdelay $0x4  }
0x6b: {  	(v2sf) =	vpush v4, $0x0;
	_ =	sdelay $0xe  }
0x6c: {  	s30 =	spop (v2sf)  }
0x6d: {  	s31 =	sshra.s32 s30, $0xA  }
0x6e: {  	s24 =	ssub.s32 s31, s22  }
0x6f: {  	p0 =	sgt.s32 s24, $0x0  }
0x70: {  	s24 =	simm.s32 @!p0 $0x0  }
0x71: {  	s24 =	smin.u32 s24, $0x7F  }
0x72: {  	v4 =	vor.u32 s24, v0;
	_ =	sdelay $0x4  }
0x73: {  	v4 =	vld.idx.msk [tilespmem:v4+s14+$0x0], $0xffff  }
0x74: {  	v5 =	vor.u32 s24, v1;
	_ =	sdelay $0x1  }
0x75: {  	s23 =	sshll.u32 s30, $0x7  }
0x76: {  	s23 =	sand.u32 $0x1FF80, s23  }
0x77: {  	[tilespmem:s23+$0x4900] =	vst v4  }
0x78: {  	v4 =	vld.idx.msk [tilespmem:v5+s14+$0x0], $0xffff  }
0x79: {  	v5 =	vor.u32 s24, v2;
	_ =	sdelay $0x3  }
0x7a: {  	[tilespmem:s23+$0x4910] =	vst v4  }
0x7b: {  	v4 =	vld.idx.msk [tilespmem:v5+s14+$0x0], $0xffff  }
0x7c: {  	v5 =	vor.u32 s24, v3;
	_ =	sdelay $0x3  }
0x7d: {  	[tilespmem:s23+$0x4920] =	vst v4  }
0x7e: {  	v4 =	vld.idx.msk [tilespmem:v5+s14+$0x0], $0xffff;
	_ =	sdelay $0x4  }
0x7f: {  	[tilespmem:s23+$0x4930] =	vst v4  }
0x80: {  	v4 =	vld [tilespmem:s21+$0xFFFFFFFD];
	_ =	sdelay $0x4  }
0x81: {  	(v2sf) =	vpush v4, $0x0;
	_ =	sdelay $0xe  }
0x82: {  	s25 =	spop (v2sf)  }
0x83: {  	s26 =	sshra.s32 s25, $0xA  }
0x84: {  	s22 =	ssub.s32 s26, s22  }
0x85: {  	p0 =	sgt.s32 s22, $0x0  }
0x86: {  	s22 =	simm.s32 @!p0 $0x0  }
0x87: {  	s22 =	smin.u32 s22, $0x7F  }
0x88: {  	v4 =	vor.u32 s22, v0;
	_ =	sdelay $0x4  }
0x89: {  	v4 =	vld.idx.msk [tilespmem:v4+s14+$0x0], $0xffff  }
0x8a: {  	v5 =	vor.u32 s22, v1;
	_ =	sdelay $0x1  }
0x8b: {  	s23 =	sshll.u32 s25, $0x7  }
0x8c: {  	s23 =	sand.u32 $0x1FF80, s23  }
0x8d: {  	[tilespmem:s23+$0x4900] =	vst v4  }
0x8e: {  	v4 =	vld.idx.msk [tilespmem:v5+s14+$0x0], $0xffff  }
0x8f: {  	v5 =	vor.u32 s22, v2;
	_ =	sdelay $0x3  }
0x90: {  	[tilespmem:s23+$0x4910] =	vst v4  }
0x91: {  	v4 =	vld.idx.msk [tilespmem:v5+s14+$0x0], $0xffff  }
0x92: {  	v5 =	vor.u32 s22, v3;
	_ =	sdelay $0x3  }
0x93: {  	[tilespmem:s23+$0x4920] =	vst v4  }
0x94: {  	v4 =	vld.idx.msk [tilespmem:v5+s14+$0x0], $0xffff;
	_ =	sdelay $0x4  }
0x95: {  	[tilespmem:s23+$0x4930] =	vst v4  }
0x96: {  	v4 =	vld [tilespmem:s21+$0x2];
	_ =	sdelay $0x4  }
0x97: {  	(v2sf) =	vpush v4, $0x0;
	_ =	sdelay $0xe  }
0x98: {  	s28 =	spop (v2sf)  }
0x99: {  	s22 =	sshra.s32 s28, $0xA  }
0x9a: {  	p0 =	slt.s32 s22, $0xF41C0  }
0x9b: {  	s22 =	simm.s32 @!p0 $0xF41C0  }
0x9c: {  	s22 =	sand.u32 $0xFFFFF80, s22  }
0x9d: {  	s22 =	sadd.s32 s3, s22  }
0x9e: {  	[tilespmem:s14], [sflag:$0x1] =	stream.strided.gather [hbm4b:s22+s10], $0x2000, s13, s10, $0x38;
	[tilespmem:$0x14D00] =	vst v63  }
0x9f: {  	_ =	swait.ge [sflag:s17], $0x2000  }
0xa0: {  	[sflag:s17] =	ssyncset.done $0x0  }
0xa1: {  	[sflag:s17] =	ssyncadd.s32 $0xFFFFE000  }
0xa2: {  	v4 =	vld [tilespmem:s21+$0xFFFFFFFE];
	_ =	sdelay $0x4  }
0xa3: {  	(v2sf) =	vpush v4, $0x0;
	_ =	sdelay $0xe  }
0xa4: {  	s29 =	spop (v2sf)  }
0xa5: {  	s30 =	sshra.s32 s29, $0xA  }
0xa6: {  	s22 =	sand.u32 $0xFFFFFF80, s30  }
0xa7: {  	p0 =	slt.s32 s22, $0xF41C0  }
0xa8: {  	s22 =	simm.s32 @!p0 $0xF41C0  }
0xa9: {  	s24 =	ssub.s32 s30, s22  }
0xaa: {  	p0 =	sgt.s32 s24, $0x0  }
0xab: {  	s24 =	simm.s32 @!p0 $0x0  }
0xac: {  	s24 =	smin.u32 s24, $0x7F  }
0xad: {  	v4 =	vor.u32 s24, v0;
	_ =	sdelay $0x4  }
0xae: {  	v4 =	vld.idx.msk [tilespmem:v4+s15+$0x0], $0xffff  }
0xaf: {  	v5 =	vor.u32 s24, v1;
	_ =	sdelay $0x1  }
0xb0: {  	s23 =	sshll.u32 s29, $0x7  }
0xb1: {  	s23 =	sand.u32 $0x1FF80, s23  }
0xb2: {  	[tilespmem:s23+$0x4900] =	vst v4  }
0xb3: {  	v4 =	vld.idx.msk [tilespmem:v5+s15+$0x0], $0xffff  }
0xb4: {  	v5 =	vor.u32 s24, v2;
	_ =	sdelay $0x3  }
0xb5: {  	[tilespmem:s23+$0x4910] =	vst v4  }
0xb6: {  	v4 =	vld.idx.msk [tilespmem:v5+s15+$0x0], $0xffff  }
0xb7: {  	v5 =	vor.u32 s24, v3;
	_ =	sdelay $0x3  }
0xb8: {  	[tilespmem:s23+$0x4920] =	vst v4  }
0xb9: {  	v4 =	vld.idx.msk [tilespmem:v5+s15+$0x0], $0xffff;
	_ =	sdelay $0x4  }
0xba: {  	[tilespmem:s23+$0x4930] =	vst v4  }
0xbb: {  	v4 =	vld [tilespmem:s21+$0xFFFFFFFF];
	_ =	sdelay $0x4  }
0xbc: {  	(v2sf) =	vpush v4, $0x0;
	_ =	sdelay $0xe  }
0xbd: {  	s31 =	spop (v2sf)  }
0xbe: {  	s25 =	sshra.s32 s31, $0xA  }
0xbf: {  	s24 =	ssub.s32 s25, s22  }
0xc0: {  	p0 =	sgt.s32 s24, $0x0  }
0xc1: {  	s24 =	simm.s32 @!p0 $0x0  }
0xc2: {  	s24 =	smin.u32 s24, $0x7F  }
0xc3: {  	v4 =	vor.u32 s24, v0;
	_ =	sdelay $0x4  }
0xc4: {  	v4 =	vld.idx.msk [tilespmem:v4+s15+$0x0], $0xffff  }
0xc5: {  	v5 =	vor.u32 s24, v1;
	_ =	sdelay $0x1  }
0xc6: {  	s23 =	sshll.u32 s31, $0x7  }
0xc7: {  	s23 =	sand.u32 $0x1FF80, s23  }
0xc8: {  	[tilespmem:s23+$0x4900] =	vst v4  }
0xc9: {  	v4 =	vld.idx.msk [tilespmem:v5+s15+$0x0], $0xffff  }
0xca: {  	v5 =	vor.u32 s24, v2;
	_ =	sdelay $0x3  }
0xcb: {  	[tilespmem:s23+$0x4910] =	vst v4  }
0xcc: {  	v4 =	vld.idx.msk [tilespmem:v5+s15+$0x0], $0xffff  }
0xcd: {  	v5 =	vor.u32 s24, v3;
	_ =	sdelay $0x3  }
0xce: {  	[tilespmem:s23+$0x4920] =	vst v4  }
0xcf: {  	v4 =	vld.idx.msk [tilespmem:v5+s15+$0x0], $0xffff;
	_ =	sdelay $0x4  }
0xd0: {  	[tilespmem:s23+$0x4930] =	vst v4  }
0xd1: {  	v4 =	vld [tilespmem:s21+$0x0];
	_ =	sdelay $0x4  }
0xd2: {  	(v2sf) =	vpush v4, $0x0;
	_ =	sdelay $0xe  }
0xd3: {  	s26 =	spop (v2sf)  }
0xd4: {  	s28 =	sshra.s32 s26, $0xA  }
0xd5: {  	s24 =	ssub.s32 s28, s22  }
0xd6: {  	p0 =	sgt.s32 s24, $0x0  }
0xd7: {  	s24 =	simm.s32 @!p0 $0x0  }
0xd8: {  	s24 =	smin.u32 s24, $0x7F  }
0xd9: {  	v4 =	vor.u32 s24, v0;
	_ =	sdelay $0x4  }
0xda: {  	v4 =	vld.idx.msk [tilespmem:v4+s15+$0x0], $0xffff  }
0xdb: {  	v5 =	vor.u32 s24, v1;
	_ =	sdelay $0x1  }
0xdc: {  	s23 =	sshll.u32 s26, $0x7  }
0xdd: {  	s23 =	sand.u32 $0x1FF80, s23  }
0xde: {  	[tilespmem:s23+$0x4900] =	vst v4  }
0xdf: {  	v4 =	vld.idx.msk [tilespmem:v5+s15+$0x0], $0xffff  }
0xe0: {  	v5 =	vor.u32 s24, v2;
	_ =	sdelay $0x3  }
0xe1: {  	[tilespmem:s23+$0x4910] =	vst v4  }
0xe2: {  	v4 =	vld.idx.msk [tilespmem:v5+s15+$0x0], $0xffff  }
0xe3: {  	v5 =	vor.u32 s24, v3;
	_ =	sdelay $0x3  }
0xe4: {  	[tilespmem:s23+$0x4920] =	vst v4  }
0xe5: {  	v4 =	vld.idx.msk [tilespmem:v5+s15+$0x0], $0xffff;
	_ =	sdelay $0x4  }
0xe6: {  	[tilespmem:s23+$0x4930] =	vst v4  }
0xe7: {  	v4 =	vld [tilespmem:s21+$0x1];
	_ =	sdelay $0x4  }
0xe8: {  	(v2sf) =	vpush v4, $0x0;
	_ =	sdelay $0xe  }
0xe9: {  	s29 =	spop (v2sf)  }
0xea: {  	s30 =	sshra.s32 s29, $0xA  }
0xeb: {  	s22 =	ssub.s32 s30, s22  }
0xec: {  	p0 =	sgt.s32 s22, $0x0  }
0xed: {  	s22 =	simm.s32 @!p0 $0x0  }
0xee: {  	s22 =	smin.u32 s22, $0x7F  }
0xef: {  	v4 =	vor.u32 s22, v0;
	_ =	sdelay $0x4  }
0xf0: {  	v4 =	vld.idx.msk [tilespmem:v4+s15+$0x0], $0xffff  }
0xf1: {  	v5 =	vor.u32 s22, v1;
	_ =	sdelay $0x1  }
0xf2: {  	s23 =	sshll.u32 s29, $0x7  }
0xf3: {  	s23 =	sand.u32 $0x1FF80, s23  }
0xf4: {  	[tilespmem:s23+$0x4900] =	vst v4  }
0xf5: {  	v4 =	vld.idx.msk [tilespmem:v5+s15+$0x0], $0xffff  }
0xf6: {  	v5 =	vor.u32 s22, v2;
	_ =	sdelay $0x3  }
0xf7: {  	[tilespmem:s23+$0x4910] =	vst v4  }
0xf8: {  	v4 =	vld.idx.msk [tilespmem:v5+s15+$0x0], $0xffff  }
0xf9: {  	v5 =	vor.u32 s22, v3;
	_ =	sdelay $0x3  }
0xfa: {  	[tilespmem:s23+$0x4920] =	vst v4  }
0xfb: {  	v4 =	vld.idx.msk [tilespmem:v5+s15+$0x0], $0xffff;
	_ =	sdelay $0x4  }
0xfc: {  	[tilespmem:s23+$0x4930] =	vst v4  }
0xfd: {  	v4 =	vld [tilespmem:s21+$0x6];
	_ =	sdelay $0x4  }
0xfe: {  	(v2sf) =	vpush v4, $0x0;
	_ =	sdelay $0xe  }
0xff: {  	s31 =	spop (v2sf)  }
0x100: {  	s22 =	sshra.s32 s31, $0xA  }
0x101: {  	p0 =	slt.s32 s22, $0xF41C0  }
0x102: {  	s22 =	simm.s32 @!p0 $0xF41C0;
	p0 =	sne.s32 s20, $0x1  }
.Ltmp3:
0x103: {  	_ = 	snop;
	(pc) =	sbr.rel @p0 .LBB2_2-.Ltmp3, $4  }
0x104: {  	_ = 	snop  }
0x105: {  	s22 =	sand.u32 $0xFFFFF80, s22  }
0x106: {  	s21 =	sadd.s32 $0x8, s21;
	s20 =	sadd.s32 $0xFFFFFFFF, s20;
	s22 =	sadd.s32 s3, s22  }
0x107: {  	[tilespmem:s15], [sflag:$0x2] =	stream.strided.gather [hbm4b:s22+s10], $0x2000, s13, s10, $0x38;
	[tilespmem:$0x14D00] =	vst v63  }
.Ltmp4:
0x108: {  	_ = 	snop;
	(pc) =	sbr.rel .LBB2_3-.Ltmp4, $1  }
0x109: {  	_ =	sdelay $0x3  }
.LBB2_4:
0x10a: {  	_ =	sfence.sel $0x180000  }
0x10b: {  	[bflag:$0x0] =	sbarrier.arrive $0xFFFF  }
0x10c: {  	p0 =	sne.s32 s0, $0x0;
	_ =	strace $0x90000056  }
0x10d: {  	s0 =	sadd.s32 @!p0 $0x100000, s1;
	[bflag:$0x2] =	sbarrier.arrive $0xFFFF  }
0x10e: {  	[sflag:s0] =	ssyncadd.tile.s32 @!p0 $0x1;
	_ =	shalt  }
.Lfunc_end2:
_tile_overlayer_lowered:
.L_overlay_start_2:
0x10f: {  	(tag) =	ssettag $0x2  }
0x110: {  	s0 =	rddreg [dreg:$0x0];
	s2 =	stileid.u32  }
0x111: {  	s1 =	rddreg [dreg:$0x1];
	p0 =	sne.s32 s2, $0x0  }
0x112: {  	s3 =	rddreg [dreg:$0x2];
	[bflag:$0x3] =	sbarrier.arrive $0xFFFF;
	s2 =	simm.s32 @!p0 $0x1C03  }
0x113: {  	[timem:s3], [sflag:s2] =	dma.local @!p0 [hbm:s0], s1  }
0x114: {  	s0 =	simm.s32 @!p0 $0x3  }
0x115: {  	_ =	swait.ge @!p0 [sflag:s0], s1  }
0x116: {  	s1 =	ssub.s32 @!p0 $0x0, s1;
	[sflag:s0] =	ssyncset.done @!p0 $0x0  }
0x117: {  	[sflag:s0] =	ssyncadd.s32 @!p0 s1  }
0x118: {  	[bflag:$0x3] =	sbarrier.arrive $0xFFFF  }
0x119: {  	_ =	shalt  }

// kernel: kernel.9.cloned.1.call-start
scs
__scs_entry_jumppad:
0x0: {  	(pc) =	sbr.rel $0x88, $3  }
0x1: {  	(tag) =	ssettag $0x0;
	lr =	simm.s32 $0x1  }
0x2: {  	[smem:$0x3F98] =	sst lr;
	_ =	strace $0xD0000000  }
0x3: {  	_ = 	snop  }
0x4: {  	_ = 	snop  }
0x5: {  	_ = 	snop  }
0x6: {  	_ = 	snop  }
0x7: {  	_ = 	snop  }
__scs_overlays_trampoline_lowered:
0x8: {  	[smem:$0x3FA7] =	sst s0  }
0x9: {  	[smem:$0x3FA8] =	sst s1  }
0xa: {  	[smem:$0x3FA9] =	sst s2  }
0xb: {  	[smem:$0x3FAA] =	sst s3  }
0xc: {  	[smem:$0x3FAB] =	sst s4  }
0xd: {  	[smem:$0x3FAC] =	sst s5  }
0xe: {  	[smem:$0x3FAD] =	sst s6  }
0xf: {  	[smem:$0x3FAE] =	sst s7  }
0x10: {  	[smem:$0x3FAF] =	sst s8  }
0x11: {  	[smem:$0x3FB0] =	sst s9;
	s0 =	simm.s32 @!p0 $0x0  }
0x12: {  	s1 =	sld [smem:$0x3F96];
	s0 =	simm.s32 @p0 $0x1  }
0x13: {  	[smem:$0x3FB1] =	sst s0;
	s0 =	simm.s32 @!p1 $0x0  }
0x14: {  	s2 =	sld [smem:$0x3F95];
	s0 =	simm.s32 @p1 $0x1  }
0x15: {  	[smem:$0x3FB2] =	sst s0;
	s0 =	simm.s32 @!p2 $0x0  }
0x16: {  	s3 =	sld [smem:$0x3FDB];
	s0 =	simm.s32 @p2 $0x1  }
0x17: {  	s4 =	simm.s32 $0x1BF5;
	[smem:$0x3FB4] =	sst s0  }
0x18: {  	s0 =	sld [smem:$0x3F97];
	_ =	swait.ge [sflag:s4], $0x0  }
0x19: {  	s7 =	sld [smem:$0x3F98]  }
0x1a: {  	s8 =	sadd.s32 $0xFFFFE003, lr  }
0x1b: {  	s9 =	sadd.s32 $0xFFFFFEF7, lr;
	s5 =	simm.s32 $0xFFFFFFFF;
	p2 =	slt.u32 s8, $0xFFFFF086  }
0x1c: {  	p1 =	slt.u32 s9, $0xF7A;
	s5 =	simm.s32 @!p2 $0x0  }
0x1d: {  	s5 =	simm.s32 @p1 $0x1;
	p0 =	seq.s32 s7, s2  }
0x1e: {  	s7 =	smul.u32 @!p0 $0xF7A, s2;
	p2 =	seq.s32 @!p0 s5, $0x0  }
0x1f: {  	s9 =	smul.u32 $0xF7A, s1;
	s8 =	simm.s32 @!p0 $0x1BF5;
	p2 =	por !p2, p0  }
0x20: {  	[sflag:s8] =	ssyncset.s32 @!p0 $0xFFFFF086;
	s6 =	sadd.s32 @!p0 s3, s7;
	s7 =	simm.s32 @!p0 $0x108  }
0x21: {  	s3 =	sadd.s32 s3, s9;
	s6 =	sadd.s32 @!p0 $0x88, s6;
	s7 =	simm.s32 @p2 $0x1082  }
0x22: {  	[simem:s7], [sflag:s8] =	dma.local @!p0 [hbm:s6], $0xF7A  }
0x23: {  	s9 =	sor.u32 $0xD0000000, s2;
	s6 =	simm.s32 $0x108;
	_ =	swait.ge @!p0 [sflag:s8], $0x0  }
0x24: {  	s3 =	sadd.s32 $0x88, s3;
	s6 =	simm.s32 @!p1 $0x1082;
	[sflag:s4] =	ssyncset.s32 $0xFFFFF086  }
0x25: {  	[simem:s6], [sflag:s4] =	dma.local [hbm:s3], $0xF7A  }
0x26: {  	[smem:$0x3F98] =	sst s1;
	(tag) =	ssettag s2;
	_ =	strace s9  }
0x27: {  	s1 =	sld [smem:$0x3FA8]  }
0x28: {  	s2 =	sld [smem:$0x3FA9]  }
0x29: {  	s4 =	sld [smem:$0x3FAB]  }
0x2a: {  	p0 =	seq.s32 s5, $0x0;
	s5 =	sld [smem:$0x3FAC]  }
0x2b: {  	s6 =	sld [smem:$0x3FAD]  }
0x2c: {  	s7 =	sld [smem:$0x3FAE]  }
0x2d: {  	s3 =	simm.s32 $0x108;
	s8 =	sld [smem:$0x3FAF]  }
0x2e: {  	s3 =	simm.s32 @!p0 $0x1082;
	s9 =	sld [smem:$0x3FB0]  }
0x2f: {  	lr =	sadd.s32 s0, s3;
	s0 =	sld [smem:$0x3FA7]  }
0x30: {  	s3 =	sld [smem:$0x3FAA]  }
0x31: {  	[smem:$0x3FB3] =	sst s10  }
0x32: {  	s10 =	sld [smem:$0x3FB1];
	_ =	sdelay $0x3  }
0x33: {  	p0 =	seq.s32 s10, $0x1;
	s10 =	sld [smem:$0x3FB3];
	_ =	sdelay $0x3  }
0x34: {  	[smem:$0x3FB3] =	sst s10  }
0x35: {  	s10 =	sld [smem:$0x3FB2];
	_ =	sdelay $0x3  }
0x36: {  	p1 =	seq.s32 s10, $0x1;
	s10 =	sld [smem:$0x3FB3];
	_ =	sdelay $0x3  }
0x37: {  	[smem:$0x3FB3] =	sst s10  }
0x38: {  	s10 =	sld [smem:$0x3FB4]  }
0x39: {  	_ = 	snop;
	(pc) =	sbr.ind lr, $3  }
0x3a: {  	_ = 	snop  }
0x3b: {  	_ = 	snop  }
0x3c: {  	p2 =	seq.s32 s10, $0x1;
	s10 =	sld [smem:$0x3FB3]  }
0x3d: {  	_ =	shalt  }
0x3e: {  	_ =	shalt  }
0x3f: {  	_ =	shalt  }
0x40: {  	_ =	shalt  }
0x41: {  	_ =	shalt  }
0x42: {  	_ =	shalt  }
0x43: {  	_ =	shalt  }
0x44: {  	_ =	shalt  }
0x45: {  	_ =	shalt  }
0x46: {  	_ =	shalt  }
0x47: {  	_ =	shalt  }
0x48: {  	_ =	shalt  }
0x49: {  	_ =	shalt  }
0x4a: {  	_ =	shalt  }
0x4b: {  	_ =	shalt  }
0x4c: {  	_ =	shalt  }
0x4d: {  	_ =	shalt  }
0x4e: {  	_ =	shalt  }
0x4f: {  	_ =	shalt  }
0x50: {  	_ =	shalt  }
0x51: {  	_ =	shalt  }
0x52: {  	_ =	shalt  }
0x53: {  	_ =	shalt  }
0x54: {  	_ =	shalt  }
0x55: {  	_ =	shalt  }
0x56: {  	_ =	shalt  }
0x57: {  	_ =	shalt  }
0x58: {  	_ =	shalt  }
0x59: {  	_ =	shalt  }
0x5a: {  	_ =	shalt  }
0x5b: {  	_ =	shalt  }
0x5c: {  	_ =	shalt  }
0x5d: {  	_ =	shalt  }
0x5e: {  	_ =	shalt  }
0x5f: {  	_ =	shalt  }
0x60: {  	_ =	shalt  }
0x61: {  	_ =	shalt  }
0x62: {  	_ =	shalt  }
0x63: {  	_ =	shalt  }
0x64: {  	_ =	shalt  }
0x65: {  	_ =	shalt  }
0x66: {  	_ =	shalt  }
0x67: {  	_ =	shalt  }
0x68: {  	_ =	shalt  }
0x69: {  	_ =	shalt  }
0x6a: {  	_ =	shalt  }
0x6b: {  	_ =	shalt  }
0x6c: {  	_ =	shalt  }
0x6d: {  	_ =	shalt  }
0x6e: {  	_ =	shalt  }
0x6f: {  	_ =	shalt  }
0x70: {  	_ =	shalt  }
0x71: {  	_ =	shalt  }
0x72: {  	_ =	shalt  }
0x73: {  	_ =	shalt  }
0x74: {  	_ =	shalt  }
0x75: {  	_ =	shalt  }
0x76: {  	_ =	shalt  }
0x77: {  	_ =	shalt  }
0x78: {  	_ =	shalt  }
0x79: {  	_ =	shalt  }
0x7a: {  	_ =	shalt  }
0x7b: {  	_ =	shalt  }
0x7c: {  	_ =	shalt  }
0x7d: {  	_ =	shalt  }
0x7e: {  	_ =	shalt  }
0x7f: {  	_ =	shalt  }
0x80: {  	_ =	shalt  }
0x81: {  	_ =	shalt  }
0x82: {  	_ =	shalt  }
0x83: {  	_ =	shalt  }
0x84: {  	_ =	shalt  }
0x85: {  	_ =	shalt  }
0x86: {  	_ =	shalt  }
0x87: {  	_ =	shalt  }
.Lfunc_end0:
.L_simem_size_0:
called_computation.7_lowered:
.L_overlay_start_0:
0x88: {  	s2 =	sld [smem:$0x3FD9]  }
0x89: {  	s3 =	sld [smem:$0x3FFE];
	_ =	sdelay $0x1  }
0x8a: {  	s1 =	srdreg.scid  }
0x8b: {  	s0 =	sand.u32 $0x1, s1  }
0x8c: {  	s17 =	sshll.u32 s0, $0xA;
	s2 =	sadd.s32 s3, s2  }
0x8d: {  	s2 =	sadd.s32 s2, s17  }
0x8e: {  	[smem:$0x3FBF] =	sst s2  }
0x8f: {  	_ = 	snop  }
0x90: {  	(tm) =	ssettm $0x1  }
0x91: {  	s18 =	sld [smem:$0x3FFB];
	_ =	sdelay $0x3  }
0x92: {  	_ =	strace s18  }
0x93: {  	s2 =	sld [smem:$0x3FFC];
	_ =	sdelay $0x3  }
0x94: {  	_ =	strace s2  }
0x95: {  	s2 =	sld [smem:$0x3FFD];
	_ =	sdelay $0x3  }
0x96: {  	_ =	strace s2  }
0x97: {  	_ =	strace $0x8FFFFFFF  }
0x98: {  	s19 =	sld [smem:$0x3FDB];
	_ =	sdelay $0x1  }
0x99: {  	s20 =	simm.s32 $_scs_section_size  }
0x9a: {  	s4 =	simm.s32 $_size__tile_overlayer_lowered;
	s5 =	simm.s32 $_tile_overlayer_lowered  }
0x9b: {  	s6 =	simm.s32 $0x1BFF;
	s21 =	sshll.u32 s5, $0x1;
	s3 =	sadd.s32 s20, s19  }
0x9c: {  	s22 =	simm.s32 $0x0;
	s4 =	sshll.u32 s4, $0x1;
	s5 =	sadd.s32 s21, s3  }
0x9d: {  	[timem:s22], [sflag:s6] =	dma.local [hbm:s5], s4  }
0x9e: {  	_ =	swait.ge [sflag:s6], s4  }
0x9f: {  	s4 =	ssub.s32 $0x0, s4;
	[sflag:s6] =	ssyncset.done $0x0  }
0xa0: {  	[sflag:s6] =	ssyncadd.s32 s4;
	_ =	sdelay $0x1  }
0xa1: {  	s23 =	simm.s32 $0x1B8B  }
0xa2: {  	_ =	swait.ge [sflag:s23], $0x1  }
0xa3: {  	[sflag:s23] =	ssyncset.done $0x0  }
0xa4: {  	[sflag:s23] =	ssyncadd.s32 $0xFFFFFFFF  }
0xa5: {  	s4 =	sld [smem:$0x0]  }
0xa6: {  	s5 =	sand.u32 $0xFFFFFFFE, s1  }
0xa7: {  	p0 =	sne.s32 s1, s5  }
0xa8: {  	s5 =	sshll.u32 @p0 s5, $0xE  }
0xa9: {  	s5 =	sadd.s32 @p0 $0x11B8D, s5;
	s6 =	sshll.u32 @p0 s4, $0x11  }
0xaa: {  	s5 =	sor.u32 @p0 s6, s5  }
0xab: {  	[sflag:s5] =	ssyncadd.remote.s32 @p0 $0x1;
	_ =	sdelay $0x1  }
0xac: {  	s5 =	simm.s32 @p0 $0x1B8D  }
0xad: {  	_ =	swait.eq @p0 [sflag:s5], $0x1  }
0xae: {  	[sflag:s5] =	ssyncadd.s32 @p0 $0xFFFFFFFF  }
0xaf: {  	s6 =	sshll.u32 @!p0 s1, $0xE  }
0xb0: {  	s6 =	sor.u32 @!p0 $0x4000, s6;
	s5 =	simm.s32 @!p0 $0x1B8D  }
0xb1: {  	s4 =	sshll.u32 @!p0 s4, $0x11;
	s6 =	sadd.s32 @!p0 $0x11B8D, s6;
	_ =	swait.eq @!p0 [sflag:s5], $0x1  }
0xb2: {  	s4 =	sor.u32 @!p0 s4, s6;
	[sflag:s5] =	ssyncadd.s32 @!p0 $0xFFFFFFFF  }
0xb3: {  	s25 =	simm.s32 $0x1B8E;
	s24 =	sld [smem:$0x3FFE];
	[sflag:s4] =	ssyncadd.remote.s32 @!p0 $0x1  }
0xb4: {  	s26 =	simm.s32 $execute0_lowered;
	[smem:$0x3FD2] =	sst s25  }
0xb5: {  	s5 =	sshll.u32 s26, $0x1;
	_ =	strace $0x8000005E;
	[dreg:$0x1] =	wrdreg $0xFFFFFFFF  }
0xb6: {  	s28 =	simm.s32 $_size_execute0_lowered;
	s3 =	sadd.s32 s3, s5;
	[dreg:$0x0] =	wrdreg $0x0  }
0xb7: {  	s5 =	sshll.u32 s28, $0x1;
	[dreg:$0x2] =	wrdreg s3  }
0xb8: {  	[dreg:$0x3] =	wrdreg s5  }
0xb9: {  	[dreg:$0x4] =	wrdreg $0xC0  }
0xba: {  	_ =	task [dreg:s22], $0x5FFFF  }
0xbb: {  	[dreg:$0x1] =	wrdreg $0xFFFFFFFF  }
0xbc: {  	[dreg:$0x0] =	wrdreg $0x60  }
0xbd: {  	[dreg:$0x2] =	wrdreg s24  }
0xbe: {  	[dreg:$0x3] =	wrdreg $0x8A000  }
0xbf: {  	[dreg:$0x4] =	wrdreg $0xCA000  }
0xc0: {  	[dreg:$0x5] =	wrdreg $0x9  }
0xc1: {  	_ =	task.clear_ibuf [dreg:s22], $0x6FFFF;
	_ =	strace $0x9000005E  }
0xc2: {  	s29 =	simm.s32 $0x9;
	_ =	strace $0x80000060  }
0xc3: {  	_ =	swait.ge [sflag:s29], $0x1  }
0xc4: {  	[sflag:s29] =	ssyncadd.s32 $0xFFFFFFFF  }
0xc5: {  	_ =	strace $0x90000060  }
0xc6: {  	_ =	sfence  }
0xc7: {  	s30 =	sld [smem:$0x0];
	_ =	sdelay $0x2  }
0xc8: {  	s31 =	sshll.u32 s1, $0xD;
	s1 =	sshrl.u32 s1, $0x2  }
0xc9: {  	s4 =	sand.u32 $0x4000, s31;
	s1 =	sadd.s32 s1, s30  }
0xca: {  	s0 =	sor.u32 s4, s0;
	s1 =	sshll.u32 s1, $0x11  }
0xcb: {  	s0 =	sor.u32 s1, s0  }
0xcc: {  	s0 =	sadd.s32 $0x8F2B, s0  }
0xcd: {  	[sflag:s0] =	ssyncadd.remote.s32 $0x1  }
0xce: {  	_ =	sfence.sel $0xFFFF  }
0xcf: {  	[dreg:$0x0] =	wrdreg $0xFFFFFFFF;
	(pc) =	sbr.abs _section_cstart, $3  }
0xd0: {  	[dreg:$0x1] =	wrdreg $0xFFFFFFFF  }
0xd1: {  	_ =	task.clear_ibuf [dreg:s22], $0x2FFFF;
	_ =	strace $0x9FFFFFFF  }
0xd2: {  	(tm) =	ssettm $0x7FFFFFFF  }
0xd3: {  	_ =	shalt  }
tec
execute0_lowered:
.L_overlay_start_1:
0x0: {  	(tag) =	ssettag $0x1  }
0x1: {  	s23 =	rddreg [dreg:$0x0]  }
0x2: {  	s1 =	rddreg [dreg:$0x1]  }
0x3: {  	s2 =	rddreg [dreg:$0x2]  }
0x4: {  	s0 =	rddreg [dreg:$0x3];
	s4 =	simm.s32 $0x0;
	s5 =	srdreg.scid  }
0x5: {  	s3 =	stileid.u32;
	[smem:$0x7FF] =	sst s4;
	s22 =	sand.u32 $0x1, s5  }
0x6: {  	s9 =	sshll.u32 s3, $0xA;
	s6 =	sshll.u32 s3, $0xE;
	s5 =	sadd.s32 $0x400, s23  }
0x7: {  	s26 =	sshll.u32 s3, $0x6;
	_ =	strace $0x8000005F;
	s7 =	sadd.s32 s6, s1  }
0x8: {  	s6 =	sor.u32 $0x1C01, s26;
	s8 =	sshrl.u32 s7, $0x3;
	s7 =	simm.s32 $0x1  }
0x9: {  	[spmem:s8], [sflag:s6] =	dma.local [hbm:s5], $0x800  }
0xa: {  	s11 =	sshll.u32 s3, $0xC;
	s10 =	sshll.u32 s22, $0x9;
	_ =	swait.ge [sflag:s7], $0x800  }
0xb: {  	s28 =	sadd.s32 s11, s2;
	s12 =	sor.u32 s10, s9;
	[sflag:s7] =	ssyncset.done $0x0  }
0xc: {  	s9 =	sadd.s32 $0xC00, s23;
	s10 =	sshrl.u32 s28, $0x3;
	[sflag:s7] =	ssyncadd.s32 $0xFFFFF800  }
0xd: {  	[spmem:s10], [sflag:s6] =	dma.local [hbm:s9], $0x200  }
0xe: {  	s29 =	sshrl.u32 s12, $0x3;
	_ =	swait.ge [sflag:s7], $0x200  }
0xf: {  	s11 =	sadd.s32 s29, s23;
	[sflag:s7] =	ssyncset.done $0x0  }
0x10: {  	s11 =	sadd.s32 $0x4200, s11;
	[sflag:s7] =	ssyncadd.s32 $0xFFFFFE00  }
0x11: {  	[tilespmem:s4], [sflag:$0x1] =	stream.linear.gather [hbm4b:s11+s4], $0x200, $0x38;
	[tilespmem:$0xDA00] =	vst v63  }
0x12: {  	s12 =	sshll.u32 s12, $0x3;
	_ =	swait.ge [sflag:s7], $0x200  }
0x13: {  	s12 =	sadd.s32 s12, s23;
	[sflag:s7] =	ssyncset.done $0x0  }
0x14: {  	s13 =	simm.s32 $0x200;
	s12 =	sadd.s32 $0x66C00, s12;
	[sflag:s7] =	ssyncadd.s32 $0xFFFFFE00  }
0x15: {  	[tilespmem:s13], [sflag:$0x1] =	stream.linear.gather [hbm4b:s12+s4], $0x8000, $0x38;
	[tilespmem:$0xDA00] =	vst v63  }
0x16: {  	_ =	swait.ge [sflag:s7], $0x8000  }
0x17: {  	[sflag:s7] =	ssyncset.done $0x0  }
0x18: {  	s15 =	simm.s32 $0x8200;
	s14 =	sadd.s32 $0x200, s23;
	[sflag:s7] =	ssyncadd.s32 $0xFFFF8000  }
0x19: {  	[tilespmem:s15], [sflag:$0x1] =	stream.linear.gather [hbm4b:s14+s4], $0x800, $0x38;
	[tilespmem:$0xDA00] =	vst v63  }
0x1a: {  	_ =	swait.ge [sflag:s7], $0x800  }
0x1b: {  	[sflag:s7] =	ssyncset.done $0x0  }
0x1c: {  	[sflag:s7] =	ssyncadd.s32 $0xFFFFF800  }
0x1d: {  	s16 =	simm.s32 $0x80;
	[bflag:$0x0] =	sbarrier.arrive $0xFFFF  }
0x1e: {  	[spmem:s1] =	stream.indirect.scatter.add.f32 [tilespmem:s13], [sflag:$0x1], $0x40, s4, s16, $0xb8;
	[tilespmem:$0xDA00] =	vst v63  }
0x1f: {  	_ =	swait.ge [sflag:s7], $0x2000  }
0x20: {  	[sflag:s7] =	ssyncset.done $0x0  }
0x21: {  	[sflag:s7] =	ssyncadd.s32 $0xFFFFE000  }
0x22: {  	[spmem:s2] =	stream.indirect.scatter.add.f32 [tilespmem:s15], [sflag:$0x1], $0x10, s4, s16, $0xb8;
	[tilespmem:$0xDA00] =	vst v63  }
0x23: {  	_ =	swait.ge [sflag:s7], $0x800  }
0x24: {  	[sflag:s7] =	ssyncset.done $0x0  }
0x25: {  	s17 =	simm.s32 $0x2200;
	[sflag:s7] =	ssyncadd.s32 $0xFFFFF800  }
0x26: {  	[spmem:s1] =	stream.indirect.scatter.add.f32 [tilespmem:s17], [sflag:$0x1], $0x40, s16, s16, $0xb8;
	[tilespmem:$0xDA00] =	vst v63  }
0x27: {  	_ =	swait.ge [sflag:s7], $0x2000  }
0x28: {  	[sflag:s7] =	ssyncset.done $0x0  }
0x29: {  	[sflag:s7] =	ssyncadd.s32 $0xFFFFE000  }
0x2a: {  	[spmem:s2] =	stream.indirect.scatter.add.f32 [tilespmem:s15], [sflag:$0x1], $0x10, s16, s16, $0xb8;
	[tilespmem:$0xDA00] =	vst v63  }
0x2b: {  	_ =	swait.ge [sflag:s7], $0x800  }
0x2c: {  	[sflag:s7] =	ssyncset.done $0x0  }
0x2d: {  	s18 =	simm.s32 $0x100;
	s19 =	simm.s32 $0x4200;
	[sflag:s7] =	ssyncadd.s32 $0xFFFFF800  }
0x2e: {  	[spmem:s1] =	stream.indirect.scatter.add.f32 [tilespmem:s19], [sflag:$0x1], $0x40, s18, s16, $0xb8;
	[tilespmem:$0xDA00] =	vst v63  }
0x2f: {  	_ =	swait.ge [sflag:s7], $0x2000  }
0x30: {  	[sflag:s7] =	ssyncset.done $0x0  }
0x31: {  	[sflag:s7] =	ssyncadd.s32 $0xFFFFE000  }
0x32: {  	[spmem:s2] =	stream.indirect.scatter.add.f32 [tilespmem:s15], [sflag:$0x1], $0x10, s18, s16, $0xb8;
	[tilespmem:$0xDA00] =	vst v63  }
0x33: {  	_ =	swait.ge [sflag:s7], $0x800  }
0x34: {  	[sflag:s7] =	ssyncset.done $0x0  }
0x35: {  	s20 =	simm.s32 $0x180;
	s21 =	simm.s32 $0x6200;
	[sflag:s7] =	ssyncadd.s32 $0xFFFFF800  }
0x36: {  	[spmem:s1] =	stream.indirect.scatter.add.f32 [tilespmem:s21], [sflag:$0x1], $0x40, s20, s16, $0xb8;
	[tilespmem:$0xDA00] =	vst v63  }
0x37: {  	_ =	swait.ge [sflag:s7], $0x2000  }
0x38: {  	s24 =	sshll.u32 s3, $0x8;
	s25 =	sshll.u32 s22, $0xC;
	[sflag:s7] =	ssyncset.done $0x0  }
0x39: {  	s26 =	ssub.s32 $0x2, s22;
	s24 =	sor.u32 s24, s25;
	[sflag:s7] =	ssyncadd.s32 $0xFFFFE000  }
0x3a: {  	[spmem:s2] =	stream.indirect.scatter.add.f32 [tilespmem:s15], [sflag:$0x1], $0x10, s20, s16, $0xb8;
	[tilespmem:$0xDA00] =	vst v63  }
0x3b: {  	s30 =	sshrl.u32 s26, $0x1;
	s25 =	sshll.u32 s24, $0x3;
	_ =	swait.ge [sflag:s7], $0x800  }
0x3c: {  	s24 =	sshll.u32 s24, $0x1;
	s31 =	ssub.s32 s26, s30;
	[sflag:s7] =	ssyncset.done $0x0  }
0x3d: {  	s25 =	sadd.s32 s25, s23;
	s23 =	sadd.s32 s24, s23;
	[sflag:s7] =	ssyncadd.s32 $0xFFFFF800  }
0x3e: {  	s24 =	smax.u32 s31, $0x1;
	s22 =	sadd.s32 $0x14A00, s25;
	[bflag:$0x0] =	sbarrier.arrive $0xFFFF  }
0x3f: {  	[hbm:s22], [sflag:s6] =	dma.local [spmem:s8], $0x800  }
0x40: {  	p0 =	sne.s32 s24, $0x1;
	_ =	swait.ge [sflag:s7], $0x800  }
.Ltmp0:
0x41: {  	[sflag:s7] =	ssyncset.done $0x0;
	(pc) =	sbr.rel @!p0 .LBB2_2-.Ltmp0, $4  }
0x42: {  	s23 =	sadd.s32 $0x24A00, s23;
	[sflag:s7] =	ssyncadd.s32 $0xFFFFF800  }
0x43: {  	[hbm:s23], [sflag:s6] =	dma.local [spmem:s10], $0x200  }
0x44: {  	_ =	swait.ge [sflag:s7], $0x200  }
0x45: {  	s24 =	sadd.s32 $0xFFFFFFFF, s24;
	[sflag:s7] =	ssyncset.done $0x0  }
.LBB2_1:
0x46: {  	p0 =	sne.s32 s24, $0x1;
	s24 =	sadd.s32 $0xFFFFFFFF, s24;
	[sflag:s7] =	ssyncadd.s32 $0xFFFFFE00  }
0x47: {  	[spmem:s8], [sflag:s6] =	dma.local [hbm:s5], $0x800  }
0x48: {  	_ =	swait.ge [sflag:s7], $0x800  }
0x49: {  	[sflag:s7] =	ssyncset.done $0x0  }
0x4a: {  	[sflag:s7] =	ssyncadd.s32 $0xFFFFF800  }
0x4b: {  	[spmem:s10], [sflag:s6] =	dma.local [hbm:s9], $0x200  }
0x4c: {  	_ =	swait.ge [sflag:s7], $0x200  }
0x4d: {  	[sflag:s7] =	ssyncset.done $0x0  }
0x4e: {  	[sflag:s7] =	ssyncadd.s32 $0xFFFFFE00  }
0x4f: {  	[tilespmem:s4], [sflag:$0x1] =	stream.linear.gather [hbm4b:s11+s4], $0x200, $0x38;
	[tilespmem:$0xDA00] =	vst v63  }
0x50: {  	_ =	swait.ge [sflag:s7], $0x200  }
0x51: {  	[sflag:s7] =	ssyncset.done $0x0  }
0x52: {  	[sflag:s7] =	ssyncadd.s32 $0xFFFFFE00  }
0x53: {  	[tilespmem:s13], [sflag:$0x1] =	stream.linear.gather [hbm4b:s12+s4], $0x8000, $0x38;
	[tilespmem:$0xDA00] =	vst v63  }
0x54: {  	_ =	swait.ge [sflag:s7], $0x8000  }
0x55: {  	[sflag:s7] =	ssyncset.done $0x0  }
0x56: {  	[sflag:s7] =	ssyncadd.s32 $0xFFFF8000  }
0x57: {  	[tilespmem:s15], [sflag:$0x1] =	stream.linear.gather [hbm4b:s14+s4], $0x800, $0x38;
	[tilespmem:$0xDA00] =	vst v63  }
0x58: {  	_ =	swait.ge [sflag:s7], $0x800  }
0x59: {  	[sflag:s7] =	ssyncset.done $0x0  }
0x5a: {  	[sflag:s7] =	ssyncadd.s32 $0xFFFFF800  }
0x5b: {  	[bflag:$0x0] =	sbarrier.arrive $0xFFFF  }
0x5c: {  	[spmem:s1] =	stream.indirect.scatter.add.f32 [tilespmem:s13], [sflag:$0x1], $0x40, s4, s16, $0xb8;
	[tilespmem:$0xDA00] =	vst v63  }
0x5d: {  	_ =	swait.ge [sflag:s7], $0x2000  }
0x5e: {  	[sflag:s7] =	ssyncset.done $0x0  }
0x5f: {  	[sflag:s7] =	ssyncadd.s32 $0xFFFFE000  }
0x60: {  	[spmem:s2] =	stream.indirect.scatter.add.f32 [tilespmem:s15], [sflag:$0x1], $0x10, s4, s16, $0xb8;
	[tilespmem:$0xDA00] =	vst v63  }
0x61: {  	_ =	swait.ge [sflag:s7], $0x800  }
0x62: {  	[sflag:s7] =	ssyncset.done $0x0  }
0x63: {  	[sflag:s7] =	ssyncadd.s32 $0xFFFFF800  }
0x64: {  	[spmem:s1] =	stream.indirect.scatter.add.f32 [tilespmem:s17], [sflag:$0x1], $0x40, s16, s16, $0xb8;
	[tilespmem:$0xDA00] =	vst v63  }
0x65: {  	_ =	swait.ge [sflag:s7], $0x2000  }
0x66: {  	[sflag:s7] =	ssyncset.done $0x0  }
0x67: {  	[sflag:s7] =	ssyncadd.s32 $0xFFFFE000  }
0x68: {  	[spmem:s2] =	stream.indirect.scatter.add.f32 [tilespmem:s15], [sflag:$0x1], $0x10, s16, s16, $0xb8;
	[tilespmem:$0xDA00] =	vst v63  }
0x69: {  	_ =	swait.ge [sflag:s7], $0x800  }
0x6a: {  	[sflag:s7] =	ssyncset.done $0x0  }
0x6b: {  	[sflag:s7] =	ssyncadd.s32 $0xFFFFF800  }
0x6c: {  	[spmem:s1] =	stream.indirect.scatter.add.f32 [tilespmem:s19], [sflag:$0x1], $0x40, s18, s16, $0xb8;
	[tilespmem:$0xDA00] =	vst v63  }
0x6d: {  	_ =	swait.ge [sflag:s7], $0x2000  }
0x6e: {  	[sflag:s7] =	ssyncset.done $0x0  }
0x6f: {  	[sflag:s7] =	ssyncadd.s32 $0xFFFFE000  }
0x70: {  	[spmem:s2] =	stream.indirect.scatter.add.f32 [tilespmem:s15], [sflag:$0x1], $0x10, s18, s16, $0xb8;
	[tilespmem:$0xDA00] =	vst v63  }
0x71: {  	_ =	swait.ge [sflag:s7], $0x800  }
0x72: {  	[sflag:s7] =	ssyncset.done $0x0  }
0x73: {  	[sflag:s7] =	ssyncadd.s32 $0xFFFFF800  }
0x74: {  	[spmem:s1] =	stream.indirect.scatter.add.f32 [tilespmem:s21], [sflag:$0x1], $0x40, s20, s16, $0xb8;
	[tilespmem:$0xDA00] =	vst v63  }
0x75: {  	_ =	swait.ge [sflag:s7], $0x2000  }
0x76: {  	[sflag:s7] =	ssyncset.done $0x0  }
0x77: {  	[sflag:s7] =	ssyncadd.s32 $0xFFFFE000  }
0x78: {  	[spmem:s2] =	stream.indirect.scatter.add.f32 [tilespmem:s15], [sflag:$0x1], $0x10, s20, s16, $0xb8;
	[tilespmem:$0xDA00] =	vst v63  }
0x79: {  	_ =	swait.ge [sflag:s7], $0x800  }
0x7a: {  	[sflag:s7] =	ssyncset.done $0x0  }
0x7b: {  	[sflag:s7] =	ssyncadd.s32 $0xFFFFF800  }
0x7c: {  	[bflag:$0x0] =	sbarrier.arrive $0xFFFF  }
0x7d: {  	[hbm:s22], [sflag:s6] =	dma.local [spmem:s8], $0x800  }
0x7e: {  	_ =	swait.ge [sflag:s7], $0x800  }
.Ltmp1:
0x7f: {  	[sflag:s7] =	ssyncset.done $0x0;
	(pc) =	sbr.rel @p0 .LBB2_1-.Ltmp1, $4  }
0x80: {  	[sflag:s7] =	ssyncadd.s32 $0xFFFFF800  }
0x81: {  	[hbm:s23], [sflag:s6] =	dma.local [spmem:s10], $0x200  }
0x82: {  	_ =	swait.ge [sflag:s7], $0x200  }
0x83: {  	[sflag:s7] =	ssyncset.done $0x0  }
.LBB2_2:
0x84: {  	[sflag:s7] =	ssyncadd.s32 $0xFFFFFE00  }
0x85: {  	_ =	sfence.sel $0x180000  }
0x86: {  	[bflag:$0x0] =	sbarrier.arrive $0xFFFF  }
0x87: {  	p0 =	sne.s32 s3, $0x0;
	_ =	strace $0x9000005F  }
0x88: {  	s0 =	sadd.s32 @!p0 $0x100000, s0;
	[bflag:$0x2] =	sbarrier.arrive $0xFFFF  }
0x89: {  	[sflag:s0] =	ssyncadd.tile.s32 @!p0 $0x1;
	_ =	shalt  }
.Lfunc_end2:
_tile_overlayer_lowered:
.L_overlay_start_2:
0x8a: {  	(tag) =	ssettag $0x2  }
0x8b: {  	s0 =	rddreg [dreg:$0x0];
	s2 =	stileid.u32  }
0x8c: {  	s1 =	rddreg [dreg:$0x1];
	p0 =	sne.s32 s2, $0x0  }
0x8d: {  	s3 =	rddreg [dreg:$0x2];
	[bflag:$0x3] =	sbarrier.arrive $0xFFFF;
	s2 =	simm.s32 @!p0 $0x1C01  }
0x8e: {  	[timem:s3], [sflag:s2] =	dma.local @!p0 [hbm:s0], s1  }
0x8f: {  	s0 =	simm.s32 @!p0 $0x1  }
0x90: {  	_ =	swait.ge @!p0 [sflag:s0], s1  }
0x91: {  	s1 =	ssub.s32 @!p0 $0x0, s1;
	[sflag:s0] =	ssyncset.done @!p0 $0x0  }
0x92: {  	[sflag:s0] =	ssyncadd.s32 @!p0 s1  }
0x93: {  	[bflag:$0x3] =	sbarrier.arrive $0xFFFF  }
0x94: {  	_ =	shalt  }

</sc_bundles>
